<compile_context>
chip_gen: v7x
topology: tpu7x:2x2x1
jax: 0.10.2.dev20260603
libtpu: 0.0.44.dev20260713+nightly
codegen_flags: <defaults>
</compile_context>

<pallas_src>
import jax
import jax.numpy as jnp
from jax import lax
from jax.experimental import pallas as pl
from jax.experimental.pallas import tpu as pltpu
from jax.experimental.pallas import tpu_sc as plsc

_B, _L, _H, _D = 8, 4096, 8, 128
_Q = 8
_NS = 16
_WPB = _NS // _B
_TPW = _Q // _WPB


def _scatter_body(len_hbm, nl_hbm, nk_hbm, nv_hbm, k_ref, v_ref, ul_hbm,
                  len_v, nl_v, ul_v, rowk, rowv, sem_len, sem_g, sem_w):
  wid = lax.axis_index("s")
  b_mine = wid // _WPB
  jlane = lax.rem(wid, _WPB)

  def _slot(t):
    return jlane + _WPB * t

  pltpu.async_copy(len_hbm, len_v.at[pl.ds(0, _B)], sem_len)
  pltpu.async_copy(nl_hbm, nl_v.at[pl.ds(0, _B)], sem_len)
  for t in range(_TPW):
    pltpu.async_copy(nk_hbm.at[b_mine, _slot(t)], rowk.at[t], sem_g)
    pltpu.async_copy(nv_hbm.at[b_mine, _slot(t)], rowv.at[t], sem_g)

  pltpu.make_async_copy(len_hbm, len_v.at[pl.ds(0, _B)], sem_len).wait()
  pltpu.make_async_copy(nl_hbm, nl_v.at[pl.ds(0, _B)], sem_len).wait()
  vals_l = len_v[...]
  vals_nl = nl_v[...]

  for t in range(_TPW):
    pltpu.make_async_copy(nk_hbm.at[b_mine, _slot(t)], rowk.at[t],
                          sem_g).wait()
    pltpu.make_async_copy(nv_hbm.at[b_mine, _slot(t)], rowv.at[t],
                          sem_g).wait()

  def _for_active(fn):
    for b in range(_B):
      l_b = vals_l[b]
      nl_b = vals_nl[b]
      owned = b_mine == b
      for t in range(_TPW):
        j = _slot(t)
        pl.when(jnp.logical_and(owned, j < nl_b))(
            lambda b=b, t=t, j=j, l_b=l_b: fn(b, t, j, l_b))

  def _fire(b, t, j, l_b):
    pltpu.async_copy(rowk.at[t], k_ref.at[b, l_b + j], sem_w)
    pltpu.async_copy(rowv.at[t], v_ref.at[b, l_b + j], sem_w)

  def _drain(b, t, j, l_b):
    pltpu.make_async_copy(rowk.at[t], k_ref.at[b, l_b + j], sem_w).wait()
    pltpu.make_async_copy(rowv.at[t], v_ref.at[b, l_b + j], sem_w).wait()

  _for_active(_fire)

  @pl.when(wid == 0)
  def _update_lengths():
    ul_v[...] = vals_l + vals_nl
    pltpu.sync_copy(ul_v.at[pl.ds(0, _B)], ul_hbm)

  _for_active(_drain)


_sc_scatter = pl.kernel(
    _scatter_body,
    out_type=jax.ShapeDtypeStruct((_B,), jnp.int32),
    mesh=plsc.VectorSubcoreMesh(
        core_axis_name="c", subcore_axis_name="s",
        num_cores=1, num_subcores=_NS),
    scratch_types=[
        pltpu.VMEM((16,), jnp.int32),
        pltpu.VMEM((16,), jnp.int32),
        pltpu.VMEM((16,), jnp.int32),
        pltpu.VMEM((_TPW, _H, _D), jnp.float32),
        pltpu.VMEM((_TPW, _H, _D), jnp.float32),
        pltpu.SemaphoreType.DMA,
        pltpu.SemaphoreType.DMA,
        pltpu.SemaphoreType.DMA,
    ],
)


def kernel(keys, values, lengths, new_keys, new_values, new_lengths):
  k_ref = jax.new_ref(keys)
  v_ref = jax.new_ref(values)
  updated_lengths = _sc_scatter(
      lengths, new_lengths, new_keys, new_values, k_ref, v_ref)
  return jax.freeze(k_ref), jax.freeze(v_ref), updated_lengths

# --- scband reference (transcript-rebuilt; emitter-appended) ---
"""Pipeline reference for scband-kv-cache-16621523436389 (READ-ONLY COPY).

The authoritative reference and input builder live on the scoring server;
editing this copy changes nothing except your own understanding.
"""

import jax, jax.numpy as jnp
import numpy as np


def setup_inputs(seed: int = 0) -> dict:
    key = jax.random.key(seed)
    ks = jax.random.split(key, 6)
    B, L, H, D = 8, 4096, 8, 128
    Q = 8
    keys = jax.random.normal(ks[0], (B, L, H, D), dtype=jnp.float32)
    values = jax.random.normal(ks[1], (B, L, H, D), dtype=jnp.float32)
    lengths = jax.random.randint(ks[2], (B,), 0, 4088, dtype=jnp.int32)
    new_keys = jax.random.normal(ks[3], (B, Q, H, D), dtype=jnp.float32)
    new_values = jax.random.normal(ks[4], (B, Q, H, D), dtype=jnp.float32)
    new_lengths = jax.random.randint(ks[5], (B,), 0, 9, dtype=jnp.int32)
    return {
        "keys": keys,
        "values": values,
        "lengths": lengths,
        "new_keys": new_keys,
        "new_values": new_values,
        "new_lengths": new_lengths,
    }


def reference(keys, values, lengths, new_keys, new_values, new_lengths):
    max_new_tokens = new_values.shape[1]
    max_len = keys.shape[1]
    operands = (keys, values, lengths, new_keys, new_values, new_lengths)

    def specialized_path(ops):
        k, v, l, nk, nv, nl = ops
        batch_size = k.shape[0]
        batch_idx = jnp.arange(batch_size)
        pos_idx = l
        update_vals_k = nk[:, 0]
        update_vals_v = nv[:, 0]
        should_update = (nl == 1)[:, None, None]
        original_vals_k = k[batch_idx, pos_idx]
        original_vals_v = v[batch_idx, pos_idx]
        vals_to_set_k = jnp.where(should_update, update_vals_k, original_vals_k)
        vals_to_set_v = jnp.where(should_update, update_vals_v, original_vals_v)
        updated_k = k.at[batch_idx, pos_idx].set(vals_to_set_k)
        updated_v = v.at[batch_idx, pos_idx].set(vals_to_set_v)
        return (updated_k, updated_v)

    def general_path(ops):
        k, v, l, nk, nv, nl = ops
        batch_size = k.shape[0]
        b_coords, p_coords = jnp.indices((batch_size, max_len))
        lengths_b = l[:, None]
        new_lengths_b = nl[:, None]
        update_mask = (p_coords >= lengths_b) & (p_coords < lengths_b + new_lengths_b)
        source_indices = p_coords - lengths_b
        clipped_source_indices = jnp.clip(source_indices, 0, max_new_tokens - 1)
        values_to_write_k = nk[b_coords, clipped_source_indices]
        values_to_write_v = nv[b_coords, clipped_source_indices]
        broadcast_mask = update_mask[:, :, None, None]
        updated_k = jnp.where(broadcast_mask, values_to_write_k, k)
        updated_v = jnp.where(broadcast_mask, values_to_write_v, v)
        return (updated_k, updated_v)

    is_special_case = jnp.all(new_lengths <= 1)
    updated_keys, updated_values = jax.lax.cond(
        is_special_case, specialized_path, general_path, operands
    )
    updated_lengths = lengths + new_lengths
    return (updated_keys, updated_values, updated_lengths)

if __name__ == "__main__":
    import jax
    _d = setup_inputs()
    print(jax.jit(kernel)(*tuple(_d.values())))

</pallas_src>

<mosaic_0001>
#map = affine_map<(d0, d1) -> (0)>
#map1 = affine_map<(d0, d1) -> (0, 0, 0, 0)>
module attributes {stable_mosaic.version = 14 : i64} {
  func.func @new_body(%arg0: i32, %arg1: i32, %arg2: memref<8xi32, #tpu.memory_space<hbm>>, %arg3: memref<8xi32, #tpu.memory_space<hbm>>, %arg4: memref<8x8x8x128xf32, #tpu.memory_space<hbm>>, %arg5: memref<8x8x8x128xf32, #tpu.memory_space<hbm>>, %arg6: memref<8x4096x8x128xf32, #tpu.memory_space<hbm>>, %arg7: memref<8x4096x8x128xf32, #tpu.memory_space<hbm>>, %arg8: memref<8xi32, #tpu.memory_space<hbm>>, %arg9: memref<8x4096x8x128xf32, #tpu.memory_space<hbm>>, %arg10: memref<8x4096x8x128xf32, #tpu.memory_space<hbm>>, %arg11: memref<16xi32, #tpu.memory_space<vmem>>, %arg12: memref<16xi32, #tpu.memory_space<vmem>>, %arg13: memref<16xi32, #tpu.memory_space<vmem>>, %arg14: memref<4x8x128xf32, #tpu.memory_space<vmem>>, %arg15: memref<4x8x128xf32, #tpu.memory_space<vmem>>, %arg16: memref<!tpu.dma_semaphore, #tpu.memory_space<semaphore_mem>>, %arg17: memref<!tpu.dma_semaphore, #tpu.memory_space<semaphore_mem>>, %arg18: memref<!tpu.dma_semaphore, #tpu.memory_space<semaphore_mem>>) attributes {dimension_semantics = [#tpu.dimension_semantics<core_parallel>, #tpu.dimension_semantics<subcore_parallel>], iteration_bounds = array<i64: 1, 16>, scalar_prefetch = 0 : i64, scratch_operands = 8 : i64, tpu.core_type = #tpu.core_type<sc_vector_subcore>, window_params = [{transform_indices = #map}, {transform_indices = #map}, {transform_indices = #map1}, {transform_indices = #map1}, {transform_indices = #map1}, {transform_indices = #map1}, {transform_indices = #map}, {transform_indices = #map1}, {transform_indices = #map1}]} {
    %jit3A = arith.constant 2 : i32
    %div3A = arith.divsi %arg1, %jit3A : i32
    %sign3A = arith.constant 0 : i32
    %sign3A_0 = arith.cmpi sgt, %arg1, %sign3A : i32
    %sign3A_1 = arith.extui %sign3A_0 : i1 to i32
    %sign3A_2 = arith.constant 0 : i32
    %sign3A_3 = arith.cmpi slt, %arg1, %sign3A_2 : i32
    %sign3A_4 = arith.extui %sign3A_3 : i1 to i32
    %sign3A_5 = arith.subi %sign3A_1, %sign3A_4 : i32
    %sign3A_6 = arith.constant 0 : i32
    %sign3A_7 = arith.cmpi sgt, %jit3A, %sign3A_6 : i32
    %sign3A_8 = arith.extui %sign3A_7 : i1 to i32
    %sign3A_9 = arith.constant 0 : i32
    %sign3A_10 = arith.cmpi slt, %jit3A, %sign3A_9 : i32
    %sign3A_11 = arith.extui %sign3A_10 : i1 to i32
    %sign3A_12 = arith.subi %sign3A_8, %sign3A_11 : i32
    %ne3A = arith.cmpi ne, %sign3A_5, %sign3A_12 : i32
    %rem3A = arith.remsi %arg1, %jit3A : i32
    %ne3A_13 = arith.constant 0 : i32
    %ne3A_14 = arith.cmpi ne, %rem3A, %ne3A_13 : i32
    %and3A = arith.andi %ne3A, %ne3A_14 : i1
    %sub3A = arith.constant 1 : i32
    %sub3A_15 = arith.subi %div3A, %sub3A : i32
    %select_n3A = arith.select %and3A, %sub3A_15, %div3A : i32
    %rem3A_16 = arith.constant 2 : i32
    %rem3A_17 = arith.remsi %arg1, %rem3A_16 : i32
    %dma_start3A = arith.constant 0 : i32
    %dma_start3A_18 = tpu.memref_slice %arg11[%dma_start3A] : memref<16xi32, #tpu.memory_space<vmem>> -> memref<8xi32, #tpu.memory_space<vmem>>
    %dma_start3A_19 = arith.constant 0 : i32
    %dma_start3A_20 = tpu.memref_slice %arg11[%dma_start3A_19] : memref<16xi32, #tpu.memory_space<vmem>> -> memref<8xi32, #tpu.memory_space<vmem>>
    tpu.enqueue_dma source(%arg2 : memref<8xi32, #tpu.memory_space<hbm>>) target(%dma_start3A_20 : memref<8xi32, #tpu.memory_space<vmem>>) target_semaphore(%arg16 : memref<!tpu.dma_semaphore, #tpu.memory_space<semaphore_mem>>)
    %dma_start3A_21 = arith.constant 0 : i32
    %dma_start3A_22 = tpu.memref_slice %arg12[%dma_start3A_21] : memref<16xi32, #tpu.memory_space<vmem>> -> memref<8xi32, #tpu.memory_space<vmem>>
    %dma_start3A_23 = arith.constant 0 : i32
    %dma_start3A_24 = tpu.memref_slice %arg12[%dma_start3A_23] : memref<16xi32, #tpu.memory_space<vmem>> -> memref<8xi32, #tpu.memory_space<vmem>>
    tpu.enqueue_dma source(%arg3 : memref<8xi32, #tpu.memory_space<hbm>>) target(%dma_start3A_24 : memref<8xi32, #tpu.memory_space<vmem>>) target_semaphore(%arg16 : memref<!tpu.dma_semaphore, #tpu.memory_space<semaphore_mem>>)
    %add3A = arith.constant 0 : i32
    %add3A_25 = arith.addi %rem3A_17, %add3A : i32
    %dma_start3A_26 = arith.constant 0 : i32
    %dma_start3A_27 = arith.constant 0 : i32
    %dma_start3A_28 = arith.constant 0 : i32
    %dma_start3A_29 = tpu.memref_slice %arg14[%dma_start3A_26, %dma_start3A_27, %dma_start3A_28] : memref<4x8x128xf32, #tpu.memory_space<vmem>> -> memref<1x8x128xf32, #tpu.memory_space<vmem>>
    %dma_start3A_30 = tpu.memref_squeeze %dma_start3A_29 : memref<1x8x128xf32, #tpu.memory_space<vmem>> -> memref<8x128xf32, #tpu.memory_space<vmem>>
    %dma_start3A_31 = arith.constant 0 : i32
    %dma_start3A_32 = arith.constant 0 : i32
    %dma_start3A_33 = tpu.memref_slice %arg4[%select_n3A, %add3A_25, %dma_start3A_31, %dma_start3A_32] : memref<8x8x8x128xf32, #tpu.memory_space<hbm>> -> memref<1x1x8x128xf32, #tpu.memory_space<hbm>>
    %dma_start3A_34 = tpu.memref_squeeze %dma_start3A_33 : memref<1x1x8x128xf32, #tpu.memory_space<hbm>> -> memref<8x128xf32, #tpu.memory_space<hbm>>
    %dma_start3A_35 = arith.constant 0 : i32
    %dma_start3A_36 = arith.constant 0 : i32
    %dma_start3A_37 = tpu.memref_slice %arg14[%dma_start3A_26, %dma_start3A_35, %dma_start3A_36] : memref<4x8x128xf32, #tpu.memory_space<vmem>> -> memref<1x8x128xf32, #tpu.memory_space<vmem>>
    %dma_start3A_38 = tpu.memref_squeeze %dma_start3A_37 : memref<1x8x128xf32, #tpu.memory_space<vmem>> -> memref<8x128xf32, #tpu.memory_space<vmem>>
    %dma_start3A_39 = arith.constant 0 : i32
    %dma_start3A_40 = arith.constant 0 : i32
    %dma_start3A_41 = tpu.memref_slice %arg4[%select_n3A, %add3A_25, %dma_start3A_39, %dma_start3A_40] : memref<8x8x8x128xf32, #tpu.memory_space<hbm>> -> memref<1x1x8x128xf32, #tpu.memory_space<hbm>>
    %dma_start3A_42 = tpu.memref_squeeze %dma_start3A_41 : memref<1x1x8x128xf32, #tpu.memory_space<hbm>> -> memref<8x128xf32, #tpu.memory_space<hbm>>
    tpu.enqueue_dma source(%dma_start3A_42 : memref<8x128xf32, #tpu.memory_space<hbm>>) target(%dma_start3A_38 : memref<8x128xf32, #tpu.memory_space<vmem>>) target_semaphore(%arg17 : memref<!tpu.dma_semaphore, #tpu.memory_space<semaphore_mem>>)
    %add3A_43 = arith.constant 0 : i32
    %add3A_44 = arith.addi %rem3A_17, %add3A_43 : i32
    %dma_start3A_45 = arith.constant 0 : i32
    %dma_start3A_46 = arith.constant 0 : i32
    %dma_start3A_47 = arith.constant 0 : i32
    %dma_start3A_48 = tpu.memref_slice %arg15[%dma_start3A_45, %dma_start3A_46, %dma_start3A_47] : memref<4x8x128xf32, #tpu.memory_space<vmem>> -> memref<1x8x128xf32, #tpu.memory_space<vmem>>
    %dma_start3A_49 = tpu.memref_squeeze %dma_start3A_48 : memref<1x8x128xf32, #tpu.memory_space<vmem>> -> memref<8x128xf32, #tpu.memory_space<vmem>>
    %dma_start3A_50 = arith.constant 0 : i32
    %dma_start3A_51 = arith.constant 0 : i32
    %dma_start3A_52 = tpu.memref_slice %arg5[%select_n3A, %add3A_44, %dma_start3A_50, %dma_start3A_51] : memref<8x8x8x128xf32, #tpu.memory_space<hbm>> -> memref<1x1x8x128xf32, #tpu.memory_space<hbm>>
    %dma_start3A_53 = tpu.memref_squeeze %dma_start3A_52 : memref<1x1x8x128xf32, #tpu.memory_space<hbm>> -> memref<8x128xf32, #tpu.memory_space<hbm>>
    %dma_start3A_54 = arith.constant 0 : i32
    %dma_start3A_55 = arith.constant 0 : i32
    %dma_start3A_56 = tpu.memref_slice %arg15[%dma_start3A_45, %dma_start3A_54, %dma_start3A_55] : memref<4x8x128xf32, #tpu.memory_space<vmem>> -> memref<1x8x128xf32, #tpu.memory_space<vmem>>
    %dma_start3A_57 = tpu.memref_squeeze %dma_start3A_56 : memref<1x8x128xf32, #tpu.memory_space<vmem>> -> memref<8x128xf32, #tpu.memory_space<vmem>>
    %dma_start3A_58 = arith.constant 0 : i32
    %dma_start3A_59 = arith.constant 0 : i32
    %dma_start3A_60 = tpu.memref_slice %arg5[%select_n3A, %add3A_44, %dma_start3A_58, %dma_start3A_59] : memref<8x8x8x128xf32, #tpu.memory_space<hbm>> -> memref<1x1x8x128xf32, #tpu.memory_space<hbm>>
    %dma_start3A_61 = tpu.memref_squeeze %dma_start3A_60 : memref<1x1x8x128xf32, #tpu.memory_space<hbm>> -> memref<8x128xf32, #tpu.memory_space<hbm>>
    tpu.enqueue_dma source(%dma_start3A_61 : memref<8x128xf32, #tpu.memory_space<hbm>>) target(%dma_start3A_57 : memref<8x128xf32, #tpu.memory_space<vmem>>) target_semaphore(%arg17 : memref<!tpu.dma_semaphore, #tpu.memory_space<semaphore_mem>>)
    %add3A_62 = arith.constant 2 : i32
    %add3A_63 = arith.addi %rem3A_17, %add3A_62 : i32
    %dma_start3A_64 = arith.constant 1 : i32
    %dma_start3A_65 = arith.constant 0 : i32
    %dma_start3A_66 = arith.constant 0 : i32
    %dma_start3A_67 = tpu.memref_slice %arg14[%dma_start3A_64, %dma_start3A_65, %dma_start3A_66] : memref<4x8x128xf32, #tpu.memory_space<vmem>> -> memref<1x8x128xf32, #tpu.memory_space<vmem>>
    %dma_start3A_68 = tpu.memref_squeeze %dma_start3A_67 : memref<1x8x128xf32, #tpu.memory_space<vmem>> -> memref<8x128xf32, #tpu.memory_space<vmem>>
    %dma_start3A_69 = arith.constant 0 : i32
    %dma_start3A_70 = arith.constant 0 : i32
    %dma_start3A_71 = tpu.memref_slice %arg4[%select_n3A, %add3A_63, %dma_start3A_69, %dma_start3A_70] : memref<8x8x8x128xf32, #tpu.memory_space<hbm>> -> memref<1x1x8x128xf32, #tpu.memory_space<hbm>>
    %dma_start3A_72 = tpu.memref_squeeze %dma_start3A_71 : memref<1x1x8x128xf32, #tpu.memory_space<hbm>> -> memref<8x128xf32, #tpu.memory_space<hbm>>
    %dma_start3A_73 = arith.constant 0 : i32
    %dma_start3A_74 = arith.constant 0 : i32
    %dma_start3A_75 = tpu.memref_slice %arg14[%dma_start3A_64, %dma_start3A_73, %dma_start3A_74] : memref<4x8x128xf32, #tpu.memory_space<vmem>> -> memref<1x8x128xf32, #tpu.memory_space<vmem>>
    %dma_start3A_76 = tpu.memref_squeeze %dma_start3A_75 : memref<1x8x128xf32, #tpu.memory_space<vmem>> -> memref<8x128xf32, #tpu.memory_space<vmem>>
    %dma_start3A_77 = arith.constant 0 : i32
    %dma_start3A_78 = arith.constant 0 : i32
    %dma_start3A_79 = tpu.memref_slice %arg4[%select_n3A, %add3A_63, %dma_start3A_77, %dma_start3A_78] : memref<8x8x8x128xf32, #tpu.memory_space<hbm>> -> memref<1x1x8x128xf32, #tpu.memory_space<hbm>>
    %dma_start3A_80 = tpu.memref_squeeze %dma_start3A_79 : memref<1x1x8x128xf32, #tpu.memory_space<hbm>> -> memref<8x128xf32, #tpu.memory_space<hbm>>
    tpu.enqueue_dma source(%dma_start3A_80 : memref<8x128xf32, #tpu.memory_space<hbm>>) target(%dma_start3A_76 : memref<8x128xf32, #tpu.memory_space<vmem>>) target_semaphore(%arg17 : memref<!tpu.dma_semaphore, #tpu.memory_space<semaphore_mem>>)
    %add3A_81 = arith.constant 2 : i32
    %add3A_82 = arith.addi %rem3A_17, %add3A_81 : i32
    %dma_start3A_83 = arith.constant 1 : i32
    %dma_start3A_84 = arith.constant 0 : i32
    %dma_start3A_85 = arith.constant 0 : i32
    %dma_start3A_86 = tpu.memref_slice %arg15[%dma_start3A_83, %dma_start3A_84, %dma_start3A_85] : memref<4x8x128xf32, #tpu.memory_space<vmem>> -> memref<1x8x128xf32, #tpu.memory_space<vmem>>
    %dma_start3A_87 = tpu.memref_squeeze %dma_start3A_86 : memref<1x8x128xf32, #tpu.memory_space<vmem>> -> memref<8x128xf32, #tpu.memory_space<vmem>>
    %dma_start3A_88 = arith.constant 0 : i32
    %dma_start3A_89 = arith.constant 0 : i32
    %dma_start3A_90 = tpu.memref_slice %arg5[%select_n3A, %add3A_82, %dma_start3A_88, %dma_start3A_89] : memref<8x8x8x128xf32, #tpu.memory_space<hbm>> -> memref<1x1x8x128xf32, #tpu.memory_space<hbm>>
    %dma_start3A_91 = tpu.memref_squeeze %dma_start3A_90 : memref<1x1x8x128xf32, #tpu.memory_space<hbm>> -> memref<8x128xf32, #tpu.memory_space<hbm>>
    %dma_start3A_92 = arith.constant 0 : i32
    %dma_start3A_93 = arith.constant 0 : i32
    %dma_start3A_94 = tpu.memref_slice %arg15[%dma_start3A_83, %dma_start3A_92, %dma_start3A_93] : memref<4x8x128xf32, #tpu.memory_space<vmem>> -> memref<1x8x128xf32, #tpu.memory_space<vmem>>
    %dma_start3A_95 = tpu.memref_squeeze %dma_start3A_94 : memref<1x8x128xf32, #tpu.memory_space<vmem>> -> memref<8x128xf32, #tpu.memory_space<vmem>>
    %dma_start3A_96 = arith.constant 0 : i32
    %dma_start3A_97 = arith.constant 0 : i32
    %dma_start3A_98 = tpu.memref_slice %arg5[%select_n3A, %add3A_82, %dma_start3A_96, %dma_start3A_97] : memref<8x8x8x128xf32, #tpu.memory_space<hbm>> -> memref<1x1x8x128xf32, #tpu.memory_space<hbm>>
    %dma_start3A_99 = tpu.memref_squeeze %dma_start3A_98 : memref<1x1x8x128xf32, #tpu.memory_space<hbm>> -> memref<8x128xf32, #tpu.memory_space<hbm>>
    tpu.enqueue_dma source(%dma_start3A_99 : memref<8x128xf32, #tpu.memory_space<hbm>>) target(%dma_start3A_95 : memref<8x128xf32, #tpu.memory_space<vmem>>) target_semaphore(%arg17 : memref<!tpu.dma_semaphore, #tpu.memory_space<semaphore_mem>>)
    %add3A_100 = arith.constant 4 : i32
    %add3A_101 = arith.addi %rem3A_17, %add3A_100 : i32
    %dma_start3A_102 = arith.constant 2 : i32
    %dma_start3A_103 = arith.constant 0 : i32
    %dma_start3A_104 = arith.constant 0 : i32
    %dma_start3A_105 = tpu.memref_slice %arg14[%dma_start3A_102, %dma_start3A_103, %dma_start3A_104] : memref<4x8x128xf32, #tpu.memory_space<vmem>> -> memref<1x8x128xf32, #tpu.memory_space<vmem>>
    %dma_start3A_106 = tpu.memref_squeeze %dma_start3A_105 : memref<1x8x128xf32, #tpu.memory_space<vmem>> -> memref<8x128xf32, #tpu.memory_space<vmem>>
    %dma_start3A_107 = arith.constant 0 : i32
    %dma_start3A_108 = arith.constant 0 : i32
    %dma_start3A_109 = tpu.memref_slice %arg4[%select_n3A, %add3A_101, %dma_start3A_107, %dma_start3A_108] : memref<8x8x8x128xf32, #tpu.memory_space<hbm>> -> memref<1x1x8x128xf32, #tpu.memory_space<hbm>>
    %dma_start3A_110 = tpu.memref_squeeze %dma_start3A_109 : memref<1x1x8x128xf32, #tpu.memory_space<hbm>> -> memref<8x128xf32, #tpu.memory_space<hbm>>
    %dma_start3A_111 = arith.constant 0 : i32
    %dma_start3A_112 = arith.constant 0 : i32
    %dma_start3A_113 = tpu.memref_slice %arg14[%dma_start3A_102, %dma_start3A_111, %dma_start3A_112] : memref<4x8x128xf32, #tpu.memory_space<vmem>> -> memref<1x8x128xf32, #tpu.memory_space<vmem>>
    %dma_start3A_114 = tpu.memref_squeeze %dma_start3A_113 : memref<1x8x128xf32, #tpu.memory_space<vmem>> -> memref<8x128xf32, #tpu.memory_space<vmem>>
    %dma_start3A_115 = arith.constant 0 : i32
    %dma_start3A_116 = arith.constant 0 : i32
    %dma_start3A_117 = tpu.memref_slice %arg4[%select_n3A, %add3A_101, %dma_start3A_115, %dma_start3A_116] : memref<8x8x8x128xf32, #tpu.memory_space<hbm>> -> memref<1x1x8x128xf32, #tpu.memory_space<hbm>>
    %dma_start3A_118 = tpu.memref_squeeze %dma_start3A_117 : memref<1x1x8x128xf32, #tpu.memory_space<hbm>> -> memref<8x128xf32, #tpu.memory_space<hbm>>
    tpu.enqueue_dma source(%dma_start3A_118 : memref<8x128xf32, #tpu.memory_space<hbm>>) target(%dma_start3A_114 : memref<8x128xf32, #tpu.memory_space<vmem>>) target_semaphore(%arg17 : memref<!tpu.dma_semaphore, #tpu.memory_space<semaphore_mem>>)
    %add3A_119 = arith.constant 4 : i32
    %add3A_120 = arith.addi %rem3A_17, %add3A_119 : i32
    %dma_start3A_121 = arith.constant 2 : i32
    %dma_start3A_122 = arith.constant 0 : i32
    %dma_start3A_123 = arith.constant 0 : i32
    %dma_start3A_124 = tpu.memref_slice %arg15[%dma_start3A_121, %dma_start3A_122, %dma_start3A_123] : memref<4x8x128xf32, #tpu.memory_space<vmem>> -> memref<1x8x128xf32, #tpu.memory_space<vmem>>
    %dma_start3A_125 = tpu.memref_squeeze %dma_start3A_124 : memref<1x8x128xf32, #tpu.memory_space<vmem>> -> memref<8x128xf32, #tpu.memory_space<vmem>>
    %dma_start3A_126 = arith.constant 0 : i32
    %dma_start3A_127 = arith.constant 0 : i32
    %dma_start3A_128 = tpu.memref_slice %arg5[%select_n3A, %add3A_120, %dma_start3A_126, %dma_start3A_127] : memref<8x8x8x128xf32, #tpu.memory_space<hbm>> -> memref<1x1x8x128xf32, #tpu.memory_space<hbm>>
    %dma_start3A_129 = tpu.memref_squeeze %dma_start3A_128 : memref<1x1x8x128xf32, #tpu.memory_space<hbm>> -> memref<8x128xf32, #tpu.memory_space<hbm>>
    %dma_start3A_130 = arith.constant 0 : i32
    %dma_start3A_131 = arith.constant 0 : i32
    %dma_start3A_132 = tpu.memref_slice %arg15[%dma_start3A_121, %dma_start3A_130, %dma_start3A_131] : memref<4x8x128xf32, #tpu.memory_space<vmem>> -> memref<1x8x128xf32, #tpu.memory_space<vmem>>
    %dma_start3A_133 = tpu.memref_squeeze %dma_start3A_132 : memref<1x8x128xf32, #tpu.memory_space<vmem>> -> memref<8x128xf32, #tpu.memory_space<vmem>>
    %dma_start3A_134 = arith.constant 0 : i32
    %dma_start3A_135 = arith.constant 0 : i32
    %dma_start3A_136 = tpu.memref_slice %arg5[%select_n3A, %add3A_120, %dma_start3A_134, %dma_start3A_135] : memref<8x8x8x128xf32, #tpu.memory_space<hbm>> -> memref<1x1x8x128xf32, #tpu.memory_space<hbm>>
    %dma_start3A_137 = tpu.memref_squeeze %dma_start3A_136 : memref<1x1x8x128xf32, #tpu.memory_space<hbm>> -> memref<8x128xf32, #tpu.memory_space<hbm>>
    tpu.enqueue_dma source(%dma_start3A_137 : memref<8x128xf32, #tpu.memory_space<hbm>>) target(%dma_start3A_133 : memref<8x128xf32, #tpu.memory_space<vmem>>) target_semaphore(%arg17 : memref<!tpu.dma_semaphore, #tpu.memory_space<semaphore_mem>>)
    %add3A_138 = arith.constant 6 : i32
    %add3A_139 = arith.addi %rem3A_17, %add3A_138 : i32
    %dma_start3A_140 = arith.constant 3 : i32
    %dma_start3A_141 = arith.constant 0 : i32
    %dma_start3A_142 = arith.constant 0 : i32
    %dma_start3A_143 = tpu.memref_slice %arg14[%dma_start3A_140, %dma_start3A_141, %dma_start3A_142] : memref<4x8x128xf32, #tpu.memory_space<vmem>> -> memref<1x8x128xf32, #tpu.memory_space<vmem>>
    %dma_start3A_144 = tpu.memref_squeeze %dma_start3A_143 : memref<1x8x128xf32, #tpu.memory_space<vmem>> -> memref<8x128xf32, #tpu.memory_space<vmem>>
    %dma_start3A_145 = arith.constant 0 : i32
    %dma_start3A_146 = arith.constant 0 : i32
    %dma_start3A_147 = tpu.memref_slice %arg4[%select_n3A, %add3A_139, %dma_start3A_145, %dma_start3A_146] : memref<8x8x8x128xf32, #tpu.memory_space<hbm>> -> memref<1x1x8x128xf32, #tpu.memory_space<hbm>>
    %dma_start3A_148 = tpu.memref_squeeze %dma_start3A_147 : memref<1x1x8x128xf32, #tpu.memory_space<hbm>> -> memref<8x128xf32, #tpu.memory_space<hbm>>
    %dma_start3A_149 = arith.constant 0 : i32
    %dma_start3A_150 = arith.constant 0 : i32
    %dma_start3A_151 = tpu.memref_slice %arg14[%dma_start3A_140, %dma_start3A_149, %dma_start3A_150] : memref<4x8x128xf32, #tpu.memory_space<vmem>> -> memref<1x8x128xf32, #tpu.memory_space<vmem>>
    %dma_start3A_152 = tpu.memref_squeeze %dma_start3A_151 : memref<1x8x128xf32, #tpu.memory_space<vmem>> -> memref<8x128xf32, #tpu.memory_space<vmem>>
    %dma_start3A_153 = arith.constant 0 : i32
    %dma_start3A_154 = arith.constant 0 : i32
    %dma_start3A_155 = tpu.memref_slice %arg4[%select_n3A, %add3A_139, %dma_start3A_153, %dma_start3A_154] : memref<8x8x8x128xf32, #tpu.memory_space<hbm>> -> memref<1x1x8x128xf32, #tpu.memory_space<hbm>>
    %dma_start3A_156 = tpu.memref_squeeze %dma_start3A_155 : memref<1x1x8x128xf32, #tpu.memory_space<hbm>> -> memref<8x128xf32, #tpu.memory_space<hbm>>
    tpu.enqueue_dma source(%dma_start3A_156 : memref<8x128xf32, #tpu.memory_space<hbm>>) target(%dma_start3A_152 : memref<8x128xf32, #tpu.memory_space<vmem>>) target_semaphore(%arg17 : memref<!tpu.dma_semaphore, #tpu.memory_space<semaphore_mem>>)
    %add3A_157 = arith.constant 6 : i32
    %add3A_158 = arith.addi %rem3A_17, %add3A_157 : i32
    %dma_start3A_159 = arith.constant 3 : i32
    %dma_start3A_160 = arith.constant 0 : i32
    %dma_start3A_161 = arith.constant 0 : i32
    %dma_start3A_162 = tpu.memref_slice %arg15[%dma_start3A_159, %dma_start3A_160, %dma_start3A_161] : memref<4x8x128xf32, #tpu.memory_space<vmem>> -> memref<1x8x128xf32, #tpu.memory_space<vmem>>
    %dma_start3A_163 = tpu.memref_squeeze %dma_start3A_162 : memref<1x8x128xf32, #tpu.memory_space<vmem>> -> memref<8x128xf32, #tpu.memory_space<vmem>>
    %dma_start3A_164 = arith.constant 0 : i32
    %dma_start3A_165 = arith.constant 0 : i32
    %dma_start3A_166 = tpu.memref_slice %arg5[%select_n3A, %add3A_158, %dma_start3A_164, %dma_start3A_165] : memref<8x8x8x128xf32, #tpu.memory_space<hbm>> -> memref<1x1x8x128xf32, #tpu.memory_space<hbm>>
    %dma_start3A_167 = tpu.memref_squeeze %dma_start3A_166 : memref<1x1x8x128xf32, #tpu.memory_space<hbm>> -> memref<8x128xf32, #tpu.memory_space<hbm>>
    %dma_start3A_168 = arith.constant 0 : i32
    %dma_start3A_169 = arith.constant 0 : i32
    %dma_start3A_170 = tpu.memref_slice %arg15[%dma_start3A_159, %dma_start3A_168, %dma_start3A_169] : memref<4x8x128xf32, #tpu.memory_space<vmem>> -> memref<1x8x128xf32, #tpu.memory_space<vmem>>
    %dma_start3A_171 = tpu.memref_squeeze %dma_start3A_170 : memref<1x8x128xf32, #tpu.memory_space<vmem>> -> memref<8x128xf32, #tpu.memory_space<vmem>>
    %dma_start3A_172 = arith.constant 0 : i32
    %dma_start3A_173 = arith.constant 0 : i32
    %dma_start3A_174 = tpu.memref_slice %arg5[%select_n3A, %add3A_158, %dma_start3A_172, %dma_start3A_173] : memref<8x8x8x128xf32, #tpu.memory_space<hbm>> -> memref<1x1x8x128xf32, #tpu.memory_space<hbm>>
    %dma_start3A_175 = tpu.memref_squeeze %dma_start3A_174 : memref<1x1x8x128xf32, #tpu.memory_space<hbm>> -> memref<8x128xf32, #tpu.memory_space<hbm>>
    tpu.enqueue_dma source(%dma_start3A_175 : memref<8x128xf32, #tpu.memory_space<hbm>>) target(%dma_start3A_171 : memref<8x128xf32, #tpu.memory_space<vmem>>) target_semaphore(%arg17 : memref<!tpu.dma_semaphore, #tpu.memory_space<semaphore_mem>>)
    %dma_wait3A = arith.constant 0 : i32
    %dma_wait3A_176 = tpu.memref_slice %arg11[%dma_wait3A] : memref<16xi32, #tpu.memory_space<vmem>> -> memref<8xi32, #tpu.memory_space<vmem>>
    %dma_wait3A_177 = arith.constant 0 : i32
    %dma_wait3A_178 = tpu.memref_slice %arg11[%dma_wait3A_177] : memref<16xi32, #tpu.memory_space<vmem>> -> memref<8xi32, #tpu.memory_space<vmem>>
    tpu.wait_dma2 semaphore(%arg16 : memref<!tpu.dma_semaphore, #tpu.memory_space<semaphore_mem>>) src(%arg2 : memref<8xi32, #tpu.memory_space<hbm>>) dst(%dma_wait3A_178 : memref<8xi32, #tpu.memory_space<vmem>>)
    %dma_wait3A_179 = arith.constant 0 : i32
    %dma_wait3A_180 = tpu.memref_slice %arg12[%dma_wait3A_179] : memref<16xi32, #tpu.memory_space<vmem>> -> memref<8xi32, #tpu.memory_space<vmem>>
    %dma_wait3A_181 = arith.constant 0 : i32
    %dma_wait3A_182 = tpu.memref_slice %arg12[%dma_wait3A_181] : memref<16xi32, #tpu.memory_space<vmem>> -> memref<8xi32, #tpu.memory_space<vmem>>
    tpu.wait_dma2 semaphore(%arg16 : memref<!tpu.dma_semaphore, #tpu.memory_space<semaphore_mem>>) src(%arg3 : memref<8xi32, #tpu.memory_space<hbm>>) dst(%dma_wait3A_182 : memref<8xi32, #tpu.memory_space<vmem>>)
    %get3A = arith.constant 0 : index
    %get3A_183 = tpu.vector_load %arg11[%get3A] {strides = array<i32>} : memref<16xi32, #tpu.memory_space<vmem>>, vector<16xi32>,
    %get3A_184 = vector.shape_cast %get3A_183 : vector<16xi32> to vector<16xi32>
    %get3A_185 = arith.constant 0 : index
    %get3A_186 = tpu.vector_load %arg12[%get3A_185] {strides = array<i32>} : memref<16xi32, #tpu.memory_space<vmem>>, vector<16xi32>,
    %get3A_187 = vector.shape_cast %get3A_186 : vector<16xi32> to vector<16xi32>
    %add3A_188 = arith.constant 0 : i32
    %add3A_189 = arith.addi %rem3A_17, %add3A_188 : i32
    %dma_wait3A_190 = arith.constant 0 : i32
    %dma_wait3A_191 = arith.constant 0 : i32
    %dma_wait3A_192 = arith.constant 0 : i32
    %dma_wait3A_193 = tpu.memref_slice %arg14[%dma_wait3A_190, %dma_wait3A_191, %dma_wait3A_192] : memref<4x8x128xf32, #tpu.memory_space<vmem>> -> memref<1x8x128xf32, #tpu.memory_space<vmem>>
    %dma_wait3A_194 = tpu.memref_squeeze %dma_wait3A_193 : memref<1x8x128xf32, #tpu.memory_space<vmem>> -> memref<8x128xf32, #tpu.memory_space<vmem>>
    %dma_wait3A_195 = arith.constant 0 : i32
    %dma_wait3A_196 = arith.constant 0 : i32
    %dma_wait3A_197 = tpu.memref_slice %arg4[%select_n3A, %add3A_189, %dma_wait3A_195, %dma_wait3A_196] : memref<8x8x8x128xf32, #tpu.memory_space<hbm>> -> memref<1x1x8x128xf32, #tpu.memory_space<hbm>>
    %dma_wait3A_198 = tpu.memref_squeeze %dma_wait3A_197 : memref<1x1x8x128xf32, #tpu.memory_space<hbm>> -> memref<8x128xf32, #tpu.memory_space<hbm>>
    %dma_wait3A_199 = arith.constant 0 : i32
    %dma_wait3A_200 = arith.constant 0 : i32
    %dma_wait3A_201 = tpu.memref_slice %arg14[%dma_wait3A_190, %dma_wait3A_199, %dma_wait3A_200] : memref<4x8x128xf32, #tpu.memory_space<vmem>> -> memref<1x8x128xf32, #tpu.memory_space<vmem>>
    %dma_wait3A_202 = tpu.memref_squeeze %dma_wait3A_201 : memref<1x8x128xf32, #tpu.memory_space<vmem>> -> memref<8x128xf32, #tpu.memory_space<vmem>>
    %dma_wait3A_203 = arith.constant 0 : i32
    %dma_wait3A_204 = arith.constant 0 : i32
    %dma_wait3A_205 = tpu.memref_slice %arg4[%select_n3A, %add3A_189, %dma_wait3A_203, %dma_wait3A_204] : memref<8x8x8x128xf32, #tpu.memory_space<hbm>> -> memref<1x1x8x128xf32, #tpu.memory_space<hbm>>
    %dma_wait3A_206 = tpu.memref_squeeze %dma_wait3A_205 : memref<1x1x8x128xf32, #tpu.memory_space<hbm>> -> memref<8x128xf32, #tpu.memory_space<hbm>>
    tpu.wait_dma2 semaphore(%arg17 : memref<!tpu.dma_semaphore, #tpu.memory_space<semaphore_mem>>) src(%dma_wait3A_206 : memref<8x128xf32, #tpu.memory_space<hbm>>) dst(%dma_wait3A_202 : memref<8x128xf32, #tpu.memory_space<vmem>>)
    %add3A_207 = arith.constant 0 : i32
    %add3A_208 = arith.addi %rem3A_17, %add3A_207 : i32
    %dma_wait3A_209 = arith.constant 0 : i32
    %dma_wait3A_210 = arith.constant 0 : i32
    %dma_wait3A_211 = arith.constant 0 : i32
    %dma_wait3A_212 = tpu.memref_slice %arg15[%dma_wait3A_209, %dma_wait3A_210, %dma_wait3A_211] : memref<4x8x128xf32, #tpu.memory_space<vmem>> -> memref<1x8x128xf32, #tpu.memory_space<vmem>>
    %dma_wait3A_213 = tpu.memref_squeeze %dma_wait3A_212 : memref<1x8x128xf32, #tpu.memory_space<vmem>> -> memref<8x128xf32, #tpu.memory_space<vmem>>
    %dma_wait3A_214 = arith.constant 0 : i32
    %dma_wait3A_215 = arith.constant 0 : i32
    %dma_wait3A_216 = tpu.memref_slice %arg5[%select_n3A, %add3A_208, %dma_wait3A_214, %dma_wait3A_215] : memref<8x8x8x128xf32, #tpu.memory_space<hbm>> -> memref<1x1x8x128xf32, #tpu.memory_space<hbm>>
    %dma_wait3A_217 = tpu.memref_squeeze %dma_wait3A_216 : memref<1x1x8x128xf32, #tpu.memory_space<hbm>> -> memref<8x128xf32, #tpu.memory_space<hbm>>
    %dma_wait3A_218 = arith.constant 0 : i32
    %dma_wait3A_219 = arith.constant 0 : i32
    %dma_wait3A_220 = tpu.memref_slice %arg15[%dma_wait3A_209, %dma_wait3A_218, %dma_wait3A_219] : memref<4x8x128xf32, #tpu.memory_space<vmem>> -> memref<1x8x128xf32, #tpu.memory_space<vmem>>
    %dma_wait3A_221 = tpu.memref_squeeze %dma_wait3A_220 : memref<1x8x128xf32, #tpu.memory_space<vmem>> -> memref<8x128xf32, #tpu.memory_space<vmem>>
    %dma_wait3A_222 = arith.constant 0 : i32
    %dma_wait3A_223 = arith.constant 0 : i32
    %dma_wait3A_224 = tpu.memref_slice %arg5[%select_n3A, %add3A_208, %dma_wait3A_222, %dma_wait3A_223] : memref<8x8x8x128xf32, #tpu.memory_space<hbm>> -> memref<1x1x8x128xf32, #tpu.memory_space<hbm>>
    %dma_wait3A_225 = tpu.memref_squeeze %dma_wait3A_224 : memref<1x1x8x128xf32, #tpu.memory_space<hbm>> -> memref<8x128xf32, #tpu.memory_space<hbm>>
    tpu.wait_dma2 semaphore(%arg17 : memref<!tpu.dma_semaphore, #tpu.memory_space<semaphore_mem>>) src(%dma_wait3A_225 : memref<8x128xf32, #tpu.memory_space<hbm>>) dst(%dma_wait3A_221 : memref<8x128xf32, #tpu.memory_space<vmem>>)
    %add3A_226 = arith.constant 2 : i32
    %add3A_227 = arith.addi %rem3A_17, %add3A_226 : i32
    %dma_wait3A_228 = arith.constant 1 : i32
    %dma_wait3A_229 = arith.constant 0 : i32
    %dma_wait3A_230 = arith.constant 0 : i32
    %dma_wait3A_231 = tpu.memref_slice %arg14[%dma_wait3A_228, %dma_wait3A_229, %dma_wait3A_230] : memref<4x8x128xf32, #tpu.memory_space<vmem>> -> memref<1x8x128xf32, #tpu.memory_space<vmem>>
    %dma_wait3A_232 = tpu.memref_squeeze %dma_wait3A_231 : memref<1x8x128xf32, #tpu.memory_space<vmem>> -> memref<8x128xf32, #tpu.memory_space<vmem>>
    %dma_wait3A_233 = arith.constant 0 : i32
    %dma_wait3A_234 = arith.constant 0 : i32
    %dma_wait3A_235 = tpu.memref_slice %arg4[%select_n3A, %add3A_227, %dma_wait3A_233, %dma_wait3A_234] : memref<8x8x8x128xf32, #tpu.memory_space<hbm>> -> memref<1x1x8x128xf32, #tpu.memory_space<hbm>>
    %dma_wait3A_236 = tpu.memref_squeeze %dma_wait3A_235 : memref<1x1x8x128xf32, #tpu.memory_space<hbm>> -> memref<8x128xf32, #tpu.memory_space<hbm>>
    %dma_wait3A_237 = arith.constant 0 : i32
    %dma_wait3A_238 = arith.constant 0 : i32
    %dma_wait3A_239 = tpu.memref_slice %arg14[%dma_wait3A_228, %dma_wait3A_237, %dma_wait3A_238] : memref<4x8x128xf32, #tpu.memory_space<vmem>> -> memref<1x8x128xf32, #tpu.memory_space<vmem>>
    %dma_wait3A_240 = tpu.memref_squeeze %dma_wait3A_239 : memref<1x8x128xf32, #tpu.memory_space<vmem>> -> memref<8x128xf32, #tpu.memory_space<vmem>>
    %dma_wait3A_241 = arith.constant 0 : i32
    %dma_wait3A_242 = arith.constant 0 : i32
    %dma_wait3A_243 = tpu.memref_slice %arg4[%select_n3A, %add3A_227, %dma_wait3A_241, %dma_wait3A_242] : memref<8x8x8x128xf32, #tpu.memory_space<hbm>> -> memref<1x1x8x128xf32, #tpu.memory_space<hbm>>
    %dma_wait3A_244 = tpu.memref_squeeze %dma_wait3A_243 : memref<1x1x8x128xf32, #tpu.memory_space<hbm>> -> memref<8x128xf32, #tpu.memory_space<hbm>>
    tpu.wait_dma2 semaphore(%arg17 : memref<!tpu.dma_semaphore, #tpu.memory_space<semaphore_mem>>) src(%dma_wait3A_244 : memref<8x128xf32, #tpu.memory_space<hbm>>) dst(%dma_wait3A_240 : memref<8x128xf32, #tpu.memory_space<vmem>>)
    %add3A_245 = arith.constant 2 : i32
    %add3A_246 = arith.addi %rem3A_17, %add3A_245 : i32
    %dma_wait3A_247 = arith.constant 1 : i32
    %dma_wait3A_248 = arith.constant 0 : i32
    %dma_wait3A_249 = arith.constant 0 : i32
    %dma_wait3A_250 = tpu.memref_slice %arg15[%dma_wait3A_247, %dma_wait3A_248, %dma_wait3A_249] : memref<4x8x128xf32, #tpu.memory_space<vmem>> -> memref<1x8x128xf32, #tpu.memory_space<vmem>>
    %dma_wait3A_251 = tpu.memref_squeeze %dma_wait3A_250 : memref<1x8x128xf32, #tpu.memory_space<vmem>> -> memref<8x128xf32, #tpu.memory_space<vmem>>
    %dma_wait3A_252 = arith.constant 0 : i32
    %dma_wait3A_253 = arith.constant 0 : i32
    %dma_wait3A_254 = tpu.memref_slice %arg5[%select_n3A, %add3A_246, %dma_wait3A_252, %dma_wait3A_253] : memref<8x8x8x128xf32, #tpu.memory_space<hbm>> -> memref<1x1x8x128xf32, #tpu.memory_space<hbm>>
    %dma_wait3A_255 = tpu.memref_squeeze %dma_wait3A_254 : memref<1x1x8x128xf32, #tpu.memory_space<hbm>> -> memref<8x128xf32, #tpu.memory_space<hbm>>
    %dma_wait3A_256 = arith.constant 0 : i32
    %dma_wait3A_257 = arith.constant 0 : i32
    %dma_wait3A_258 = tpu.memref_slice %arg15[%dma_wait3A_247, %dma_wait3A_256, %dma_wait3A_257] : memref<4x8x128xf32, #tpu.memory_space<vmem>> -> memref<1x8x128xf32, #tpu.memory_space<vmem>>
    %dma_wait3A_259 = tpu.memref_squeeze %dma_wait3A_258 : memref<1x8x128xf32, #tpu.memory_space<vmem>> -> memref<8x128xf32, #tpu.memory_space<vmem>>
    %dma_wait3A_260 = arith.constant 0 : i32
    %dma_wait3A_261 = arith.constant 0 : i32
    %dma_wait3A_262 = tpu.memref_slice %arg5[%select_n3A, %add3A_246, %dma_wait3A_260, %dma_wait3A_261] : memref<8x8x8x128xf32, #tpu.memory_space<hbm>> -> memref<1x1x8x128xf32, #tpu.memory_space<hbm>>
    %dma_wait3A_263 = tpu.memref_squeeze %dma_wait3A_262 : memref<1x1x8x128xf32, #tpu.memory_space<hbm>> -> memref<8x128xf32, #tpu.memory_space<hbm>>
    tpu.wait_dma2 semaphore(%arg17 : memref<!tpu.dma_semaphore, #tpu.memory_space<semaphore_mem>>) src(%dma_wait3A_263 : memref<8x128xf32, #tpu.memory_space<hbm>>) dst(%dma_wait3A_259 : memref<8x128xf32, #tpu.memory_space<vmem>>)
    %add3A_264 = arith.constant 4 : i32
    %add3A_265 = arith.addi %rem3A_17, %add3A_264 : i32
    %dma_wait3A_266 = arith.constant 2 : i32
    %dma_wait3A_267 = arith.constant 0 : i32
    %dma_wait3A_268 = arith.constant 0 : i32
    %dma_wait3A_269 = tpu.memref_slice %arg14[%dma_wait3A_266, %dma_wait3A_267, %dma_wait3A_268] : memref<4x8x128xf32, #tpu.memory_space<vmem>> -> memref<1x8x128xf32, #tpu.memory_space<vmem>>
    %dma_wait3A_270 = tpu.memref_squeeze %dma_wait3A_269 : memref<1x8x128xf32, #tpu.memory_space<vmem>> -> memref<8x128xf32, #tpu.memory_space<vmem>>
    %dma_wait3A_271 = arith.constant 0 : i32
    %dma_wait3A_272 = arith.constant 0 : i32
    %dma_wait3A_273 = tpu.memref_slice %arg4[%select_n3A, %add3A_265, %dma_wait3A_271, %dma_wait3A_272] : memref<8x8x8x128xf32, #tpu.memory_space<hbm>> -> memref<1x1x8x128xf32, #tpu.memory_space<hbm>>
    %dma_wait3A_274 = tpu.memref_squeeze %dma_wait3A_273 : memref<1x1x8x128xf32, #tpu.memory_space<hbm>> -> memref<8x128xf32, #tpu.memory_space<hbm>>
    %dma_wait3A_275 = arith.constant 0 : i32
    %dma_wait3A_276 = arith.constant 0 : i32
    %dma_wait3A_277 = tpu.memref_slice %arg14[%dma_wait3A_266, %dma_wait3A_275, %dma_wait3A_276] : memref<4x8x128xf32, #tpu.memory_space<vmem>> -> memref<1x8x128xf32, #tpu.memory_space<vmem>>
    %dma_wait3A_278 = tpu.memref_squeeze %dma_wait3A_277 : memref<1x8x128xf32, #tpu.memory_space<vmem>> -> memref<8x128xf32, #tpu.memory_space<vmem>>
    %dma_wait3A_279 = arith.constant 0 : i32
    %dma_wait3A_280 = arith.constant 0 : i32
    %dma_wait3A_281 = tpu.memref_slice %arg4[%select_n3A, %add3A_265, %dma_wait3A_279, %dma_wait3A_280] : memref<8x8x8x128xf32, #tpu.memory_space<hbm>> -> memref<1x1x8x128xf32, #tpu.memory_space<hbm>>
    %dma_wait3A_282 = tpu.memref_squeeze %dma_wait3A_281 : memref<1x1x8x128xf32, #tpu.memory_space<hbm>> -> memref<8x128xf32, #tpu.memory_space<hbm>>
    tpu.wait_dma2 semaphore(%arg17 : memref<!tpu.dma_semaphore, #tpu.memory_space<semaphore_mem>>) src(%dma_wait3A_282 : memref<8x128xf32, #tpu.memory_space<hbm>>) dst(%dma_wait3A_278 : memref<8x128xf32, #tpu.memory_space<vmem>>)
    %add3A_283 = arith.constant 4 : i32
    %add3A_284 = arith.addi %rem3A_17, %add3A_283 : i32
    %dma_wait3A_285 = arith.constant 2 : i32
    %dma_wait3A_286 = arith.constant 0 : i32
    %dma_wait3A_287 = arith.constant 0 : i32
    %dma_wait3A_288 = tpu.memref_slice %arg15[%dma_wait3A_285, %dma_wait3A_286, %dma_wait3A_287] : memref<4x8x128xf32, #tpu.memory_space<vmem>> -> memref<1x8x128xf32, #tpu.memory_space<vmem>>
    %dma_wait3A_289 = tpu.memref_squeeze %dma_wait3A_288 : memref<1x8x128xf32, #tpu.memory_space<vmem>> -> memref<8x128xf32, #tpu.memory_space<vmem>>
    %dma_wait3A_290 = arith.constant 0 : i32
    %dma_wait3A_291 = arith.constant 0 : i32
    %dma_wait3A_292 = tpu.memref_slice %arg5[%select_n3A, %add3A_284, %dma_wait3A_290, %dma_wait3A_291] : memref<8x8x8x128xf32, #tpu.memory_space<hbm>> -> memref<1x1x8x128xf32, #tpu.memory_space<hbm>>
    %dma_wait3A_293 = tpu.memref_squeeze %dma_wait3A_292 : memref<1x1x8x128xf32, #tpu.memory_space<hbm>> -> memref<8x128xf32, #tpu.memory_space<hbm>>
    %dma_wait3A_294 = arith.constant 0 : i32
    %dma_wait3A_295 = arith.constant 0 : i32
    %dma_wait3A_296 = tpu.memref_slice %arg15[%dma_wait3A_285, %dma_wait3A_294, %dma_wait3A_295] : memref<4x8x128xf32, #tpu.memory_space<vmem>> -> memref<1x8x128xf32, #tpu.memory_space<vmem>>
    %dma_wait3A_297 = tpu.memref_squeeze %dma_wait3A_296 : memref<1x8x128xf32, #tpu.memory_space<vmem>> -> memref<8x128xf32, #tpu.memory_space<vmem>>
    %dma_wait3A_298 = arith.constant 0 : i32
    %dma_wait3A_299 = arith.constant 0 : i32
    %dma_wait3A_300 = tpu.memref_slice %arg5[%select_n3A, %add3A_284, %dma_wait3A_298, %dma_wait3A_299] : memref<8x8x8x128xf32, #tpu.memory_space<hbm>> -> memref<1x1x8x128xf32, #tpu.memory_space<hbm>>
    %dma_wait3A_301 = tpu.memref_squeeze %dma_wait3A_300 : memref<1x1x8x128xf32, #tpu.memory_space<hbm>> -> memref<8x128xf32, #tpu.memory_space<hbm>>
    tpu.wait_dma2 semaphore(%arg17 : memref<!tpu.dma_semaphore, #tpu.memory_space<semaphore_mem>>) src(%dma_wait3A_301 : memref<8x128xf32, #tpu.memory_space<hbm>>) dst(%dma_wait3A_297 : memref<8x128xf32, #tpu.memory_space<vmem>>)
    %add3A_302 = arith.constant 6 : i32
    %add3A_303 = arith.addi %rem3A_17, %add3A_302 : i32
    %dma_wait3A_304 = arith.constant 3 : i32
    %dma_wait3A_305 = arith.constant 0 : i32
    %dma_wait3A_306 = arith.constant 0 : i32
    %dma_wait3A_307 = tpu.memref_slice %arg14[%dma_wait3A_304, %dma_wait3A_305, %dma_wait3A_306] : memref<4x8x128xf32, #tpu.memory_space<vmem>> -> memref<1x8x128xf32, #tpu.memory_space<vmem>>
    %dma_wait3A_308 = tpu.memref_squeeze %dma_wait3A_307 : memref<1x8x128xf32, #tpu.memory_space<vmem>> -> memref<8x128xf32, #tpu.memory_space<vmem>>
    %dma_wait3A_309 = arith.constant 0 : i32
    %dma_wait3A_310 = arith.constant 0 : i32
    %dma_wait3A_311 = tpu.memref_slice %arg4[%select_n3A, %add3A_303, %dma_wait3A_309, %dma_wait3A_310] : memref<8x8x8x128xf32, #tpu.memory_space<hbm>> -> memref<1x1x8x128xf32, #tpu.memory_space<hbm>>
    %dma_wait3A_312 = tpu.memref_squeeze %dma_wait3A_311 : memref<1x1x8x128xf32, #tpu.memory_space<hbm>> -> memref<8x128xf32, #tpu.memory_space<hbm>>
    %dma_wait3A_313 = arith.constant 0 : i32
    %dma_wait3A_314 = arith.constant 0 : i32
    %dma_wait3A_315 = tpu.memref_slice %arg14[%dma_wait3A_304, %dma_wait3A_313, %dma_wait3A_314] : memref<4x8x128xf32, #tpu.memory_space<vmem>> -> memref<1x8x128xf32, #tpu.memory_space<vmem>>
    %dma_wait3A_316 = tpu.memref_squeeze %dma_wait3A_315 : memref<1x8x128xf32, #tpu.memory_space<vmem>> -> memref<8x128xf32, #tpu.memory_space<vmem>>
    %dma_wait3A_317 = arith.constant 0 : i32
    %dma_wait3A_318 = arith.constant 0 : i32
    %dma_wait3A_319 = tpu.memref_slice %arg4[%select_n3A, %add3A_303, %dma_wait3A_317, %dma_wait3A_318] : memref<8x8x8x128xf32, #tpu.memory_space<hbm>> -> memref<1x1x8x128xf32, #tpu.memory_space<hbm>>
    %dma_wait3A_320 = tpu.memref_squeeze %dma_wait3A_319 : memref<1x1x8x128xf32, #tpu.memory_space<hbm>> -> memref<8x128xf32, #tpu.memory_space<hbm>>
    tpu.wait_dma2 semaphore(%arg17 : memref<!tpu.dma_semaphore, #tpu.memory_space<semaphore_mem>>) src(%dma_wait3A_320 : memref<8x128xf32, #tpu.memory_space<hbm>>) dst(%dma_wait3A_316 : memref<8x128xf32, #tpu.memory_space<vmem>>)
    %add3A_321 = arith.constant 6 : i32
    %add3A_322 = arith.addi %rem3A_17, %add3A_321 : i32
    %dma_wait3A_323 = arith.constant 3 : i32
    %dma_wait3A_324 = arith.constant 0 : i32
    %dma_wait3A_325 = arith.constant 0 : i32
    %dma_wait3A_326 = tpu.memref_slice %arg15[%dma_wait3A_323, %dma_wait3A_324, %dma_wait3A_325] : memref<4x8x128xf32, #tpu.memory_space<vmem>> -> memref<1x8x128xf32, #tpu.memory_space<vmem>>
    %dma_wait3A_327 = tpu.memref_squeeze %dma_wait3A_326 : memref<1x8x128xf32, #tpu.memory_space<vmem>> -> memref<8x128xf32, #tpu.memory_space<vmem>>
    %dma_wait3A_328 = arith.constant 0 : i32
    %dma_wait3A_329 = arith.constant 0 : i32
    %dma_wait3A_330 = tpu.memref_slice %arg5[%select_n3A, %add3A_322, %dma_wait3A_328, %dma_wait3A_329] : memref<8x8x8x128xf32, #tpu.memory_space<hbm>> -> memref<1x1x8x128xf32, #tpu.memory_space<hbm>>
    %dma_wait3A_331 = tpu.memref_squeeze %dma_wait3A_330 : memref<1x1x8x128xf32, #tpu.memory_space<hbm>> -> memref<8x128xf32, #tpu.memory_space<hbm>>
    %dma_wait3A_332 = arith.constant 0 : i32
    %dma_wait3A_333 = arith.constant 0 : i32
    %dma_wait3A_334 = tpu.memref_slice %arg15[%dma_wait3A_323, %dma_wait3A_332, %dma_wait3A_333] : memref<4x8x128xf32, #tpu.memory_space<vmem>> -> memref<1x8x128xf32, #tpu.memory_space<vmem>>
    %dma_wait3A_335 = tpu.memref_squeeze %dma_wait3A_334 : memref<1x8x128xf32, #tpu.memory_space<vmem>> -> memref<8x128xf32, #tpu.memory_space<vmem>>
    %dma_wait3A_336 = arith.constant 0 : i32
    %dma_wait3A_337 = arith.constant 0 : i32
    %dma_wait3A_338 = tpu.memref_slice %arg5[%select_n3A, %add3A_322, %dma_wait3A_336, %dma_wait3A_337] : memref<8x8x8x128xf32, #tpu.memory_space<hbm>> -> memref<1x1x8x128xf32, #tpu.memory_space<hbm>>
    %dma_wait3A_339 = tpu.memref_squeeze %dma_wait3A_338 : memref<1x1x8x128xf32, #tpu.memory_space<hbm>> -> memref<8x128xf32, #tpu.memory_space<hbm>>
    tpu.wait_dma2 semaphore(%arg17 : memref<!tpu.dma_semaphore, #tpu.memory_space<semaphore_mem>>) src(%dma_wait3A_339 : memref<8x128xf32, #tpu.memory_space<hbm>>) dst(%dma_wait3A_335 : memref<8x128xf32, #tpu.memory_space<vmem>>)
    %slice3A = vector.extract_strided_slice %get3A_184 {offsets = [0], sizes = [1], strides = [1]} : vector<16xi32> to vector<1xi32>
    %squeeze3A = vector.extract %slice3A[0] : i32 from vector<1xi32>
    %slice3A_340 = vector.extract_strided_slice %get3A_187 {offsets = [0], sizes = [1], strides = [1]} : vector<16xi32> to vector<1xi32>
    %squeeze3A_341 = vector.extract %slice3A_340[0] : i32 from vector<1xi32>
    %eq3A = arith.constant 0 : i32
    %eq3A_342 = arith.cmpi eq, %select_n3A, %eq3A : i32
    %add3A_343 = arith.constant 0 : i32
    %add3A_344 = arith.addi %rem3A_17, %add3A_343 : i32
    %lt3A = arith.cmpi slt, %add3A_344, %squeeze3A_341 : i32
    %and3A_345 = arith.andi %eq3A_342, %lt3A : i1
    %convert_element_type3A = arith.extui %and3A_345 : i1 to i32
    %cond3A = arith.constant 0 : i32
    %cond3A_346 = arith.cmpi ne, %convert_element_type3A, %cond3A : i32
    scf.if %cond3A_346 {
      %add3A_883 = arith.addi %squeeze3A, %add3A_344 : i32
      %dma_start3A_884 = arith.constant 0 : i32
      %dma_start3A_885 = arith.constant 0 : i32
      %dma_start3A_886 = arith.constant 0 : i32
      %dma_start3A_887 = arith.constant 0 : i32
      %dma_start3A_888 = tpu.memref_slice %arg14[%dma_start3A_884, %dma_start3A_886, %dma_start3A_887] : memref<4x8x128xf32, #tpu.memory_space<vmem>> -> memref<1x8x128xf32, #tpu.memory_space<vmem>>
      %dma_start3A_889 = tpu.memref_squeeze %dma_start3A_888 : memref<1x8x128xf32, #tpu.memory_space<vmem>> -> memref<8x128xf32, #tpu.memory_space<vmem>>
      %dma_start3A_890 = arith.constant 0 : i32
      %dma_start3A_891 = arith.constant 0 : i32
      %dma_start3A_892 = tpu.memref_slice %arg6[%dma_start3A_885, %add3A_883, %dma_start3A_890, %dma_start3A_891] : memref<8x4096x8x128xf32, #tpu.memory_space<hbm>> -> memref<1x1x8x128xf32, #tpu.memory_space<hbm>>
      %dma_start3A_893 = tpu.memref_squeeze %dma_start3A_892 : memref<1x1x8x128xf32, #tpu.memory_space<hbm>> -> memref<8x128xf32, #tpu.memory_space<hbm>>
      %dma_start3A_894 = arith.constant 0 : i32
      %dma_start3A_895 = arith.constant 0 : i32
      %dma_start3A_896 = tpu.memref_slice %arg6[%dma_start3A_885, %add3A_883, %dma_start3A_894, %dma_start3A_895] : memref<8x4096x8x128xf32, #tpu.memory_space<hbm>> -> memref<1x1x8x128xf32, #tpu.memory_space<hbm>>
      %dma_start3A_897 = tpu.memref_squeeze %dma_start3A_896 : memref<1x1x8x128xf32, #tpu.memory_space<hbm>> -> memref<8x128xf32, #tpu.memory_space<hbm>>
      %dma_start3A_898 = arith.constant 0 : i32
      %dma_start3A_899 = arith.constant 0 : i32
      %dma_start3A_900 = tpu.memref_slice %arg14[%dma_start3A_884, %dma_start3A_898, %dma_start3A_899] : memref<4x8x128xf32, #tpu.memory_space<vmem>> -> memref<1x8x128xf32, #tpu.memory_space<vmem>>
      %dma_start3A_901 = tpu.memref_squeeze %dma_start3A_900 : memref<1x8x128xf32, #tpu.memory_space<vmem>> -> memref<8x128xf32, #tpu.memory_space<vmem>>
      tpu.enqueue_dma source(%dma_start3A_901 : memref<8x128xf32, #tpu.memory_space<vmem>>) target(%dma_start3A_897 : memref<8x128xf32, #tpu.memory_space<hbm>>) target_semaphore(%arg18 : memref<!tpu.dma_semaphore, #tpu.memory_space<semaphore_mem>>)
      %add3A_902 = arith.addi %squeeze3A, %add3A_344 : i32
      %dma_start3A_903 = arith.constant 0 : i32
      %dma_start3A_904 = arith.constant 0 : i32
      %dma_start3A_905 = arith.constant 0 : i32
      %dma_start3A_906 = arith.constant 0 : i32
      %dma_start3A_907 = tpu.memref_slice %arg15[%dma_start3A_903, %dma_start3A_905, %dma_start3A_906] : memref<4x8x128xf32, #tpu.memory_space<vmem>> -> memref<1x8x128xf32, #tpu.memory_space<vmem>>
      %dma_start3A_908 = tpu.memref_squeeze %dma_start3A_907 : memref<1x8x128xf32, #tpu.memory_space<vmem>> -> memref<8x128xf32, #tpu.memory_space<vmem>>
      %dma_start3A_909 = arith.constant 0 : i32
      %dma_start3A_910 = arith.constant 0 : i32
      %dma_start3A_911 = tpu.memref_slice %arg7[%dma_start3A_904, %add3A_902, %dma_start3A_909, %dma_start3A_910] : memref<8x4096x8x128xf32, #tpu.memory_space<hbm>> -> memref<1x1x8x128xf32, #tpu.memory_space<hbm>>
      %dma_start3A_912 = tpu.memref_squeeze %dma_start3A_911 : memref<1x1x8x128xf32, #tpu.memory_space<hbm>> -> memref<8x128xf32, #tpu.memory_space<hbm>>
      %dma_start3A_913 = arith.constant 0 : i32
      %dma_start3A_914 = arith.constant 0 : i32
      %dma_start3A_915 = tpu.memref_slice %arg7[%dma_start3A_904, %add3A_902, %dma_start3A_913, %dma_start3A_914] : memref<8x4096x8x128xf32, #tpu.memory_space<hbm>> -> memref<1x1x8x128xf32, #tpu.memory_space<hbm>>
      %dma_start3A_916 = tpu.memref_squeeze %dma_start3A_915 : memref<1x1x8x128xf32, #tpu.memory_space<hbm>> -> memref<8x128xf32, #tpu.memory_space<hbm>>
      %dma_start3A_917 = arith.constant 0 : i32
      %dma_start3A_918 = arith.constant 0 : i32
      %dma_start3A_919 = tpu.memref_slice %arg15[%dma_start3A_903, %dma_start3A_917, %dma_start3A_918] : memref<4x8x128xf32, #tpu.memory_space<vmem>> -> memref<1x8x128xf32, #tpu.memory_space<vmem>>
      %dma_start3A_920 = tpu.memref_squeeze %dma_start3A_919 : memref<1x8x128xf32, #tpu.memory_space<vmem>> -> memref<8x128xf32, #tpu.memory_space<vmem>>
      tpu.enqueue_dma source(%dma_start3A_920 : memref<8x128xf32, #tpu.memory_space<vmem>>) target(%dma_start3A_916 : memref<8x128xf32, #tpu.memory_space<hbm>>) target_semaphore(%arg18 : memref<!tpu.dma_semaphore, #tpu.memory_space<semaphore_mem>>)
    } else {
    }
    %add3A_347 = arith.constant 2 : i32
    %add3A_348 = arith.addi %rem3A_17, %add3A_347 : i32
    %lt3A_349 = arith.cmpi slt, %add3A_348, %squeeze3A_341 : i32
    %and3A_350 = arith.andi %eq3A_342, %lt3A_349 : i1
    %convert_element_type3A_351 = arith.extui %and3A_350 : i1 to i32
    %cond3A_352 = arith.constant 0 : i32
    %cond3A_353 = arith.cmpi ne, %convert_element_type3A_351, %cond3A_352 : i32
    scf.if %cond3A_353 {
      %add3A_883 = arith.addi %squeeze3A, %add3A_348 : i32
      %dma_start3A_884 = arith.constant 1 : i32
      %dma_start3A_885 = arith.constant 0 : i32
      %dma_start3A_886 = arith.constant 0 : i32
      %dma_start3A_887 = arith.constant 0 : i32
      %dma_start3A_888 = tpu.memref_slice %arg14[%dma_start3A_884, %dma_start3A_886, %dma_start3A_887] : memref<4x8x128xf32, #tpu.memory_space<vmem>> -> memref<1x8x128xf32, #tpu.memory_space<vmem>>
      %dma_start3A_889 = tpu.memref_squeeze %dma_start3A_888 : memref<1x8x128xf32, #tpu.memory_space<vmem>> -> memref<8x128xf32, #tpu.memory_space<vmem>>
      %dma_start3A_890 = arith.constant 0 : i32
      %dma_start3A_891 = arith.constant 0 : i32
      %dma_start3A_892 = tpu.memref_slice %arg6[%dma_start3A_885, %add3A_883, %dma_start3A_890, %dma_start3A_891] : memref<8x4096x8x128xf32, #tpu.memory_space<hbm>> -> memref<1x1x8x128xf32, #tpu.memory_space<hbm>>
      %dma_start3A_893 = tpu.memref_squeeze %dma_start3A_892 : memref<1x1x8x128xf32, #tpu.memory_space<hbm>> -> memref<8x128xf32, #tpu.memory_space<hbm>>
      %dma_start3A_894 = arith.constant 0 : i32
      %dma_start3A_895 = arith.constant 0 : i32
      %dma_start3A_896 = tpu.memref_slice %arg6[%dma_start3A_885, %add3A_883, %dma_start3A_894, %dma_start3A_895] : memref<8x4096x8x128xf32, #tpu.memory_space<hbm>> -> memref<1x1x8x128xf32, #tpu.memory_space<hbm>>
      %dma_start3A_897 = tpu.memref_squeeze %dma_start3A_896 : memref<1x1x8x128xf32, #tpu.memory_space<hbm>> -> memref<8x128xf32, #tpu.memory_space<hbm>>
      %dma_start3A_898 = arith.constant 0 : i32
      %dma_start3A_899 = arith.constant 0 : i32
      %dma_start3A_900 = tpu.memref_slice %arg14[%dma_start3A_884, %dma_start3A_898, %dma_start3A_899] : memref<4x8x128xf32, #tpu.memory_space<vmem>> -> memref<1x8x128xf32, #tpu.memory_space<vmem>>
      %dma_start3A_901 = tpu.memref_squeeze %dma_start3A_900 : memref<1x8x128xf32, #tpu.memory_space<vmem>> -> memref<8x128xf32, #tpu.memory_space<vmem>>
      tpu.enqueue_dma source(%dma_start3A_901 : memref<8x128xf32, #tpu.memory_space<vmem>>) target(%dma_start3A_897 : memref<8x128xf32, #tpu.memory_space<hbm>>) target_semaphore(%arg18 : memref<!tpu.dma_semaphore, #tpu.memory_space<semaphore_mem>>)
      %add3A_902 = arith.addi %squeeze3A, %add3A_348 : i32
      %dma_start3A_903 = arith.constant 1 : i32
      %dma_start3A_904 = arith.constant 0 : i32
      %dma_start3A_905 = arith.constant 0 : i32
      %dma_start3A_906 = arith.constant 0 : i32
      %dma_start3A_907 = tpu.memref_slice %arg15[%dma_start3A_903, %dma_start3A_905, %dma_start3A_906] : memref<4x8x128xf32, #tpu.memory_space<vmem>> -> memref<1x8x128xf32, #tpu.memory_space<vmem>>
      %dma_start3A_908 = tpu.memref_squeeze %dma_start3A_907 : memref<1x8x128xf32, #tpu.memory_space<vmem>> -> memref<8x128xf32, #tpu.memory_space<vmem>>
      %dma_start3A_909 = arith.constant 0 : i32
      %dma_start3A_910 = arith.constant 0 : i32
      %dma_start3A_911 = tpu.memref_slice %arg7[%dma_start3A_904, %add3A_902, %dma_start3A_909, %dma_start3A_910] : memref<8x4096x8x128xf32, #tpu.memory_space<hbm>> -> memref<1x1x8x128xf32, #tpu.memory_space<hbm>>
      %dma_start3A_912 = tpu.memref_squeeze %dma_start3A_911 : memref<1x1x8x128xf32, #tpu.memory_space<hbm>> -> memref<8x128xf32, #tpu.memory_space<hbm>>
      %dma_start3A_913 = arith.constant 0 : i32
      %dma_start3A_914 = arith.constant 0 : i32
      %dma_start3A_915 = tpu.memref_slice %arg7[%dma_start3A_904, %add3A_902, %dma_start3A_913, %dma_start3A_914] : memref<8x4096x8x128xf32, #tpu.memory_space<hbm>> -> memref<1x1x8x128xf32, #tpu.memory_space<hbm>>
      %dma_start3A_916 = tpu.memref_squeeze %dma_start3A_915 : memref<1x1x8x128xf32, #tpu.memory_space<hbm>> -> memref<8x128xf32, #tpu.memory_space<hbm>>
      %dma_start3A_917 = arith.constant 0 : i32
      %dma_start3A_918 = arith.constant 0 : i32
      %dma_start3A_919 = tpu.memref_slice %arg15[%dma_start3A_903, %dma_start3A_917, %dma_start3A_918] : memref<4x8x128xf32, #tpu.memory_space<vmem>> -> memref<1x8x128xf32, #tpu.memory_space<vmem>>
      %dma_start3A_920 = tpu.memref_squeeze %dma_start3A_919 : memref<1x8x128xf32, #tpu.memory_space<vmem>> -> memref<8x128xf32, #tpu.memory_space<vmem>>
      tpu.enqueue_dma source(%dma_start3A_920 : memref<8x128xf32, #tpu.memory_space<vmem>>) target(%dma_start3A_916 : memref<8x128xf32, #tpu.memory_space<hbm>>) target_semaphore(%arg18 : memref<!tpu.dma_semaphore, #tpu.memory_space<semaphore_mem>>)
    } else {
    }
    %add3A_354 = arith.constant 4 : i32
    %add3A_355 = arith.addi %rem3A_17, %add3A_354 : i32
    %lt3A_356 = arith.cmpi slt, %add3A_355, %squeeze3A_341 : i32
    %and3A_357 = arith.andi %eq3A_342, %lt3A_356 : i1
    %convert_element_type3A_358 = arith.extui %and3A_357 : i1 to i32
    %cond3A_359 = arith.constant 0 : i32
    %cond3A_360 = arith.cmpi ne, %convert_element_type3A_358, %cond3A_359 : i32
    scf.if %cond3A_360 {
      %add3A_883 = arith.addi %squeeze3A, %add3A_355 : i32
      %dma_start3A_884 = arith.constant 2 : i32
      %dma_start3A_885 = arith.constant 0 : i32
      %dma_start3A_886 = arith.constant 0 : i32
      %dma_start3A_887 = arith.constant 0 : i32
      %dma_start3A_888 = tpu.memref_slice %arg14[%dma_start3A_884, %dma_start3A_886, %dma_start3A_887] : memref<4x8x128xf32, #tpu.memory_space<vmem>> -> memref<1x8x128xf32, #tpu.memory_space<vmem>>
      %dma_start3A_889 = tpu.memref_squeeze %dma_start3A_888 : memref<1x8x128xf32, #tpu.memory_space<vmem>> -> memref<8x128xf32, #tpu.memory_space<vmem>>
      %dma_start3A_890 = arith.constant 0 : i32
      %dma_start3A_891 = arith.constant 0 : i32
      %dma_start3A_892 = tpu.memref_slice %arg6[%dma_start3A_885, %add3A_883, %dma_start3A_890, %dma_start3A_891] : memref<8x4096x8x128xf32, #tpu.memory_space<hbm>> -> memref<1x1x8x128xf32, #tpu.memory_space<hbm>>
      %dma_start3A_893 = tpu.memref_squeeze %dma_start3A_892 : memref<1x1x8x128xf32, #tpu.memory_space<hbm>> -> memref<8x128xf32, #tpu.memory_space<hbm>>
      %dma_start3A_894 = arith.constant 0 : i32
      %dma_start3A_895 = arith.constant 0 : i32
      %dma_start3A_896 = tpu.memref_slice %arg6[%dma_start3A_885, %add3A_883, %dma_start3A_894, %dma_start3A_895] : memref<8x4096x8x128xf32, #tpu.memory_space<hbm>> -> memref<1x1x8x128xf32, #tpu.memory_space<hbm>>
      %dma_start3A_897 = tpu.memref_squeeze %dma_start3A_896 : memref<1x1x8x128xf32, #tpu.memory_space<hbm>> -> memref<8x128xf32, #tpu.memory_space<hbm>>
      %dma_start3A_898 = arith.constant 0 : i32
      %dma_start3A_899 = arith.constant 0 : i32
      %dma_start3A_900 = tpu.memref_slice %arg14[%dma_start3A_884, %dma_start3A_898, %dma_start3A_899] : memref<4x8x128xf32, #tpu.memory_space<vmem>> -> memref<1x8x128xf32, #tpu.memory_space<vmem>>
      %dma_start3A_901 = tpu.memref_squeeze %dma_start3A_900 : memref<1x8x128xf32, #tpu.memory_space<vmem>> -> memref<8x128xf32, #tpu.memory_space<vmem>>
      tpu.enqueue_dma source(%dma_start3A_901 : memref<8x128xf32, #tpu.memory_space<vmem>>) target(%dma_start3A_897 : memref<8x128xf32, #tpu.memory_space<hbm>>) target_semaphore(%arg18 : memref<!tpu.dma_semaphore, #tpu.memory_space<semaphore_mem>>)
      %add3A_902 = arith.addi %squeeze3A, %add3A_355 : i32
      %dma_start3A_903 = arith.constant 2 : i32
      %dma_start3A_904 = arith.constant 0 : i32
      %dma_start3A_905 = arith.constant 0 : i32
      %dma_start3A_906 = arith.constant 0 : i32
      %dma_start3A_907 = tpu.memref_slice %arg15[%dma_start3A_903, %dma_start3A_905, %dma_start3A_906] : memref<4x8x128xf32, #tpu.memory_space<vmem>> -> memref<1x8x128xf32, #tpu.memory_space<vmem>>
      %dma_start3A_908 = tpu.memref_squeeze %dma_start3A_907 : memref<1x8x128xf32, #tpu.memory_space<vmem>> -> memref<8x128xf32, #tpu.memory_space<vmem>>
      %dma_start3A_909 = arith.constant 0 : i32
      %dma_start3A_910 = arith.constant 0 : i32
      %dma_start3A_911 = tpu.memref_slice %arg7[%dma_start3A_904, %add3A_902, %dma_start3A_909, %dma_start3A_910] : memref<8x4096x8x128xf32, #tpu.memory_space<hbm>> -> memref<1x1x8x128xf32, #tpu.memory_space<hbm>>
      %dma_start3A_912 = tpu.memref_squeeze %dma_start3A_911 : memref<1x1x8x128xf32, #tpu.memory_space<hbm>> -> memref<8x128xf32, #tpu.memory_space<hbm>>
      %dma_start3A_913 = arith.constant 0 : i32
      %dma_start3A_914 = arith.constant 0 : i32
      %dma_start3A_915 = tpu.memref_slice %arg7[%dma_start3A_904, %add3A_902, %dma_start3A_913, %dma_start3A_914] : memref<8x4096x8x128xf32, #tpu.memory_space<hbm>> -> memref<1x1x8x128xf32, #tpu.memory_space<hbm>>
      %dma_start3A_916 = tpu.memref_squeeze %dma_start3A_915 : memref<1x1x8x128xf32, #tpu.memory_space<hbm>> -> memref<8x128xf32, #tpu.memory_space<hbm>>
      %dma_start3A_917 = arith.constant 0 : i32
      %dma_start3A_918 = arith.constant 0 : i32
      %dma_start3A_919 = tpu.memref_slice %arg15[%dma_start3A_903, %dma_start3A_917, %dma_start3A_918] : memref<4x8x128xf32, #tpu.memory_space<vmem>> -> memref<1x8x128xf32, #tpu.memory_space<vmem>>
      %dma_start3A_920 = tpu.memref_squeeze %dma_start3A_919 : memref<1x8x128xf32, #tpu.memory_space<vmem>> -> memref<8x128xf32, #tpu.memory_space<vmem>>
      tpu.enqueue_dma source(%dma_start3A_920 : memref<8x128xf32, #tpu.memory_space<vmem>>) target(%dma_start3A_916 : memref<8x128xf32, #tpu.memory_space<hbm>>) target_semaphore(%arg18 : memref<!tpu.dma_semaphore, #tpu.memory_space<semaphore_mem>>)
    } else {
    }
    %add3A_361 = arith.constant 6 : i32
    %add3A_362 = arith.addi %rem3A_17, %add3A_361 : i32
    %lt3A_363 = arith.cmpi slt, %add3A_362, %squeeze3A_341 : i32
    %and3A_364 = arith.andi %eq3A_342, %lt3A_363 : i1
    %convert_element_type3A_365 = arith.extui %and3A_364 : i1 to i32
    %cond3A_366 = arith.constant 0 : i32
    %cond3A_367 = arith.cmpi ne, %convert_element_type3A_365, %cond3A_366 : i32
    scf.if %cond3A_367 {
      %add3A_883 = arith.addi %squeeze3A, %add3A_362 : i32
      %dma_start3A_884 = arith.constant 3 : i32
      %dma_start3A_885 = arith.constant 0 : i32
      %dma_start3A_886 = arith.constant 0 : i32
      %dma_start3A_887 = arith.constant 0 : i32
      %dma_start3A_888 = tpu.memref_slice %arg14[%dma_start3A_884, %dma_start3A_886, %dma_start3A_887] : memref<4x8x128xf32, #tpu.memory_space<vmem>> -> memref<1x8x128xf32, #tpu.memory_space<vmem>>
      %dma_start3A_889 = tpu.memref_squeeze %dma_start3A_888 : memref<1x8x128xf32, #tpu.memory_space<vmem>> -> memref<8x128xf32, #tpu.memory_space<vmem>>
      %dma_start3A_890 = arith.constant 0 : i32
      %dma_start3A_891 = arith.constant 0 : i32
      %dma_start3A_892 = tpu.memref_slice %arg6[%dma_start3A_885, %add3A_883, %dma_start3A_890, %dma_start3A_891] : memref<8x4096x8x128xf32, #tpu.memory_space<hbm>> -> memref<1x1x8x128xf32, #tpu.memory_space<hbm>>
      %dma_start3A_893 = tpu.memref_squeeze %dma_start3A_892 : memref<1x1x8x128xf32, #tpu.memory_space<hbm>> -> memref<8x128xf32, #tpu.memory_space<hbm>>
      %dma_start3A_894 = arith.constant 0 : i32
      %dma_start3A_895 = arith.constant 0 : i32
      %dma_start3A_896 = tpu.memref_slice %arg6[%dma_start3A_885, %add3A_883, %dma_start3A_894, %dma_start3A_895] : memref<8x4096x8x128xf32, #tpu.memory_space<hbm>> -> memref<1x1x8x128xf32, #tpu.memory_space<hbm>>
      %dma_start3A_897 = tpu.memref_squeeze %dma_start3A_896 : memref<1x1x8x128xf32, #tpu.memory_space<hbm>> -> memref<8x128xf32, #tpu.memory_space<hbm>>
      %dma_start3A_898 = arith.constant 0 : i32
      %dma_start3A_899 = arith.constant 0 : i32
      %dma_start3A_900 = tpu.memref_slice %arg14[%dma_start3A_884, %dma_start3A_898, %dma_start3A_899] : memref<4x8x128xf32, #tpu.memory_space<vmem>> -> memref<1x8x128xf32, #tpu.memory_space<vmem>>
      %dma_start3A_901 = tpu.memref_squeeze %dma_start3A_900 : memref<1x8x128xf32, #tpu.memory_space<vmem>> -> memref<8x128xf32, #tpu.memory_space<vmem>>
      tpu.enqueue_dma source(%dma_start3A_901 : memref<8x128xf32, #tpu.memory_space<vmem>>) target(%dma_start3A_897 : memref<8x128xf32, #tpu.memory_space<hbm>>) target_semaphore(%arg18 : memref<!tpu.dma_semaphore, #tpu.memory_space<semaphore_mem>>)
      %add3A_902 = arith.addi %squeeze3A, %add3A_362 : i32
      %dma_start3A_903 = arith.constant 3 : i32
      %dma_start3A_904 = arith.constant 0 : i32
      %dma_start3A_905 = arith.constant 0 : i32
      %dma_start3A_906 = arith.constant 0 : i32
      %dma_start3A_907 = tpu.memref_slice %arg15[%dma_start3A_903, %dma_start3A_905, %dma_start3A_906] : memref<4x8x128xf32, #tpu.memory_space<vmem>> -> memref<1x8x128xf32, #tpu.memory_space<vmem>>
      %dma_start3A_908 = tpu.memref_squeeze %dma_start3A_907 : memref<1x8x128xf32, #tpu.memory_space<vmem>> -> memref<8x128xf32, #tpu.memory_space<vmem>>
      %dma_start3A_909 = arith.constant 0 : i32
      %dma_start3A_910 = arith.constant 0 : i32
      %dma_start3A_911 = tpu.memref_slice %arg7[%dma_start3A_904, %add3A_902, %dma_start3A_909, %dma_start3A_910] : memref<8x4096x8x128xf32, #tpu.memory_space<hbm>> -> memref<1x1x8x128xf32, #tpu.memory_space<hbm>>
      %dma_start3A_912 = tpu.memref_squeeze %dma_start3A_911 : memref<1x1x8x128xf32, #tpu.memory_space<hbm>> -> memref<8x128xf32, #tpu.memory_space<hbm>>
      %dma_start3A_913 = arith.constant 0 : i32
      %dma_start3A_914 = arith.constant 0 : i32
      %dma_start3A_915 = tpu.memref_slice %arg7[%dma_start3A_904, %add3A_902, %dma_start3A_913, %dma_start3A_914] : memref<8x4096x8x128xf32, #tpu.memory_space<hbm>> -> memref<1x1x8x128xf32, #tpu.memory_space<hbm>>
      %dma_start3A_916 = tpu.memref_squeeze %dma_start3A_915 : memref<1x1x8x128xf32, #tpu.memory_space<hbm>> -> memref<8x128xf32, #tpu.memory_space<hbm>>
      %dma_start3A_917 = arith.constant 0 : i32
      %dma_start3A_918 = arith.constant 0 : i32
      %dma_start3A_919 = tpu.memref_slice %arg15[%dma_start3A_903, %dma_start3A_917, %dma_start3A_918] : memref<4x8x128xf32, #tpu.memory_space<vmem>> -> memref<1x8x128xf32, #tpu.memory_space<vmem>>
      %dma_start3A_920 = tpu.memref_squeeze %dma_start3A_919 : memref<1x8x128xf32, #tpu.memory_space<vmem>> -> memref<8x128xf32, #tpu.memory_space<vmem>>
      tpu.enqueue_dma source(%dma_start3A_920 : memref<8x128xf32, #tpu.memory_space<vmem>>) target(%dma_start3A_916 : memref<8x128xf32, #tpu.memory_space<hbm>>) target_semaphore(%arg18 : memref<!tpu.dma_semaphore, #tpu.memory_space<semaphore_mem>>)
    } else {
    }
    %slice3A_368 = vector.extract_strided_slice %get3A_184 {offsets = [1], sizes = [1], strides = [1]} : vector<16xi32> to vector<1xi32>
    %squeeze3A_369 = vector.extract %slice3A_368[0] : i32 from vector<1xi32>
    %slice3A_370 = vector.extract_strided_slice %get3A_187 {offsets = [1], sizes = [1], strides = [1]} : vector<16xi32> to vector<1xi32>
    %squeeze3A_371 = vector.extract %slice3A_370[0] : i32 from vector<1xi32>
    %eq3A_372 = arith.constant 1 : i32
    %eq3A_373 = arith.cmpi eq, %select_n3A, %eq3A_372 : i32
    %add3A_374 = arith.constant 0 : i32
    %add3A_375 = arith.addi %rem3A_17, %add3A_374 : i32
    %lt3A_376 = arith.cmpi slt, %add3A_375, %squeeze3A_371 : i32
    %and3A_377 = arith.andi %eq3A_373, %lt3A_376 : i1
    %convert_element_type3A_378 = arith.extui %and3A_377 : i1 to i32
    %cond3A_379 = arith.constant 0 : i32
    %cond3A_380 = arith.cmpi ne, %convert_element_type3A_378, %cond3A_379 : i32
    scf.if %cond3A_380 {
      %add3A_883 = arith.addi %squeeze3A_369, %add3A_375 : i32
      %dma_start3A_884 = arith.constant 0 : i32
      %dma_start3A_885 = arith.constant 1 : i32
      %dma_start3A_886 = arith.constant 0 : i32
      %dma_start3A_887 = arith.constant 0 : i32
      %dma_start3A_888 = tpu.memref_slice %arg14[%dma_start3A_884, %dma_start3A_886, %dma_start3A_887] : memref<4x8x128xf32, #tpu.memory_space<vmem>> -> memref<1x8x128xf32, #tpu.memory_space<vmem>>
      %dma_start3A_889 = tpu.memref_squeeze %dma_start3A_888 : memref<1x8x128xf32, #tpu.memory_space<vmem>> -> memref<8x128xf32, #tpu.memory_space<vmem>>
      %dma_start3A_890 = arith.constant 0 : i32
      %dma_start3A_891 = arith.constant 0 : i32
      %dma_start3A_892 = tpu.memref_slice %arg6[%dma_start3A_885, %add3A_883, %dma_start3A_890, %dma_start3A_891] : memref<8x4096x8x128xf32, #tpu.memory_space<hbm>> -> memref<1x1x8x128xf32, #tpu.memory_space<hbm>>
      %dma_start3A_893 = tpu.memref_squeeze %dma_start3A_892 : memref<1x1x8x128xf32, #tpu.memory_space<hbm>> -> memref<8x128xf32, #tpu.memory_space<hbm>>
      %dma_start3A_894 = arith.constant 0 : i32
      %dma_start3A_895 = arith.constant 0 : i32
      %dma_start3A_896 = tpu.memref_slice %arg6[%dma_start3A_885, %add3A_883, %dma_start3A_894, %dma_start3A_895] : memref<8x4096x8x128xf32, #tpu.memory_space<hbm>> -> memref<1x1x8x128xf32, #tpu.memory_space<hbm>>
      %dma_start3A_897 = tpu.memref_squeeze %dma_start3A_896 : memref<1x1x8x128xf32, #tpu.memory_space<hbm>> -> memref<8x128xf32, #tpu.memory_space<hbm>>
      %dma_start3A_898 = arith.constant 0 : i32
      %dma_start3A_899 = arith.constant 0 : i32
      %dma_start3A_900 = tpu.memref_slice %arg14[%dma_start3A_884, %dma_start3A_898, %dma_start3A_899] : memref<4x8x128xf32, #tpu.memory_space<vmem>> -> memref<1x8x128xf32, #tpu.memory_space<vmem>>
      %dma_start3A_901 = tpu.memref_squeeze %dma_start3A_900 : memref<1x8x128xf32, #tpu.memory_space<vmem>> -> memref<8x128xf32, #tpu.memory_space<vmem>>
      tpu.enqueue_dma source(%dma_start3A_901 : memref<8x128xf32, #tpu.memory_space<vmem>>) target(%dma_start3A_897 : memref<8x128xf32, #tpu.memory_space<hbm>>) target_semaphore(%arg18 : memref<!tpu.dma_semaphore, #tpu.memory_space<semaphore_mem>>)
      %add3A_902 = arith.addi %squeeze3A_369, %add3A_375 : i32
      %dma_start3A_903 = arith.constant 0 : i32
      %dma_start3A_904 = arith.constant 1 : i32
      %dma_start3A_905 = arith.constant 0 : i32
      %dma_start3A_906 = arith.constant 0 : i32
      %dma_start3A_907 = tpu.memref_slice %arg15[%dma_start3A_903, %dma_start3A_905, %dma_start3A_906] : memref<4x8x128xf32, #tpu.memory_space<vmem>> -> memref<1x8x128xf32, #tpu.memory_space<vmem>>
      %dma_start3A_908 = tpu.memref_squeeze %dma_start3A_907 : memref<1x8x128xf32, #tpu.memory_space<vmem>> -> memref<8x128xf32, #tpu.memory_space<vmem>>
      %dma_start3A_909 = arith.constant 0 : i32
      %dma_start3A_910 = arith.constant 0 : i32
      %dma_start3A_911 = tpu.memref_slice %arg7[%dma_start3A_904, %add3A_902, %dma_start3A_909, %dma_start3A_910] : memref<8x4096x8x128xf32, #tpu.memory_space<hbm>> -> memref<1x1x8x128xf32, #tpu.memory_space<hbm>>
      %dma_start3A_912 = tpu.memref_squeeze %dma_start3A_911 : memref<1x1x8x128xf32, #tpu.memory_space<hbm>> -> memref<8x128xf32, #tpu.memory_space<hbm>>
      %dma_start3A_913 = arith.constant 0 : i32
      %dma_start3A_914 = arith.constant 0 : i32
      %dma_start3A_915 = tpu.memref_slice %arg7[%dma_start3A_904, %add3A_902, %dma_start3A_913, %dma_start3A_914] : memref<8x4096x8x128xf32, #tpu.memory_space<hbm>> -> memref<1x1x8x128xf32, #tpu.memory_space<hbm>>
      %dma_start3A_916 = tpu.memref_squeeze %dma_start3A_915 : memref<1x1x8x128xf32, #tpu.memory_space<hbm>> -> memref<8x128xf32, #tpu.memory_space<hbm>>
      %dma_start3A_917 = arith.constant 0 : i32
      %dma_start3A_918 = arith.constant 0 : i32
      %dma_start3A_919 = tpu.memref_slice %arg15[%dma_start3A_903, %dma_start3A_917, %dma_start3A_918] : memref<4x8x128xf32, #tpu.memory_space<vmem>> -> memref<1x8x128xf32, #tpu.memory_space<vmem>>
      %dma_start3A_920 = tpu.memref_squeeze %dma_start3A_919 : memref<1x8x128xf32, #tpu.memory_space<vmem>> -> memref<8x128xf32, #tpu.memory_space<vmem>>
      tpu.enqueue_dma source(%dma_start3A_920 : memref<8x128xf32, #tpu.memory_space<vmem>>) target(%dma_start3A_916 : memref<8x128xf32, #tpu.memory_space<hbm>>) target_semaphore(%arg18 : memref<!tpu.dma_semaphore, #tpu.memory_space<semaphore_mem>>)
    } else {
    }
    %add3A_381 = arith.constant 2 : i32
    %add3A_382 = arith.addi %rem3A_17, %add3A_381 : i32
    %lt3A_383 = arith.cmpi slt, %add3A_382, %squeeze3A_371 : i32
    %and3A_384 = arith.andi %eq3A_373, %lt3A_383 : i1
    %convert_element_type3A_385 = arith.extui %and3A_384 : i1 to i32
    %cond3A_386 = arith.constant 0 : i32
    %cond3A_387 = arith.cmpi ne, %convert_element_type3A_385, %cond3A_386 : i32
    scf.if %cond3A_387 {
      %add3A_883 = arith.addi %squeeze3A_369, %add3A_382 : i32
      %dma_start3A_884 = arith.constant 1 : i32
      %dma_start3A_885 = arith.constant 1 : i32
      %dma_start3A_886 = arith.constant 0 : i32
      %dma_start3A_887 = arith.constant 0 : i32
      %dma_start3A_888 = tpu.memref_slice %arg14[%dma_start3A_884, %dma_start3A_886, %dma_start3A_887] : memref<4x8x128xf32, #tpu.memory_space<vmem>> -> memref<1x8x128xf32, #tpu.memory_space<vmem>>
      %dma_start3A_889 = tpu.memref_squeeze %dma_start3A_888 : memref<1x8x128xf32, #tpu.memory_space<vmem>> -> memref<8x128xf32, #tpu.memory_space<vmem>>
      %dma_start3A_890 = arith.constant 0 : i32
      %dma_start3A_891 = arith.constant 0 : i32
      %dma_start3A_892 = tpu.memref_slice %arg6[%dma_start3A_885, %add3A_883, %dma_start3A_890, %dma_start3A_891] : memref<8x4096x8x128xf32, #tpu.memory_space<hbm>> -> memref<1x1x8x128xf32, #tpu.memory_space<hbm>>
      %dma_start3A_893 = tpu.memref_squeeze %dma_start3A_892 : memref<1x1x8x128xf32, #tpu.memory_space<hbm>> -> memref<8x128xf32, #tpu.memory_space<hbm>>
      %dma_start3A_894 = arith.constant 0 : i32
      %dma_start3A_895 = arith.constant 0 : i32
      %dma_start3A_896 = tpu.memref_slice %arg6[%dma_start3A_885, %add3A_883, %dma_start3A_894, %dma_start3A_895] : memref<8x4096x8x128xf32, #tpu.memory_space<hbm>> -> memref<1x1x8x128xf32, #tpu.memory_space<hbm>>
      %dma_start3A_897 = tpu.memref_squeeze %dma_start3A_896 : memref<1x1x8x128xf32, #tpu.memory_space<hbm>> -> memref<8x128xf32, #tpu.memory_space<hbm>>
      %dma_start3A_898 = arith.constant 0 : i32
      %dma_start3A_899 = arith.constant 0 : i32
      %dma_start3A_900 = tpu.memref_slice %arg14[%dma_start3A_884, %dma_start3A_898, %dma_start3A_899] : memref<4x8x128xf32, #tpu.memory_space<vmem>> -> memref<1x8x128xf32, #tpu.memory_space<vmem>>
      %dma_start3A_901 = tpu.memref_squeeze %dma_start3A_900 : memref<1x8x128xf32, #tpu.memory_space<vmem>> -> memref<8x128xf32, #tpu.memory_space<vmem>>
      tpu.enqueue_dma source(%dma_start3A_901 : memref<8x128xf32, #tpu.memory_space<vmem>>) target(%dma_start3A_897 : memref<8x128xf32, #tpu.memory_space<hbm>>) target_semaphore(%arg18 : memref<!tpu.dma_semaphore, #tpu.memory_space<semaphore_mem>>)
      %add3A_902 = arith.addi %squeeze3A_369, %add3A_382 : i32
      %dma_start3A_903 = arith.constant 1 : i32
      %dma_start3A_904 = arith.constant 1 : i32
      %dma_start3A_905 = arith.constant 0 : i32
      %dma_start3A_906 = arith.constant 0 : i32
      %dma_start3A_907 = tpu.memref_slice %arg15[%dma_start3A_903, %dma_start3A_905, %dma_start3A_906] : memref<4x8x128xf32, #tpu.memory_space<vmem>> -> memref<1x8x128xf32, #tpu.memory_space<vmem>>
      %dma_start3A_908 = tpu.memref_squeeze %dma_start3A_907 : memref<1x8x128xf32, #tpu.memory_space<vmem>> -> memref<8x128xf32, #tpu.memory_space<vmem>>
      %dma_start3A_909 = arith.constant 0 : i32
      %dma_start3A_910 = arith.constant 0 : i32
      %dma_start3A_911 = tpu.memref_slice %arg7[%dma_start3A_904, %add3A_902, %dma_start3A_909, %dma_start3A_910] : memref<8x4096x8x128xf32, #tpu.memory_space<hbm>> -> memref<1x1x8x128xf32, #tpu.memory_space<hbm>>
      %dma_start3A_912 = tpu.memref_squeeze %dma_start3A_911 : memref<1x1x8x128xf32, #tpu.memory_space<hbm>> -> memref<8x128xf32, #tpu.memory_space<hbm>>
      %dma_start3A_913 = arith.constant 0 : i32
      %dma_start3A_914 = arith.constant 0 : i32
      %dma_start3A_915 = tpu.memref_slice %arg7[%dma_start3A_904, %add3A_902, %dma_start3A_913, %dma_start3A_914] : memref<8x4096x8x128xf32, #tpu.memory_space<hbm>> -> memref<1x1x8x128xf32, #tpu.memory_space<hbm>>
      %dma_start3A_916 = tpu.memref_squeeze %dma_start3A_915 : memref<1x1x8x128xf32, #tpu.memory_space<hbm>> -> memref<8x128xf32, #tpu.memory_space<hbm>>
      %dma_start3A_917 = arith.constant 0 : i32
      %dma_start3A_918 = arith.constant 0 : i32
      %dma_start3A_919 = tpu.memref_slice %arg15[%dma_start3A_903, %dma_start3A_917, %dma_start3A_918] : memref<4x8x128xf32, #tpu.memory_space<vmem>> -> memref<1x8x128xf32, #tpu.memory_space<vmem>>
      %dma_start3A_920 = tpu.memref_squeeze %dma_start3A_919 : memref<1x8x128xf32, #tpu.memory_space<vmem>> -> memref<8x128xf32, #tpu.memory_space<vmem>>
      tpu.enqueue_dma source(%dma_start3A_920 : memref<8x128xf32, #tpu.memory_space<vmem>>) target(%dma_start3A_916 : memref<8x128xf32, #tpu.memory_space<hbm>>) target_semaphore(%arg18 : memref<!tpu.dma_semaphore, #tpu.memory_space<semaphore_mem>>)
    } else {
    }
    %add3A_388 = arith.constant 4 : i32
    %add3A_389 = arith.addi %rem3A_17, %add3A_388 : i32
    %lt3A_390 = arith.cmpi slt, %add3A_389, %squeeze3A_371 : i32
    %and3A_391 = arith.andi %eq3A_373, %lt3A_390 : i1
    %convert_element_type3A_392 = arith.extui %and3A_391 : i1 to i32
    %cond3A_393 = arith.constant 0 : i32
    %cond3A_394 = arith.cmpi ne, %convert_element_type3A_392, %cond3A_393 : i32
    scf.if %cond3A_394 {
      %add3A_883 = arith.addi %squeeze3A_369, %add3A_389 : i32
      %dma_start3A_884 = arith.constant 2 : i32
      %dma_start3A_885 = arith.constant 1 : i32
      %dma_start3A_886 = arith.constant 0 : i32
      %dma_start3A_887 = arith.constant 0 : i32
      %dma_start3A_888 = tpu.memref_slice %arg14[%dma_start3A_884, %dma_start3A_886, %dma_start3A_887] : memref<4x8x128xf32, #tpu.memory_space<vmem>> -> memref<1x8x128xf32, #tpu.memory_space<vmem>>
      %dma_start3A_889 = tpu.memref_squeeze %dma_start3A_888 : memref<1x8x128xf32, #tpu.memory_space<vmem>> -> memref<8x128xf32, #tpu.memory_space<vmem>>
      %dma_start3A_890 = arith.constant 0 : i32
      %dma_start3A_891 = arith.constant 0 : i32
      %dma_start3A_892 = tpu.memref_slice %arg6[%dma_start3A_885, %add3A_883, %dma_start3A_890, %dma_start3A_891] : memref<8x4096x8x128xf32, #tpu.memory_space<hbm>> -> memref<1x1x8x128xf32, #tpu.memory_space<hbm>>
      %dma_start3A_893 = tpu.memref_squeeze %dma_start3A_892 : memref<1x1x8x128xf32, #tpu.memory_space<hbm>> -> memref<8x128xf32, #tpu.memory_space<hbm>>
      %dma_start3A_894 = arith.constant 0 : i32
      %dma_start3A_895 = arith.constant 0 : i32
      %dma_start3A_896 = tpu.memref_slice %arg6[%dma_start3A_885, %add3A_883, %dma_start3A_894, %dma_start3A_895] : memref<8x4096x8x128xf32, #tpu.memory_space<hbm>> -> memref<1x1x8x128xf32, #tpu.memory_space<hbm>>
      %dma_start3A_897 = tpu.memref_squeeze %dma_start3A_896 : memref<1x1x8x128xf32, #tpu.memory_space<hbm>> -> memref<8x128xf32, #tpu.memory_space<hbm>>
      %dma_start3A_898 = arith.constant 0 : i32
      %dma_start3A_899 = arith.constant 0 : i32
      %dma_start3A_900 = tpu.memref_slice %arg14[%dma_start3A_884, %dma_start3A_898, %dma_start3A_899] : memref<4x8x128xf32, #tpu.memory_space<vmem>> -> memref<1x8x128xf32, #tpu.memory_space<vmem>>
      %dma_start3A_901 = tpu.memref_squeeze %dma_start3A_900 : memref<1x8x128xf32, #tpu.memory_space<vmem>> -> memref<8x128xf32, #tpu.memory_space<vmem>>
      tpu.enqueue_dma source(%dma_start3A_901 : memref<8x128xf32, #tpu.memory_space<vmem>>) target(%dma_start3A_897 : memref<8x128xf32, #tpu.memory_space<hbm>>) target_semaphore(%arg18 : memref<!tpu.dma_semaphore, #tpu.memory_space<semaphore_mem>>)
      %add3A_902 = arith.addi %squeeze3A_369, %add3A_389 : i32
      %dma_start3A_903 = arith.constant 2 : i32
      %dma_start3A_904 = arith.constant 1 : i32
      %dma_start3A_905 = arith.constant 0 : i32
      %dma_start3A_906 = arith.constant 0 : i32
      %dma_start3A_907 = tpu.memref_slice %arg15[%dma_start3A_903, %dma_start3A_905, %dma_start3A_906] : memref<4x8x128xf32, #tpu.memory_space<vmem>> -> memref<1x8x128xf32, #tpu.memory_space<vmem>>
      %dma_start3A_908 = tpu.memref_squeeze %dma_start3A_907 : memref<1x8x128xf32, #tpu.memory_space<vmem>> -> memref<8x128xf32, #tpu.memory_space<vmem>>
      %dma_start3A_909 = arith.constant 0 : i32
      %dma_start3A_910 = arith.constant 0 : i32
      %dma_start3A_911 = tpu.memref_slice %arg7[%dma_start3A_904, %add3A_902, %dma_start3A_909, %dma_start3A_910] : memref<8x4096x8x128xf32, #tpu.memory_space<hbm>> -> memref<1x1x8x128xf32, #tpu.memory_space<hbm>>
      %dma_start3A_912 = tpu.memref_squeeze %dma_start3A_911 : memref<1x1x8x128xf32, #tpu.memory_space<hbm>> -> memref<8x128xf32, #tpu.memory_space<hbm>>
      %dma_start3A_913 = arith.constant 0 : i32
      %dma_start3A_914 = arith.constant 0 : i32
      %dma_start3A_915 = tpu.memref_slice %arg7[%dma_start3A_904, %add3A_902, %dma_start3A_913, %dma_start3A_914] : memref<8x4096x8x128xf32, #tpu.memory_space<hbm>> -> memref<1x1x8x128xf32, #tpu.memory_space<hbm>>
      %dma_start3A_916 = tpu.memref_squeeze %dma_start3A_915 : memref<1x1x8x128xf32, #tpu.memory_space<hbm>> -> memref<8x128xf32, #tpu.memory_space<hbm>>
      %dma_start3A_917 = arith.constant 0 : i32
      %dma_start3A_918 = arith.constant 0 : i32
      %dma_start3A_919 = tpu.memref_slice %arg15[%dma_start3A_903, %dma_start3A_917, %dma_start3A_918] : memref<4x8x128xf32, #tpu.memory_space<vmem>> -> memref<1x8x128xf32, #tpu.memory_space<vmem>>
      %dma_start3A_920 = tpu.memref_squeeze %dma_start3A_919 : memref<1x8x128xf32, #tpu.memory_space<vmem>> -> memref<8x128xf32, #tpu.memory_space<vmem>>
      tpu.enqueue_dma source(%dma_start3A_920 : memref<8x128xf32, #tpu.memory_space<vmem>>) target(%dma_start3A_916 : memref<8x128xf32, #tpu.memory_space<hbm>>) target_semaphore(%arg18 : memref<!tpu.dma_semaphore, #tpu.memory_space<semaphore_mem>>)
    } else {
    }
    %add3A_395 = arith.constant 6 : i32
    %add3A_396 = arith.addi %rem3A_17, %add3A_395 : i32
    %lt3A_397 = arith.cmpi slt, %add3A_396, %squeeze3A_371 : i32
    %and3A_398 = arith.andi %eq3A_373, %lt3A_397 : i1
    %convert_element_type3A_399 = arith.extui %and3A_398 : i1 to i32
    %cond3A_400 = arith.constant 0 : i32
    %cond3A_401 = arith.cmpi ne, %convert_element_type3A_399, %cond3A_400 : i32
    scf.if %cond3A_401 {
      %add3A_883 = arith.addi %squeeze3A_369, %add3A_396 : i32
      %dma_start3A_884 = arith.constant 3 : i32
      %dma_start3A_885 = arith.constant 1 : i32
      %dma_start3A_886 = arith.constant 0 : i32
      %dma_start3A_887 = arith.constant 0 : i32
      %dma_start3A_888 = tpu.memref_slice %arg14[%dma_start3A_884, %dma_start3A_886, %dma_start3A_887] : memref<4x8x128xf32, #tpu.memory_space<vmem>> -> memref<1x8x128xf32, #tpu.memory_space<vmem>>
      %dma_start3A_889 = tpu.memref_squeeze %dma_start3A_888 : memref<1x8x128xf32, #tpu.memory_space<vmem>> -> memref<8x128xf32, #tpu.memory_space<vmem>>
      %dma_start3A_890 = arith.constant 0 : i32
      %dma_start3A_891 = arith.constant 0 : i32
      %dma_start3A_892 = tpu.memref_slice %arg6[%dma_start3A_885, %add3A_883, %dma_start3A_890, %dma_start3A_891] : memref<8x4096x8x128xf32, #tpu.memory_space<hbm>> -> memref<1x1x8x128xf32, #tpu.memory_space<hbm>>
      %dma_start3A_893 = tpu.memref_squeeze %dma_start3A_892 : memref<1x1x8x128xf32, #tpu.memory_space<hbm>> -> memref<8x128xf32, #tpu.memory_space<hbm>>
      %dma_start3A_894 = arith.constant 0 : i32
      %dma_start3A_895 = arith.constant 0 : i32
      %dma_start3A_896 = tpu.memref_slice %arg6[%dma_start3A_885, %add3A_883, %dma_start3A_894, %dma_start3A_895] : memref<8x4096x8x128xf32, #tpu.memory_space<hbm>> -> memref<1x1x8x128xf32, #tpu.memory_space<hbm>>
      %dma_start3A_897 = tpu.memref_squeeze %dma_start3A_896 : memref<1x1x8x128xf32, #tpu.memory_space<hbm>> -> memref<8x128xf32, #tpu.memory_space<hbm>>
      %dma_start3A_898 = arith.constant 0 : i32
      %dma_start3A_899 = arith.constant 0 : i32
      %dma_start3A_900 = tpu.memref_slice %arg14[%dma_start3A_884, %dma_start3A_898, %dma_start3A_899] : memref<4x8x128xf32, #tpu.memory_space<vmem>> -> memref<1x8x128xf32, #tpu.memory_space<vmem>>
      %dma_start3A_901 = tpu.memref_squeeze %dma_start3A_900 : memref<1x8x128xf32, #tpu.memory_space<vmem>> -> memref<8x128xf32, #tpu.memory_space<vmem>>
      tpu.enqueue_dma source(%dma_start3A_901 : memref<8x128xf32, #tpu.memory_space<vmem>>) target(%dma_start3A_897 : memref<8x128xf32, #tpu.memory_space<hbm>>) target_semaphore(%arg18 : memref<!tpu.dma_semaphore, #tpu.memory_space<semaphore_mem>>)
      %add3A_902 = arith.addi %squeeze3A_369, %add3A_396 : i32
      %dma_start3A_903 = arith.constant 3 : i32
      %dma_start3A_904 = arith.constant 1 : i32
      %dma_start3A_905 = arith.constant 0 : i32
      %dma_start3A_906 = arith.constant 0 : i32
      %dma_start3A_907 = tpu.memref_slice %arg15[%dma_start3A_903, %dma_start3A_905, %dma_start3A_906] : memref<4x8x128xf32, #tpu.memory_space<vmem>> -> memref<1x8x128xf32, #tpu.memory_space<vmem>>
      %dma_start3A_908 = tpu.memref_squeeze %dma_start3A_907 : memref<1x8x128xf32, #tpu.memory_space<vmem>> -> memref<8x128xf32, #tpu.memory_space<vmem>>
      %dma_start3A_909 = arith.constant 0 : i32
      %dma_start3A_910 = arith.constant 0 : i32
      %dma_start3A_911 = tpu.memref_slice %arg7[%dma_start3A_904, %add3A_902, %dma_start3A_909, %dma_start3A_910] : memref<8x4096x8x128xf32, #tpu.memory_space<hbm>> -> memref<1x1x8x128xf32, #tpu.memory_space<hbm>>
      %dma_start3A_912 = tpu.memref_squeeze %dma_start3A_911 : memref<1x1x8x128xf32, #tpu.memory_space<hbm>> -> memref<8x128xf32, #tpu.memory_space<hbm>>
      %dma_start3A_913 = arith.constant 0 : i32
      %dma_start3A_914 = arith.constant 0 : i32
      %dma_start3A_915 = tpu.memref_slice %arg7[%dma_start3A_904, %add3A_902, %dma_start3A_913, %dma_start3A_914] : memref<8x4096x8x128xf32, #tpu.memory_space<hbm>> -> memref<1x1x8x128xf32, #tpu.memory_space<hbm>>
      %dma_start3A_916 = tpu.memref_squeeze %dma_start3A_915 : memref<1x1x8x128xf32, #tpu.memory_space<hbm>> -> memref<8x128xf32, #tpu.memory_space<hbm>>
      %dma_start3A_917 = arith.constant 0 : i32
      %dma_start3A_918 = arith.constant 0 : i32
      %dma_start3A_919 = tpu.memref_slice %arg15[%dma_start3A_903, %dma_start3A_917, %dma_start3A_918] : memref<4x8x128xf32, #tpu.memory_space<vmem>> -> memref<1x8x128xf32, #tpu.memory_space<vmem>>
      %dma_start3A_920 = tpu.memref_squeeze %dma_start3A_919 : memref<1x8x128xf32, #tpu.memory_space<vmem>> -> memref<8x128xf32, #tpu.memory_space<vmem>>
      tpu.enqueue_dma source(%dma_start3A_920 : memref<8x128xf32, #tpu.memory_space<vmem>>) target(%dma_start3A_916 : memref<8x128xf32, #tpu.memory_space<hbm>>) target_semaphore(%arg18 : memref<!tpu.dma_semaphore, #tpu.memory_space<semaphore_mem>>)
    } else {
    }
    %slice3A_402 = vector.extract_strided_slice %get3A_184 {offsets = [2], sizes = [1], strides = [1]} : vector<16xi32> to vector<1xi32>
    %squeeze3A_403 = vector.extract %slice3A_402[0] : i32 from vector<1xi32>
    %slice3A_404 = vector.extract_strided_slice %get3A_187 {offsets = [2], sizes = [1], strides = [1]} : vector<16xi32> to vector<1xi32>
    %squeeze3A_405 = vector.extract %slice3A_404[0] : i32 from vector<1xi32>
    %eq3A_406 = arith.constant 2 : i32
    %eq3A_407 = arith.cmpi eq, %select_n3A, %eq3A_406 : i32
    %add3A_408 = arith.constant 0 : i32
    %add3A_409 = arith.addi %rem3A_17, %add3A_408 : i32
    %lt3A_410 = arith.cmpi slt, %add3A_409, %squeeze3A_405 : i32
    %and3A_411 = arith.andi %eq3A_407, %lt3A_410 : i1
    %convert_element_type3A_412 = arith.extui %and3A_411 : i1 to i32
    %cond3A_413 = arith.constant 0 : i32
    %cond3A_414 = arith.cmpi ne, %convert_element_type3A_412, %cond3A_413 : i32
    scf.if %cond3A_414 {
      %add3A_883 = arith.addi %squeeze3A_403, %add3A_409 : i32
      %dma_start3A_884 = arith.constant 0 : i32
      %dma_start3A_885 = arith.constant 2 : i32
      %dma_start3A_886 = arith.constant 0 : i32
      %dma_start3A_887 = arith.constant 0 : i32
      %dma_start3A_888 = tpu.memref_slice %arg14[%dma_start3A_884, %dma_start3A_886, %dma_start3A_887] : memref<4x8x128xf32, #tpu.memory_space<vmem>> -> memref<1x8x128xf32, #tpu.memory_space<vmem>>
      %dma_start3A_889 = tpu.memref_squeeze %dma_start3A_888 : memref<1x8x128xf32, #tpu.memory_space<vmem>> -> memref<8x128xf32, #tpu.memory_space<vmem>>
      %dma_start3A_890 = arith.constant 0 : i32
      %dma_start3A_891 = arith.constant 0 : i32
      %dma_start3A_892 = tpu.memref_slice %arg6[%dma_start3A_885, %add3A_883, %dma_start3A_890, %dma_start3A_891] : memref<8x4096x8x128xf32, #tpu.memory_space<hbm>> -> memref<1x1x8x128xf32, #tpu.memory_space<hbm>>
      %dma_start3A_893 = tpu.memref_squeeze %dma_start3A_892 : memref<1x1x8x128xf32, #tpu.memory_space<hbm>> -> memref<8x128xf32, #tpu.memory_space<hbm>>
      %dma_start3A_894 = arith.constant 0 : i32
      %dma_start3A_895 = arith.constant 0 : i32
      %dma_start3A_896 = tpu.memref_slice %arg6[%dma_start3A_885, %add3A_883, %dma_start3A_894, %dma_start3A_895] : memref<8x4096x8x128xf32, #tpu.memory_space<hbm>> -> memref<1x1x8x128xf32, #tpu.memory_space<hbm>>
      %dma_start3A_897 = tpu.memref_squeeze %dma_start3A_896 : memref<1x1x8x128xf32, #tpu.memory_space<hbm>> -> memref<8x128xf32, #tpu.memory_space<hbm>>
      %dma_start3A_898 = arith.constant 0 : i32
      %dma_start3A_899 = arith.constant 0 : i32
      %dma_start3A_900 = tpu.memref_slice %arg14[%dma_start3A_884, %dma_start3A_898, %dma_start3A_899] : memref<4x8x128xf32, #tpu.memory_space<vmem>> -> memref<1x8x128xf32, #tpu.memory_space<vmem>>
      %dma_start3A_901 = tpu.memref_squeeze %dma_start3A_900 : memref<1x8x128xf32, #tpu.memory_space<vmem>> -> memref<8x128xf32, #tpu.memory_space<vmem>>
      tpu.enqueue_dma source(%dma_start3A_901 : memref<8x128xf32, #tpu.memory_space<vmem>>) target(%dma_start3A_897 : memref<8x128xf32, #tpu.memory_space<hbm>>) target_semaphore(%arg18 : memref<!tpu.dma_semaphore, #tpu.memory_space<semaphore_mem>>)
      %add3A_902 = arith.addi %squeeze3A_403, %add3A_409 : i32
      %dma_start3A_903 = arith.constant 0 : i32
      %dma_start3A_904 = arith.constant 2 : i32
      %dma_start3A_905 = arith.constant 0 : i32
      %dma_start3A_906 = arith.constant 0 : i32
      %dma_start3A_907 = tpu.memref_slice %arg15[%dma_start3A_903, %dma_start3A_905, %dma_start3A_906] : memref<4x8x128xf32, #tpu.memory_space<vmem>> -> memref<1x8x128xf32, #tpu.memory_space<vmem>>
      %dma_start3A_908 = tpu.memref_squeeze %dma_start3A_907 : memref<1x8x128xf32, #tpu.memory_space<vmem>> -> memref<8x128xf32, #tpu.memory_space<vmem>>
      %dma_start3A_909 = arith.constant 0 : i32
      %dma_start3A_910 = arith.constant 0 : i32
      %dma_start3A_911 = tpu.memref_slice %arg7[%dma_start3A_904, %add3A_902, %dma_start3A_909, %dma_start3A_910] : memref<8x4096x8x128xf32, #tpu.memory_space<hbm>> -> memref<1x1x8x128xf32, #tpu.memory_space<hbm>>
      %dma_start3A_912 = tpu.memref_squeeze %dma_start3A_911 : memref<1x1x8x128xf32, #tpu.memory_space<hbm>> -> memref<8x128xf32, #tpu.memory_space<hbm>>
      %dma_start3A_913 = arith.constant 0 : i32
      %dma_start3A_914 = arith.constant 0 : i32
      %dma_start3A_915 = tpu.memref_slice %arg7[%dma_start3A_904, %add3A_902, %dma_start3A_913, %dma_start3A_914] : memref<8x4096x8x128xf32, #tpu.memory_space<hbm>> -> memref<1x1x8x128xf32, #tpu.memory_space<hbm>>
      %dma_start3A_916 = tpu.memref_squeeze %dma_start3A_915 : memref<1x1x8x128xf32, #tpu.memory_space<hbm>> -> memref<8x128xf32, #tpu.memory_space<hbm>>
      %dma_start3A_917 = arith.constant 0 : i32
      %dma_start3A_918 = arith.constant 0 : i32
      %dma_start3A_919 = tpu.memref_slice %arg15[%dma_start3A_903, %dma_start3A_917, %dma_start3A_918] : memref<4x8x128xf32, #tpu.memory_space<vmem>> -> memref<1x8x128xf32, #tpu.memory_space<vmem>>
      %dma_start3A_920 = tpu.memref_squeeze %dma_start3A_919 : memref<1x8x128xf32, #tpu.memory_space<vmem>> -> memref<8x128xf32, #tpu.memory_space<vmem>>
      tpu.enqueue_dma source(%dma_start3A_920 : memref<8x128xf32, #tpu.memory_space<vmem>>) target(%dma_start3A_916 : memref<8x128xf32, #tpu.memory_space<hbm>>) target_semaphore(%arg18 : memref<!tpu.dma_semaphore, #tpu.memory_space<semaphore_mem>>)
    } else {
    }
    %add3A_415 = arith.constant 2 : i32
    %add3A_416 = arith.addi %rem3A_17, %add3A_415 : i32
    %lt3A_417 = arith.cmpi slt, %add3A_416, %squeeze3A_405 : i32
    %and3A_418 = arith.andi %eq3A_407, %lt3A_417 : i1
    %convert_element_type3A_419 = arith.extui %and3A_418 : i1 to i32
    %cond3A_420 = arith.constant 0 : i32
    %cond3A_421 = arith.cmpi ne, %convert_element_type3A_419, %cond3A_420 : i32
    scf.if %cond3A_421 {
      %add3A_883 = arith.addi %squeeze3A_403, %add3A_416 : i32
      %dma_start3A_884 = arith.constant 1 : i32
      %dma_start3A_885 = arith.constant 2 : i32
      %dma_start3A_886 = arith.constant 0 : i32
      %dma_start3A_887 = arith.constant 0 : i32
      %dma_start3A_888 = tpu.memref_slice %arg14[%dma_start3A_884, %dma_start3A_886, %dma_start3A_887] : memref<4x8x128xf32, #tpu.memory_space<vmem>> -> memref<1x8x128xf32, #tpu.memory_space<vmem>>
      %dma_start3A_889 = tpu.memref_squeeze %dma_start3A_888 : memref<1x8x128xf32, #tpu.memory_space<vmem>> -> memref<8x128xf32, #tpu.memory_space<vmem>>
      %dma_start3A_890 = arith.constant 0 : i32
      %dma_start3A_891 = arith.constant 0 : i32
      %dma_start3A_892 = tpu.memref_slice %arg6[%dma_start3A_885, %add3A_883, %dma_start3A_890, %dma_start3A_891] : memref<8x4096x8x128xf32, #tpu.memory_space<hbm>> -> memref<1x1x8x128xf32, #tpu.memory_space<hbm>>
      %dma_start3A_893 = tpu.memref_squeeze %dma_start3A_892 : memref<1x1x8x128xf32, #tpu.memory_space<hbm>> -> memref<8x128xf32, #tpu.memory_space<hbm>>
      %dma_start3A_894 = arith.constant 0 : i32
      %dma_start3A_895 = arith.constant 0 : i32
      %dma_start3A_896 = tpu.memref_slice %arg6[%dma_start3A_885, %add3A_883, %dma_start3A_894, %dma_start3A_895] : memref<8x4096x8x128xf32, #tpu.memory_space<hbm>> -> memref<1x1x8x128xf32, #tpu.memory_space<hbm>>
      %dma_start3A_897 = tpu.memref_squeeze %dma_start3A_896 : memref<1x1x8x128xf32, #tpu.memory_space<hbm>> -> memref<8x128xf32, #tpu.memory_space<hbm>>
      %dma_start3A_898 = arith.constant 0 : i32
      %dma_start3A_899 = arith.constant 0 : i32
      %dma_start3A_900 = tpu.memref_slice %arg14[%dma_start3A_884, %dma_start3A_898, %dma_start3A_899] : memref<4x8x128xf32, #tpu.memory_space<vmem>> -> memref<1x8x128xf32, #tpu.memory_space<vmem>>
      %dma_start3A_901 = tpu.memref_squeeze %dma_start3A_900 : memref<1x8x128xf32, #tpu.memory_space<vmem>> -> memref<8x128xf32, #tpu.memory_space<vmem>>
      tpu.enqueue_dma source(%dma_start3A_901 : memref<8x128xf32, #tpu.memory_space<vmem>>) target(%dma_start3A_897 : memref<8x128xf32, #tpu.memory_space<hbm>>) target_semaphore(%arg18 : memref<!tpu.dma_semaphore, #tpu.memory_space<semaphore_mem>>)
      %add3A_902 = arith.addi %squeeze3A_403, %add3A_416 : i32
      %dma_start3A_903 = arith.constant 1 : i32
      %dma_start3A_904 = arith.constant 2 : i32
      %dma_start3A_905 = arith.constant 0 : i32
      %dma_start3A_906 = arith.constant 0 : i32
      %dma_start3A_907 = tpu.memref_slice %arg15[%dma_start3A_903, %dma_start3A_905, %dma_start3A_906] : memref<4x8x128xf32, #tpu.memory_space<vmem>> -> memref<1x8x128xf32, #tpu.memory_space<vmem>>
      %dma_start3A_908 = tpu.memref_squeeze %dma_start3A_907 : memref<1x8x128xf32, #tpu.memory_space<vmem>> -> memref<8x128xf32, #tpu.memory_space<vmem>>
      %dma_start3A_909 = arith.constant 0 : i32
      %dma_start3A_910 = arith.constant 0 : i32
      %dma_start3A_911 = tpu.memref_slice %arg7[%dma_start3A_904, %add3A_902, %dma_start3A_909, %dma_start3A_910] : memref<8x4096x8x128xf32, #tpu.memory_space<hbm>> -> memref<1x1x8x128xf32, #tpu.memory_space<hbm>>
      %dma_start3A_912 = tpu.memref_squeeze %dma_start3A_911 : memref<1x1x8x128xf32, #tpu.memory_space<hbm>> -> memref<8x128xf32, #tpu.memory_space<hbm>>
      %dma_start3A_913 = arith.constant 0 : i32
      %dma_start3A_914 = arith.constant 0 : i32
      %dma_start3A_915 = tpu.memref_slice %arg7[%dma_start3A_904, %add3A_902, %dma_start3A_913, %dma_start3A_914] : memref<8x4096x8x128xf32, #tpu.memory_space<hbm>> -> memref<1x1x8x128xf32, #tpu.memory_space<hbm>>
      %dma_start3A_916 = tpu.memref_squeeze %dma_start3A_915 : memref<1x1x8x128xf32, #tpu.memory_space<hbm>> -> memref<8x128xf32, #tpu.memory_space<hbm>>
      %dma_start3A_917 = arith.constant 0 : i32
      %dma_start3A_918 = arith.constant 0 : i32
      %dma_start3A_919 = tpu.memref_slice %arg15[%dma_start3A_903, %dma_start3A_917, %dma_start3A_918] : memref<4x8x128xf32, #tpu.memory_space<vmem>> -> memref<1x8x128xf32, #tpu.memory_space<vmem>>
      %dma_start3A_920 = tpu.memref_squeeze %dma_start3A_919 : memref<1x8x128xf32, #tpu.memory_space<vmem>> -> memref<8x128xf32, #tpu.memory_space<vmem>>
      tpu.enqueue_dma source(%dma_start3A_920 : memref<8x128xf32, #tpu.memory_space<vmem>>) target(%dma_start3A_916 : memref<8x128xf32, #tpu.memory_space<hbm>>) target_semaphore(%arg18 : memref<!tpu.dma_semaphore, #tpu.memory_space<semaphore_mem>>)
    } else {
    }
    %add3A_422 = arith.constant 4 : i32
    %add3A_423 = arith.addi %rem3A_17, %add3A_422 : i32
    %lt3A_424 = arith.cmpi slt, %add3A_423, %squeeze3A_405 : i32
    %and3A_425 = arith.andi %eq3A_407, %lt3A_424 : i1
    %convert_element_type3A_426 = arith.extui %and3A_425 : i1 to i32
    %cond3A_427 = arith.constant 0 : i32
    %cond3A_428 = arith.cmpi ne, %convert_element_type3A_426, %cond3A_427 : i32
    scf.if %cond3A_428 {
      %add3A_883 = arith.addi %squeeze3A_403, %add3A_423 : i32
      %dma_start3A_884 = arith.constant 2 : i32
      %dma_start3A_885 = arith.constant 2 : i32
      %dma_start3A_886 = arith.constant 0 : i32
      %dma_start3A_887 = arith.constant 0 : i32
      %dma_start3A_888 = tpu.memref_slice %arg14[%dma_start3A_884, %dma_start3A_886, %dma_start3A_887] : memref<4x8x128xf32, #tpu.memory_space<vmem>> -> memref<1x8x128xf32, #tpu.memory_space<vmem>>
      %dma_start3A_889 = tpu.memref_squeeze %dma_start3A_888 : memref<1x8x128xf32, #tpu.memory_space<vmem>> -> memref<8x128xf32, #tpu.memory_space<vmem>>
      %dma_start3A_890 = arith.constant 0 : i32
      %dma_start3A_891 = arith.constant 0 : i32
      %dma_start3A_892 = tpu.memref_slice %arg6[%dma_start3A_885, %add3A_883, %dma_start3A_890, %dma_start3A_891] : memref<8x4096x8x128xf32, #tpu.memory_space<hbm>> -> memref<1x1x8x128xf32, #tpu.memory_space<hbm>>
      %dma_start3A_893 = tpu.memref_squeeze %dma_start3A_892 : memref<1x1x8x128xf32, #tpu.memory_space<hbm>> -> memref<8x128xf32, #tpu.memory_space<hbm>>
      %dma_start3A_894 = arith.constant 0 : i32
      %dma_start3A_895 = arith.constant 0 : i32
      %dma_start3A_896 = tpu.memref_slice %arg6[%dma_start3A_885, %add3A_883, %dma_start3A_894, %dma_start3A_895] : memref<8x4096x8x128xf32, #tpu.memory_space<hbm>> -> memref<1x1x8x128xf32, #tpu.memory_space<hbm>>
      %dma_start3A_897 = tpu.memref_squeeze %dma_start3A_896 : memref<1x1x8x128xf32, #tpu.memory_space<hbm>> -> memref<8x128xf32, #tpu.memory_space<hbm>>
      %dma_start3A_898 = arith.constant 0 : i32
      %dma_start3A_899 = arith.constant 0 : i32
      %dma_start3A_900 = tpu.memref_slice %arg14[%dma_start3A_884, %dma_start3A_898, %dma_start3A_899] : memref<4x8x128xf32, #tpu.memory_space<vmem>> -> memref<1x8x128xf32, #tpu.memory_space<vmem>>
      %dma_start3A_901 = tpu.memref_squeeze %dma_start3A_900 : memref<1x8x128xf32, #tpu.memory_space<vmem>> -> memref<8x128xf32, #tpu.memory_space<vmem>>
      tpu.enqueue_dma source(%dma_start3A_901 : memref<8x128xf32, #tpu.memory_space<vmem>>) target(%dma_start3A_897 : memref<8x128xf32, #tpu.memory_space<hbm>>) target_semaphore(%arg18 : memref<!tpu.dma_semaphore, #tpu.memory_space<semaphore_mem>>)
      %add3A_902 = arith.addi %squeeze3A_403, %add3A_423 : i32
      %dma_start3A_903 = arith.constant 2 : i32
      %dma_start3A_904 = arith.constant 2 : i32
      %dma_start3A_905 = arith.constant 0 : i32
      %dma_start3A_906 = arith.constant 0 : i32
      %dma_start3A_907 = tpu.memref_slice %arg15[%dma_start3A_903, %dma_start3A_905, %dma_start3A_906] : memref<4x8x128xf32, #tpu.memory_space<vmem>> -> memref<1x8x128xf32, #tpu.memory_space<vmem>>
      %dma_start3A_908 = tpu.memref_squeeze %dma_start3A_907 : memref<1x8x128xf32, #tpu.memory_space<vmem>> -> memref<8x128xf32, #tpu.memory_space<vmem>>
      %dma_start3A_909 = arith.constant 0 : i32
      %dma_start3A_910 = arith.constant 0 : i32
      %dma_start3A_911 = tpu.memref_slice %arg7[%dma_start3A_904, %add3A_902, %dma_start3A_909, %dma_start3A_910] : memref<8x4096x8x128xf32, #tpu.memory_space<hbm>> -> memref<1x1x8x128xf32, #tpu.memory_space<hbm>>
      %dma_start3A_912 = tpu.memref_squeeze %dma_start3A_911 : memref<1x1x8x128xf32, #tpu.memory_space<hbm>> -> memref<8x128xf32, #tpu.memory_space<hbm>>
      %dma_start3A_913 = arith.constant 0 : i32
      %dma_start3A_914 = arith.constant 0 : i32
      %dma_start3A_915 = tpu.memref_slice %arg7[%dma_start3A_904, %add3A_902, %dma_start3A_913, %dma_start3A_914] : memref<8x4096x8x128xf32, #tpu.memory_space<hbm>> -> memref<1x1x8x128xf32, #tpu.memory_space<hbm>>
      %dma_start3A_916 = tpu.memref_squeeze %dma_start3A_915 : memref<1x1x8x128xf32, #tpu.memory_space<hbm>> -> memref<8x128xf32, #tpu.memory_space<hbm>>
      %dma_start3A_917 = arith.constant 0 : i32
      %dma_start3A_918 = arith.constant 0 : i32
      %dma_start3A_919 = tpu.memref_slice %arg15[%dma_start3A_903, %dma_start3A_917, %dma_start3A_918] : memref<4x8x128xf32, #tpu.memory_space<vmem>> -> memref<1x8x128xf32, #tpu.memory_space<vmem>>
      %dma_start3A_920 = tpu.memref_squeeze %dma_start3A_919 : memref<1x8x128xf32, #tpu.memory_space<vmem>> -> memref<8x128xf32, #tpu.memory_space<vmem>>
      tpu.enqueue_dma source(%dma_start3A_920 : memref<8x128xf32, #tpu.memory_space<vmem>>) target(%dma_start3A_916 : memref<8x128xf32, #tpu.memory_space<hbm>>) target_semaphore(%arg18 : memref<!tpu.dma_semaphore, #tpu.memory_space<semaphore_mem>>)
    } else {
    }
    %add3A_429 = arith.constant 6 : i32
    %add3A_430 = arith.addi %rem3A_17, %add3A_429 : i32
    %lt3A_431 = arith.cmpi slt, %add3A_430, %squeeze3A_405 : i32
    %and3A_432 = arith.andi %eq3A_407, %lt3A_431 : i1
    %convert_element_type3A_433 = arith.extui %and3A_432 : i1 to i32
    %cond3A_434 = arith.constant 0 : i32
    %cond3A_435 = arith.cmpi ne, %convert_element_type3A_433, %cond3A_434 : i32
    scf.if %cond3A_435 {
      %add3A_883 = arith.addi %squeeze3A_403, %add3A_430 : i32
      %dma_start3A_884 = arith.constant 3 : i32
      %dma_start3A_885 = arith.constant 2 : i32
      %dma_start3A_886 = arith.constant 0 : i32
      %dma_start3A_887 = arith.constant 0 : i32
      %dma_start3A_888 = tpu.memref_slice %arg14[%dma_start3A_884, %dma_start3A_886, %dma_start3A_887] : memref<4x8x128xf32, #tpu.memory_space<vmem>> -> memref<1x8x128xf32, #tpu.memory_space<vmem>>
      %dma_start3A_889 = tpu.memref_squeeze %dma_start3A_888 : memref<1x8x128xf32, #tpu.memory_space<vmem>> -> memref<8x128xf32, #tpu.memory_space<vmem>>
      %dma_start3A_890 = arith.constant 0 : i32
      %dma_start3A_891 = arith.constant 0 : i32
      %dma_start3A_892 = tpu.memref_slice %arg6[%dma_start3A_885, %add3A_883, %dma_start3A_890, %dma_start3A_891] : memref<8x4096x8x128xf32, #tpu.memory_space<hbm>> -> memref<1x1x8x128xf32, #tpu.memory_space<hbm>>
      %dma_start3A_893 = tpu.memref_squeeze %dma_start3A_892 : memref<1x1x8x128xf32, #tpu.memory_space<hbm>> -> memref<8x128xf32, #tpu.memory_space<hbm>>
      %dma_start3A_894 = arith.constant 0 : i32
      %dma_start3A_895 = arith.constant 0 : i32
      %dma_start3A_896 = tpu.memref_slice %arg6[%dma_start3A_885, %add3A_883, %dma_start3A_894, %dma_start3A_895] : memref<8x4096x8x128xf32, #tpu.memory_space<hbm>> -> memref<1x1x8x128xf32, #tpu.memory_space<hbm>>
      %dma_start3A_897 = tpu.memref_squeeze %dma_start3A_896 : memref<1x1x8x128xf32, #tpu.memory_space<hbm>> -> memref<8x128xf32, #tpu.memory_space<hbm>>
      %dma_start3A_898 = arith.constant 0 : i32
      %dma_start3A_899 = arith.constant 0 : i32
      %dma_start3A_900 = tpu.memref_slice %arg14[%dma_start3A_884, %dma_start3A_898, %dma_start3A_899] : memref<4x8x128xf32, #tpu.memory_space<vmem>> -> memref<1x8x128xf32, #tpu.memory_space<vmem>>
      %dma_start3A_901 = tpu.memref_squeeze %dma_start3A_900 : memref<1x8x128xf32, #tpu.memory_space<vmem>> -> memref<8x128xf32, #tpu.memory_space<vmem>>
      tpu.enqueue_dma source(%dma_start3A_901 : memref<8x128xf32, #tpu.memory_space<vmem>>) target(%dma_start3A_897 : memref<8x128xf32, #tpu.memory_space<hbm>>) target_semaphore(%arg18 : memref<!tpu.dma_semaphore, #tpu.memory_space<semaphore_mem>>)
      %add3A_902 = arith.addi %squeeze3A_403, %add3A_430 : i32
      %dma_start3A_903 = arith.constant 3 : i32
      %dma_start3A_904 = arith.constant 2 : i32
      %dma_start3A_905 = arith.constant 0 : i32
      %dma_start3A_906 = arith.constant 0 : i32
      %dma_start3A_907 = tpu.memref_slice %arg15[%dma_start3A_903, %dma_start3A_905, %dma_start3A_906] : memref<4x8x128xf32, #tpu.memory_space<vmem>> -> memref<1x8x128xf32, #tpu.memory_space<vmem>>
      %dma_start3A_908 = tpu.memref_squeeze %dma_start3A_907 : memref<1x8x128xf32, #tpu.memory_space<vmem>> -> memref<8x128xf32, #tpu.memory_space<vmem>>
      %dma_start3A_909 = arith.constant 0 : i32
      %dma_start3A_910 = arith.constant 0 : i32
      %dma_start3A_911 = tpu.memref_slice %arg7[%dma_start3A_904, %add3A_902, %dma_start3A_909, %dma_start3A_910] : memref<8x4096x8x128xf32, #tpu.memory_space<hbm>> -> memref<1x1x8x128xf32, #tpu.memory_space<hbm>>
      %dma_start3A_912 = tpu.memref_squeeze %dma_start3A_911 : memref<1x1x8x128xf32, #tpu.memory_space<hbm>> -> memref<8x128xf32, #tpu.memory_space<hbm>>
      %dma_start3A_913 = arith.constant 0 : i32
      %dma_start3A_914 = arith.constant 0 : i32
      %dma_start3A_915 = tpu.memref_slice %arg7[%dma_start3A_904, %add3A_902, %dma_start3A_913, %dma_start3A_914] : memref<8x4096x8x128xf32, #tpu.memory_space<hbm>> -> memref<1x1x8x128xf32, #tpu.memory_space<hbm>>
      %dma_start3A_916 = tpu.memref_squeeze %dma_start3A_915 : memref<1x1x8x128xf32, #tpu.memory_space<hbm>> -> memref<8x128xf32, #tpu.memory_space<hbm>>
      %dma_start3A_917 = arith.constant 0 : i32
      %dma_start3A_918 = arith.constant 0 : i32
      %dma_start3A_919 = tpu.memref_slice %arg15[%dma_start3A_903, %dma_start3A_917, %dma_start3A_918] : memref<4x8x128xf32, #tpu.memory_space<vmem>> -> memref<1x8x128xf32, #tpu.memory_space<vmem>>
      %dma_start3A_920 = tpu.memref_squeeze %dma_start3A_919 : memref<1x8x128xf32, #tpu.memory_space<vmem>> -> memref<8x128xf32, #tpu.memory_space<vmem>>
      tpu.enqueue_dma source(%dma_start3A_920 : memref<8x128xf32, #tpu.memory_space<vmem>>) target(%dma_start3A_916 : memref<8x128xf32, #tpu.memory_space<hbm>>) target_semaphore(%arg18 : memref<!tpu.dma_semaphore, #tpu.memory_space<semaphore_mem>>)
    } else {
    }
    %slice3A_436 = vector.extract_strided_slice %get3A_184 {offsets = [3], sizes = [1], strides = [1]} : vector<16xi32> to vector<1xi32>
    %squeeze3A_437 = vector.extract %slice3A_436[0] : i32 from vector<1xi32>
    %slice3A_438 = vector.extract_strided_slice %get3A_187 {offsets = [3], sizes = [1], strides = [1]} : vector<16xi32> to vector<1xi32>
    %squeeze3A_439 = vector.extract %slice3A_438[0] : i32 from vector<1xi32>
    %eq3A_440 = arith.constant 3 : i32
    %eq3A_441 = arith.cmpi eq, %select_n3A, %eq3A_440 : i32
    %add3A_442 = arith.constant 0 : i32
    %add3A_443 = arith.addi %rem3A_17, %add3A_442 : i32
    %lt3A_444 = arith.cmpi slt, %add3A_443, %squeeze3A_439 : i32
    %and3A_445 = arith.andi %eq3A_441, %lt3A_444 : i1
    %convert_element_type3A_446 = arith.extui %and3A_445 : i1 to i32
    %cond3A_447 = arith.constant 0 : i32
    %cond3A_448 = arith.cmpi ne, %convert_element_type3A_446, %cond3A_447 : i32
    scf.if %cond3A_448 {
      %add3A_883 = arith.addi %squeeze3A_437, %add3A_443 : i32
      %dma_start3A_884 = arith.constant 0 : i32
      %dma_start3A_885 = arith.constant 3 : i32
      %dma_start3A_886 = arith.constant 0 : i32
      %dma_start3A_887 = arith.constant 0 : i32
      %dma_start3A_888 = tpu.memref_slice %arg14[%dma_start3A_884, %dma_start3A_886, %dma_start3A_887] : memref<4x8x128xf32, #tpu.memory_space<vmem>> -> memref<1x8x128xf32, #tpu.memory_space<vmem>>
      %dma_start3A_889 = tpu.memref_squeeze %dma_start3A_888 : memref<1x8x128xf32, #tpu.memory_space<vmem>> -> memref<8x128xf32, #tpu.memory_space<vmem>>
      %dma_start3A_890 = arith.constant 0 : i32
      %dma_start3A_891 = arith.constant 0 : i32
      %dma_start3A_892 = tpu.memref_slice %arg6[%dma_start3A_885, %add3A_883, %dma_start3A_890, %dma_start3A_891] : memref<8x4096x8x128xf32, #tpu.memory_space<hbm>> -> memref<1x1x8x128xf32, #tpu.memory_space<hbm>>
      %dma_start3A_893 = tpu.memref_squeeze %dma_start3A_892 : memref<1x1x8x128xf32, #tpu.memory_space<hbm>> -> memref<8x128xf32, #tpu.memory_space<hbm>>
      %dma_start3A_894 = arith.constant 0 : i32
      %dma_start3A_895 = arith.constant 0 : i32
      %dma_start3A_896 = tpu.memref_slice %arg6[%dma_start3A_885, %add3A_883, %dma_start3A_894, %dma_start3A_895] : memref<8x4096x8x128xf32, #tpu.memory_space<hbm>> -> memref<1x1x8x128xf32, #tpu.memory_space<hbm>>
      %dma_start3A_897 = tpu.memref_squeeze %dma_start3A_896 : memref<1x1x8x128xf32, #tpu.memory_space<hbm>> -> memref<8x128xf32, #tpu.memory_space<hbm>>
      %dma_start3A_898 = arith.constant 0 : i32
      %dma_start3A_899 = arith.constant 0 : i32
      %dma_start3A_900 = tpu.memref_slice %arg14[%dma_start3A_884, %dma_start3A_898, %dma_start3A_899] : memref<4x8x128xf32, #tpu.memory_space<vmem>> -> memref<1x8x128xf32, #tpu.memory_space<vmem>>
      %dma_start3A_901 = tpu.memref_squeeze %dma_start3A_900 : memref<1x8x128xf32, #tpu.memory_space<vmem>> -> memref<8x128xf32, #tpu.memory_space<vmem>>
      tpu.enqueue_dma source(%dma_start3A_901 : memref<8x128xf32, #tpu.memory_space<vmem>>) target(%dma_start3A_897 : memref<8x128xf32, #tpu.memory_space<hbm>>) target_semaphore(%arg18 : memref<!tpu.dma_semaphore, #tpu.memory_space<semaphore_mem>>)
      %add3A_902 = arith.addi %squeeze3A_437, %add3A_443 : i32
      %dma_start3A_903 = arith.constant 0 : i32
      %dma_start3A_904 = arith.constant 3 : i32
      %dma_start3A_905 = arith.constant 0 : i32
      %dma_start3A_906 = arith.constant 0 : i32
      %dma_start3A_907 = tpu.memref_slice %arg15[%dma_start3A_903, %dma_start3A_905, %dma_start3A_906] : memref<4x8x128xf32, #tpu.memory_space<vmem>> -> memref<1x8x128xf32, #tpu.memory_space<vmem>>
      %dma_start3A_908 = tpu.memref_squeeze %dma_start3A_907 : memref<1x8x128xf32, #tpu.memory_space<vmem>> -> memref<8x128xf32, #tpu.memory_space<vmem>>
      %dma_start3A_909 = arith.constant 0 : i32
      %dma_start3A_910 = arith.constant 0 : i32
      %dma_start3A_911 = tpu.memref_slice %arg7[%dma_start3A_904, %add3A_902, %dma_start3A_909, %dma_start3A_910] : memref<8x4096x8x128xf32, #tpu.memory_space<hbm>> -> memref<1x1x8x128xf32, #tpu.memory_space<hbm>>
      %dma_start3A_912 = tpu.memref_squeeze %dma_start3A_911 : memref<1x1x8x128xf32, #tpu.memory_space<hbm>> -> memref<8x128xf32, #tpu.memory_space<hbm>>
      %dma_start3A_913 = arith.constant 0 : i32
      %dma_start3A_914 = arith.constant 0 : i32
      %dma_start3A_915 = tpu.memref_slice %arg7[%dma_start3A_904, %add3A_902, %dma_start3A_913, %dma_start3A_914] : memref<8x4096x8x128xf32, #tpu.memory_space<hbm>> -> memref<1x1x8x128xf32, #tpu.memory_space<hbm>>
      %dma_start3A_916 = tpu.memref_squeeze %dma_start3A_915 : memref<1x1x8x128xf32, #tpu.memory_space<hbm>> -> memref<8x128xf32, #tpu.memory_space<hbm>>
      %dma_start3A_917 = arith.constant 0 : i32
      %dma_start3A_918 = arith.constant 0 : i32
      %dma_start3A_919 = tpu.memref_slice %arg15[%dma_start3A_903, %dma_start3A_917, %dma_start3A_918] : memref<4x8x128xf32, #tpu.memory_space<vmem>> -> memref<1x8x128xf32, #tpu.memory_space<vmem>>
      %dma_start3A_920 = tpu.memref_squeeze %dma_start3A_919 : memref<1x8x128xf32, #tpu.memory_space<vmem>> -> memref<8x128xf32, #tpu.memory_space<vmem>>
      tpu.enqueue_dma source(%dma_start3A_920 : memref<8x128xf32, #tpu.memory_space<vmem>>) target(%dma_start3A_916 : memref<8x128xf32, #tpu.memory_space<hbm>>) target_semaphore(%arg18 : memref<!tpu.dma_semaphore, #tpu.memory_space<semaphore_mem>>)
    } else {
    }
    %add3A_449 = arith.constant 2 : i32
    %add3A_450 = arith.addi %rem3A_17, %add3A_449 : i32
    %lt3A_451 = arith.cmpi slt, %add3A_450, %squeeze3A_439 : i32
    %and3A_452 = arith.andi %eq3A_441, %lt3A_451 : i1
    %convert_element_type3A_453 = arith.extui %and3A_452 : i1 to i32
    %cond3A_454 = arith.constant 0 : i32
    %cond3A_455 = arith.cmpi ne, %convert_element_type3A_453, %cond3A_454 : i32
    scf.if %cond3A_455 {
      %add3A_883 = arith.addi %squeeze3A_437, %add3A_450 : i32
      %dma_start3A_884 = arith.constant 1 : i32
      %dma_start3A_885 = arith.constant 3 : i32
      %dma_start3A_886 = arith.constant 0 : i32
      %dma_start3A_887 = arith.constant 0 : i32
      %dma_start3A_888 = tpu.memref_slice %arg14[%dma_start3A_884, %dma_start3A_886, %dma_start3A_887] : memref<4x8x128xf32, #tpu.memory_space<vmem>> -> memref<1x8x128xf32, #tpu.memory_space<vmem>>
      %dma_start3A_889 = tpu.memref_squeeze %dma_start3A_888 : memref<1x8x128xf32, #tpu.memory_space<vmem>> -> memref<8x128xf32, #tpu.memory_space<vmem>>
      %dma_start3A_890 = arith.constant 0 : i32
      %dma_start3A_891 = arith.constant 0 : i32
      %dma_start3A_892 = tpu.memref_slice %arg6[%dma_start3A_885, %add3A_883, %dma_start3A_890, %dma_start3A_891] : memref<8x4096x8x128xf32, #tpu.memory_space<hbm>> -> memref<1x1x8x128xf32, #tpu.memory_space<hbm>>
      %dma_start3A_893 = tpu.memref_squeeze %dma_start3A_892 : memref<1x1x8x128xf32, #tpu.memory_space<hbm>> -> memref<8x128xf32, #tpu.memory_space<hbm>>
      %dma_start3A_894 = arith.constant 0 : i32
      %dma_start3A_895 = arith.constant 0 : i32
      %dma_start3A_896 = tpu.memref_slice %arg6[%dma_start3A_885, %add3A_883, %dma_start3A_894, %dma_start3A_895] : memref<8x4096x8x128xf32, #tpu.memory_space<hbm>> -> memref<1x1x8x128xf32, #tpu.memory_space<hbm>>
      %dma_start3A_897 = tpu.memref_squeeze %dma_start3A_896 : memref<1x1x8x128xf32, #tpu.memory_space<hbm>> -> memref<8x128xf32, #tpu.memory_space<hbm>>
      %dma_start3A_898 = arith.constant 0 : i32
      %dma_start3A_899 = arith.constant 0 : i32
      %dma_start3A_900 = tpu.memref_slice %arg14[%dma_start3A_884, %dma_start3A_898, %dma_start3A_899] : memref<4x8x128xf32, #tpu.memory_space<vmem>> -> memref<1x8x128xf32, #tpu.memory_space<vmem>>
      %dma_start3A_901 = tpu.memref_squeeze %dma_start3A_900 : memref<1x8x128xf32, #tpu.memory_space<vmem>> -> memref<8x128xf32, #tpu.memory_space<vmem>>
      tpu.enqueue_dma source(%dma_start3A_901 : memref<8x128xf32, #tpu.memory_space<vmem>>) target(%dma_start3A_897 : memref<8x128xf32, #tpu.memory_space<hbm>>) target_semaphore(%arg18 : memref<!tpu.dma_semaphore, #tpu.memory_space<semaphore_mem>>)
      %add3A_902 = arith.addi %squeeze3A_437, %add3A_450 : i32
      %dma_start3A_903 = arith.constant 1 : i32
      %dma_start3A_904 = arith.constant 3 : i32
      %dma_start3A_905 = arith.constant 0 : i32
      %dma_start3A_906 = arith.constant 0 : i32
      %dma_start3A_907 = tpu.memref_slice %arg15[%dma_start3A_903, %dma_start3A_905, %dma_start3A_906] : memref<4x8x128xf32, #tpu.memory_space<vmem>> -> memref<1x8x128xf32, #tpu.memory_space<vmem>>
      %dma_start3A_908 = tpu.memref_squeeze %dma_start3A_907 : memref<1x8x128xf32, #tpu.memory_space<vmem>> -> memref<8x128xf32, #tpu.memory_space<vmem>>
      %dma_start3A_909 = arith.constant 0 : i32
      %dma_start3A_910 = arith.constant 0 : i32
      %dma_start3A_911 = tpu.memref_slice %arg7[%dma_start3A_904, %add3A_902, %dma_start3A_909, %dma_start3A_910] : memref<8x4096x8x128xf32, #tpu.memory_space<hbm>> -> memref<1x1x8x128xf32, #tpu.memory_space<hbm>>
      %dma_start3A_912 = tpu.memref_squeeze %dma_start3A_911 : memref<1x1x8x128xf32, #tpu.memory_space<hbm>> -> memref<8x128xf32, #tpu.memory_space<hbm>>
      %dma_start3A_913 = arith.constant 0 : i32
      %dma_start3A_914 = arith.constant 0 : i32
      %dma_start3A_915 = tpu.memref_slice %arg7[%dma_start3A_904, %add3A_902, %dma_start3A_913, %dma_start3A_914] : memref<8x4096x8x128xf32, #tpu.memory_space<hbm>> -> memref<1x1x8x128xf32, #tpu.memory_space<hbm>>
      %dma_start3A_916 = tpu.memref_squeeze %dma_start3A_915 : memref<1x1x8x128xf32, #tpu.memory_space<hbm>> -> memref<8x128xf32, #tpu.memory_space<hbm>>
      %dma_start3A_917 = arith.constant 0 : i32
      %dma_start3A_918 = arith.constant 0 : i32
      %dma_start3A_919 = tpu.memref_slice %arg15[%dma_start3A_903, %dma_start3A_917, %dma_start3A_918] : memref<4x8x128xf32, #tpu.memory_space<vmem>> -> memref<1x8x128xf32, #tpu.memory_space<vmem>>
      %dma_start3A_920 = tpu.memref_squeeze %dma_start3A_919 : memref<1x8x128xf32, #tpu.memory_space<vmem>> -> memref<8x128xf32, #tpu.memory_space<vmem>>
      tpu.enqueue_dma source(%dma_start3A_920 : memref<8x128xf32, #tpu.memory_space<vmem>>) target(%dma_start3A_916 : memref<8x128xf32, #tpu.memory_space<hbm>>) target_semaphore(%arg18 : memref<!tpu.dma_semaphore, #tpu.memory_space<semaphore_mem>>)
    } else {
    }
    %add3A_456 = arith.constant 4 : i32
    %add3A_457 = arith.addi %rem3A_17, %add3A_456 : i32
    %lt3A_458 = arith.cmpi slt, %add3A_457, %squeeze3A_439 : i32
    %and3A_459 = arith.andi %eq3A_441, %lt3A_458 : i1
    %convert_element_type3A_460 = arith.extui %and3A_459 : i1 to i32
    %cond3A_461 = arith.constant 0 : i32
    %cond3A_462 = arith.cmpi ne, %convert_element_type3A_460, %cond3A_461 : i32
    scf.if %cond3A_462 {
      %add3A_883 = arith.addi %squeeze3A_437, %add3A_457 : i32
      %dma_start3A_884 = arith.constant 2 : i32
      %dma_start3A_885 = arith.constant 3 : i32
      %dma_start3A_886 = arith.constant 0 : i32
      %dma_start3A_887 = arith.constant 0 : i32
      %dma_start3A_888 = tpu.memref_slice %arg14[%dma_start3A_884, %dma_start3A_886, %dma_start3A_887] : memref<4x8x128xf32, #tpu.memory_space<vmem>> -> memref<1x8x128xf32, #tpu.memory_space<vmem>>
      %dma_start3A_889 = tpu.memref_squeeze %dma_start3A_888 : memref<1x8x128xf32, #tpu.memory_space<vmem>> -> memref<8x128xf32, #tpu.memory_space<vmem>>
      %dma_start3A_890 = arith.constant 0 : i32
      %dma_start3A_891 = arith.constant 0 : i32
      %dma_start3A_892 = tpu.memref_slice %arg6[%dma_start3A_885, %add3A_883, %dma_start3A_890, %dma_start3A_891] : memref<8x4096x8x128xf32, #tpu.memory_space<hbm>> -> memref<1x1x8x128xf32, #tpu.memory_space<hbm>>
      %dma_start3A_893 = tpu.memref_squeeze %dma_start3A_892 : memref<1x1x8x128xf32, #tpu.memory_space<hbm>> -> memref<8x128xf32, #tpu.memory_space<hbm>>
      %dma_start3A_894 = arith.constant 0 : i32
      %dma_start3A_895 = arith.constant 0 : i32
      %dma_start3A_896 = tpu.memref_slice %arg6[%dma_start3A_885, %add3A_883, %dma_start3A_894, %dma_start3A_895] : memref<8x4096x8x128xf32, #tpu.memory_space<hbm>> -> memref<1x1x8x128xf32, #tpu.memory_space<hbm>>
      %dma_start3A_897 = tpu.memref_squeeze %dma_start3A_896 : memref<1x1x8x128xf32, #tpu.memory_space<hbm>> -> memref<8x128xf32, #tpu.memory_space<hbm>>
      %dma_start3A_898 = arith.constant 0 : i32
      %dma_start3A_899 = arith.constant 0 : i32
      %dma_start3A_900 = tpu.memref_slice %arg14[%dma_start3A_884, %dma_start3A_898, %dma_start3A_899] : memref<4x8x128xf32, #tpu.memory_space<vmem>> -> memref<1x8x128xf32, #tpu.memory_space<vmem>>
      %dma_start3A_901 = tpu.memref_squeeze %dma_start3A_900 : memref<1x8x128xf32, #tpu.memory_space<vmem>> -> memref<8x128xf32, #tpu.memory_space<vmem>>
      tpu.enqueue_dma source(%dma_start3A_901 : memref<8x128xf32, #tpu.memory_space<vmem>>) target(%dma_start3A_897 : memref<8x128xf32, #tpu.memory_space<hbm>>) target_semaphore(%arg18 : memref<!tpu.dma_semaphore, #tpu.memory_space<semaphore_mem>>)
      %add3A_902 = arith.addi %squeeze3A_437, %add3A_457 : i32
      %dma_start3A_903 = arith.constant 2 : i32
      %dma_start3A_904 = arith.constant 3 : i32
      %dma_start3A_905 = arith.constant 0 : i32
      %dma_start3A_906 = arith.constant 0 : i32
      %dma_start3A_907 = tpu.memref_slice %arg15[%dma_start3A_903, %dma_start3A_905, %dma_start3A_906] : memref<4x8x128xf32, #tpu.memory_space<vmem>> -> memref<1x8x128xf32, #tpu.memory_space<vmem>>
      %dma_start3A_908 = tpu.memref_squeeze %dma_start3A_907 : memref<1x8x128xf32, #tpu.memory_space<vmem>> -> memref<8x128xf32, #tpu.memory_space<vmem>>
      %dma_start3A_909 = arith.constant 0 : i32
      %dma_start3A_910 = arith.constant 0 : i32
      %dma_start3A_911 = tpu.memref_slice %arg7[%dma_start3A_904, %add3A_902, %dma_start3A_909, %dma_start3A_910] : memref<8x4096x8x128xf32, #tpu.memory_space<hbm>> -> memref<1x1x8x128xf32, #tpu.memory_space<hbm>>
      %dma_start3A_912 = tpu.memref_squeeze %dma_start3A_911 : memref<1x1x8x128xf32, #tpu.memory_space<hbm>> -> memref<8x128xf32, #tpu.memory_space<hbm>>
      %dma_start3A_913 = arith.constant 0 : i32
      %dma_start3A_914 = arith.constant 0 : i32
      %dma_start3A_915 = tpu.memref_slice %arg7[%dma_start3A_904, %add3A_902, %dma_start3A_913, %dma_start3A_914] : memref<8x4096x8x128xf32, #tpu.memory_space<hbm>> -> memref<1x1x8x128xf32, #tpu.memory_space<hbm>>
      %dma_start3A_916 = tpu.memref_squeeze %dma_start3A_915 : memref<1x1x8x128xf32, #tpu.memory_space<hbm>> -> memref<8x128xf32, #tpu.memory_space<hbm>>
      %dma_start3A_917 = arith.constant 0 : i32
      %dma_start3A_918 = arith.constant 0 : i32
      %dma_start3A_919 = tpu.memref_slice %arg15[%dma_start3A_903, %dma_start3A_917, %dma_start3A_918] : memref<4x8x128xf32, #tpu.memory_space<vmem>> -> memref<1x8x128xf32, #tpu.memory_space<vmem>>
      %dma_start3A_920 = tpu.memref_squeeze %dma_start3A_919 : memref<1x8x128xf32, #tpu.memory_space<vmem>> -> memref<8x128xf32, #tpu.memory_space<vmem>>
      tpu.enqueue_dma source(%dma_start3A_920 : memref<8x128xf32, #tpu.memory_space<vmem>>) target(%dma_start3A_916 : memref<8x128xf32, #tpu.memory_space<hbm>>) target_semaphore(%arg18 : memref<!tpu.dma_semaphore, #tpu.memory_space<semaphore_mem>>)
    } else {
    }
    %add3A_463 = arith.constant 6 : i32
    %add3A_464 = arith.addi %rem3A_17, %add3A_463 : i32
    %lt3A_465 = arith.cmpi slt, %add3A_464, %squeeze3A_439 : i32
    %and3A_466 = arith.andi %eq3A_441, %lt3A_465 : i1
    %convert_element_type3A_467 = arith.extui %and3A_466 : i1 to i32
    %cond3A_468 = arith.constant 0 : i32
    %cond3A_469 = arith.cmpi ne, %convert_element_type3A_467, %cond3A_468 : i32
    scf.if %cond3A_469 {
      %add3A_883 = arith.addi %squeeze3A_437, %add3A_464 : i32
      %dma_start3A_884 = arith.constant 3 : i32
      %dma_start3A_885 = arith.constant 3 : i32
      %dma_start3A_886 = arith.constant 0 : i32
      %dma_start3A_887 = arith.constant 0 : i32
      %dma_start3A_888 = tpu.memref_slice %arg14[%dma_start3A_884, %dma_start3A_886, %dma_start3A_887] : memref<4x8x128xf32, #tpu.memory_space<vmem>> -> memref<1x8x128xf32, #tpu.memory_space<vmem>>
      %dma_start3A_889 = tpu.memref_squeeze %dma_start3A_888 : memref<1x8x128xf32, #tpu.memory_space<vmem>> -> memref<8x128xf32, #tpu.memory_space<vmem>>
      %dma_start3A_890 = arith.constant 0 : i32
      %dma_start3A_891 = arith.constant 0 : i32
      %dma_start3A_892 = tpu.memref_slice %arg6[%dma_start3A_885, %add3A_883, %dma_start3A_890, %dma_start3A_891] : memref<8x4096x8x128xf32, #tpu.memory_space<hbm>> -> memref<1x1x8x128xf32, #tpu.memory_space<hbm>>
      %dma_start3A_893 = tpu.memref_squeeze %dma_start3A_892 : memref<1x1x8x128xf32, #tpu.memory_space<hbm>> -> memref<8x128xf32, #tpu.memory_space<hbm>>
      %dma_start3A_894 = arith.constant 0 : i32
      %dma_start3A_895 = arith.constant 0 : i32
      %dma_start3A_896 = tpu.memref_slice %arg6[%dma_start3A_885, %add3A_883, %dma_start3A_894, %dma_start3A_895] : memref<8x4096x8x128xf32, #tpu.memory_space<hbm>> -> memref<1x1x8x128xf32, #tpu.memory_space<hbm>>
      %dma_start3A_897 = tpu.memref_squeeze %dma_start3A_896 : memref<1x1x8x128xf32, #tpu.memory_space<hbm>> -> memref<8x128xf32, #tpu.memory_space<hbm>>
      %dma_start3A_898 = arith.constant 0 : i32
      %dma_start3A_899 = arith.constant 0 : i32
      %dma_start3A_900 = tpu.memref_slice %arg14[%dma_start3A_884, %dma_start3A_898, %dma_start3A_899] : memref<4x8x128xf32, #tpu.memory_space<vmem>> -> memref<1x8x128xf32, #tpu.memory_space<vmem>>
      %dma_start3A_901 = tpu.memref_squeeze %dma_start3A_900 : memref<1x8x128xf32, #tpu.memory_space<vmem>> -> memref<8x128xf32, #tpu.memory_space<vmem>>
      tpu.enqueue_dma source(%dma_start3A_901 : memref<8x128xf32, #tpu.memory_space<vmem>>) target(%dma_start3A_897 : memref<8x128xf32, #tpu.memory_space<hbm>>) target_semaphore(%arg18 : memref<!tpu.dma_semaphore, #tpu.memory_space<semaphore_mem>>)
      %add3A_902 = arith.addi %squeeze3A_437, %add3A_464 : i32
      %dma_start3A_903 = arith.constant 3 : i32
      %dma_start3A_904 = arith.constant 3 : i32
      %dma_start3A_905 = arith.constant 0 : i32
      %dma_start3A_906 = arith.constant 0 : i32
      %dma_start3A_907 = tpu.memref_slice %arg15[%dma_start3A_903, %dma_start3A_905, %dma_start3A_906] : memref<4x8x128xf32, #tpu.memory_space<vmem>> -> memref<1x8x128xf32, #tpu.memory_space<vmem>>
      %dma_start3A_908 = tpu.memref_squeeze %dma_start3A_907 : memref<1x8x128xf32, #tpu.memory_space<vmem>> -> memref<8x128xf32, #tpu.memory_space<vmem>>
      %dma_start3A_909 = arith.constant 0 : i32
      %dma_start3A_910 = arith.constant 0 : i32
      %dma_start3A_911 = tpu.memref_slice %arg7[%dma_start3A_904, %add3A_902, %dma_start3A_909, %dma_start3A_910] : memref<8x4096x8x128xf32, #tpu.memory_space<hbm>> -> memref<1x1x8x128xf32, #tpu.memory_space<hbm>>
      %dma_start3A_912 = tpu.memref_squeeze %dma_start3A_911 : memref<1x1x8x128xf32, #tpu.memory_space<hbm>> -> memref<8x128xf32, #tpu.memory_space<hbm>>
      %dma_start3A_913 = arith.constant 0 : i32
      %dma_start3A_914 = arith.constant 0 : i32
      %dma_start3A_915 = tpu.memref_slice %arg7[%dma_start3A_904, %add3A_902, %dma_start3A_913, %dma_start3A_914] : memref<8x4096x8x128xf32, #tpu.memory_space<hbm>> -> memref<1x1x8x128xf32, #tpu.memory_space<hbm>>
      %dma_start3A_916 = tpu.memref_squeeze %dma_start3A_915 : memref<1x1x8x128xf32, #tpu.memory_space<hbm>> -> memref<8x128xf32, #tpu.memory_space<hbm>>
      %dma_start3A_917 = arith.constant 0 : i32
      %dma_start3A_918 = arith.constant 0 : i32
      %dma_start3A_919 = tpu.memref_slice %arg15[%dma_start3A_903, %dma_start3A_917, %dma_start3A_918] : memref<4x8x128xf32, #tpu.memory_space<vmem>> -> memref<1x8x128xf32, #tpu.memory_space<vmem>>
      %dma_start3A_920 = tpu.memref_squeeze %dma_start3A_919 : memref<1x8x128xf32, #tpu.memory_space<vmem>> -> memref<8x128xf32, #tpu.memory_space<vmem>>
      tpu.enqueue_dma source(%dma_start3A_920 : memref<8x128xf32, #tpu.memory_space<vmem>>) target(%dma_start3A_916 : memref<8x128xf32, #tpu.memory_space<hbm>>) target_semaphore(%arg18 : memref<!tpu.dma_semaphore, #tpu.memory_space<semaphore_mem>>)
    } else {
    }
    %slice3A_470 = vector.extract_strided_slice %get3A_184 {offsets = [4], sizes = [1], strides = [1]} : vector<16xi32> to vector<1xi32>
    %squeeze3A_471 = vector.extract %slice3A_470[0] : i32 from vector<1xi32>
    %slice3A_472 = vector.extract_strided_slice %get3A_187 {offsets = [4], sizes = [1], strides = [1]} : vector<16xi32> to vector<1xi32>
    %squeeze3A_473 = vector.extract %slice3A_472[0] : i32 from vector<1xi32>
    %eq3A_474 = arith.constant 4 : i32
    %eq3A_475 = arith.cmpi eq, %select_n3A, %eq3A_474 : i32
    %add3A_476 = arith.constant 0 : i32
    %add3A_477 = arith.addi %rem3A_17, %add3A_476 : i32
    %lt3A_478 = arith.cmpi slt, %add3A_477, %squeeze3A_473 : i32
    %and3A_479 = arith.andi %eq3A_475, %lt3A_478 : i1
    %convert_element_type3A_480 = arith.extui %and3A_479 : i1 to i32
    %cond3A_481 = arith.constant 0 : i32
    %cond3A_482 = arith.cmpi ne, %convert_element_type3A_480, %cond3A_481 : i32
    scf.if %cond3A_482 {
      %add3A_883 = arith.addi %squeeze3A_471, %add3A_477 : i32
      %dma_start3A_884 = arith.constant 0 : i32
      %dma_start3A_885 = arith.constant 4 : i32
      %dma_start3A_886 = arith.constant 0 : i32
      %dma_start3A_887 = arith.constant 0 : i32
      %dma_start3A_888 = tpu.memref_slice %arg14[%dma_start3A_884, %dma_start3A_886, %dma_start3A_887] : memref<4x8x128xf32, #tpu.memory_space<vmem>> -> memref<1x8x128xf32, #tpu.memory_space<vmem>>
      %dma_start3A_889 = tpu.memref_squeeze %dma_start3A_888 : memref<1x8x128xf32, #tpu.memory_space<vmem>> -> memref<8x128xf32, #tpu.memory_space<vmem>>
      %dma_start3A_890 = arith.constant 0 : i32
      %dma_start3A_891 = arith.constant 0 : i32
      %dma_start3A_892 = tpu.memref_slice %arg6[%dma_start3A_885, %add3A_883, %dma_start3A_890, %dma_start3A_891] : memref<8x4096x8x128xf32, #tpu.memory_space<hbm>> -> memref<1x1x8x128xf32, #tpu.memory_space<hbm>>
      %dma_start3A_893 = tpu.memref_squeeze %dma_start3A_892 : memref<1x1x8x128xf32, #tpu.memory_space<hbm>> -> memref<8x128xf32, #tpu.memory_space<hbm>>
      %dma_start3A_894 = arith.constant 0 : i32
      %dma_start3A_895 = arith.constant 0 : i32
      %dma_start3A_896 = tpu.memref_slice %arg6[%dma_start3A_885, %add3A_883, %dma_start3A_894, %dma_start3A_895] : memref<8x4096x8x128xf32, #tpu.memory_space<hbm>> -> memref<1x1x8x128xf32, #tpu.memory_space<hbm>>
      %dma_start3A_897 = tpu.memref_squeeze %dma_start3A_896 : memref<1x1x8x128xf32, #tpu.memory_space<hbm>> -> memref<8x128xf32, #tpu.memory_space<hbm>>
      %dma_start3A_898 = arith.constant 0 : i32
      %dma_start3A_899 = arith.constant 0 : i32
      %dma_start3A_900 = tpu.memref_slice %arg14[%dma_start3A_884, %dma_start3A_898, %dma_start3A_899] : memref<4x8x128xf32, #tpu.memory_space<vmem>> -> memref<1x8x128xf32, #tpu.memory_space<vmem>>
      %dma_start3A_901 = tpu.memref_squeeze %dma_start3A_900 : memref<1x8x128xf32, #tpu.memory_space<vmem>> -> memref<8x128xf32, #tpu.memory_space<vmem>>
      tpu.enqueue_dma source(%dma_start3A_901 : memref<8x128xf32, #tpu.memory_space<vmem>>) target(%dma_start3A_897 : memref<8x128xf32, #tpu.memory_space<hbm>>) target_semaphore(%arg18 : memref<!tpu.dma_semaphore, #tpu.memory_space<semaphore_mem>>)
      %add3A_902 = arith.addi %squeeze3A_471, %add3A_477 : i32
      %dma_start3A_903 = arith.constant 0 : i32
      %dma_start3A_904 = arith.constant 4 : i32
      %dma_start3A_905 = arith.constant 0 : i32
      %dma_start3A_906 = arith.constant 0 : i32
      %dma_start3A_907 = tpu.memref_slice %arg15[%dma_start3A_903, %dma_start3A_905, %dma_start3A_906] : memref<4x8x128xf32, #tpu.memory_space<vmem>> -> memref<1x8x128xf32, #tpu.memory_space<vmem>>
      %dma_start3A_908 = tpu.memref_squeeze %dma_start3A_907 : memref<1x8x128xf32, #tpu.memory_space<vmem>> -> memref<8x128xf32, #tpu.memory_space<vmem>>
      %dma_start3A_909 = arith.constant 0 : i32
      %dma_start3A_910 = arith.constant 0 : i32
      %dma_start3A_911 = tpu.memref_slice %arg7[%dma_start3A_904, %add3A_902, %dma_start3A_909, %dma_start3A_910] : memref<8x4096x8x128xf32, #tpu.memory_space<hbm>> -> memref<1x1x8x128xf32, #tpu.memory_space<hbm>>
      %dma_start3A_912 = tpu.memref_squeeze %dma_start3A_911 : memref<1x1x8x128xf32, #tpu.memory_space<hbm>> -> memref<8x128xf32, #tpu.memory_space<hbm>>
      %dma_start3A_913 = arith.constant 0 : i32
      %dma_start3A_914 = arith.constant 0 : i32
      %dma_start3A_915 = tpu.memref_slice %arg7[%dma_start3A_904, %add3A_902, %dma_start3A_913, %dma_start3A_914] : memref<8x4096x8x128xf32, #tpu.memory_space<hbm>> -> memref<1x1x8x128xf32, #tpu.memory_space<hbm>>
      %dma_start3A_916 = tpu.memref_squeeze %dma_start3A_915 : memref<1x1x8x128xf32, #tpu.memory_space<hbm>> -> memref<8x128xf32, #tpu.memory_space<hbm>>
      %dma_start3A_917 = arith.constant 0 : i32
      %dma_start3A_918 = arith.constant 0 : i32
      %dma_start3A_919 = tpu.memref_slice %arg15[%dma_start3A_903, %dma_start3A_917, %dma_start3A_918] : memref<4x8x128xf32, #tpu.memory_space<vmem>> -> memref<1x8x128xf32, #tpu.memory_space<vmem>>
      %dma_start3A_920 = tpu.memref_squeeze %dma_start3A_919 : memref<1x8x128xf32, #tpu.memory_space<vmem>> -> memref<8x128xf32, #tpu.memory_space<vmem>>
      tpu.enqueue_dma source(%dma_start3A_920 : memref<8x128xf32, #tpu.memory_space<vmem>>) target(%dma_start3A_916 : memref<8x128xf32, #tpu.memory_space<hbm>>) target_semaphore(%arg18 : memref<!tpu.dma_semaphore, #tpu.memory_space<semaphore_mem>>)
    } else {
    }
    %add3A_483 = arith.constant 2 : i32
    %add3A_484 = arith.addi %rem3A_17, %add3A_483 : i32
    %lt3A_485 = arith.cmpi slt, %add3A_484, %squeeze3A_473 : i32
    %and3A_486 = arith.andi %eq3A_475, %lt3A_485 : i1
    %convert_element_type3A_487 = arith.extui %and3A_486 : i1 to i32
    %cond3A_488 = arith.constant 0 : i32
    %cond3A_489 = arith.cmpi ne, %convert_element_type3A_487, %cond3A_488 : i32
    scf.if %cond3A_489 {
      %add3A_883 = arith.addi %squeeze3A_471, %add3A_484 : i32
      %dma_start3A_884 = arith.constant 1 : i32
      %dma_start3A_885 = arith.constant 4 : i32
      %dma_start3A_886 = arith.constant 0 : i32
      %dma_start3A_887 = arith.constant 0 : i32
      %dma_start3A_888 = tpu.memref_slice %arg14[%dma_start3A_884, %dma_start3A_886, %dma_start3A_887] : memref<4x8x128xf32, #tpu.memory_space<vmem>> -> memref<1x8x128xf32, #tpu.memory_space<vmem>>
      %dma_start3A_889 = tpu.memref_squeeze %dma_start3A_888 : memref<1x8x128xf32, #tpu.memory_space<vmem>> -> memref<8x128xf32, #tpu.memory_space<vmem>>
      %dma_start3A_890 = arith.constant 0 : i32
      %dma_start3A_891 = arith.constant 0 : i32
      %dma_start3A_892 = tpu.memref_slice %arg6[%dma_start3A_885, %add3A_883, %dma_start3A_890, %dma_start3A_891] : memref<8x4096x8x128xf32, #tpu.memory_space<hbm>> -> memref<1x1x8x128xf32, #tpu.memory_space<hbm>>
      %dma_start3A_893 = tpu.memref_squeeze %dma_start3A_892 : memref<1x1x8x128xf32, #tpu.memory_space<hbm>> -> memref<8x128xf32, #tpu.memory_space<hbm>>
      %dma_start3A_894 = arith.constant 0 : i32
      %dma_start3A_895 = arith.constant 0 : i32
      %dma_start3A_896 = tpu.memref_slice %arg6[%dma_start3A_885, %add3A_883, %dma_start3A_894, %dma_start3A_895] : memref<8x4096x8x128xf32, #tpu.memory_space<hbm>> -> memref<1x1x8x128xf32, #tpu.memory_space<hbm>>
      %dma_start3A_897 = tpu.memref_squeeze %dma_start3A_896 : memref<1x1x8x128xf32, #tpu.memory_space<hbm>> -> memref<8x128xf32, #tpu.memory_space<hbm>>
      %dma_start3A_898 = arith.constant 0 : i32
      %dma_start3A_899 = arith.constant 0 : i32
      %dma_start3A_900 = tpu.memref_slice %arg14[%dma_start3A_884, %dma_start3A_898, %dma_start3A_899] : memref<4x8x128xf32, #tpu.memory_space<vmem>> -> memref<1x8x128xf32, #tpu.memory_space<vmem>>
      %dma_start3A_901 = tpu.memref_squeeze %dma_start3A_900 : memref<1x8x128xf32, #tpu.memory_space<vmem>> -> memref<8x128xf32, #tpu.memory_space<vmem>>
      tpu.enqueue_dma source(%dma_start3A_901 : memref<8x128xf32, #tpu.memory_space<vmem>>) target(%dma_start3A_897 : memref<8x128xf32, #tpu.memory_space<hbm>>) target_semaphore(%arg18 : memref<!tpu.dma_semaphore, #tpu.memory_space<semaphore_mem>>)
      %add3A_902 = arith.addi %squeeze3A_471, %add3A_484 : i32
      %dma_start3A_903 = arith.constant 1 : i32
      %dma_start3A_904 = arith.constant 4 : i32
      %dma_start3A_905 = arith.constant 0 : i32
      %dma_start3A_906 = arith.constant 0 : i32
      %dma_start3A_907 = tpu.memref_slice %arg15[%dma_start3A_903, %dma_start3A_905, %dma_start3A_906] : memref<4x8x128xf32, #tpu.memory_space<vmem>> -> memref<1x8x128xf32, #tpu.memory_space<vmem>>
      %dma_start3A_908 = tpu.memref_squeeze %dma_start3A_907 : memref<1x8x128xf32, #tpu.memory_space<vmem>> -> memref<8x128xf32, #tpu.memory_space<vmem>>
      %dma_start3A_909 = arith.constant 0 : i32
      %dma_start3A_910 = arith.constant 0 : i32
      %dma_start3A_911 = tpu.memref_slice %arg7[%dma_start3A_904, %add3A_902, %dma_start3A_909, %dma_start3A_910] : memref<8x4096x8x128xf32, #tpu.memory_space<hbm>> -> memref<1x1x8x128xf32, #tpu.memory_space<hbm>>
      %dma_start3A_912 = tpu.memref_squeeze %dma_start3A_911 : memref<1x1x8x128xf32, #tpu.memory_space<hbm>> -> memref<8x128xf32, #tpu.memory_space<hbm>>
      %dma_start3A_913 = arith.constant 0 : i32
      %dma_start3A_914 = arith.constant 0 : i32
      %dma_start3A_915 = tpu.memref_slice %arg7[%dma_start3A_904, %add3A_902, %dma_start3A_913, %dma_start3A_914] : memref<8x4096x8x128xf32, #tpu.memory_space<hbm>> -> memref<1x1x8x128xf32, #tpu.memory_space<hbm>>
      %dma_start3A_916 = tpu.memref_squeeze %dma_start3A_915 : memref<1x1x8x128xf32, #tpu.memory_space<hbm>> -> memref<8x128xf32, #tpu.memory_space<hbm>>
      %dma_start3A_917 = arith.constant 0 : i32
      %dma_start3A_918 = arith.constant 0 : i32
      %dma_start3A_919 = tpu.memref_slice %arg15[%dma_start3A_903, %dma_start3A_917, %dma_start3A_918] : memref<4x8x128xf32, #tpu.memory_space<vmem>> -> memref<1x8x128xf32, #tpu.memory_space<vmem>>
      %dma_start3A_920 = tpu.memref_squeeze %dma_start3A_919 : memref<1x8x128xf32, #tpu.memory_space<vmem>> -> memref<8x128xf32, #tpu.memory_space<vmem>>
      tpu.enqueue_dma source(%dma_start3A_920 : memref<8x128xf32, #tpu.memory_space<vmem>>) target(%dma_start3A_916 : memref<8x128xf32, #tpu.memory_space<hbm>>) target_semaphore(%arg18 : memref<!tpu.dma_semaphore, #tpu.memory_space<semaphore_mem>>)
    } else {
    }
    %add3A_490 = arith.constant 4 : i32
    %add3A_491 = arith.addi %rem3A_17, %add3A_490 : i32
    %lt3A_492 = arith.cmpi slt, %add3A_491, %squeeze3A_473 : i32
    %and3A_493 = arith.andi %eq3A_475, %lt3A_492 : i1
    %convert_element_type3A_494 = arith.extui %and3A_493 : i1 to i32
    %cond3A_495 = arith.constant 0 : i32
    %cond3A_496 = arith.cmpi ne, %convert_element_type3A_494, %cond3A_495 : i32
    scf.if %cond3A_496 {
      %add3A_883 = arith.addi %squeeze3A_471, %add3A_491 : i32
      %dma_start3A_884 = arith.constant 2 : i32
      %dma_start3A_885 = arith.constant 4 : i32
      %dma_start3A_886 = arith.constant 0 : i32
      %dma_start3A_887 = arith.constant 0 : i32
      %dma_start3A_888 = tpu.memref_slice %arg14[%dma_start3A_884, %dma_start3A_886, %dma_start3A_887] : memref<4x8x128xf32, #tpu.memory_space<vmem>> -> memref<1x8x128xf32, #tpu.memory_space<vmem>>
      %dma_start3A_889 = tpu.memref_squeeze %dma_start3A_888 : memref<1x8x128xf32, #tpu.memory_space<vmem>> -> memref<8x128xf32, #tpu.memory_space<vmem>>
      %dma_start3A_890 = arith.constant 0 : i32
      %dma_start3A_891 = arith.constant 0 : i32
      %dma_start3A_892 = tpu.memref_slice %arg6[%dma_start3A_885, %add3A_883, %dma_start3A_890, %dma_start3A_891] : memref<8x4096x8x128xf32, #tpu.memory_space<hbm>> -> memref<1x1x8x128xf32, #tpu.memory_space<hbm>>
      %dma_start3A_893 = tpu.memref_squeeze %dma_start3A_892 : memref<1x1x8x128xf32, #tpu.memory_space<hbm>> -> memref<8x128xf32, #tpu.memory_space<hbm>>
      %dma_start3A_894 = arith.constant 0 : i32
      %dma_start3A_895 = arith.constant 0 : i32
      %dma_start3A_896 = tpu.memref_slice %arg6[%dma_start3A_885, %add3A_883, %dma_start3A_894, %dma_start3A_895] : memref<8x4096x8x128xf32, #tpu.memory_space<hbm>> -> memref<1x1x8x128xf32, #tpu.memory_space<hbm>>
      %dma_start3A_897 = tpu.memref_squeeze %dma_start3A_896 : memref<1x1x8x128xf32, #tpu.memory_space<hbm>> -> memref<8x128xf32, #tpu.memory_space<hbm>>
      %dma_start3A_898 = arith.constant 0 : i32
      %dma_start3A_899 = arith.constant 0 : i32
      %dma_start3A_900 = tpu.memref_slice %arg14[%dma_start3A_884, %dma_start3A_898, %dma_start3A_899] : memref<4x8x128xf32, #tpu.memory_space<vmem>> -> memref<1x8x128xf32, #tpu.memory_space<vmem>>
      %dma_start3A_901 = tpu.memref_squeeze %dma_start3A_900 : memref<1x8x128xf32, #tpu.memory_space<vmem>> -> memref<8x128xf32, #tpu.memory_space<vmem>>
      tpu.enqueue_dma source(%dma_start3A_901 : memref<8x128xf32, #tpu.memory_space<vmem>>) target(%dma_start3A_897 : memref<8x128xf32, #tpu.memory_space<hbm>>) target_semaphore(%arg18 : memref<!tpu.dma_semaphore, #tpu.memory_space<semaphore_mem>>)
      %add3A_902 = arith.addi %squeeze3A_471, %add3A_491 : i32
      %dma_start3A_903 = arith.constant 2 : i32
      %dma_start3A_904 = arith.constant 4 : i32
      %dma_start3A_905 = arith.constant 0 : i32
      %dma_start3A_906 = arith.constant 0 : i32
      %dma_start3A_907 = tpu.memref_slice %arg15[%dma_start3A_903, %dma_start3A_905, %dma_start3A_906] : memref<4x8x128xf32, #tpu.memory_space<vmem>> -> memref<1x8x128xf32, #tpu.memory_space<vmem>>
      %dma_start3A_908 = tpu.memref_squeeze %dma_start3A_907 : memref<1x8x128xf32, #tpu.memory_space<vmem>> -> memref<8x128xf32, #tpu.memory_space<vmem>>
      %dma_start3A_909 = arith.constant 0 : i32
      %dma_start3A_910 = arith.constant 0 : i32
      %dma_start3A_911 = tpu.memref_slice %arg7[%dma_start3A_904, %add3A_902, %dma_start3A_909, %dma_start3A_910] : memref<8x4096x8x128xf32, #tpu.memory_space<hbm>> -> memref<1x1x8x128xf32, #tpu.memory_space<hbm>>
      %dma_start3A_912 = tpu.memref_squeeze %dma_start3A_911 : memref<1x1x8x128xf32, #tpu.memory_space<hbm>> -> memref<8x128xf32, #tpu.memory_space<hbm>>
      %dma_start3A_913 = arith.constant 0 : i32
      %dma_start3A_914 = arith.constant 0 : i32
      %dma_start3A_915 = tpu.memref_slice %arg7[%dma_start3A_904, %add3A_902, %dma_start3A_913, %dma_start3A_914] : memref<8x4096x8x128xf32, #tpu.memory_space<hbm>> -> memref<1x1x8x128xf32, #tpu.memory_space<hbm>>
      %dma_start3A_916 = tpu.memref_squeeze %dma_start3A_915 : memref<1x1x8x128xf32, #tpu.memory_space<hbm>> -> memref<8x128xf32, #tpu.memory_space<hbm>>
      %dma_start3A_917 = arith.constant 0 : i32
      %dma_start3A_918 = arith.constant 0 : i32
      %dma_start3A_919 = tpu.memref_slice %arg15[%dma_start3A_903, %dma_start3A_917, %dma_start3A_918] : memref<4x8x128xf32, #tpu.memory_space<vmem>> -> memref<1x8x128xf32, #tpu.memory_space<vmem>>
      %dma_start3A_920 = tpu.memref_squeeze %dma_start3A_919 : memref<1x8x128xf32, #tpu.memory_space<vmem>> -> memref<8x128xf32, #tpu.memory_space<vmem>>
      tpu.enqueue_dma source(%dma_start3A_920 : memref<8x128xf32, #tpu.memory_space<vmem>>) target(%dma_start3A_916 : memref<8x128xf32, #tpu.memory_space<hbm>>) target_semaphore(%arg18 : memref<!tpu.dma_semaphore, #tpu.memory_space<semaphore_mem>>)
    } else {
    }
    %add3A_497 = arith.constant 6 : i32
    %add3A_498 = arith.addi %rem3A_17, %add3A_497 : i32
    %lt3A_499 = arith.cmpi slt, %add3A_498, %squeeze3A_473 : i32
    %and3A_500 = arith.andi %eq3A_475, %lt3A_499 : i1
    %convert_element_type3A_501 = arith.extui %and3A_500 : i1 to i32
    %cond3A_502 = arith.constant 0 : i32
    %cond3A_503 = arith.cmpi ne, %convert_element_type3A_501, %cond3A_502 : i32
    scf.if %cond3A_503 {
      %add3A_883 = arith.addi %squeeze3A_471, %add3A_498 : i32
      %dma_start3A_884 = arith.constant 3 : i32
      %dma_start3A_885 = arith.constant 4 : i32
      %dma_start3A_886 = arith.constant 0 : i32
      %dma_start3A_887 = arith.constant 0 : i32
      %dma_start3A_888 = tpu.memref_slice %arg14[%dma_start3A_884, %dma_start3A_886, %dma_start3A_887] : memref<4x8x128xf32, #tpu.memory_space<vmem>> -> memref<1x8x128xf32, #tpu.memory_space<vmem>>
      %dma_start3A_889 = tpu.memref_squeeze %dma_start3A_888 : memref<1x8x128xf32, #tpu.memory_space<vmem>> -> memref<8x128xf32, #tpu.memory_space<vmem>>
      %dma_start3A_890 = arith.constant 0 : i32
      %dma_start3A_891 = arith.constant 0 : i32
      %dma_start3A_892 = tpu.memref_slice %arg6[%dma_start3A_885, %add3A_883, %dma_start3A_890, %dma_start3A_891] : memref<8x4096x8x128xf32, #tpu.memory_space<hbm>> -> memref<1x1x8x128xf32, #tpu.memory_space<hbm>>
      %dma_start3A_893 = tpu.memref_squeeze %dma_start3A_892 : memref<1x1x8x128xf32, #tpu.memory_space<hbm>> -> memref<8x128xf32, #tpu.memory_space<hbm>>
      %dma_start3A_894 = arith.constant 0 : i32
      %dma_start3A_895 = arith.constant 0 : i32
      %dma_start3A_896 = tpu.memref_slice %arg6[%dma_start3A_885, %add3A_883, %dma_start3A_894, %dma_start3A_895] : memref<8x4096x8x128xf32, #tpu.memory_space<hbm>> -> memref<1x1x8x128xf32, #tpu.memory_space<hbm>>
      %dma_start3A_897 = tpu.memref_squeeze %dma_start3A_896 : memref<1x1x8x128xf32, #tpu.memory_space<hbm>> -> memref<8x128xf32, #tpu.memory_space<hbm>>
      %dma_start3A_898 = arith.constant 0 : i32
      %dma_start3A_899 = arith.constant 0 : i32
      %dma_start3A_900 = tpu.memref_slice %arg14[%dma_start3A_884, %dma_start3A_898, %dma_start3A_899] : memref<4x8x128xf32, #tpu.memory_space<vmem>> -> memref<1x8x128xf32, #tpu.memory_space<vmem>>
      %dma_start3A_901 = tpu.memref_squeeze %dma_start3A_900 : memref<1x8x128xf32, #tpu.memory_space<vmem>> -> memref<8x128xf32, #tpu.memory_space<vmem>>
      tpu.enqueue_dma source(%dma_start3A_901 : memref<8x128xf32, #tpu.memory_space<vmem>>) target(%dma_start3A_897 : memref<8x128xf32, #tpu.memory_space<hbm>>) target_semaphore(%arg18 : memref<!tpu.dma_semaphore, #tpu.memory_space<semaphore_mem>>)
      %add3A_902 = arith.addi %squeeze3A_471, %add3A_498 : i32
      %dma_start3A_903 = arith.constant 3 : i32
      %dma_start3A_904 = arith.constant 4 : i32
      %dma_start3A_905 = arith.constant 0 : i32
      %dma_start3A_906 = arith.constant 0 : i32
      %dma_start3A_907 = tpu.memref_slice %arg15[%dma_start3A_903, %dma_start3A_905, %dma_start3A_906] : memref<4x8x128xf32, #tpu.memory_space<vmem>> -> memref<1x8x128xf32, #tpu.memory_space<vmem>>
      %dma_start3A_908 = tpu.memref_squeeze %dma_start3A_907 : memref<1x8x128xf32, #tpu.memory_space<vmem>> -> memref<8x128xf32, #tpu.memory_space<vmem>>
      %dma_start3A_909 = arith.constant 0 : i32
      %dma_start3A_910 = arith.constant 0 : i32
      %dma_start3A_911 = tpu.memref_slice %arg7[%dma_start3A_904, %add3A_902, %dma_start3A_909, %dma_start3A_910] : memref<8x4096x8x128xf32, #tpu.memory_space<hbm>> -> memref<1x1x8x128xf32, #tpu.memory_space<hbm>>
      %dma_start3A_912 = tpu.memref_squeeze %dma_start3A_911 : memref<1x1x8x128xf32, #tpu.memory_space<hbm>> -> memref<8x128xf32, #tpu.memory_space<hbm>>
      %dma_start3A_913 = arith.constant 0 : i32
      %dma_start3A_914 = arith.constant 0 : i32
      %dma_start3A_915 = tpu.memref_slice %arg7[%dma_start3A_904, %add3A_902, %dma_start3A_913, %dma_start3A_914] : memref<8x4096x8x128xf32, #tpu.memory_space<hbm>> -> memref<1x1x8x128xf32, #tpu.memory_space<hbm>>
      %dma_start3A_916 = tpu.memref_squeeze %dma_start3A_915 : memref<1x1x8x128xf32, #tpu.memory_space<hbm>> -> memref<8x128xf32, #tpu.memory_space<hbm>>
      %dma_start3A_917 = arith.constant 0 : i32
      %dma_start3A_918 = arith.constant 0 : i32
      %dma_start3A_919 = tpu.memref_slice %arg15[%dma_start3A_903, %dma_start3A_917, %dma_start3A_918] : memref<4x8x128xf32, #tpu.memory_space<vmem>> -> memref<1x8x128xf32, #tpu.memory_space<vmem>>
      %dma_start3A_920 = tpu.memref_squeeze %dma_start3A_919 : memref<1x8x128xf32, #tpu.memory_space<vmem>> -> memref<8x128xf32, #tpu.memory_space<vmem>>
      tpu.enqueue_dma source(%dma_start3A_920 : memref<8x128xf32, #tpu.memory_space<vmem>>) target(%dma_start3A_916 : memref<8x128xf32, #tpu.memory_space<hbm>>) target_semaphore(%arg18 : memref<!tpu.dma_semaphore, #tpu.memory_space<semaphore_mem>>)
    } else {
    }
    %slice3A_504 = vector.extract_strided_slice %get3A_184 {offsets = [5], sizes = [1], strides = [1]} : vector<16xi32> to vector<1xi32>
    %squeeze3A_505 = vector.extract %slice3A_504[0] : i32 from vector<1xi32>
    %slice3A_506 = vector.extract_strided_slice %get3A_187 {offsets = [5], sizes = [1], strides = [1]} : vector<16xi32> to vector<1xi32>
    %squeeze3A_507 = vector.extract %slice3A_506[0] : i32 from vector<1xi32>
    %eq3A_508 = arith.constant 5 : i32
    %eq3A_509 = arith.cmpi eq, %select_n3A, %eq3A_508 : i32
    %add3A_510 = arith.constant 0 : i32
    %add3A_511 = arith.addi %rem3A_17, %add3A_510 : i32
    %lt3A_512 = arith.cmpi slt, %add3A_511, %squeeze3A_507 : i32
    %and3A_513 = arith.andi %eq3A_509, %lt3A_512 : i1
    %convert_element_type3A_514 = arith.extui %and3A_513 : i1 to i32
    %cond3A_515 = arith.constant 0 : i32
    %cond3A_516 = arith.cmpi ne, %convert_element_type3A_514, %cond3A_515 : i32
    scf.if %cond3A_516 {
      %add3A_883 = arith.addi %squeeze3A_505, %add3A_511 : i32
      %dma_start3A_884 = arith.constant 0 : i32
      %dma_start3A_885 = arith.constant 5 : i32
      %dma_start3A_886 = arith.constant 0 : i32
      %dma_start3A_887 = arith.constant 0 : i32
      %dma_start3A_888 = tpu.memref_slice %arg14[%dma_start3A_884, %dma_start3A_886, %dma_start3A_887] : memref<4x8x128xf32, #tpu.memory_space<vmem>> -> memref<1x8x128xf32, #tpu.memory_space<vmem>>
      %dma_start3A_889 = tpu.memref_squeeze %dma_start3A_888 : memref<1x8x128xf32, #tpu.memory_space<vmem>> -> memref<8x128xf32, #tpu.memory_space<vmem>>
      %dma_start3A_890 = arith.constant 0 : i32
      %dma_start3A_891 = arith.constant 0 : i32
      %dma_start3A_892 = tpu.memref_slice %arg6[%dma_start3A_885, %add3A_883, %dma_start3A_890, %dma_start3A_891] : memref<8x4096x8x128xf32, #tpu.memory_space<hbm>> -> memref<1x1x8x128xf32, #tpu.memory_space<hbm>>
      %dma_start3A_893 = tpu.memref_squeeze %dma_start3A_892 : memref<1x1x8x128xf32, #tpu.memory_space<hbm>> -> memref<8x128xf32, #tpu.memory_space<hbm>>
      %dma_start3A_894 = arith.constant 0 : i32
      %dma_start3A_895 = arith.constant 0 : i32
      %dma_start3A_896 = tpu.memref_slice %arg6[%dma_start3A_885, %add3A_883, %dma_start3A_894, %dma_start3A_895] : memref<8x4096x8x128xf32, #tpu.memory_space<hbm>> -> memref<1x1x8x128xf32, #tpu.memory_space<hbm>>
      %dma_start3A_897 = tpu.memref_squeeze %dma_start3A_896 : memref<1x1x8x128xf32, #tpu.memory_space<hbm>> -> memref<8x128xf32, #tpu.memory_space<hbm>>
      %dma_start3A_898 = arith.constant 0 : i32
      %dma_start3A_899 = arith.constant 0 : i32
      %dma_start3A_900 = tpu.memref_slice %arg14[%dma_start3A_884, %dma_start3A_898, %dma_start3A_899] : memref<4x8x128xf32, #tpu.memory_space<vmem>> -> memref<1x8x128xf32, #tpu.memory_space<vmem>>
      %dma_start3A_901 = tpu.memref_squeeze %dma_start3A_900 : memref<1x8x128xf32, #tpu.memory_space<vmem>> -> memref<8x128xf32, #tpu.memory_space<vmem>>
      tpu.enqueue_dma source(%dma_start3A_901 : memref<8x128xf32, #tpu.memory_space<vmem>>) target(%dma_start3A_897 : memref<8x128xf32, #tpu.memory_space<hbm>>) target_semaphore(%arg18 : memref<!tpu.dma_semaphore, #tpu.memory_space<semaphore_mem>>)
      %add3A_902 = arith.addi %squeeze3A_505, %add3A_511 : i32
      %dma_start3A_903 = arith.constant 0 : i32
      %dma_start3A_904 = arith.constant 5 : i32
      %dma_start3A_905 = arith.constant 0 : i32
      %dma_start3A_906 = arith.constant 0 : i32
      %dma_start3A_907 = tpu.memref_slice %arg15[%dma_start3A_903, %dma_start3A_905, %dma_start3A_906] : memref<4x8x128xf32, #tpu.memory_space<vmem>> -> memref<1x8x128xf32, #tpu.memory_space<vmem>>
      %dma_start3A_908 = tpu.memref_squeeze %dma_start3A_907 : memref<1x8x128xf32, #tpu.memory_space<vmem>> -> memref<8x128xf32, #tpu.memory_space<vmem>>
      %dma_start3A_909 = arith.constant 0 : i32
      %dma_start3A_910 = arith.constant 0 : i32
      %dma_start3A_911 = tpu.memref_slice %arg7[%dma_start3A_904, %add3A_902, %dma_start3A_909, %dma_start3A_910] : memref<8x4096x8x128xf32, #tpu.memory_space<hbm>> -> memref<1x1x8x128xf32, #tpu.memory_space<hbm>>
      %dma_start3A_912 = tpu.memref_squeeze %dma_start3A_911 : memref<1x1x8x128xf32, #tpu.memory_space<hbm>> -> memref<8x128xf32, #tpu.memory_space<hbm>>
      %dma_start3A_913 = arith.constant 0 : i32
      %dma_start3A_914 = arith.constant 0 : i32
      %dma_start3A_915 = tpu.memref_slice %arg7[%dma_start3A_904, %add3A_902, %dma_start3A_913, %dma_start3A_914] : memref<8x4096x8x128xf32, #tpu.memory_space<hbm>> -> memref<1x1x8x128xf32, #tpu.memory_space<hbm>>
      %dma_start3A_916 = tpu.memref_squeeze %dma_start3A_915 : memref<1x1x8x128xf32, #tpu.memory_space<hbm>> -> memref<8x128xf32, #tpu.memory_space<hbm>>
      %dma_start3A_917 = arith.constant 0 : i32
      %dma_start3A_918 = arith.constant 0 : i32
      %dma_start3A_919 = tpu.memref_slice %arg15[%dma_start3A_903, %dma_start3A_917, %dma_start3A_918] : memref<4x8x128xf32, #tpu.memory_space<vmem>> -> memref<1x8x128xf32, #tpu.memory_space<vmem>>
      %dma_start3A_920 = tpu.memref_squeeze %dma_start3A_919 : memref<1x8x128xf32, #tpu.memory_space<vmem>> -> memref<8x128xf32, #tpu.memory_space<vmem>>
      tpu.enqueue_dma source(%dma_start3A_920 : memref<8x128xf32, #tpu.memory_space<vmem>>) target(%dma_start3A_916 : memref<8x128xf32, #tpu.memory_space<hbm>>) target_semaphore(%arg18 : memref<!tpu.dma_semaphore, #tpu.memory_space<semaphore_mem>>)
    } else {
    }
    %add3A_517 = arith.constant 2 : i32
    %add3A_518 = arith.addi %rem3A_17, %add3A_517 : i32
    %lt3A_519 = arith.cmpi slt, %add3A_518, %squeeze3A_507 : i32
    %and3A_520 = arith.andi %eq3A_509, %lt3A_519 : i1
    %convert_element_type3A_521 = arith.extui %and3A_520 : i1 to i32
    %cond3A_522 = arith.constant 0 : i32
    %cond3A_523 = arith.cmpi ne, %convert_element_type3A_521, %cond3A_522 : i32
    scf.if %cond3A_523 {
      %add3A_883 = arith.addi %squeeze3A_505, %add3A_518 : i32
      %dma_start3A_884 = arith.constant 1 : i32
      %dma_start3A_885 = arith.constant 5 : i32
      %dma_start3A_886 = arith.constant 0 : i32
      %dma_start3A_887 = arith.constant 0 : i32
      %dma_start3A_888 = tpu.memref_slice %arg14[%dma_start3A_884, %dma_start3A_886, %dma_start3A_887] : memref<4x8x128xf32, #tpu.memory_space<vmem>> -> memref<1x8x128xf32, #tpu.memory_space<vmem>>
      %dma_start3A_889 = tpu.memref_squeeze %dma_start3A_888 : memref<1x8x128xf32, #tpu.memory_space<vmem>> -> memref<8x128xf32, #tpu.memory_space<vmem>>
      %dma_start3A_890 = arith.constant 0 : i32
      %dma_start3A_891 = arith.constant 0 : i32
      %dma_start3A_892 = tpu.memref_slice %arg6[%dma_start3A_885, %add3A_883, %dma_start3A_890, %dma_start3A_891] : memref<8x4096x8x128xf32, #tpu.memory_space<hbm>> -> memref<1x1x8x128xf32, #tpu.memory_space<hbm>>
      %dma_start3A_893 = tpu.memref_squeeze %dma_start3A_892 : memref<1x1x8x128xf32, #tpu.memory_space<hbm>> -> memref<8x128xf32, #tpu.memory_space<hbm>>
      %dma_start3A_894 = arith.constant 0 : i32
      %dma_start3A_895 = arith.constant 0 : i32
      %dma_start3A_896 = tpu.memref_slice %arg6[%dma_start3A_885, %add3A_883, %dma_start3A_894, %dma_start3A_895] : memref<8x4096x8x128xf32, #tpu.memory_space<hbm>> -> memref<1x1x8x128xf32, #tpu.memory_space<hbm>>
      %dma_start3A_897 = tpu.memref_squeeze %dma_start3A_896 : memref<1x1x8x128xf32, #tpu.memory_space<hbm>> -> memref<8x128xf32, #tpu.memory_space<hbm>>
      %dma_start3A_898 = arith.constant 0 : i32
      %dma_start3A_899 = arith.constant 0 : i32
      %dma_start3A_900 = tpu.memref_slice %arg14[%dma_start3A_884, %dma_start3A_898, %dma_start3A_899] : memref<4x8x128xf32, #tpu.memory_space<vmem>> -> memref<1x8x128xf32, #tpu.memory_space<vmem>>
      %dma_start3A_901 = tpu.memref_squeeze %dma_start3A_900 : memref<1x8x128xf32, #tpu.memory_space<vmem>> -> memref<8x128xf32, #tpu.memory_space<vmem>>
      tpu.enqueue_dma source(%dma_start3A_901 : memref<8x128xf32, #tpu.memory_space<vmem>>) target(%dma_start3A_897 : memref<8x128xf32, #tpu.memory_space<hbm>>) target_semaphore(%arg18 : memref<!tpu.dma_semaphore, #tpu.memory_space<semaphore_mem>>)
      %add3A_902 = arith.addi %squeeze3A_505, %add3A_518 : i32
      %dma_start3A_903 = arith.constant 1 : i32
      %dma_start3A_904 = arith.constant 5 : i32
      %dma_start3A_905 = arith.constant 0 : i32
      %dma_start3A_906 = arith.constant 0 : i32
      %dma_start3A_907 = tpu.memref_slice %arg15[%dma_start3A_903, %dma_start3A_905, %dma_start3A_906] : memref<4x8x128xf32, #tpu.memory_space<vmem>> -> memref<1x8x128xf32, #tpu.memory_space<vmem>>
      %dma_start3A_908 = tpu.memref_squeeze %dma_start3A_907 : memref<1x8x128xf32, #tpu.memory_space<vmem>> -> memref<8x128xf32, #tpu.memory_space<vmem>>
      %dma_start3A_909 = arith.constant 0 : i32
      %dma_start3A_910 = arith.constant 0 : i32
      %dma_start3A_911 = tpu.memref_slice %arg7[%dma_start3A_904, %add3A_902, %dma_start3A_909, %dma_start3A_910] : memref<8x4096x8x128xf32, #tpu.memory_space<hbm>> -> memref<1x1x8x128xf32, #tpu.memory_space<hbm>>
      %dma_start3A_912 = tpu.memref_squeeze %dma_start3A_911 : memref<1x1x8x128xf32, #tpu.memory_space<hbm>> -> memref<8x128xf32, #tpu.memory_space<hbm>>
      %dma_start3A_913 = arith.constant 0 : i32
      %dma_start3A_914 = arith.constant 0 : i32
      %dma_start3A_915 = tpu.memref_slice %arg7[%dma_start3A_904, %add3A_902, %dma_start3A_913, %dma_start3A_914] : memref<8x4096x8x128xf32, #tpu.memory_space<hbm>> -> memref<1x1x8x128xf32, #tpu.memory_space<hbm>>
      %dma_start3A_916 = tpu.memref_squeeze %dma_start3A_915 : memref<1x1x8x128xf32, #tpu.memory_space<hbm>> -> memref<8x128xf32, #tpu.memory_space<hbm>>
      %dma_start3A_917 = arith.constant 0 : i32
      %dma_start3A_918 = arith.constant 0 : i32
      %dma_start3A_919 = tpu.memref_slice %arg15[%dma_start3A_903, %dma_start3A_917, %dma_start3A_918] : memref<4x8x128xf32, #tpu.memory_space<vmem>> -> memref<1x8x128xf32, #tpu.memory_space<vmem>>
      %dma_start3A_920 = tpu.memref_squeeze %dma_start3A_919 : memref<1x8x128xf32, #tpu.memory_space<vmem>> -> memref<8x128xf32, #tpu.memory_space<vmem>>
      tpu.enqueue_dma source(%dma_start3A_920 : memref<8x128xf32, #tpu.memory_space<vmem>>) target(%dma_start3A_916 : memref<8x128xf32, #tpu.memory_space<hbm>>) target_semaphore(%arg18 : memref<!tpu.dma_semaphore, #tpu.memory_space<semaphore_mem>>)
    } else {
    }
    %add3A_524 = arith.constant 4 : i32
    %add3A_525 = arith.addi %rem3A_17, %add3A_524 : i32
    %lt3A_526 = arith.cmpi slt, %add3A_525, %squeeze3A_507 : i32
    %and3A_527 = arith.andi %eq3A_509, %lt3A_526 : i1
    %convert_element_type3A_528 = arith.extui %and3A_527 : i1 to i32
    %cond3A_529 = arith.constant 0 : i32
    %cond3A_530 = arith.cmpi ne, %convert_element_type3A_528, %cond3A_529 : i32
    scf.if %cond3A_530 {
      %add3A_883 = arith.addi %squeeze3A_505, %add3A_525 : i32
      %dma_start3A_884 = arith.constant 2 : i32
      %dma_start3A_885 = arith.constant 5 : i32
      %dma_start3A_886 = arith.constant 0 : i32
      %dma_start3A_887 = arith.constant 0 : i32
      %dma_start3A_888 = tpu.memref_slice %arg14[%dma_start3A_884, %dma_start3A_886, %dma_start3A_887] : memref<4x8x128xf32, #tpu.memory_space<vmem>> -> memref<1x8x128xf32, #tpu.memory_space<vmem>>
      %dma_start3A_889 = tpu.memref_squeeze %dma_start3A_888 : memref<1x8x128xf32, #tpu.memory_space<vmem>> -> memref<8x128xf32, #tpu.memory_space<vmem>>
      %dma_start3A_890 = arith.constant 0 : i32
      %dma_start3A_891 = arith.constant 0 : i32
      %dma_start3A_892 = tpu.memref_slice %arg6[%dma_start3A_885, %add3A_883, %dma_start3A_890, %dma_start3A_891] : memref<8x4096x8x128xf32, #tpu.memory_space<hbm>> -> memref<1x1x8x128xf32, #tpu.memory_space<hbm>>
      %dma_start3A_893 = tpu.memref_squeeze %dma_start3A_892 : memref<1x1x8x128xf32, #tpu.memory_space<hbm>> -> memref<8x128xf32, #tpu.memory_space<hbm>>
      %dma_start3A_894 = arith.constant 0 : i32
      %dma_start3A_895 = arith.constant 0 : i32
      %dma_start3A_896 = tpu.memref_slice %arg6[%dma_start3A_885, %add3A_883, %dma_start3A_894, %dma_start3A_895] : memref<8x4096x8x128xf32, #tpu.memory_space<hbm>> -> memref<1x1x8x128xf32, #tpu.memory_space<hbm>>
      %dma_start3A_897 = tpu.memref_squeeze %dma_start3A_896 : memref<1x1x8x128xf32, #tpu.memory_space<hbm>> -> memref<8x128xf32, #tpu.memory_space<hbm>>
      %dma_start3A_898 = arith.constant 0 : i32
      %dma_start3A_899 = arith.constant 0 : i32
      %dma_start3A_900 = tpu.memref_slice %arg14[%dma_start3A_884, %dma_start3A_898, %dma_start3A_899] : memref<4x8x128xf32, #tpu.memory_space<vmem>> -> memref<1x8x128xf32, #tpu.memory_space<vmem>>
      %dma_start3A_901 = tpu.memref_squeeze %dma_start3A_900 : memref<1x8x128xf32, #tpu.memory_space<vmem>> -> memref<8x128xf32, #tpu.memory_space<vmem>>
      tpu.enqueue_dma source(%dma_start3A_901 : memref<8x128xf32, #tpu.memory_space<vmem>>) target(%dma_start3A_897 : memref<8x128xf32, #tpu.memory_space<hbm>>) target_semaphore(%arg18 : memref<!tpu.dma_semaphore, #tpu.memory_space<semaphore_mem>>)
      %add3A_902 = arith.addi %squeeze3A_505, %add3A_525 : i32
      %dma_start3A_903 = arith.constant 2 : i32
      %dma_start3A_904 = arith.constant 5 : i32
      %dma_start3A_905 = arith.constant 0 : i32
      %dma_start3A_906 = arith.constant 0 : i32
      %dma_start3A_907 = tpu.memref_slice %arg15[%dma_start3A_903, %dma_start3A_905, %dma_start3A_906] : memref<4x8x128xf32, #tpu.memory_space<vmem>> -> memref<1x8x128xf32, #tpu.memory_space<vmem>>
      %dma_start3A_908 = tpu.memref_squeeze %dma_start3A_907 : memref<1x8x128xf32, #tpu.memory_space<vmem>> -> memref<8x128xf32, #tpu.memory_space<vmem>>
      %dma_start3A_909 = arith.constant 0 : i32
      %dma_start3A_910 = arith.constant 0 : i32
      %dma_start3A_911 = tpu.memref_slice %arg7[%dma_start3A_904, %add3A_902, %dma_start3A_909, %dma_start3A_910] : memref<8x4096x8x128xf32, #tpu.memory_space<hbm>> -> memref<1x1x8x128xf32, #tpu.memory_space<hbm>>
      %dma_start3A_912 = tpu.memref_squeeze %dma_start3A_911 : memref<1x1x8x128xf32, #tpu.memory_space<hbm>> -> memref<8x128xf32, #tpu.memory_space<hbm>>
      %dma_start3A_913 = arith.constant 0 : i32
      %dma_start3A_914 = arith.constant 0 : i32
      %dma_start3A_915 = tpu.memref_slice %arg7[%dma_start3A_904, %add3A_902, %dma_start3A_913, %dma_start3A_914] : memref<8x4096x8x128xf32, #tpu.memory_space<hbm>> -> memref<1x1x8x128xf32, #tpu.memory_space<hbm>>
      %dma_start3A_916 = tpu.memref_squeeze %dma_start3A_915 : memref<1x1x8x128xf32, #tpu.memory_space<hbm>> -> memref<8x128xf32, #tpu.memory_space<hbm>>
      %dma_start3A_917 = arith.constant 0 : i32
      %dma_start3A_918 = arith.constant 0 : i32
      %dma_start3A_919 = tpu.memref_slice %arg15[%dma_start3A_903, %dma_start3A_917, %dma_start3A_918] : memref<4x8x128xf32, #tpu.memory_space<vmem>> -> memref<1x8x128xf32, #tpu.memory_space<vmem>>
      %dma_start3A_920 = tpu.memref_squeeze %dma_start3A_919 : memref<1x8x128xf32, #tpu.memory_space<vmem>> -> memref<8x128xf32, #tpu.memory_space<vmem>>
      tpu.enqueue_dma source(%dma_start3A_920 : memref<8x128xf32, #tpu.memory_space<vmem>>) target(%dma_start3A_916 : memref<8x128xf32, #tpu.memory_space<hbm>>) target_semaphore(%arg18 : memref<!tpu.dma_semaphore, #tpu.memory_space<semaphore_mem>>)
    } else {
    }
    %add3A_531 = arith.constant 6 : i32
    %add3A_532 = arith.addi %rem3A_17, %add3A_531 : i32
    %lt3A_533 = arith.cmpi slt, %add3A_532, %squeeze3A_507 : i32
    %and3A_534 = arith.andi %eq3A_509, %lt3A_533 : i1
    %convert_element_type3A_535 = arith.extui %and3A_534 : i1 to i32
    %cond3A_536 = arith.constant 0 : i32
    %cond3A_537 = arith.cmpi ne, %convert_element_type3A_535, %cond3A_536 : i32
    scf.if %cond3A_537 {
      %add3A_883 = arith.addi %squeeze3A_505, %add3A_532 : i32
      %dma_start3A_884 = arith.constant 3 : i32
      %dma_start3A_885 = arith.constant 5 : i32
      %dma_start3A_886 = arith.constant 0 : i32
      %dma_start3A_887 = arith.constant 0 : i32
      %dma_start3A_888 = tpu.memref_slice %arg14[%dma_start3A_884, %dma_start3A_886, %dma_start3A_887] : memref<4x8x128xf32, #tpu.memory_space<vmem>> -> memref<1x8x128xf32, #tpu.memory_space<vmem>>
      %dma_start3A_889 = tpu.memref_squeeze %dma_start3A_888 : memref<1x8x128xf32, #tpu.memory_space<vmem>> -> memref<8x128xf32, #tpu.memory_space<vmem>>
      %dma_start3A_890 = arith.constant 0 : i32
      %dma_start3A_891 = arith.constant 0 : i32
      %dma_start3A_892 = tpu.memref_slice %arg6[%dma_start3A_885, %add3A_883, %dma_start3A_890, %dma_start3A_891] : memref<8x4096x8x128xf32, #tpu.memory_space<hbm>> -> memref<1x1x8x128xf32, #tpu.memory_space<hbm>>
      %dma_start3A_893 = tpu.memref_squeeze %dma_start3A_892 : memref<1x1x8x128xf32, #tpu.memory_space<hbm>> -> memref<8x128xf32, #tpu.memory_space<hbm>>
      %dma_start3A_894 = arith.constant 0 : i32
      %dma_start3A_895 = arith.constant 0 : i32
      %dma_start3A_896 = tpu.memref_slice %arg6[%dma_start3A_885, %add3A_883, %dma_start3A_894, %dma_start3A_895] : memref<8x4096x8x128xf32, #tpu.memory_space<hbm>> -> memref<1x1x8x128xf32, #tpu.memory_space<hbm>>
      %dma_start3A_897 = tpu.memref_squeeze %dma_start3A_896 : memref<1x1x8x128xf32, #tpu.memory_space<hbm>> -> memref<8x128xf32, #tpu.memory_space<hbm>>
      %dma_start3A_898 = arith.constant 0 : i32
      %dma_start3A_899 = arith.constant 0 : i32
      %dma_start3A_900 = tpu.memref_slice %arg14[%dma_start3A_884, %dma_start3A_898, %dma_start3A_899] : memref<4x8x128xf32, #tpu.memory_space<vmem>> -> memref<1x8x128xf32, #tpu.memory_space<vmem>>
      %dma_start3A_901 = tpu.memref_squeeze %dma_start3A_900 : memref<1x8x128xf32, #tpu.memory_space<vmem>> -> memref<8x128xf32, #tpu.memory_space<vmem>>
      tpu.enqueue_dma source(%dma_start3A_901 : memref<8x128xf32, #tpu.memory_space<vmem>>) target(%dma_start3A_897 : memref<8x128xf32, #tpu.memory_space<hbm>>) target_semaphore(%arg18 : memref<!tpu.dma_semaphore, #tpu.memory_space<semaphore_mem>>)
      %add3A_902 = arith.addi %squeeze3A_505, %add3A_532 : i32
      %dma_start3A_903 = arith.constant 3 : i32
      %dma_start3A_904 = arith.constant 5 : i32
      %dma_start3A_905 = arith.constant 0 : i32
      %dma_start3A_906 = arith.constant 0 : i32
      %dma_start3A_907 = tpu.memref_slice %arg15[%dma_start3A_903, %dma_start3A_905, %dma_start3A_906] : memref<4x8x128xf32, #tpu.memory_space<vmem>> -> memref<1x8x128xf32, #tpu.memory_space<vmem>>
      %dma_start3A_908 = tpu.memref_squeeze %dma_start3A_907 : memref<1x8x128xf32, #tpu.memory_space<vmem>> -> memref<8x128xf32, #tpu.memory_space<vmem>>
      %dma_start3A_909 = arith.constant 0 : i32
      %dma_start3A_910 = arith.constant 0 : i32
      %dma_start3A_911 = tpu.memref_slice %arg7[%dma_start3A_904, %add3A_902, %dma_start3A_909, %dma_start3A_910] : memref<8x4096x8x128xf32, #tpu.memory_space<hbm>> -> memref<1x1x8x128xf32, #tpu.memory_space<hbm>>
      %dma_start3A_912 = tpu.memref_squeeze %dma_start3A_911 : memref<1x1x8x128xf32, #tpu.memory_space<hbm>> -> memref<8x128xf32, #tpu.memory_space<hbm>>
      %dma_start3A_913 = arith.constant 0 : i32
      %dma_start3A_914 = arith.constant 0 : i32
      %dma_start3A_915 = tpu.memref_slice %arg7[%dma_start3A_904, %add3A_902, %dma_start3A_913, %dma_start3A_914] : memref<8x4096x8x128xf32, #tpu.memory_space<hbm>> -> memref<1x1x8x128xf32, #tpu.memory_space<hbm>>
      %dma_start3A_916 = tpu.memref_squeeze %dma_start3A_915 : memref<1x1x8x128xf32, #tpu.memory_space<hbm>> -> memref<8x128xf32, #tpu.memory_space<hbm>>
      %dma_start3A_917 = arith.constant 0 : i32
      %dma_start3A_918 = arith.constant 0 : i32
      %dma_start3A_919 = tpu.memref_slice %arg15[%dma_start3A_903, %dma_start3A_917, %dma_start3A_918] : memref<4x8x128xf32, #tpu.memory_space<vmem>> -> memref<1x8x128xf32, #tpu.memory_space<vmem>>
      %dma_start3A_920 = tpu.memref_squeeze %dma_start3A_919 : memref<1x8x128xf32, #tpu.memory_space<vmem>> -> memref<8x128xf32, #tpu.memory_space<vmem>>
      tpu.enqueue_dma source(%dma_start3A_920 : memref<8x128xf32, #tpu.memory_space<vmem>>) target(%dma_start3A_916 : memref<8x128xf32, #tpu.memory_space<hbm>>) target_semaphore(%arg18 : memref<!tpu.dma_semaphore, #tpu.memory_space<semaphore_mem>>)
    } else {
    }
    %slice3A_538 = vector.extract_strided_slice %get3A_184 {offsets = [6], sizes = [1], strides = [1]} : vector<16xi32> to vector<1xi32>
    %squeeze3A_539 = vector.extract %slice3A_538[0] : i32 from vector<1xi32>
    %slice3A_540 = vector.extract_strided_slice %get3A_187 {offsets = [6], sizes = [1], strides = [1]} : vector<16xi32> to vector<1xi32>
    %squeeze3A_541 = vector.extract %slice3A_540[0] : i32 from vector<1xi32>
    %eq3A_542 = arith.constant 6 : i32
    %eq3A_543 = arith.cmpi eq, %select_n3A, %eq3A_542 : i32
    %add3A_544 = arith.constant 0 : i32
    %add3A_545 = arith.addi %rem3A_17, %add3A_544 : i32
    %lt3A_546 = arith.cmpi slt, %add3A_545, %squeeze3A_541 : i32
    %and3A_547 = arith.andi %eq3A_543, %lt3A_546 : i1
    %convert_element_type3A_548 = arith.extui %and3A_547 : i1 to i32
    %cond3A_549 = arith.constant 0 : i32
    %cond3A_550 = arith.cmpi ne, %convert_element_type3A_548, %cond3A_549 : i32
    scf.if %cond3A_550 {
      %add3A_883 = arith.addi %squeeze3A_539, %add3A_545 : i32
      %dma_start3A_884 = arith.constant 0 : i32
      %dma_start3A_885 = arith.constant 6 : i32
      %dma_start3A_886 = arith.constant 0 : i32
      %dma_start3A_887 = arith.constant 0 : i32
      %dma_start3A_888 = tpu.memref_slice %arg14[%dma_start3A_884, %dma_start3A_886, %dma_start3A_887] : memref<4x8x128xf32, #tpu.memory_space<vmem>> -> memref<1x8x128xf32, #tpu.memory_space<vmem>>
      %dma_start3A_889 = tpu.memref_squeeze %dma_start3A_888 : memref<1x8x128xf32, #tpu.memory_space<vmem>> -> memref<8x128xf32, #tpu.memory_space<vmem>>
      %dma_start3A_890 = arith.constant 0 : i32
      %dma_start3A_891 = arith.constant 0 : i32
      %dma_start3A_892 = tpu.memref_slice %arg6[%dma_start3A_885, %add3A_883, %dma_start3A_890, %dma_start3A_891] : memref<8x4096x8x128xf32, #tpu.memory_space<hbm>> -> memref<1x1x8x128xf32, #tpu.memory_space<hbm>>
      %dma_start3A_893 = tpu.memref_squeeze %dma_start3A_892 : memref<1x1x8x128xf32, #tpu.memory_space<hbm>> -> memref<8x128xf32, #tpu.memory_space<hbm>>
      %dma_start3A_894 = arith.constant 0 : i32
      %dma_start3A_895 = arith.constant 0 : i32
      %dma_start3A_896 = tpu.memref_slice %arg6[%dma_start3A_885, %add3A_883, %dma_start3A_894, %dma_start3A_895] : memref<8x4096x8x128xf32, #tpu.memory_space<hbm>> -> memref<1x1x8x128xf32, #tpu.memory_space<hbm>>
      %dma_start3A_897 = tpu.memref_squeeze %dma_start3A_896 : memref<1x1x8x128xf32, #tpu.memory_space<hbm>> -> memref<8x128xf32, #tpu.memory_space<hbm>>
      %dma_start3A_898 = arith.constant 0 : i32
      %dma_start3A_899 = arith.constant 0 : i32
      %dma_start3A_900 = tpu.memref_slice %arg14[%dma_start3A_884, %dma_start3A_898, %dma_start3A_899] : memref<4x8x128xf32, #tpu.memory_space<vmem>> -> memref<1x8x128xf32, #tpu.memory_space<vmem>>
      %dma_start3A_901 = tpu.memref_squeeze %dma_start3A_900 : memref<1x8x128xf32, #tpu.memory_space<vmem>> -> memref<8x128xf32, #tpu.memory_space<vmem>>
      tpu.enqueue_dma source(%dma_start3A_901 : memref<8x128xf32, #tpu.memory_space<vmem>>) target(%dma_start3A_897 : memref<8x128xf32, #tpu.memory_space<hbm>>) target_semaphore(%arg18 : memref<!tpu.dma_semaphore, #tpu.memory_space<semaphore_mem>>)
      %add3A_902 = arith.addi %squeeze3A_539, %add3A_545 : i32
      %dma_start3A_903 = arith.constant 0 : i32
      %dma_start3A_904 = arith.constant 6 : i32
      %dma_start3A_905 = arith.constant 0 : i32
      %dma_start3A_906 = arith.constant 0 : i32
      %dma_start3A_907 = tpu.memref_slice %arg15[%dma_start3A_903, %dma_start3A_905, %dma_start3A_906] : memref<4x8x128xf32, #tpu.memory_space<vmem>> -> memref<1x8x128xf32, #tpu.memory_space<vmem>>
      %dma_start3A_908 = tpu.memref_squeeze %dma_start3A_907 : memref<1x8x128xf32, #tpu.memory_space<vmem>> -> memref<8x128xf32, #tpu.memory_space<vmem>>
      %dma_start3A_909 = arith.constant 0 : i32
      %dma_start3A_910 = arith.constant 0 : i32
      %dma_start3A_911 = tpu.memref_slice %arg7[%dma_start3A_904, %add3A_902, %dma_start3A_909, %dma_start3A_910] : memref<8x4096x8x128xf32, #tpu.memory_space<hbm>> -> memref<1x1x8x128xf32, #tpu.memory_space<hbm>>
      %dma_start3A_912 = tpu.memref_squeeze %dma_start3A_911 : memref<1x1x8x128xf32, #tpu.memory_space<hbm>> -> memref<8x128xf32, #tpu.memory_space<hbm>>
      %dma_start3A_913 = arith.constant 0 : i32
      %dma_start3A_914 = arith.constant 0 : i32
      %dma_start3A_915 = tpu.memref_slice %arg7[%dma_start3A_904, %add3A_902, %dma_start3A_913, %dma_start3A_914] : memref<8x4096x8x128xf32, #tpu.memory_space<hbm>> -> memref<1x1x8x128xf32, #tpu.memory_space<hbm>>
      %dma_start3A_916 = tpu.memref_squeeze %dma_start3A_915 : memref<1x1x8x128xf32, #tpu.memory_space<hbm>> -> memref<8x128xf32, #tpu.memory_space<hbm>>
      %dma_start3A_917 = arith.constant 0 : i32
      %dma_start3A_918 = arith.constant 0 : i32
      %dma_start3A_919 = tpu.memref_slice %arg15[%dma_start3A_903, %dma_start3A_917, %dma_start3A_918] : memref<4x8x128xf32, #tpu.memory_space<vmem>> -> memref<1x8x128xf32, #tpu.memory_space<vmem>>
      %dma_start3A_920 = tpu.memref_squeeze %dma_start3A_919 : memref<1x8x128xf32, #tpu.memory_space<vmem>> -> memref<8x128xf32, #tpu.memory_space<vmem>>
      tpu.enqueue_dma source(%dma_start3A_920 : memref<8x128xf32, #tpu.memory_space<vmem>>) target(%dma_start3A_916 : memref<8x128xf32, #tpu.memory_space<hbm>>) target_semaphore(%arg18 : memref<!tpu.dma_semaphore, #tpu.memory_space<semaphore_mem>>)
    } else {
    }
    %add3A_551 = arith.constant 2 : i32
    %add3A_552 = arith.addi %rem3A_17, %add3A_551 : i32
    %lt3A_553 = arith.cmpi slt, %add3A_552, %squeeze3A_541 : i32
    %and3A_554 = arith.andi %eq3A_543, %lt3A_553 : i1
    %convert_element_type3A_555 = arith.extui %and3A_554 : i1 to i32
    %cond3A_556 = arith.constant 0 : i32
    %cond3A_557 = arith.cmpi ne, %convert_element_type3A_555, %cond3A_556 : i32
    scf.if %cond3A_557 {
      %add3A_883 = arith.addi %squeeze3A_539, %add3A_552 : i32
      %dma_start3A_884 = arith.constant 1 : i32
      %dma_start3A_885 = arith.constant 6 : i32
      %dma_start3A_886 = arith.constant 0 : i32
      %dma_start3A_887 = arith.constant 0 : i32
      %dma_start3A_888 = tpu.memref_slice %arg14[%dma_start3A_884, %dma_start3A_886, %dma_start3A_887] : memref<4x8x128xf32, #tpu.memory_space<vmem>> -> memref<1x8x128xf32, #tpu.memory_space<vmem>>
      %dma_start3A_889 = tpu.memref_squeeze %dma_start3A_888 : memref<1x8x128xf32, #tpu.memory_space<vmem>> -> memref<8x128xf32, #tpu.memory_space<vmem>>
      %dma_start3A_890 = arith.constant 0 : i32
      %dma_start3A_891 = arith.constant 0 : i32
      %dma_start3A_892 = tpu.memref_slice %arg6[%dma_start3A_885, %add3A_883, %dma_start3A_890, %dma_start3A_891] : memref<8x4096x8x128xf32, #tpu.memory_space<hbm>> -> memref<1x1x8x128xf32, #tpu.memory_space<hbm>>
      %dma_start3A_893 = tpu.memref_squeeze %dma_start3A_892 : memref<1x1x8x128xf32, #tpu.memory_space<hbm>> -> memref<8x128xf32, #tpu.memory_space<hbm>>
      %dma_start3A_894 = arith.constant 0 : i32
      %dma_start3A_895 = arith.constant 0 : i32
      %dma_start3A_896 = tpu.memref_slice %arg6[%dma_start3A_885, %add3A_883, %dma_start3A_894, %dma_start3A_895] : memref<8x4096x8x128xf32, #tpu.memory_space<hbm>> -> memref<1x1x8x128xf32, #tpu.memory_space<hbm>>
      %dma_start3A_897 = tpu.memref_squeeze %dma_start3A_896 : memref<1x1x8x128xf32, #tpu.memory_space<hbm>> -> memref<8x128xf32, #tpu.memory_space<hbm>>
      %dma_start3A_898 = arith.constant 0 : i32
      %dma_start3A_899 = arith.constant 0 : i32
      %dma_start3A_900 = tpu.memref_slice %arg14[%dma_start3A_884, %dma_start3A_898, %dma_start3A_899] : memref<4x8x128xf32, #tpu.memory_space<vmem>> -> memref<1x8x128xf32, #tpu.memory_space<vmem>>
      %dma_start3A_901 = tpu.memref_squeeze %dma_start3A_900 : memref<1x8x128xf32, #tpu.memory_space<vmem>> -> memref<8x128xf32, #tpu.memory_space<vmem>>
      tpu.enqueue_dma source(%dma_start3A_901 : memref<8x128xf32, #tpu.memory_space<vmem>>) target(%dma_start3A_897 : memref<8x128xf32, #tpu.memory_space<hbm>>) target_semaphore(%arg18 : memref<!tpu.dma_semaphore, #tpu.memory_space<semaphore_mem>>)
      %add3A_902 = arith.addi %squeeze3A_539, %add3A_552 : i32
      %dma_start3A_903 = arith.constant 1 : i32
      %dma_start3A_904 = arith.constant 6 : i32
      %dma_start3A_905 = arith.constant 0 : i32
      %dma_start3A_906 = arith.constant 0 : i32
      %dma_start3A_907 = tpu.memref_slice %arg15[%dma_start3A_903, %dma_start3A_905, %dma_start3A_906] : memref<4x8x128xf32, #tpu.memory_space<vmem>> -> memref<1x8x128xf32, #tpu.memory_space<vmem>>
      %dma_start3A_908 = tpu.memref_squeeze %dma_start3A_907 : memref<1x8x128xf32, #tpu.memory_space<vmem>> -> memref<8x128xf32, #tpu.memory_space<vmem>>
      %dma_start3A_909 = arith.constant 0 : i32
      %dma_start3A_910 = arith.constant 0 : i32
      %dma_start3A_911 = tpu.memref_slice %arg7[%dma_start3A_904, %add3A_902, %dma_start3A_909, %dma_start3A_910] : memref<8x4096x8x128xf32, #tpu.memory_space<hbm>> -> memref<1x1x8x128xf32, #tpu.memory_space<hbm>>
      %dma_start3A_912 = tpu.memref_squeeze %dma_start3A_911 : memref<1x1x8x128xf32, #tpu.memory_space<hbm>> -> memref<8x128xf32, #tpu.memory_space<hbm>>
      %dma_start3A_913 = arith.constant 0 : i32
      %dma_start3A_914 = arith.constant 0 : i32
      %dma_start3A_915 = tpu.memref_slice %arg7[%dma_start3A_904, %add3A_902, %dma_start3A_913, %dma_start3A_914] : memref<8x4096x8x128xf32, #tpu.memory_space<hbm>> -> memref<1x1x8x128xf32, #tpu.memory_space<hbm>>
      %dma_start3A_916 = tpu.memref_squeeze %dma_start3A_915 : memref<1x1x8x128xf32, #tpu.memory_space<hbm>> -> memref<8x128xf32, #tpu.memory_space<hbm>>
      %dma_start3A_917 = arith.constant 0 : i32
      %dma_start3A_918 = arith.constant 0 : i32
      %dma_start3A_919 = tpu.memref_slice %arg15[%dma_start3A_903, %dma_start3A_917, %dma_start3A_918] : memref<4x8x128xf32, #tpu.memory_space<vmem>> -> memref<1x8x128xf32, #tpu.memory_space<vmem>>
      %dma_start3A_920 = tpu.memref_squeeze %dma_start3A_919 : memref<1x8x128xf32, #tpu.memory_space<vmem>> -> memref<8x128xf32, #tpu.memory_space<vmem>>
      tpu.enqueue_dma source(%dma_start3A_920 : memref<8x128xf32, #tpu.memory_space<vmem>>) target(%dma_start3A_916 : memref<8x128xf32, #tpu.memory_space<hbm>>) target_semaphore(%arg18 : memref<!tpu.dma_semaphore, #tpu.memory_space<semaphore_mem>>)
    } else {
    }
    %add3A_558 = arith.constant 4 : i32
    %add3A_559 = arith.addi %rem3A_17, %add3A_558 : i32
    %lt3A_560 = arith.cmpi slt, %add3A_559, %squeeze3A_541 : i32
    %and3A_561 = arith.andi %eq3A_543, %lt3A_560 : i1
    %convert_element_type3A_562 = arith.extui %and3A_561 : i1 to i32
    %cond3A_563 = arith.constant 0 : i32
    %cond3A_564 = arith.cmpi ne, %convert_element_type3A_562, %cond3A_563 : i32
    scf.if %cond3A_564 {
      %add3A_883 = arith.addi %squeeze3A_539, %add3A_559 : i32
      %dma_start3A_884 = arith.constant 2 : i32
      %dma_start3A_885 = arith.constant 6 : i32
      %dma_start3A_886 = arith.constant 0 : i32
      %dma_start3A_887 = arith.constant 0 : i32
      %dma_start3A_888 = tpu.memref_slice %arg14[%dma_start3A_884, %dma_start3A_886, %dma_start3A_887] : memref<4x8x128xf32, #tpu.memory_space<vmem>> -> memref<1x8x128xf32, #tpu.memory_space<vmem>>
      %dma_start3A_889 = tpu.memref_squeeze %dma_start3A_888 : memref<1x8x128xf32, #tpu.memory_space<vmem>> -> memref<8x128xf32, #tpu.memory_space<vmem>>
      %dma_start3A_890 = arith.constant 0 : i32
      %dma_start3A_891 = arith.constant 0 : i32
      %dma_start3A_892 = tpu.memref_slice %arg6[%dma_start3A_885, %add3A_883, %dma_start3A_890, %dma_start3A_891] : memref<8x4096x8x128xf32, #tpu.memory_space<hbm>> -> memref<1x1x8x128xf32, #tpu.memory_space<hbm>>
      %dma_start3A_893 = tpu.memref_squeeze %dma_start3A_892 : memref<1x1x8x128xf32, #tpu.memory_space<hbm>> -> memref<8x128xf32, #tpu.memory_space<hbm>>
      %dma_start3A_894 = arith.constant 0 : i32
      %dma_start3A_895 = arith.constant 0 : i32
      %dma_start3A_896 = tpu.memref_slice %arg6[%dma_start3A_885, %add3A_883, %dma_start3A_894, %dma_start3A_895] : memref<8x4096x8x128xf32, #tpu.memory_space<hbm>> -> memref<1x1x8x128xf32, #tpu.memory_space<hbm>>
      %dma_start3A_897 = tpu.memref_squeeze %dma_start3A_896 : memref<1x1x8x128xf32, #tpu.memory_space<hbm>> -> memref<8x128xf32, #tpu.memory_space<hbm>>
      %dma_start3A_898 = arith.constant 0 : i32
      %dma_start3A_899 = arith.constant 0 : i32
      %dma_start3A_900 = tpu.memref_slice %arg14[%dma_start3A_884, %dma_start3A_898, %dma_start3A_899] : memref<4x8x128xf32, #tpu.memory_space<vmem>> -> memref<1x8x128xf32, #tpu.memory_space<vmem>>
      %dma_start3A_901 = tpu.memref_squeeze %dma_start3A_900 : memref<1x8x128xf32, #tpu.memory_space<vmem>> -> memref<8x128xf32, #tpu.memory_space<vmem>>
      tpu.enqueue_dma source(%dma_start3A_901 : memref<8x128xf32, #tpu.memory_space<vmem>>) target(%dma_start3A_897 : memref<8x128xf32, #tpu.memory_space<hbm>>) target_semaphore(%arg18 : memref<!tpu.dma_semaphore, #tpu.memory_space<semaphore_mem>>)
      %add3A_902 = arith.addi %squeeze3A_539, %add3A_559 : i32
      %dma_start3A_903 = arith.constant 2 : i32
      %dma_start3A_904 = arith.constant 6 : i32
      %dma_start3A_905 = arith.constant 0 : i32
      %dma_start3A_906 = arith.constant 0 : i32
      %dma_start3A_907 = tpu.memref_slice %arg15[%dma_start3A_903, %dma_start3A_905, %dma_start3A_906] : memref<4x8x128xf32, #tpu.memory_space<vmem>> -> memref<1x8x128xf32, #tpu.memory_space<vmem>>
      %dma_start3A_908 = tpu.memref_squeeze %dma_start3A_907 : memref<1x8x128xf32, #tpu.memory_space<vmem>> -> memref<8x128xf32, #tpu.memory_space<vmem>>
      %dma_start3A_909 = arith.constant 0 : i32
      %dma_start3A_910 = arith.constant 0 : i32
      %dma_start3A_911 = tpu.memref_slice %arg7[%dma_start3A_904, %add3A_902, %dma_start3A_909, %dma_start3A_910] : memref<8x4096x8x128xf32, #tpu.memory_space<hbm>> -> memref<1x1x8x128xf32, #tpu.memory_space<hbm>>
      %dma_start3A_912 = tpu.memref_squeeze %dma_start3A_911 : memref<1x1x8x128xf32, #tpu.memory_space<hbm>> -> memref<8x128xf32, #tpu.memory_space<hbm>>
      %dma_start3A_913 = arith.constant 0 : i32
      %dma_start3A_914 = arith.constant 0 : i32
      %dma_start3A_915 = tpu.memref_slice %arg7[%dma_start3A_904, %add3A_902, %dma_start3A_913, %dma_start3A_914] : memref<8x4096x8x128xf32, #tpu.memory_space<hbm>> -> memref<1x1x8x128xf32, #tpu.memory_space<hbm>>
      %dma_start3A_916 = tpu.memref_squeeze %dma_start3A_915 : memref<1x1x8x128xf32, #tpu.memory_space<hbm>> -> memref<8x128xf32, #tpu.memory_space<hbm>>
      %dma_start3A_917 = arith.constant 0 : i32
      %dma_start3A_918 = arith.constant 0 : i32
      %dma_start3A_919 = tpu.memref_slice %arg15[%dma_start3A_903, %dma_start3A_917, %dma_start3A_918] : memref<4x8x128xf32, #tpu.memory_space<vmem>> -> memref<1x8x128xf32, #tpu.memory_space<vmem>>
      %dma_start3A_920 = tpu.memref_squeeze %dma_start3A_919 : memref<1x8x128xf32, #tpu.memory_space<vmem>> -> memref<8x128xf32, #tpu.memory_space<vmem>>
      tpu.enqueue_dma source(%dma_start3A_920 : memref<8x128xf32, #tpu.memory_space<vmem>>) target(%dma_start3A_916 : memref<8x128xf32, #tpu.memory_space<hbm>>) target_semaphore(%arg18 : memref<!tpu.dma_semaphore, #tpu.memory_space<semaphore_mem>>)
    } else {
    }
    %add3A_565 = arith.constant 6 : i32
    %add3A_566 = arith.addi %rem3A_17, %add3A_565 : i32
    %lt3A_567 = arith.cmpi slt, %add3A_566, %squeeze3A_541 : i32
    %and3A_568 = arith.andi %eq3A_543, %lt3A_567 : i1
    %convert_element_type3A_569 = arith.extui %and3A_568 : i1 to i32
    %cond3A_570 = arith.constant 0 : i32
    %cond3A_571 = arith.cmpi ne, %convert_element_type3A_569, %cond3A_570 : i32
    scf.if %cond3A_571 {
      %add3A_883 = arith.addi %squeeze3A_539, %add3A_566 : i32
      %dma_start3A_884 = arith.constant 3 : i32
      %dma_start3A_885 = arith.constant 6 : i32
      %dma_start3A_886 = arith.constant 0 : i32
      %dma_start3A_887 = arith.constant 0 : i32
      %dma_start3A_888 = tpu.memref_slice %arg14[%dma_start3A_884, %dma_start3A_886, %dma_start3A_887] : memref<4x8x128xf32, #tpu.memory_space<vmem>> -> memref<1x8x128xf32, #tpu.memory_space<vmem>>
      %dma_start3A_889 = tpu.memref_squeeze %dma_start3A_888 : memref<1x8x128xf32, #tpu.memory_space<vmem>> -> memref<8x128xf32, #tpu.memory_space<vmem>>
      %dma_start3A_890 = arith.constant 0 : i32
      %dma_start3A_891 = arith.constant 0 : i32
      %dma_start3A_892 = tpu.memref_slice %arg6[%dma_start3A_885, %add3A_883, %dma_start3A_890, %dma_start3A_891] : memref<8x4096x8x128xf32, #tpu.memory_space<hbm>> -> memref<1x1x8x128xf32, #tpu.memory_space<hbm>>
      %dma_start3A_893 = tpu.memref_squeeze %dma_start3A_892 : memref<1x1x8x128xf32, #tpu.memory_space<hbm>> -> memref<8x128xf32, #tpu.memory_space<hbm>>
      %dma_start3A_894 = arith.constant 0 : i32
      %dma_start3A_895 = arith.constant 0 : i32
      %dma_start3A_896 = tpu.memref_slice %arg6[%dma_start3A_885, %add3A_883, %dma_start3A_894, %dma_start3A_895] : memref<8x4096x8x128xf32, #tpu.memory_space<hbm>> -> memref<1x1x8x128xf32, #tpu.memory_space<hbm>>
      %dma_start3A_897 = tpu.memref_squeeze %dma_start3A_896 : memref<1x1x8x128xf32, #tpu.memory_space<hbm>> -> memref<8x128xf32, #tpu.memory_space<hbm>>
      %dma_start3A_898 = arith.constant 0 : i32
      %dma_start3A_899 = arith.constant 0 : i32
      %dma_start3A_900 = tpu.memref_slice %arg14[%dma_start3A_884, %dma_start3A_898, %dma_start3A_899] : memref<4x8x128xf32, #tpu.memory_space<vmem>> -> memref<1x8x128xf32, #tpu.memory_space<vmem>>
      %dma_start3A_901 = tpu.memref_squeeze %dma_start3A_900 : memref<1x8x128xf32, #tpu.memory_space<vmem>> -> memref<8x128xf32, #tpu.memory_space<vmem>>
      tpu.enqueue_dma source(%dma_start3A_901 : memref<8x128xf32, #tpu.memory_space<vmem>>) target(%dma_start3A_897 : memref<8x128xf32, #tpu.memory_space<hbm>>) target_semaphore(%arg18 : memref<!tpu.dma_semaphore, #tpu.memory_space<semaphore_mem>>)
      %add3A_902 = arith.addi %squeeze3A_539, %add3A_566 : i32
      %dma_start3A_903 = arith.constant 3 : i32
      %dma_start3A_904 = arith.constant 6 : i32
      %dma_start3A_905 = arith.constant 0 : i32
      %dma_start3A_906 = arith.constant 0 : i32
      %dma_start3A_907 = tpu.memref_slice %arg15[%dma_start3A_903, %dma_start3A_905, %dma_start3A_906] : memref<4x8x128xf32, #tpu.memory_space<vmem>> -> memref<1x8x128xf32, #tpu.memory_space<vmem>>
      %dma_start3A_908 = tpu.memref_squeeze %dma_start3A_907 : memref<1x8x128xf32, #tpu.memory_space<vmem>> -> memref<8x128xf32, #tpu.memory_space<vmem>>
      %dma_start3A_909 = arith.constant 0 : i32
      %dma_start3A_910 = arith.constant 0 : i32
      %dma_start3A_911 = tpu.memref_slice %arg7[%dma_start3A_904, %add3A_902, %dma_start3A_909, %dma_start3A_910] : memref<8x4096x8x128xf32, #tpu.memory_space<hbm>> -> memref<1x1x8x128xf32, #tpu.memory_space<hbm>>
      %dma_start3A_912 = tpu.memref_squeeze %dma_start3A_911 : memref<1x1x8x128xf32, #tpu.memory_space<hbm>> -> memref<8x128xf32, #tpu.memory_space<hbm>>
      %dma_start3A_913 = arith.constant 0 : i32
      %dma_start3A_914 = arith.constant 0 : i32
      %dma_start3A_915 = tpu.memref_slice %arg7[%dma_start3A_904, %add3A_902, %dma_start3A_913, %dma_start3A_914] : memref<8x4096x8x128xf32, #tpu.memory_space<hbm>> -> memref<1x1x8x128xf32, #tpu.memory_space<hbm>>
      %dma_start3A_916 = tpu.memref_squeeze %dma_start3A_915 : memref<1x1x8x128xf32, #tpu.memory_space<hbm>> -> memref<8x128xf32, #tpu.memory_space<hbm>>
      %dma_start3A_917 = arith.constant 0 : i32
      %dma_start3A_918 = arith.constant 0 : i32
      %dma_start3A_919 = tpu.memref_slice %arg15[%dma_start3A_903, %dma_start3A_917, %dma_start3A_918] : memref<4x8x128xf32, #tpu.memory_space<vmem>> -> memref<1x8x128xf32, #tpu.memory_space<vmem>>
      %dma_start3A_920 = tpu.memref_squeeze %dma_start3A_919 : memref<1x8x128xf32, #tpu.memory_space<vmem>> -> memref<8x128xf32, #tpu.memory_space<vmem>>
      tpu.enqueue_dma source(%dma_start3A_920 : memref<8x128xf32, #tpu.memory_space<vmem>>) target(%dma_start3A_916 : memref<8x128xf32, #tpu.memory_space<hbm>>) target_semaphore(%arg18 : memref<!tpu.dma_semaphore, #tpu.memory_space<semaphore_mem>>)
    } else {
    }
    %slice3A_572 = vector.extract_strided_slice %get3A_184 {offsets = [7], sizes = [1], strides = [1]} : vector<16xi32> to vector<1xi32>
    %squeeze3A_573 = vector.extract %slice3A_572[0] : i32 from vector<1xi32>
    %slice3A_574 = vector.extract_strided_slice %get3A_187 {offsets = [7], sizes = [1], strides = [1]} : vector<16xi32> to vector<1xi32>
    %squeeze3A_575 = vector.extract %slice3A_574[0] : i32 from vector<1xi32>
    %eq3A_576 = arith.constant 7 : i32
    %eq3A_577 = arith.cmpi eq, %select_n3A, %eq3A_576 : i32
    %add3A_578 = arith.constant 0 : i32
    %add3A_579 = arith.addi %rem3A_17, %add3A_578 : i32
    %lt3A_580 = arith.cmpi slt, %add3A_579, %squeeze3A_575 : i32
    %and3A_581 = arith.andi %eq3A_577, %lt3A_580 : i1
    %convert_element_type3A_582 = arith.extui %and3A_581 : i1 to i32
    %cond3A_583 = arith.constant 0 : i32
    %cond3A_584 = arith.cmpi ne, %convert_element_type3A_582, %cond3A_583 : i32
    scf.if %cond3A_584 {
      %add3A_883 = arith.addi %squeeze3A_573, %add3A_579 : i32
      %dma_start3A_884 = arith.constant 0 : i32
      %dma_start3A_885 = arith.constant 7 : i32
      %dma_start3A_886 = arith.constant 0 : i32
      %dma_start3A_887 = arith.constant 0 : i32
      %dma_start3A_888 = tpu.memref_slice %arg14[%dma_start3A_884, %dma_start3A_886, %dma_start3A_887] : memref<4x8x128xf32, #tpu.memory_space<vmem>> -> memref<1x8x128xf32, #tpu.memory_space<vmem>>
      %dma_start3A_889 = tpu.memref_squeeze %dma_start3A_888 : memref<1x8x128xf32, #tpu.memory_space<vmem>> -> memref<8x128xf32, #tpu.memory_space<vmem>>
      %dma_start3A_890 = arith.constant 0 : i32
      %dma_start3A_891 = arith.constant 0 : i32
      %dma_start3A_892 = tpu.memref_slice %arg6[%dma_start3A_885, %add3A_883, %dma_start3A_890, %dma_start3A_891] : memref<8x4096x8x128xf32, #tpu.memory_space<hbm>> -> memref<1x1x8x128xf32, #tpu.memory_space<hbm>>
      %dma_start3A_893 = tpu.memref_squeeze %dma_start3A_892 : memref<1x1x8x128xf32, #tpu.memory_space<hbm>> -> memref<8x128xf32, #tpu.memory_space<hbm>>
      %dma_start3A_894 = arith.constant 0 : i32
      %dma_start3A_895 = arith.constant 0 : i32
      %dma_start3A_896 = tpu.memref_slice %arg6[%dma_start3A_885, %add3A_883, %dma_start3A_894, %dma_start3A_895] : memref<8x4096x8x128xf32, #tpu.memory_space<hbm>> -> memref<1x1x8x128xf32, #tpu.memory_space<hbm>>
      %dma_start3A_897 = tpu.memref_squeeze %dma_start3A_896 : memref<1x1x8x128xf32, #tpu.memory_space<hbm>> -> memref<8x128xf32, #tpu.memory_space<hbm>>
      %dma_start3A_898 = arith.constant 0 : i32
      %dma_start3A_899 = arith.constant 0 : i32
      %dma_start3A_900 = tpu.memref_slice %arg14[%dma_start3A_884, %dma_start3A_898, %dma_start3A_899] : memref<4x8x128xf32, #tpu.memory_space<vmem>> -> memref<1x8x128xf32, #tpu.memory_space<vmem>>
      %dma_start3A_901 = tpu.memref_squeeze %dma_start3A_900 : memref<1x8x128xf32, #tpu.memory_space<vmem>> -> memref<8x128xf32, #tpu.memory_space<vmem>>
      tpu.enqueue_dma source(%dma_start3A_901 : memref<8x128xf32, #tpu.memory_space<vmem>>) target(%dma_start3A_897 : memref<8x128xf32, #tpu.memory_space<hbm>>) target_semaphore(%arg18 : memref<!tpu.dma_semaphore, #tpu.memory_space<semaphore_mem>>)
      %add3A_902 = arith.addi %squeeze3A_573, %add3A_579 : i32
      %dma_start3A_903 = arith.constant 0 : i32
      %dma_start3A_904 = arith.constant 7 : i32
      %dma_start3A_905 = arith.constant 0 : i32
      %dma_start3A_906 = arith.constant 0 : i32
      %dma_start3A_907 = tpu.memref_slice %arg15[%dma_start3A_903, %dma_start3A_905, %dma_start3A_906] : memref<4x8x128xf32, #tpu.memory_space<vmem>> -> memref<1x8x128xf32, #tpu.memory_space<vmem>>
      %dma_start3A_908 = tpu.memref_squeeze %dma_start3A_907 : memref<1x8x128xf32, #tpu.memory_space<vmem>> -> memref<8x128xf32, #tpu.memory_space<vmem>>
      %dma_start3A_909 = arith.constant 0 : i32
      %dma_start3A_910 = arith.constant 0 : i32
      %dma_start3A_911 = tpu.memref_slice %arg7[%dma_start3A_904, %add3A_902, %dma_start3A_909, %dma_start3A_910] : memref<8x4096x8x128xf32, #tpu.memory_space<hbm>> -> memref<1x1x8x128xf32, #tpu.memory_space<hbm>>
      %dma_start3A_912 = tpu.memref_squeeze %dma_start3A_911 : memref<1x1x8x128xf32, #tpu.memory_space<hbm>> -> memref<8x128xf32, #tpu.memory_space<hbm>>
      %dma_start3A_913 = arith.constant 0 : i32
      %dma_start3A_914 = arith.constant 0 : i32
      %dma_start3A_915 = tpu.memref_slice %arg7[%dma_start3A_904, %add3A_902, %dma_start3A_913, %dma_start3A_914] : memref<8x4096x8x128xf32, #tpu.memory_space<hbm>> -> memref<1x1x8x128xf32, #tpu.memory_space<hbm>>
      %dma_start3A_916 = tpu.memref_squeeze %dma_start3A_915 : memref<1x1x8x128xf32, #tpu.memory_space<hbm>> -> memref<8x128xf32, #tpu.memory_space<hbm>>
      %dma_start3A_917 = arith.constant 0 : i32
      %dma_start3A_918 = arith.constant 0 : i32
      %dma_start3A_919 = tpu.memref_slice %arg15[%dma_start3A_903, %dma_start3A_917, %dma_start3A_918] : memref<4x8x128xf32, #tpu.memory_space<vmem>> -> memref<1x8x128xf32, #tpu.memory_space<vmem>>
      %dma_start3A_920 = tpu.memref_squeeze %dma_start3A_919 : memref<1x8x128xf32, #tpu.memory_space<vmem>> -> memref<8x128xf32, #tpu.memory_space<vmem>>
      tpu.enqueue_dma source(%dma_start3A_920 : memref<8x128xf32, #tpu.memory_space<vmem>>) target(%dma_start3A_916 : memref<8x128xf32, #tpu.memory_space<hbm>>) target_semaphore(%arg18 : memref<!tpu.dma_semaphore, #tpu.memory_space<semaphore_mem>>)
    } else {
    }
    %add3A_585 = arith.constant 2 : i32
    %add3A_586 = arith.addi %rem3A_17, %add3A_585 : i32
    %lt3A_587 = arith.cmpi slt, %add3A_586, %squeeze3A_575 : i32
    %and3A_588 = arith.andi %eq3A_577, %lt3A_587 : i1
    %convert_element_type3A_589 = arith.extui %and3A_588 : i1 to i32
    %cond3A_590 = arith.constant 0 : i32
    %cond3A_591 = arith.cmpi ne, %convert_element_type3A_589, %cond3A_590 : i32
    scf.if %cond3A_591 {
      %add3A_883 = arith.addi %squeeze3A_573, %add3A_586 : i32
      %dma_start3A_884 = arith.constant 1 : i32
      %dma_start3A_885 = arith.constant 7 : i32
      %dma_start3A_886 = arith.constant 0 : i32
      %dma_start3A_887 = arith.constant 0 : i32
      %dma_start3A_888 = tpu.memref_slice %arg14[%dma_start3A_884, %dma_start3A_886, %dma_start3A_887] : memref<4x8x128xf32, #tpu.memory_space<vmem>> -> memref<1x8x128xf32, #tpu.memory_space<vmem>>
      %dma_start3A_889 = tpu.memref_squeeze %dma_start3A_888 : memref<1x8x128xf32, #tpu.memory_space<vmem>> -> memref<8x128xf32, #tpu.memory_space<vmem>>
      %dma_start3A_890 = arith.constant 0 : i32
      %dma_start3A_891 = arith.constant 0 : i32
      %dma_start3A_892 = tpu.memref_slice %arg6[%dma_start3A_885, %add3A_883, %dma_start3A_890, %dma_start3A_891] : memref<8x4096x8x128xf32, #tpu.memory_space<hbm>> -> memref<1x1x8x128xf32, #tpu.memory_space<hbm>>
      %dma_start3A_893 = tpu.memref_squeeze %dma_start3A_892 : memref<1x1x8x128xf32, #tpu.memory_space<hbm>> -> memref<8x128xf32, #tpu.memory_space<hbm>>
      %dma_start3A_894 = arith.constant 0 : i32
      %dma_start3A_895 = arith.constant 0 : i32
      %dma_start3A_896 = tpu.memref_slice %arg6[%dma_start3A_885, %add3A_883, %dma_start3A_894, %dma_start3A_895] : memref<8x4096x8x128xf32, #tpu.memory_space<hbm>> -> memref<1x1x8x128xf32, #tpu.memory_space<hbm>>
      %dma_start3A_897 = tpu.memref_squeeze %dma_start3A_896 : memref<1x1x8x128xf32, #tpu.memory_space<hbm>> -> memref<8x128xf32, #tpu.memory_space<hbm>>
      %dma_start3A_898 = arith.constant 0 : i32
      %dma_start3A_899 = arith.constant 0 : i32
      %dma_start3A_900 = tpu.memref_slice %arg14[%dma_start3A_884, %dma_start3A_898, %dma_start3A_899] : memref<4x8x128xf32, #tpu.memory_space<vmem>> -> memref<1x8x128xf32, #tpu.memory_space<vmem>>
      %dma_start3A_901 = tpu.memref_squeeze %dma_start3A_900 : memref<1x8x128xf32, #tpu.memory_space<vmem>> -> memref<8x128xf32, #tpu.memory_space<vmem>>
      tpu.enqueue_dma source(%dma_start3A_901 : memref<8x128xf32, #tpu.memory_space<vmem>>) target(%dma_start3A_897 : memref<8x128xf32, #tpu.memory_space<hbm>>) target_semaphore(%arg18 : memref<!tpu.dma_semaphore, #tpu.memory_space<semaphore_mem>>)
      %add3A_902 = arith.addi %squeeze3A_573, %add3A_586 : i32
      %dma_start3A_903 = arith.constant 1 : i32
      %dma_start3A_904 = arith.constant 7 : i32
      %dma_start3A_905 = arith.constant 0 : i32
      %dma_start3A_906 = arith.constant 0 : i32
      %dma_start3A_907 = tpu.memref_slice %arg15[%dma_start3A_903, %dma_start3A_905, %dma_start3A_906] : memref<4x8x128xf32, #tpu.memory_space<vmem>> -> memref<1x8x128xf32, #tpu.memory_space<vmem>>
      %dma_start3A_908 = tpu.memref_squeeze %dma_start3A_907 : memref<1x8x128xf32, #tpu.memory_space<vmem>> -> memref<8x128xf32, #tpu.memory_space<vmem>>
      %dma_start3A_909 = arith.constant 0 : i32
      %dma_start3A_910 = arith.constant 0 : i32
      %dma_start3A_911 = tpu.memref_slice %arg7[%dma_start3A_904, %add3A_902, %dma_start3A_909, %dma_start3A_910] : memref<8x4096x8x128xf32, #tpu.memory_space<hbm>> -> memref<1x1x8x128xf32, #tpu.memory_space<hbm>>
      %dma_start3A_912 = tpu.memref_squeeze %dma_start3A_911 : memref<1x1x8x128xf32, #tpu.memory_space<hbm>> -> memref<8x128xf32, #tpu.memory_space<hbm>>
      %dma_start3A_913 = arith.constant 0 : i32
      %dma_start3A_914 = arith.constant 0 : i32
      %dma_start3A_915 = tpu.memref_slice %arg7[%dma_start3A_904, %add3A_902, %dma_start3A_913, %dma_start3A_914] : memref<8x4096x8x128xf32, #tpu.memory_space<hbm>> -> memref<1x1x8x128xf32, #tpu.memory_space<hbm>>
      %dma_start3A_916 = tpu.memref_squeeze %dma_start3A_915 : memref<1x1x8x128xf32, #tpu.memory_space<hbm>> -> memref<8x128xf32, #tpu.memory_space<hbm>>
      %dma_start3A_917 = arith.constant 0 : i32
      %dma_start3A_918 = arith.constant 0 : i32
      %dma_start3A_919 = tpu.memref_slice %arg15[%dma_start3A_903, %dma_start3A_917, %dma_start3A_918] : memref<4x8x128xf32, #tpu.memory_space<vmem>> -> memref<1x8x128xf32, #tpu.memory_space<vmem>>
      %dma_start3A_920 = tpu.memref_squeeze %dma_start3A_919 : memref<1x8x128xf32, #tpu.memory_space<vmem>> -> memref<8x128xf32, #tpu.memory_space<vmem>>
      tpu.enqueue_dma source(%dma_start3A_920 : memref<8x128xf32, #tpu.memory_space<vmem>>) target(%dma_start3A_916 : memref<8x128xf32, #tpu.memory_space<hbm>>) target_semaphore(%arg18 : memref<!tpu.dma_semaphore, #tpu.memory_space<semaphore_mem>>)
    } else {
    }
    %add3A_592 = arith.constant 4 : i32
    %add3A_593 = arith.addi %rem3A_17, %add3A_592 : i32
    %lt3A_594 = arith.cmpi slt, %add3A_593, %squeeze3A_575 : i32
    %and3A_595 = arith.andi %eq3A_577, %lt3A_594 : i1
    %convert_element_type3A_596 = arith.extui %and3A_595 : i1 to i32
    %cond3A_597 = arith.constant 0 : i32
    %cond3A_598 = arith.cmpi ne, %convert_element_type3A_596, %cond3A_597 : i32
    scf.if %cond3A_598 {
      %add3A_883 = arith.addi %squeeze3A_573, %add3A_593 : i32
      %dma_start3A_884 = arith.constant 2 : i32
      %dma_start3A_885 = arith.constant 7 : i32
      %dma_start3A_886 = arith.constant 0 : i32
      %dma_start3A_887 = arith.constant 0 : i32
      %dma_start3A_888 = tpu.memref_slice %arg14[%dma_start3A_884, %dma_start3A_886, %dma_start3A_887] : memref<4x8x128xf32, #tpu.memory_space<vmem>> -> memref<1x8x128xf32, #tpu.memory_space<vmem>>
      %dma_start3A_889 = tpu.memref_squeeze %dma_start3A_888 : memref<1x8x128xf32, #tpu.memory_space<vmem>> -> memref<8x128xf32, #tpu.memory_space<vmem>>
      %dma_start3A_890 = arith.constant 0 : i32
      %dma_start3A_891 = arith.constant 0 : i32
      %dma_start3A_892 = tpu.memref_slice %arg6[%dma_start3A_885, %add3A_883, %dma_start3A_890, %dma_start3A_891] : memref<8x4096x8x128xf32, #tpu.memory_space<hbm>> -> memref<1x1x8x128xf32, #tpu.memory_space<hbm>>
      %dma_start3A_893 = tpu.memref_squeeze %dma_start3A_892 : memref<1x1x8x128xf32, #tpu.memory_space<hbm>> -> memref<8x128xf32, #tpu.memory_space<hbm>>
      %dma_start3A_894 = arith.constant 0 : i32
      %dma_start3A_895 = arith.constant 0 : i32
      %dma_start3A_896 = tpu.memref_slice %arg6[%dma_start3A_885, %add3A_883, %dma_start3A_894, %dma_start3A_895] : memref<8x4096x8x128xf32, #tpu.memory_space<hbm>> -> memref<1x1x8x128xf32, #tpu.memory_space<hbm>>
      %dma_start3A_897 = tpu.memref_squeeze %dma_start3A_896 : memref<1x1x8x128xf32, #tpu.memory_space<hbm>> -> memref<8x128xf32, #tpu.memory_space<hbm>>
      %dma_start3A_898 = arith.constant 0 : i32
      %dma_start3A_899 = arith.constant 0 : i32
      %dma_start3A_900 = tpu.memref_slice %arg14[%dma_start3A_884, %dma_start3A_898, %dma_start3A_899] : memref<4x8x128xf32, #tpu.memory_space<vmem>> -> memref<1x8x128xf32, #tpu.memory_space<vmem>>
      %dma_start3A_901 = tpu.memref_squeeze %dma_start3A_900 : memref<1x8x128xf32, #tpu.memory_space<vmem>> -> memref<8x128xf32, #tpu.memory_space<vmem>>
      tpu.enqueue_dma source(%dma_start3A_901 : memref<8x128xf32, #tpu.memory_space<vmem>>) target(%dma_start3A_897 : memref<8x128xf32, #tpu.memory_space<hbm>>) target_semaphore(%arg18 : memref<!tpu.dma_semaphore, #tpu.memory_space<semaphore_mem>>)
      %add3A_902 = arith.addi %squeeze3A_573, %add3A_593 : i32
      %dma_start3A_903 = arith.constant 2 : i32
      %dma_start3A_904 = arith.constant 7 : i32
      %dma_start3A_905 = arith.constant 0 : i32
      %dma_start3A_906 = arith.constant 0 : i32
      %dma_start3A_907 = tpu.memref_slice %arg15[%dma_start3A_903, %dma_start3A_905, %dma_start3A_906] : memref<4x8x128xf32, #tpu.memory_space<vmem>> -> memref<1x8x128xf32, #tpu.memory_space<vmem>>
      %dma_start3A_908 = tpu.memref_squeeze %dma_start3A_907 : memref<1x8x128xf32, #tpu.memory_space<vmem>> -> memref<8x128xf32, #tpu.memory_space<vmem>>
      %dma_start3A_909 = arith.constant 0 : i32
      %dma_start3A_910 = arith.constant 0 : i32
      %dma_start3A_911 = tpu.memref_slice %arg7[%dma_start3A_904, %add3A_902, %dma_start3A_909, %dma_start3A_910] : memref<8x4096x8x128xf32, #tpu.memory_space<hbm>> -> memref<1x1x8x128xf32, #tpu.memory_space<hbm>>
      %dma_start3A_912 = tpu.memref_squeeze %dma_start3A_911 : memref<1x1x8x128xf32, #tpu.memory_space<hbm>> -> memref<8x128xf32, #tpu.memory_space<hbm>>
      %dma_start3A_913 = arith.constant 0 : i32
      %dma_start3A_914 = arith.constant 0 : i32
      %dma_start3A_915 = tpu.memref_slice %arg7[%dma_start3A_904, %add3A_902, %dma_start3A_913, %dma_start3A_914] : memref<8x4096x8x128xf32, #tpu.memory_space<hbm>> -> memref<1x1x8x128xf32, #tpu.memory_space<hbm>>
      %dma_start3A_916 = tpu.memref_squeeze %dma_start3A_915 : memref<1x1x8x128xf32, #tpu.memory_space<hbm>> -> memref<8x128xf32, #tpu.memory_space<hbm>>
      %dma_start3A_917 = arith.constant 0 : i32
      %dma_start3A_918 = arith.constant 0 : i32
      %dma_start3A_919 = tpu.memref_slice %arg15[%dma_start3A_903, %dma_start3A_917, %dma_start3A_918] : memref<4x8x128xf32, #tpu.memory_space<vmem>> -> memref<1x8x128xf32, #tpu.memory_space<vmem>>
      %dma_start3A_920 = tpu.memref_squeeze %dma_start3A_919 : memref<1x8x128xf32, #tpu.memory_space<vmem>> -> memref<8x128xf32, #tpu.memory_space<vmem>>
      tpu.enqueue_dma source(%dma_start3A_920 : memref<8x128xf32, #tpu.memory_space<vmem>>) target(%dma_start3A_916 : memref<8x128xf32, #tpu.memory_space<hbm>>) target_semaphore(%arg18 : memref<!tpu.dma_semaphore, #tpu.memory_space<semaphore_mem>>)
    } else {
    }
    %add3A_599 = arith.constant 6 : i32
    %add3A_600 = arith.addi %rem3A_17, %add3A_599 : i32
    %lt3A_601 = arith.cmpi slt, %add3A_600, %squeeze3A_575 : i32
    %and3A_602 = arith.andi %eq3A_577, %lt3A_601 : i1
    %convert_element_type3A_603 = arith.extui %and3A_602 : i1 to i32
    %cond3A_604 = arith.constant 0 : i32
    %cond3A_605 = arith.cmpi ne, %convert_element_type3A_603, %cond3A_604 : i32
    scf.if %cond3A_605 {
      %add3A_883 = arith.addi %squeeze3A_573, %add3A_600 : i32
      %dma_start3A_884 = arith.constant 3 : i32
      %dma_start3A_885 = arith.constant 7 : i32
      %dma_start3A_886 = arith.constant 0 : i32
      %dma_start3A_887 = arith.constant 0 : i32
      %dma_start3A_888 = tpu.memref_slice %arg14[%dma_start3A_884, %dma_start3A_886, %dma_start3A_887] : memref<4x8x128xf32, #tpu.memory_space<vmem>> -> memref<1x8x128xf32, #tpu.memory_space<vmem>>
      %dma_start3A_889 = tpu.memref_squeeze %dma_start3A_888 : memref<1x8x128xf32, #tpu.memory_space<vmem>> -> memref<8x128xf32, #tpu.memory_space<vmem>>
      %dma_start3A_890 = arith.constant 0 : i32
      %dma_start3A_891 = arith.constant 0 : i32
      %dma_start3A_892 = tpu.memref_slice %arg6[%dma_start3A_885, %add3A_883, %dma_start3A_890, %dma_start3A_891] : memref<8x4096x8x128xf32, #tpu.memory_space<hbm>> -> memref<1x1x8x128xf32, #tpu.memory_space<hbm>>
      %dma_start3A_893 = tpu.memref_squeeze %dma_start3A_892 : memref<1x1x8x128xf32, #tpu.memory_space<hbm>> -> memref<8x128xf32, #tpu.memory_space<hbm>>
      %dma_start3A_894 = arith.constant 0 : i32
      %dma_start3A_895 = arith.constant 0 : i32
      %dma_start3A_896 = tpu.memref_slice %arg6[%dma_start3A_885, %add3A_883, %dma_start3A_894, %dma_start3A_895] : memref<8x4096x8x128xf32, #tpu.memory_space<hbm>> -> memref<1x1x8x128xf32, #tpu.memory_space<hbm>>
      %dma_start3A_897 = tpu.memref_squeeze %dma_start3A_896 : memref<1x1x8x128xf32, #tpu.memory_space<hbm>> -> memref<8x128xf32, #tpu.memory_space<hbm>>
      %dma_start3A_898 = arith.constant 0 : i32
      %dma_start3A_899 = arith.constant 0 : i32
      %dma_start3A_900 = tpu.memref_slice %arg14[%dma_start3A_884, %dma_start3A_898, %dma_start3A_899] : memref<4x8x128xf32, #tpu.memory_space<vmem>> -> memref<1x8x128xf32, #tpu.memory_space<vmem>>
      %dma_start3A_901 = tpu.memref_squeeze %dma_start3A_900 : memref<1x8x128xf32, #tpu.memory_space<vmem>> -> memref<8x128xf32, #tpu.memory_space<vmem>>
      tpu.enqueue_dma source(%dma_start3A_901 : memref<8x128xf32, #tpu.memory_space<vmem>>) target(%dma_start3A_897 : memref<8x128xf32, #tpu.memory_space<hbm>>) target_semaphore(%arg18 : memref<!tpu.dma_semaphore, #tpu.memory_space<semaphore_mem>>)
      %add3A_902 = arith.addi %squeeze3A_573, %add3A_600 : i32
      %dma_start3A_903 = arith.constant 3 : i32
      %dma_start3A_904 = arith.constant 7 : i32
      %dma_start3A_905 = arith.constant 0 : i32
      %dma_start3A_906 = arith.constant 0 : i32
      %dma_start3A_907 = tpu.memref_slice %arg15[%dma_start3A_903, %dma_start3A_905, %dma_start3A_906] : memref<4x8x128xf32, #tpu.memory_space<vmem>> -> memref<1x8x128xf32, #tpu.memory_space<vmem>>
      %dma_start3A_908 = tpu.memref_squeeze %dma_start3A_907 : memref<1x8x128xf32, #tpu.memory_space<vmem>> -> memref<8x128xf32, #tpu.memory_space<vmem>>
      %dma_start3A_909 = arith.constant 0 : i32
      %dma_start3A_910 = arith.constant 0 : i32
      %dma_start3A_911 = tpu.memref_slice %arg7[%dma_start3A_904, %add3A_902, %dma_start3A_909, %dma_start3A_910] : memref<8x4096x8x128xf32, #tpu.memory_space<hbm>> -> memref<1x1x8x128xf32, #tpu.memory_space<hbm>>
      %dma_start3A_912 = tpu.memref_squeeze %dma_start3A_911 : memref<1x1x8x128xf32, #tpu.memory_space<hbm>> -> memref<8x128xf32, #tpu.memory_space<hbm>>
      %dma_start3A_913 = arith.constant 0 : i32
      %dma_start3A_914 = arith.constant 0 : i32
      %dma_start3A_915 = tpu.memref_slice %arg7[%dma_start3A_904, %add3A_902, %dma_start3A_913, %dma_start3A_914] : memref<8x4096x8x128xf32, #tpu.memory_space<hbm>> -> memref<1x1x8x128xf32, #tpu.memory_space<hbm>>
      %dma_start3A_916 = tpu.memref_squeeze %dma_start3A_915 : memref<1x1x8x128xf32, #tpu.memory_space<hbm>> -> memref<8x128xf32, #tpu.memory_space<hbm>>
      %dma_start3A_917 = arith.constant 0 : i32
      %dma_start3A_918 = arith.constant 0 : i32
      %dma_start3A_919 = tpu.memref_slice %arg15[%dma_start3A_903, %dma_start3A_917, %dma_start3A_918] : memref<4x8x128xf32, #tpu.memory_space<vmem>> -> memref<1x8x128xf32, #tpu.memory_space<vmem>>
      %dma_start3A_920 = tpu.memref_squeeze %dma_start3A_919 : memref<1x8x128xf32, #tpu.memory_space<vmem>> -> memref<8x128xf32, #tpu.memory_space<vmem>>
      tpu.enqueue_dma source(%dma_start3A_920 : memref<8x128xf32, #tpu.memory_space<vmem>>) target(%dma_start3A_916 : memref<8x128xf32, #tpu.memory_space<hbm>>) target_semaphore(%arg18 : memref<!tpu.dma_semaphore, #tpu.memory_space<semaphore_mem>>)
    } else {
    }
    %eq3A_606 = arith.constant 0 : i32
    %eq3A_607 = arith.cmpi eq, %arg1, %eq3A_606 : i32
    %convert_element_type3A_608 = arith.extui %eq3A_607 : i1 to i32
    %cond3A_609 = arith.constant 0 : i32
    %cond3A_610 = arith.cmpi ne, %convert_element_type3A_608, %cond3A_609 : i32
    scf.if %cond3A_610 {
      %add3A_883 = arith.addi %get3A_184, %get3A_187 : vector<16xi32>
      %swap3A = arith.constant 0 : index
      %swap3A_884 = tpu.vector_load %arg13[%swap3A] {strides = array<i32>} : memref<16xi32, #tpu.memory_space<vmem>>, vector<16xi32>,
      %swap3A_885 = vector.shape_cast %swap3A_884 : vector<16xi32> to vector<16xi32>
      %swap3A_886 = vector.shape_cast %add3A_883 : vector<16xi32> to vector<16xi32>
      tpu.vector_store %arg13[%swap3A], %swap3A_886 {strides = array<i32>} : memref<16xi32, #tpu.memory_space<vmem>>, vector<16xi32>,
      "tpu.region"() ({
        %run_scoped3A = tpu.sem_alloc : memref<!tpu.dma_semaphore, #tpu.memory_space<semaphore_mem>>
        %dma_start3A_887 = arith.constant 0 : i32
        %dma_start3A_888 = tpu.memref_slice %arg13[%dma_start3A_887] : memref<16xi32, #tpu.memory_space<vmem>> -> memref<8xi32, #tpu.memory_space<vmem>>
        %dma_start3A_889 = arith.constant 0 : i32
        %dma_start3A_890 = tpu.memref_slice %arg13[%dma_start3A_889] : memref<16xi32, #tpu.memory_space<vmem>> -> memref<8xi32, #tpu.memory_space<vmem>>
        tpu.enqueue_dma source(%dma_start3A_890 : memref<8xi32, #tpu.memory_space<vmem>>) target(%arg8 : memref<8xi32, #tpu.memory_space<hbm>>) target_semaphore(%run_scoped3A : memref<!tpu.dma_semaphore, #tpu.memory_space<semaphore_mem>>)
        %dma_wait3A_891 = arith.constant 0 : i32
        %dma_wait3A_892 = tpu.memref_slice %arg13[%dma_wait3A_891] : memref<16xi32, #tpu.memory_space<vmem>> -> memref<8xi32, #tpu.memory_space<vmem>>
        %dma_wait3A_893 = arith.constant 0 : i32
        %dma_wait3A_894 = tpu.memref_slice %arg13[%dma_wait3A_893] : memref<16xi32, #tpu.memory_space<vmem>> -> memref<8xi32, #tpu.memory_space<vmem>>
        tpu.wait_dma2 semaphore(%run_scoped3A : memref<!tpu.dma_semaphore, #tpu.memory_space<semaphore_mem>>) src(%dma_wait3A_894 : memref<8xi32, #tpu.memory_space<vmem>>) dst(%arg8 : memref<8xi32, #tpu.memory_space<hbm>>)
        tpu.yield
      }) : () -> ()
    } else {
    }
    %slice3A_611 = vector.extract_strided_slice %get3A_184 {offsets = [0], sizes = [1], strides = [1]} : vector<16xi32> to vector<1xi32>
    %squeeze3A_612 = vector.extract %slice3A_611[0] : i32 from vector<1xi32>
    %slice3A_613 = vector.extract_strided_slice %get3A_187 {offsets = [0], sizes = [1], strides = [1]} : vector<16xi32> to vector<1xi32>
    %squeeze3A_614 = vector.extract %slice3A_613[0] : i32 from vector<1xi32>
    %eq3A_615 = arith.constant 0 : i32
    %eq3A_616 = arith.cmpi eq, %select_n3A, %eq3A_615 : i32
    %add3A_617 = arith.constant 0 : i32
    %add3A_618 = arith.addi %rem3A_17, %add3A_617 : i32
    %lt3A_619 = arith.cmpi slt, %add3A_618, %squeeze3A_614 : i32
    %and3A_620 = arith.andi %eq3A_616, %lt3A_619 : i1
    %convert_element_type3A_621 = arith.extui %and3A_620 : i1 to i32
    %cond3A_622 = arith.constant 0 : i32
    %cond3A_623 = arith.cmpi ne, %convert_element_type3A_621, %cond3A_622 : i32
    scf.if %cond3A_623 {
      %add3A_883 = arith.addi %squeeze3A_612, %add3A_618 : i32
      %dma_wait3A_884 = arith.constant 0 : i32
      %dma_wait3A_885 = arith.constant 0 : i32
      %dma_wait3A_886 = arith.constant 0 : i32
      %dma_wait3A_887 = arith.constant 0 : i32
      %dma_wait3A_888 = tpu.memref_slice %arg14[%dma_wait3A_884, %dma_wait3A_886, %dma_wait3A_887] : memref<4x8x128xf32, #tpu.memory_space<vmem>> -> memref<1x8x128xf32, #tpu.memory_space<vmem>>
      %dma_wait3A_889 = tpu.memref_squeeze %dma_wait3A_888 : memref<1x8x128xf32, #tpu.memory_space<vmem>> -> memref<8x128xf32, #tpu.memory_space<vmem>>
      %dma_wait3A_890 = arith.constant 0 : i32
      %dma_wait3A_891 = arith.constant 0 : i32
      %dma_wait3A_892 = tpu.memref_slice %arg6[%dma_wait3A_885, %add3A_883, %dma_wait3A_890, %dma_wait3A_891] : memref<8x4096x8x128xf32, #tpu.memory_space<hbm>> -> memref<1x1x8x128xf32, #tpu.memory_space<hbm>>
      %dma_wait3A_893 = tpu.memref_squeeze %dma_wait3A_892 : memref<1x1x8x128xf32, #tpu.memory_space<hbm>> -> memref<8x128xf32, #tpu.memory_space<hbm>>
      %dma_wait3A_894 = arith.constant 0 : i32
      %dma_wait3A_895 = arith.constant 0 : i32
      %dma_wait3A_896 = tpu.memref_slice %arg6[%dma_wait3A_885, %add3A_883, %dma_wait3A_894, %dma_wait3A_895] : memref<8x4096x8x128xf32, #tpu.memory_space<hbm>> -> memref<1x1x8x128xf32, #tpu.memory_space<hbm>>
      %dma_wait3A_897 = tpu.memref_squeeze %dma_wait3A_896 : memref<1x1x8x128xf32, #tpu.memory_space<hbm>> -> memref<8x128xf32, #tpu.memory_space<hbm>>
      %dma_wait3A_898 = arith.constant 0 : i32
      %dma_wait3A_899 = arith.constant 0 : i32
      %dma_wait3A_900 = tpu.memref_slice %arg14[%dma_wait3A_884, %dma_wait3A_898, %dma_wait3A_899] : memref<4x8x128xf32, #tpu.memory_space<vmem>> -> memref<1x8x128xf32, #tpu.memory_space<vmem>>
      %dma_wait3A_901 = tpu.memref_squeeze %dma_wait3A_900 : memref<1x8x128xf32, #tpu.memory_space<vmem>> -> memref<8x128xf32, #tpu.memory_space<vmem>>
      tpu.wait_dma2 semaphore(%arg18 : memref<!tpu.dma_semaphore, #tpu.memory_space<semaphore_mem>>) src(%dma_wait3A_901 : memref<8x128xf32, #tpu.memory_space<vmem>>) dst(%dma_wait3A_897 : memref<8x128xf32, #tpu.memory_space<hbm>>)
      %add3A_902 = arith.addi %squeeze3A_612, %add3A_618 : i32
      %dma_wait3A_903 = arith.constant 0 : i32
      %dma_wait3A_904 = arith.constant 0 : i32
      %dma_wait3A_905 = arith.constant 0 : i32
      %dma_wait3A_906 = arith.constant 0 : i32
      %dma_wait3A_907 = tpu.memref_slice %arg15[%dma_wait3A_903, %dma_wait3A_905, %dma_wait3A_906] : memref<4x8x128xf32, #tpu.memory_space<vmem>> -> memref<1x8x128xf32, #tpu.memory_space<vmem>>
      %dma_wait3A_908 = tpu.memref_squeeze %dma_wait3A_907 : memref<1x8x128xf32, #tpu.memory_space<vmem>> -> memref<8x128xf32, #tpu.memory_space<vmem>>
      %dma_wait3A_909 = arith.constant 0 : i32
      %dma_wait3A_910 = arith.constant 0 : i32
      %dma_wait3A_911 = tpu.memref_slice %arg7[%dma_wait3A_904, %add3A_902, %dma_wait3A_909, %dma_wait3A_910] : memref<8x4096x8x128xf32, #tpu.memory_space<hbm>> -> memref<1x1x8x128xf32, #tpu.memory_space<hbm>>
      %dma_wait3A_912 = tpu.memref_squeeze %dma_wait3A_911 : memref<1x1x8x128xf32, #tpu.memory_space<hbm>> -> memref<8x128xf32, #tpu.memory_space<hbm>>
      %dma_wait3A_913 = arith.constant 0 : i32
      %dma_wait3A_914 = arith.constant 0 : i32
      %dma_wait3A_915 = tpu.memref_slice %arg7[%dma_wait3A_904, %add3A_902, %dma_wait3A_913, %dma_wait3A_914] : memref<8x4096x8x128xf32, #tpu.memory_space<hbm>> -> memref<1x1x8x128xf32, #tpu.memory_space<hbm>>
      %dma_wait3A_916 = tpu.memref_squeeze %dma_wait3A_915 : memref<1x1x8x128xf32, #tpu.memory_space<hbm>> -> memref<8x128xf32, #tpu.memory_space<hbm>>
      %dma_wait3A_917 = arith.constant 0 : i32
      %dma_wait3A_918 = arith.constant 0 : i32
      %dma_wait3A_919 = tpu.memref_slice %arg15[%dma_wait3A_903, %dma_wait3A_917, %dma_wait3A_918] : memref<4x8x128xf32, #tpu.memory_space<vmem>> -> memref<1x8x128xf32, #tpu.memory_space<vmem>>
      %dma_wait3A_920 = tpu.memref_squeeze %dma_wait3A_919 : memref<1x8x128xf32, #tpu.memory_space<vmem>> -> memref<8x128xf32, #tpu.memory_space<vmem>>
      tpu.wait_dma2 semaphore(%arg18 : memref<!tpu.dma_semaphore, #tpu.memory_space<semaphore_mem>>) src(%dma_wait3A_920 : memref<8x128xf32, #tpu.memory_space<vmem>>) dst(%dma_wait3A_916 : memref<8x128xf32, #tpu.memory_space<hbm>>)
    } else {
    }
    %add3A_624 = arith.constant 2 : i32
    %add3A_625 = arith.addi %rem3A_17, %add3A_624 : i32
    %lt3A_626 = arith.cmpi slt, %add3A_625, %squeeze3A_614 : i32
    %and3A_627 = arith.andi %eq3A_616, %lt3A_626 : i1
    %convert_element_type3A_628 = arith.extui %and3A_627 : i1 to i32
    %cond3A_629 = arith.constant 0 : i32
    %cond3A_630 = arith.cmpi ne, %convert_element_type3A_628, %cond3A_629 : i32
    scf.if %cond3A_630 {
      %add3A_883 = arith.addi %squeeze3A_612, %add3A_625 : i32
      %dma_wait3A_884 = arith.constant 1 : i32
      %dma_wait3A_885 = arith.constant 0 : i32
      %dma_wait3A_886 = arith.constant 0 : i32
      %dma_wait3A_887 = arith.constant 0 : i32
      %dma_wait3A_888 = tpu.memref_slice %arg14[%dma_wait3A_884, %dma_wait3A_886, %dma_wait3A_887] : memref<4x8x128xf32, #tpu.memory_space<vmem>> -> memref<1x8x128xf32, #tpu.memory_space<vmem>>
      %dma_wait3A_889 = tpu.memref_squeeze %dma_wait3A_888 : memref<1x8x128xf32, #tpu.memory_space<vmem>> -> memref<8x128xf32, #tpu.memory_space<vmem>>
      %dma_wait3A_890 = arith.constant 0 : i32
      %dma_wait3A_891 = arith.constant 0 : i32
      %dma_wait3A_892 = tpu.memref_slice %arg6[%dma_wait3A_885, %add3A_883, %dma_wait3A_890, %dma_wait3A_891] : memref<8x4096x8x128xf32, #tpu.memory_space<hbm>> -> memref<1x1x8x128xf32, #tpu.memory_space<hbm>>
      %dma_wait3A_893 = tpu.memref_squeeze %dma_wait3A_892 : memref<1x1x8x128xf32, #tpu.memory_space<hbm>> -> memref<8x128xf32, #tpu.memory_space<hbm>>
      %dma_wait3A_894 = arith.constant 0 : i32
      %dma_wait3A_895 = arith.constant 0 : i32
      %dma_wait3A_896 = tpu.memref_slice %arg6[%dma_wait3A_885, %add3A_883, %dma_wait3A_894, %dma_wait3A_895] : memref<8x4096x8x128xf32, #tpu.memory_space<hbm>> -> memref<1x1x8x128xf32, #tpu.memory_space<hbm>>
      %dma_wait3A_897 = tpu.memref_squeeze %dma_wait3A_896 : memref<1x1x8x128xf32, #tpu.memory_space<hbm>> -> memref<8x128xf32, #tpu.memory_space<hbm>>
      %dma_wait3A_898 = arith.constant 0 : i32
      %dma_wait3A_899 = arith.constant 0 : i32
      %dma_wait3A_900 = tpu.memref_slice %arg14[%dma_wait3A_884, %dma_wait3A_898, %dma_wait3A_899] : memref<4x8x128xf32, #tpu.memory_space<vmem>> -> memref<1x8x128xf32, #tpu.memory_space<vmem>>
      %dma_wait3A_901 = tpu.memref_squeeze %dma_wait3A_900 : memref<1x8x128xf32, #tpu.memory_space<vmem>> -> memref<8x128xf32, #tpu.memory_space<vmem>>
      tpu.wait_dma2 semaphore(%arg18 : memref<!tpu.dma_semaphore, #tpu.memory_space<semaphore_mem>>) src(%dma_wait3A_901 : memref<8x128xf32, #tpu.memory_space<vmem>>) dst(%dma_wait3A_897 : memref<8x128xf32, #tpu.memory_space<hbm>>)
      %add3A_902 = arith.addi %squeeze3A_612, %add3A_625 : i32
      %dma_wait3A_903 = arith.constant 1 : i32
      %dma_wait3A_904 = arith.constant 0 : i32
      %dma_wait3A_905 = arith.constant 0 : i32
      %dma_wait3A_906 = arith.constant 0 : i32
      %dma_wait3A_907 = tpu.memref_slice %arg15[%dma_wait3A_903, %dma_wait3A_905, %dma_wait3A_906] : memref<4x8x128xf32, #tpu.memory_space<vmem>> -> memref<1x8x128xf32, #tpu.memory_space<vmem>>
      %dma_wait3A_908 = tpu.memref_squeeze %dma_wait3A_907 : memref<1x8x128xf32, #tpu.memory_space<vmem>> -> memref<8x128xf32, #tpu.memory_space<vmem>>
      %dma_wait3A_909 = arith.constant 0 : i32
      %dma_wait3A_910 = arith.constant 0 : i32
      %dma_wait3A_911 = tpu.memref_slice %arg7[%dma_wait3A_904, %add3A_902, %dma_wait3A_909, %dma_wait3A_910] : memref<8x4096x8x128xf32, #tpu.memory_space<hbm>> -> memref<1x1x8x128xf32, #tpu.memory_space<hbm>>
      %dma_wait3A_912 = tpu.memref_squeeze %dma_wait3A_911 : memref<1x1x8x128xf32, #tpu.memory_space<hbm>> -> memref<8x128xf32, #tpu.memory_space<hbm>>
      %dma_wait3A_913 = arith.constant 0 : i32
      %dma_wait3A_914 = arith.constant 0 : i32
      %dma_wait3A_915 = tpu.memref_slice %arg7[%dma_wait3A_904, %add3A_902, %dma_wait3A_913, %dma_wait3A_914] : memref<8x4096x8x128xf32, #tpu.memory_space<hbm>> -> memref<1x1x8x128xf32, #tpu.memory_space<hbm>>
      %dma_wait3A_916 = tpu.memref_squeeze %dma_wait3A_915 : memref<1x1x8x128xf32, #tpu.memory_space<hbm>> -> memref<8x128xf32, #tpu.memory_space<hbm>>
      %dma_wait3A_917 = arith.constant 0 : i32
      %dma_wait3A_918 = arith.constant 0 : i32
      %dma_wait3A_919 = tpu.memref_slice %arg15[%dma_wait3A_903, %dma_wait3A_917, %dma_wait3A_918] : memref<4x8x128xf32, #tpu.memory_space<vmem>> -> memref<1x8x128xf32, #tpu.memory_space<vmem>>
      %dma_wait3A_920 = tpu.memref_squeeze %dma_wait3A_919 : memref<1x8x128xf32, #tpu.memory_space<vmem>> -> memref<8x128xf32, #tpu.memory_space<vmem>>
      tpu.wait_dma2 semaphore(%arg18 : memref<!tpu.dma_semaphore, #tpu.memory_space<semaphore_mem>>) src(%dma_wait3A_920 : memref<8x128xf32, #tpu.memory_space<vmem>>) dst(%dma_wait3A_916 : memref<8x128xf32, #tpu.memory_space<hbm>>)
    } else {
    }
    %add3A_631 = arith.constant 4 : i32
    %add3A_632 = arith.addi %rem3A_17, %add3A_631 : i32
    %lt3A_633 = arith.cmpi slt, %add3A_632, %squeeze3A_614 : i32
    %and3A_634 = arith.andi %eq3A_616, %lt3A_633 : i1
    %convert_element_type3A_635 = arith.extui %and3A_634 : i1 to i32
    %cond3A_636 = arith.constant 0 : i32
    %cond3A_637 = arith.cmpi ne, %convert_element_type3A_635, %cond3A_636 : i32
    scf.if %cond3A_637 {
      %add3A_883 = arith.addi %squeeze3A_612, %add3A_632 : i32
      %dma_wait3A_884 = arith.constant 2 : i32
      %dma_wait3A_885 = arith.constant 0 : i32
      %dma_wait3A_886 = arith.constant 0 : i32
      %dma_wait3A_887 = arith.constant 0 : i32
      %dma_wait3A_888 = tpu.memref_slice %arg14[%dma_wait3A_884, %dma_wait3A_886, %dma_wait3A_887] : memref<4x8x128xf32, #tpu.memory_space<vmem>> -> memref<1x8x128xf32, #tpu.memory_space<vmem>>
      %dma_wait3A_889 = tpu.memref_squeeze %dma_wait3A_888 : memref<1x8x128xf32, #tpu.memory_space<vmem>> -> memref<8x128xf32, #tpu.memory_space<vmem>>
      %dma_wait3A_890 = arith.constant 0 : i32
      %dma_wait3A_891 = arith.constant 0 : i32
      %dma_wait3A_892 = tpu.memref_slice %arg6[%dma_wait3A_885, %add3A_883, %dma_wait3A_890, %dma_wait3A_891] : memref<8x4096x8x128xf32, #tpu.memory_space<hbm>> -> memref<1x1x8x128xf32, #tpu.memory_space<hbm>>
      %dma_wait3A_893 = tpu.memref_squeeze %dma_wait3A_892 : memref<1x1x8x128xf32, #tpu.memory_space<hbm>> -> memref<8x128xf32, #tpu.memory_space<hbm>>
      %dma_wait3A_894 = arith.constant 0 : i32
      %dma_wait3A_895 = arith.constant 0 : i32
      %dma_wait3A_896 = tpu.memref_slice %arg6[%dma_wait3A_885, %add3A_883, %dma_wait3A_894, %dma_wait3A_895] : memref<8x4096x8x128xf32, #tpu.memory_space<hbm>> -> memref<1x1x8x128xf32, #tpu.memory_space<hbm>>
      %dma_wait3A_897 = tpu.memref_squeeze %dma_wait3A_896 : memref<1x1x8x128xf32, #tpu.memory_space<hbm>> -> memref<8x128xf32, #tpu.memory_space<hbm>>
      %dma_wait3A_898 = arith.constant 0 : i32
      %dma_wait3A_899 = arith.constant 0 : i32
      %dma_wait3A_900 = tpu.memref_slice %arg14[%dma_wait3A_884, %dma_wait3A_898, %dma_wait3A_899] : memref<4x8x128xf32, #tpu.memory_space<vmem>> -> memref<1x8x128xf32, #tpu.memory_space<vmem>>
      %dma_wait3A_901 = tpu.memref_squeeze %dma_wait3A_900 : memref<1x8x128xf32, #tpu.memory_space<vmem>> -> memref<8x128xf32, #tpu.memory_space<vmem>>
      tpu.wait_dma2 semaphore(%arg18 : memref<!tpu.dma_semaphore, #tpu.memory_space<semaphore_mem>>) src(%dma_wait3A_901 : memref<8x128xf32, #tpu.memory_space<vmem>>) dst(%dma_wait3A_897 : memref<8x128xf32, #tpu.memory_space<hbm>>)
      %add3A_902 = arith.addi %squeeze3A_612, %add3A_632 : i32
      %dma_wait3A_903 = arith.constant 2 : i32
      %dma_wait3A_904 = arith.constant 0 : i32
      %dma_wait3A_905 = arith.constant 0 : i32
      %dma_wait3A_906 = arith.constant 0 : i32
      %dma_wait3A_907 = tpu.memref_slice %arg15[%dma_wait3A_903, %dma_wait3A_905, %dma_wait3A_906] : memref<4x8x128xf32, #tpu.memory_space<vmem>> -> memref<1x8x128xf32, #tpu.memory_space<vmem>>
      %dma_wait3A_908 = tpu.memref_squeeze %dma_wait3A_907 : memref<1x8x128xf32, #tpu.memory_space<vmem>> -> memref<8x128xf32, #tpu.memory_space<vmem>>
      %dma_wait3A_909 = arith.constant 0 : i32
      %dma_wait3A_910 = arith.constant 0 : i32
      %dma_wait3A_911 = tpu.memref_slice %arg7[%dma_wait3A_904, %add3A_902, %dma_wait3A_909, %dma_wait3A_910] : memref<8x4096x8x128xf32, #tpu.memory_space<hbm>> -> memref<1x1x8x128xf32, #tpu.memory_space<hbm>>
      %dma_wait3A_912 = tpu.memref_squeeze %dma_wait3A_911 : memref<1x1x8x128xf32, #tpu.memory_space<hbm>> -> memref<8x128xf32, #tpu.memory_space<hbm>>
      %dma_wait3A_913 = arith.constant 0 : i32
      %dma_wait3A_914 = arith.constant 0 : i32
      %dma_wait3A_915 = tpu.memref_slice %arg7[%dma_wait3A_904, %add3A_902, %dma_wait3A_913, %dma_wait3A_914] : memref<8x4096x8x128xf32, #tpu.memory_space<hbm>> -> memref<1x1x8x128xf32, #tpu.memory_space<hbm>>
      %dma_wait3A_916 = tpu.memref_squeeze %dma_wait3A_915 : memref<1x1x8x128xf32, #tpu.memory_space<hbm>> -> memref<8x128xf32, #tpu.memory_space<hbm>>
      %dma_wait3A_917 = arith.constant 0 : i32
      %dma_wait3A_918 = arith.constant 0 : i32
      %dma_wait3A_919 = tpu.memref_slice %arg15[%dma_wait3A_903, %dma_wait3A_917, %dma_wait3A_918] : memref<4x8x128xf32, #tpu.memory_space<vmem>> -> memref<1x8x128xf32, #tpu.memory_space<vmem>>
      %dma_wait3A_920 = tpu.memref_squeeze %dma_wait3A_919 : memref<1x8x128xf32, #tpu.memory_space<vmem>> -> memref<8x128xf32, #tpu.memory_space<vmem>>
      tpu.wait_dma2 semaphore(%arg18 : memref<!tpu.dma_semaphore, #tpu.memory_space<semaphore_mem>>) src(%dma_wait3A_920 : memref<8x128xf32, #tpu.memory_space<vmem>>) dst(%dma_wait3A_916 : memref<8x128xf32, #tpu.memory_space<hbm>>)
    } else {
    }
    %add3A_638 = arith.constant 6 : i32
    %add3A_639 = arith.addi %rem3A_17, %add3A_638 : i32
    %lt3A_640 = arith.cmpi slt, %add3A_639, %squeeze3A_614 : i32
    %and3A_641 = arith.andi %eq3A_616, %lt3A_640 : i1
    %convert_element_type3A_642 = arith.extui %and3A_641 : i1 to i32
    %cond3A_643 = arith.constant 0 : i32
    %cond3A_644 = arith.cmpi ne, %convert_element_type3A_642, %cond3A_643 : i32
    scf.if %cond3A_644 {
      %add3A_883 = arith.addi %squeeze3A_612, %add3A_639 : i32
      %dma_wait3A_884 = arith.constant 3 : i32
      %dma_wait3A_885 = arith.constant 0 : i32
      %dma_wait3A_886 = arith.constant 0 : i32
      %dma_wait3A_887 = arith.constant 0 : i32
      %dma_wait3A_888 = tpu.memref_slice %arg14[%dma_wait3A_884, %dma_wait3A_886, %dma_wait3A_887] : memref<4x8x128xf32, #tpu.memory_space<vmem>> -> memref<1x8x128xf32, #tpu.memory_space<vmem>>
      %dma_wait3A_889 = tpu.memref_squeeze %dma_wait3A_888 : memref<1x8x128xf32, #tpu.memory_space<vmem>> -> memref<8x128xf32, #tpu.memory_space<vmem>>
      %dma_wait3A_890 = arith.constant 0 : i32
      %dma_wait3A_891 = arith.constant 0 : i32
      %dma_wait3A_892 = tpu.memref_slice %arg6[%dma_wait3A_885, %add3A_883, %dma_wait3A_890, %dma_wait3A_891] : memref<8x4096x8x128xf32, #tpu.memory_space<hbm>> -> memref<1x1x8x128xf32, #tpu.memory_space<hbm>>
      %dma_wait3A_893 = tpu.memref_squeeze %dma_wait3A_892 : memref<1x1x8x128xf32, #tpu.memory_space<hbm>> -> memref<8x128xf32, #tpu.memory_space<hbm>>
      %dma_wait3A_894 = arith.constant 0 : i32
      %dma_wait3A_895 = arith.constant 0 : i32
      %dma_wait3A_896 = tpu.memref_slice %arg6[%dma_wait3A_885, %add3A_883, %dma_wait3A_894, %dma_wait3A_895] : memref<8x4096x8x128xf32, #tpu.memory_space<hbm>> -> memref<1x1x8x128xf32, #tpu.memory_space<hbm>>
      %dma_wait3A_897 = tpu.memref_squeeze %dma_wait3A_896 : memref<1x1x8x128xf32, #tpu.memory_space<hbm>> -> memref<8x128xf32, #tpu.memory_space<hbm>>
      %dma_wait3A_898 = arith.constant 0 : i32
      %dma_wait3A_899 = arith.constant 0 : i32
      %dma_wait3A_900 = tpu.memref_slice %arg14[%dma_wait3A_884, %dma_wait3A_898, %dma_wait3A_899] : memref<4x8x128xf32, #tpu.memory_space<vmem>> -> memref<1x8x128xf32, #tpu.memory_space<vmem>>
      %dma_wait3A_901 = tpu.memref_squeeze %dma_wait3A_900 : memref<1x8x128xf32, #tpu.memory_space<vmem>> -> memref<8x128xf32, #tpu.memory_space<vmem>>
      tpu.wait_dma2 semaphore(%arg18 : memref<!tpu.dma_semaphore, #tpu.memory_space<semaphore_mem>>) src(%dma_wait3A_901 : memref<8x128xf32, #tpu.memory_space<vmem>>) dst(%dma_wait3A_897 : memref<8x128xf32, #tpu.memory_space<hbm>>)
      %add3A_902 = arith.addi %squeeze3A_612, %add3A_639 : i32
      %dma_wait3A_903 = arith.constant 3 : i32
      %dma_wait3A_904 = arith.constant 0 : i32
      %dma_wait3A_905 = arith.constant 0 : i32
      %dma_wait3A_906 = arith.constant 0 : i32
      %dma_wait3A_907 = tpu.memref_slice %arg15[%dma_wait3A_903, %dma_wait3A_905, %dma_wait3A_906] : memref<4x8x128xf32, #tpu.memory_space<vmem>> -> memref<1x8x128xf32, #tpu.memory_space<vmem>>
      %dma_wait3A_908 = tpu.memref_squeeze %dma_wait3A_907 : memref<1x8x128xf32, #tpu.memory_space<vmem>> -> memref<8x128xf32, #tpu.memory_space<vmem>>
      %dma_wait3A_909 = arith.constant 0 : i32
      %dma_wait3A_910 = arith.constant 0 : i32
      %dma_wait3A_911 = tpu.memref_slice %arg7[%dma_wait3A_904, %add3A_902, %dma_wait3A_909, %dma_wait3A_910] : memref<8x4096x8x128xf32, #tpu.memory_space<hbm>> -> memref<1x1x8x128xf32, #tpu.memory_space<hbm>>
      %dma_wait3A_912 = tpu.memref_squeeze %dma_wait3A_911 : memref<1x1x8x128xf32, #tpu.memory_space<hbm>> -> memref<8x128xf32, #tpu.memory_space<hbm>>
      %dma_wait3A_913 = arith.constant 0 : i32
      %dma_wait3A_914 = arith.constant 0 : i32
      %dma_wait3A_915 = tpu.memref_slice %arg7[%dma_wait3A_904, %add3A_902, %dma_wait3A_913, %dma_wait3A_914] : memref<8x4096x8x128xf32, #tpu.memory_space<hbm>> -> memref<1x1x8x128xf32, #tpu.memory_space<hbm>>
      %dma_wait3A_916 = tpu.memref_squeeze %dma_wait3A_915 : memref<1x1x8x128xf32, #tpu.memory_space<hbm>> -> memref<8x128xf32, #tpu.memory_space<hbm>>
      %dma_wait3A_917 = arith.constant 0 : i32
      %dma_wait3A_918 = arith.constant 0 : i32
      %dma_wait3A_919 = tpu.memref_slice %arg15[%dma_wait3A_903, %dma_wait3A_917, %dma_wait3A_918] : memref<4x8x128xf32, #tpu.memory_space<vmem>> -> memref<1x8x128xf32, #tpu.memory_space<vmem>>
      %dma_wait3A_920 = tpu.memref_squeeze %dma_wait3A_919 : memref<1x8x128xf32, #tpu.memory_space<vmem>> -> memref<8x128xf32, #tpu.memory_space<vmem>>
      tpu.wait_dma2 semaphore(%arg18 : memref<!tpu.dma_semaphore, #tpu.memory_space<semaphore_mem>>) src(%dma_wait3A_920 : memref<8x128xf32, #tpu.memory_space<vmem>>) dst(%dma_wait3A_916 : memref<8x128xf32, #tpu.memory_space<hbm>>)
    } else {
    }
    %slice3A_645 = vector.extract_strided_slice %get3A_184 {offsets = [1], sizes = [1], strides = [1]} : vector<16xi32> to vector<1xi32>
    %squeeze3A_646 = vector.extract %slice3A_645[0] : i32 from vector<1xi32>
    %slice3A_647 = vector.extract_strided_slice %get3A_187 {offsets = [1], sizes = [1], strides = [1]} : vector<16xi32> to vector<1xi32>
    %squeeze3A_648 = vector.extract %slice3A_647[0] : i32 from vector<1xi32>
    %eq3A_649 = arith.constant 1 : i32
    %eq3A_650 = arith.cmpi eq, %select_n3A, %eq3A_649 : i32
    %add3A_651 = arith.constant 0 : i32
    %add3A_652 = arith.addi %rem3A_17, %add3A_651 : i32
    %lt3A_653 = arith.cmpi slt, %add3A_652, %squeeze3A_648 : i32
    %and3A_654 = arith.andi %eq3A_650, %lt3A_653 : i1
    %convert_element_type3A_655 = arith.extui %and3A_654 : i1 to i32
    %cond3A_656 = arith.constant 0 : i32
    %cond3A_657 = arith.cmpi ne, %convert_element_type3A_655, %cond3A_656 : i32
    scf.if %cond3A_657 {
      %add3A_883 = arith.addi %squeeze3A_646, %add3A_652 : i32
      %dma_wait3A_884 = arith.constant 0 : i32
      %dma_wait3A_885 = arith.constant 1 : i32
      %dma_wait3A_886 = arith.constant 0 : i32
      %dma_wait3A_887 = arith.constant 0 : i32
      %dma_wait3A_888 = tpu.memref_slice %arg14[%dma_wait3A_884, %dma_wait3A_886, %dma_wait3A_887] : memref<4x8x128xf32, #tpu.memory_space<vmem>> -> memref<1x8x128xf32, #tpu.memory_space<vmem>>
      %dma_wait3A_889 = tpu.memref_squeeze %dma_wait3A_888 : memref<1x8x128xf32, #tpu.memory_space<vmem>> -> memref<8x128xf32, #tpu.memory_space<vmem>>
      %dma_wait3A_890 = arith.constant 0 : i32
      %dma_wait3A_891 = arith.constant 0 : i32
      %dma_wait3A_892 = tpu.memref_slice %arg6[%dma_wait3A_885, %add3A_883, %dma_wait3A_890, %dma_wait3A_891] : memref<8x4096x8x128xf32, #tpu.memory_space<hbm>> -> memref<1x1x8x128xf32, #tpu.memory_space<hbm>>
      %dma_wait3A_893 = tpu.memref_squeeze %dma_wait3A_892 : memref<1x1x8x128xf32, #tpu.memory_space<hbm>> -> memref<8x128xf32, #tpu.memory_space<hbm>>
      %dma_wait3A_894 = arith.constant 0 : i32
      %dma_wait3A_895 = arith.constant 0 : i32
      %dma_wait3A_896 = tpu.memref_slice %arg6[%dma_wait3A_885, %add3A_883, %dma_wait3A_894, %dma_wait3A_895] : memref<8x4096x8x128xf32, #tpu.memory_space<hbm>> -> memref<1x1x8x128xf32, #tpu.memory_space<hbm>>
      %dma_wait3A_897 = tpu.memref_squeeze %dma_wait3A_896 : memref<1x1x8x128xf32, #tpu.memory_space<hbm>> -> memref<8x128xf32, #tpu.memory_space<hbm>>
      %dma_wait3A_898 = arith.constant 0 : i32
      %dma_wait3A_899 = arith.constant 0 : i32
      %dma_wait3A_900 = tpu.memref_slice %arg14[%dma_wait3A_884, %dma_wait3A_898, %dma_wait3A_899] : memref<4x8x128xf32, #tpu.memory_space<vmem>> -> memref<1x8x128xf32, #tpu.memory_space<vmem>>
      %dma_wait3A_901 = tpu.memref_squeeze %dma_wait3A_900 : memref<1x8x128xf32, #tpu.memory_space<vmem>> -> memref<8x128xf32, #tpu.memory_space<vmem>>
      tpu.wait_dma2 semaphore(%arg18 : memref<!tpu.dma_semaphore, #tpu.memory_space<semaphore_mem>>) src(%dma_wait3A_901 : memref<8x128xf32, #tpu.memory_space<vmem>>) dst(%dma_wait3A_897 : memref<8x128xf32, #tpu.memory_space<hbm>>)
      %add3A_902 = arith.addi %squeeze3A_646, %add3A_652 : i32
      %dma_wait3A_903 = arith.constant 0 : i32
      %dma_wait3A_904 = arith.constant 1 : i32
      %dma_wait3A_905 = arith.constant 0 : i32
      %dma_wait3A_906 = arith.constant 0 : i32
      %dma_wait3A_907 = tpu.memref_slice %arg15[%dma_wait3A_903, %dma_wait3A_905, %dma_wait3A_906] : memref<4x8x128xf32, #tpu.memory_space<vmem>> -> memref<1x8x128xf32, #tpu.memory_space<vmem>>
      %dma_wait3A_908 = tpu.memref_squeeze %dma_wait3A_907 : memref<1x8x128xf32, #tpu.memory_space<vmem>> -> memref<8x128xf32, #tpu.memory_space<vmem>>
      %dma_wait3A_909 = arith.constant 0 : i32
      %dma_wait3A_910 = arith.constant 0 : i32
      %dma_wait3A_911 = tpu.memref_slice %arg7[%dma_wait3A_904, %add3A_902, %dma_wait3A_909, %dma_wait3A_910] : memref<8x4096x8x128xf32, #tpu.memory_space<hbm>> -> memref<1x1x8x128xf32, #tpu.memory_space<hbm>>
      %dma_wait3A_912 = tpu.memref_squeeze %dma_wait3A_911 : memref<1x1x8x128xf32, #tpu.memory_space<hbm>> -> memref<8x128xf32, #tpu.memory_space<hbm>>
      %dma_wait3A_913 = arith.constant 0 : i32
      %dma_wait3A_914 = arith.constant 0 : i32
      %dma_wait3A_915 = tpu.memref_slice %arg7[%dma_wait3A_904, %add3A_902, %dma_wait3A_913, %dma_wait3A_914] : memref<8x4096x8x128xf32, #tpu.memory_space<hbm>> -> memref<1x1x8x128xf32, #tpu.memory_space<hbm>>
      %dma_wait3A_916 = tpu.memref_squeeze %dma_wait3A_915 : memref<1x1x8x128xf32, #tpu.memory_space<hbm>> -> memref<8x128xf32, #tpu.memory_space<hbm>>
      %dma_wait3A_917 = arith.constant 0 : i32
      %dma_wait3A_918 = arith.constant 0 : i32
      %dma_wait3A_919 = tpu.memref_slice %arg15[%dma_wait3A_903, %dma_wait3A_917, %dma_wait3A_918] : memref<4x8x128xf32, #tpu.memory_space<vmem>> -> memref<1x8x128xf32, #tpu.memory_space<vmem>>
      %dma_wait3A_920 = tpu.memref_squeeze %dma_wait3A_919 : memref<1x8x128xf32, #tpu.memory_space<vmem>> -> memref<8x128xf32, #tpu.memory_space<vmem>>
      tpu.wait_dma2 semaphore(%arg18 : memref<!tpu.dma_semaphore, #tpu.memory_space<semaphore_mem>>) src(%dma_wait3A_920 : memref<8x128xf32, #tpu.memory_space<vmem>>) dst(%dma_wait3A_916 : memref<8x128xf32, #tpu.memory_space<hbm>>)
    } else {
    }
    %add3A_658 = arith.constant 2 : i32
    %add3A_659 = arith.addi %rem3A_17, %add3A_658 : i32
    %lt3A_660 = arith.cmpi slt, %add3A_659, %squeeze3A_648 : i32
    %and3A_661 = arith.andi %eq3A_650, %lt3A_660 : i1
    %convert_element_type3A_662 = arith.extui %and3A_661 : i1 to i32
    %cond3A_663 = arith.constant 0 : i32
    %cond3A_664 = arith.cmpi ne, %convert_element_type3A_662, %cond3A_663 : i32
    scf.if %cond3A_664 {
      %add3A_883 = arith.addi %squeeze3A_646, %add3A_659 : i32
      %dma_wait3A_884 = arith.constant 1 : i32
      %dma_wait3A_885 = arith.constant 1 : i32
      %dma_wait3A_886 = arith.constant 0 : i32
      %dma_wait3A_887 = arith.constant 0 : i32
      %dma_wait3A_888 = tpu.memref_slice %arg14[%dma_wait3A_884, %dma_wait3A_886, %dma_wait3A_887] : memref<4x8x128xf32, #tpu.memory_space<vmem>> -> memref<1x8x128xf32, #tpu.memory_space<vmem>>
      %dma_wait3A_889 = tpu.memref_squeeze %dma_wait3A_888 : memref<1x8x128xf32, #tpu.memory_space<vmem>> -> memref<8x128xf32, #tpu.memory_space<vmem>>
      %dma_wait3A_890 = arith.constant 0 : i32
      %dma_wait3A_891 = arith.constant 0 : i32
      %dma_wait3A_892 = tpu.memref_slice %arg6[%dma_wait3A_885, %add3A_883, %dma_wait3A_890, %dma_wait3A_891] : memref<8x4096x8x128xf32, #tpu.memory_space<hbm>> -> memref<1x1x8x128xf32, #tpu.memory_space<hbm>>
      %dma_wait3A_893 = tpu.memref_squeeze %dma_wait3A_892 : memref<1x1x8x128xf32, #tpu.memory_space<hbm>> -> memref<8x128xf32, #tpu.memory_space<hbm>>
      %dma_wait3A_894 = arith.constant 0 : i32
      %dma_wait3A_895 = arith.constant 0 : i32
      %dma_wait3A_896 = tpu.memref_slice %arg6[%dma_wait3A_885, %add3A_883, %dma_wait3A_894, %dma_wait3A_895] : memref<8x4096x8x128xf32, #tpu.memory_space<hbm>> -> memref<1x1x8x128xf32, #tpu.memory_space<hbm>>
      %dma_wait3A_897 = tpu.memref_squeeze %dma_wait3A_896 : memref<1x1x8x128xf32, #tpu.memory_space<hbm>> -> memref<8x128xf32, #tpu.memory_space<hbm>>
      %dma_wait3A_898 = arith.constant 0 : i32
      %dma_wait3A_899 = arith.constant 0 : i32
      %dma_wait3A_900 = tpu.memref_slice %arg14[%dma_wait3A_884, %dma_wait3A_898, %dma_wait3A_899] : memref<4x8x128xf32, #tpu.memory_space<vmem>> -> memref<1x8x128xf32, #tpu.memory_space<vmem>>
      %dma_wait3A_901 = tpu.memref_squeeze %dma_wait3A_900 : memref<1x8x128xf32, #tpu.memory_space<vmem>> -> memref<8x128xf32, #tpu.memory_space<vmem>>
      tpu.wait_dma2 semaphore(%arg18 : memref<!tpu.dma_semaphore, #tpu.memory_space<semaphore_mem>>) src(%dma_wait3A_901 : memref<8x128xf32, #tpu.memory_space<vmem>>) dst(%dma_wait3A_897 : memref<8x128xf32, #tpu.memory_space<hbm>>)
      %add3A_902 = arith.addi %squeeze3A_646, %add3A_659 : i32
      %dma_wait3A_903 = arith.constant 1 : i32
      %dma_wait3A_904 = arith.constant 1 : i32
      %dma_wait3A_905 = arith.constant 0 : i32
      %dma_wait3A_906 = arith.constant 0 : i32
      %dma_wait3A_907 = tpu.memref_slice %arg15[%dma_wait3A_903, %dma_wait3A_905, %dma_wait3A_906] : memref<4x8x128xf32, #tpu.memory_space<vmem>> -> memref<1x8x128xf32, #tpu.memory_space<vmem>>
      %dma_wait3A_908 = tpu.memref_squeeze %dma_wait3A_907 : memref<1x8x128xf32, #tpu.memory_space<vmem>> -> memref<8x128xf32, #tpu.memory_space<vmem>>
      %dma_wait3A_909 = arith.constant 0 : i32
      %dma_wait3A_910 = arith.constant 0 : i32
      %dma_wait3A_911 = tpu.memref_slice %arg7[%dma_wait3A_904, %add3A_902, %dma_wait3A_909, %dma_wait3A_910] : memref<8x4096x8x128xf32, #tpu.memory_space<hbm>> -> memref<1x1x8x128xf32, #tpu.memory_space<hbm>>
      %dma_wait3A_912 = tpu.memref_squeeze %dma_wait3A_911 : memref<1x1x8x128xf32, #tpu.memory_space<hbm>> -> memref<8x128xf32, #tpu.memory_space<hbm>>
      %dma_wait3A_913 = arith.constant 0 : i32
      %dma_wait3A_914 = arith.constant 0 : i32
      %dma_wait3A_915 = tpu.memref_slice %arg7[%dma_wait3A_904, %add3A_902, %dma_wait3A_913, %dma_wait3A_914] : memref<8x4096x8x128xf32, #tpu.memory_space<hbm>> -> memref<1x1x8x128xf32, #tpu.memory_space<hbm>>
      %dma_wait3A_916 = tpu.memref_squeeze %dma_wait3A_915 : memref<1x1x8x128xf32, #tpu.memory_space<hbm>> -> memref<8x128xf32, #tpu.memory_space<hbm>>
      %dma_wait3A_917 = arith.constant 0 : i32
      %dma_wait3A_918 = arith.constant 0 : i32
      %dma_wait3A_919 = tpu.memref_slice %arg15[%dma_wait3A_903, %dma_wait3A_917, %dma_wait3A_918] : memref<4x8x128xf32, #tpu.memory_space<vmem>> -> memref<1x8x128xf32, #tpu.memory_space<vmem>>
      %dma_wait3A_920 = tpu.memref_squeeze %dma_wait3A_919 : memref<1x8x128xf32, #tpu.memory_space<vmem>> -> memref<8x128xf32, #tpu.memory_space<vmem>>
      tpu.wait_dma2 semaphore(%arg18 : memref<!tpu.dma_semaphore, #tpu.memory_space<semaphore_mem>>) src(%dma_wait3A_920 : memref<8x128xf32, #tpu.memory_space<vmem>>) dst(%dma_wait3A_916 : memref<8x128xf32, #tpu.memory_space<hbm>>)
    } else {
    }
    %add3A_665 = arith.constant 4 : i32
    %add3A_666 = arith.addi %rem3A_17, %add3A_665 : i32
    %lt3A_667 = arith.cmpi slt, %add3A_666, %squeeze3A_648 : i32
    %and3A_668 = arith.andi %eq3A_650, %lt3A_667 : i1
    %convert_element_type3A_669 = arith.extui %and3A_668 : i1 to i32
    %cond3A_670 = arith.constant 0 : i32
    %cond3A_671 = arith.cmpi ne, %convert_element_type3A_669, %cond3A_670 : i32
    scf.if %cond3A_671 {
      %add3A_883 = arith.addi %squeeze3A_646, %add3A_666 : i32
      %dma_wait3A_884 = arith.constant 2 : i32
      %dma_wait3A_885 = arith.constant 1 : i32
      %dma_wait3A_886 = arith.constant 0 : i32
      %dma_wait3A_887 = arith.constant 0 : i32
      %dma_wait3A_888 = tpu.memref_slice %arg14[%dma_wait3A_884, %dma_wait3A_886, %dma_wait3A_887] : memref<4x8x128xf32, #tpu.memory_space<vmem>> -> memref<1x8x128xf32, #tpu.memory_space<vmem>>
      %dma_wait3A_889 = tpu.memref_squeeze %dma_wait3A_888 : memref<1x8x128xf32, #tpu.memory_space<vmem>> -> memref<8x128xf32, #tpu.memory_space<vmem>>
      %dma_wait3A_890 = arith.constant 0 : i32
      %dma_wait3A_891 = arith.constant 0 : i32
      %dma_wait3A_892 = tpu.memref_slice %arg6[%dma_wait3A_885, %add3A_883, %dma_wait3A_890, %dma_wait3A_891] : memref<8x4096x8x128xf32, #tpu.memory_space<hbm>> -> memref<1x1x8x128xf32, #tpu.memory_space<hbm>>
      %dma_wait3A_893 = tpu.memref_squeeze %dma_wait3A_892 : memref<1x1x8x128xf32, #tpu.memory_space<hbm>> -> memref<8x128xf32, #tpu.memory_space<hbm>>
      %dma_wait3A_894 = arith.constant 0 : i32
      %dma_wait3A_895 = arith.constant 0 : i32
      %dma_wait3A_896 = tpu.memref_slice %arg6[%dma_wait3A_885, %add3A_883, %dma_wait3A_894, %dma_wait3A_895] : memref<8x4096x8x128xf32, #tpu.memory_space<hbm>> -> memref<1x1x8x128xf32, #tpu.memory_space<hbm>>
      %dma_wait3A_897 = tpu.memref_squeeze %dma_wait3A_896 : memref<1x1x8x128xf32, #tpu.memory_space<hbm>> -> memref<8x128xf32, #tpu.memory_space<hbm>>
      %dma_wait3A_898 = arith.constant 0 : i32
      %dma_wait3A_899 = arith.constant 0 : i32
      %dma_wait3A_900 = tpu.memref_slice %arg14[%dma_wait3A_884, %dma_wait3A_898, %dma_wait3A_899] : memref<4x8x128xf32, #tpu.memory_space<vmem>> -> memref<1x8x128xf32, #tpu.memory_space<vmem>>
      %dma_wait3A_901 = tpu.memref_squeeze %dma_wait3A_900 : memref<1x8x128xf32, #tpu.memory_space<vmem>> -> memref<8x128xf32, #tpu.memory_space<vmem>>
      tpu.wait_dma2 semaphore(%arg18 : memref<!tpu.dma_semaphore, #tpu.memory_space<semaphore_mem>>) src(%dma_wait3A_901 : memref<8x128xf32, #tpu.memory_space<vmem>>) dst(%dma_wait3A_897 : memref<8x128xf32, #tpu.memory_space<hbm>>)
      %add3A_902 = arith.addi %squeeze3A_646, %add3A_666 : i32
      %dma_wait3A_903 = arith.constant 2 : i32
      %dma_wait3A_904 = arith.constant 1 : i32
      %dma_wait3A_905 = arith.constant 0 : i32
      %dma_wait3A_906 = arith.constant 0 : i32
      %dma_wait3A_907 = tpu.memref_slice %arg15[%dma_wait3A_903, %dma_wait3A_905, %dma_wait3A_906] : memref<4x8x128xf32, #tpu.memory_space<vmem>> -> memref<1x8x128xf32, #tpu.memory_space<vmem>>
      %dma_wait3A_908 = tpu.memref_squeeze %dma_wait3A_907 : memref<1x8x128xf32, #tpu.memory_space<vmem>> -> memref<8x128xf32, #tpu.memory_space<vmem>>
      %dma_wait3A_909 = arith.constant 0 : i32
      %dma_wait3A_910 = arith.constant 0 : i32
      %dma_wait3A_911 = tpu.memref_slice %arg7[%dma_wait3A_904, %add3A_902, %dma_wait3A_909, %dma_wait3A_910] : memref<8x4096x8x128xf32, #tpu.memory_space<hbm>> -> memref<1x1x8x128xf32, #tpu.memory_space<hbm>>
      %dma_wait3A_912 = tpu.memref_squeeze %dma_wait3A_911 : memref<1x1x8x128xf32, #tpu.memory_space<hbm>> -> memref<8x128xf32, #tpu.memory_space<hbm>>
      %dma_wait3A_913 = arith.constant 0 : i32
      %dma_wait3A_914 = arith.constant 0 : i32
      %dma_wait3A_915 = tpu.memref_slice %arg7[%dma_wait3A_904, %add3A_902, %dma_wait3A_913, %dma_wait3A_914] : memref<8x4096x8x128xf32, #tpu.memory_space<hbm>> -> memref<1x1x8x128xf32, #tpu.memory_space<hbm>>
      %dma_wait3A_916 = tpu.memref_squeeze %dma_wait3A_915 : memref<1x1x8x128xf32, #tpu.memory_space<hbm>> -> memref<8x128xf32, #tpu.memory_space<hbm>>
      %dma_wait3A_917 = arith.constant 0 : i32
      %dma_wait3A_918 = arith.constant 0 : i32
      %dma_wait3A_919 = tpu.memref_slice %arg15[%dma_wait3A_903, %dma_wait3A_917, %dma_wait3A_918] : memref<4x8x128xf32, #tpu.memory_space<vmem>> -> memref<1x8x128xf32, #tpu.memory_space<vmem>>
      %dma_wait3A_920 = tpu.memref_squeeze %dma_wait3A_919 : memref<1x8x128xf32, #tpu.memory_space<vmem>> -> memref<8x128xf32, #tpu.memory_space<vmem>>
      tpu.wait_dma2 semaphore(%arg18 : memref<!tpu.dma_semaphore, #tpu.memory_space<semaphore_mem>>) src(%dma_wait3A_920 : memref<8x128xf32, #tpu.memory_space<vmem>>) dst(%dma_wait3A_916 : memref<8x128xf32, #tpu.memory_space<hbm>>)
    } else {
    }
    %add3A_672 = arith.constant 6 : i32
    %add3A_673 = arith.addi %rem3A_17, %add3A_672 : i32
    %lt3A_674 = arith.cmpi slt, %add3A_673, %squeeze3A_648 : i32
    %and3A_675 = arith.andi %eq3A_650, %lt3A_674 : i1
    %convert_element_type3A_676 = arith.extui %and3A_675 : i1 to i32
    %cond3A_677 = arith.constant 0 : i32
    %cond3A_678 = arith.cmpi ne, %convert_element_type3A_676, %cond3A_677 : i32
    scf.if %cond3A_678 {
      %add3A_883 = arith.addi %squeeze3A_646, %add3A_673 : i32
      %dma_wait3A_884 = arith.constant 3 : i32
      %dma_wait3A_885 = arith.constant 1 : i32
      %dma_wait3A_886 = arith.constant 0 : i32
      %dma_wait3A_887 = arith.constant 0 : i32
      %dma_wait3A_888 = tpu.memref_slice %arg14[%dma_wait3A_884, %dma_wait3A_886, %dma_wait3A_887] : memref<4x8x128xf32, #tpu.memory_space<vmem>> -> memref<1x8x128xf32, #tpu.memory_space<vmem>>
      %dma_wait3A_889 = tpu.memref_squeeze %dma_wait3A_888 : memref<1x8x128xf32, #tpu.memory_space<vmem>> -> memref<8x128xf32, #tpu.memory_space<vmem>>
      %dma_wait3A_890 = arith.constant 0 : i32
      %dma_wait3A_891 = arith.constant 0 : i32
      %dma_wait3A_892 = tpu.memref_slice %arg6[%dma_wait3A_885, %add3A_883, %dma_wait3A_890, %dma_wait3A_891] : memref<8x4096x8x128xf32, #tpu.memory_space<hbm>> -> memref<1x1x8x128xf32, #tpu.memory_space<hbm>>
      %dma_wait3A_893 = tpu.memref_squeeze %dma_wait3A_892 : memref<1x1x8x128xf32, #tpu.memory_space<hbm>> -> memref<8x128xf32, #tpu.memory_space<hbm>>
      %dma_wait3A_894 = arith.constant 0 : i32
      %dma_wait3A_895 = arith.constant 0 : i32
      %dma_wait3A_896 = tpu.memref_slice %arg6[%dma_wait3A_885, %add3A_883, %dma_wait3A_894, %dma_wait3A_895] : memref<8x4096x8x128xf32, #tpu.memory_space<hbm>> -> memref<1x1x8x128xf32, #tpu.memory_space<hbm>>
      %dma_wait3A_897 = tpu.memref_squeeze %dma_wait3A_896 : memref<1x1x8x128xf32, #tpu.memory_space<hbm>> -> memref<8x128xf32, #tpu.memory_space<hbm>>
      %dma_wait3A_898 = arith.constant 0 : i32
      %dma_wait3A_899 = arith.constant 0 : i32
      %dma_wait3A_900 = tpu.memref_slice %arg14[%dma_wait3A_884, %dma_wait3A_898, %dma_wait3A_899] : memref<4x8x128xf32, #tpu.memory_space<vmem>> -> memref<1x8x128xf32, #tpu.memory_space<vmem>>
      %dma_wait3A_901 = tpu.memref_squeeze %dma_wait3A_900 : memref<1x8x128xf32, #tpu.memory_space<vmem>> -> memref<8x128xf32, #tpu.memory_space<vmem>>
      tpu.wait_dma2 semaphore(%arg18 : memref<!tpu.dma_semaphore, #tpu.memory_space<semaphore_mem>>) src(%dma_wait3A_901 : memref<8x128xf32, #tpu.memory_space<vmem>>) dst(%dma_wait3A_897 : memref<8x128xf32, #tpu.memory_space<hbm>>)
      %add3A_902 = arith.addi %squeeze3A_646, %add3A_673 : i32
      %dma_wait3A_903 = arith.constant 3 : i32
      %dma_wait3A_904 = arith.constant 1 : i32
      %dma_wait3A_905 = arith.constant 0 : i32
      %dma_wait3A_906 = arith.constant 0 : i32
      %dma_wait3A_907 = tpu.memref_slice %arg15[%dma_wait3A_903, %dma_wait3A_905, %dma_wait3A_906] : memref<4x8x128xf32, #tpu.memory_space<vmem>> -> memref<1x8x128xf32, #tpu.memory_space<vmem>>
      %dma_wait3A_908 = tpu.memref_squeeze %dma_wait3A_907 : memref<1x8x128xf32, #tpu.memory_space<vmem>> -> memref<8x128xf32, #tpu.memory_space<vmem>>
      %dma_wait3A_909 = arith.constant 0 : i32
      %dma_wait3A_910 = arith.constant 0 : i32
      %dma_wait3A_911 = tpu.memref_slice %arg7[%dma_wait3A_904, %add3A_902, %dma_wait3A_909, %dma_wait3A_910] : memref<8x4096x8x128xf32, #tpu.memory_space<hbm>> -> memref<1x1x8x128xf32, #tpu.memory_space<hbm>>
      %dma_wait3A_912 = tpu.memref_squeeze %dma_wait3A_911 : memref<1x1x8x128xf32, #tpu.memory_space<hbm>> -> memref<8x128xf32, #tpu.memory_space<hbm>>
      %dma_wait3A_913 = arith.constant 0 : i32
      %dma_wait3A_914 = arith.constant 0 : i32
      %dma_wait3A_915 = tpu.memref_slice %arg7[%dma_wait3A_904, %add3A_902, %dma_wait3A_913, %dma_wait3A_914] : memref<8x4096x8x128xf32, #tpu.memory_space<hbm>> -> memref<1x1x8x128xf32, #tpu.memory_space<hbm>>
      %dma_wait3A_916 = tpu.memref_squeeze %dma_wait3A_915 : memref<1x1x8x128xf32, #tpu.memory_space<hbm>> -> memref<8x128xf32, #tpu.memory_space<hbm>>
      %dma_wait3A_917 = arith.constant 0 : i32
      %dma_wait3A_918 = arith.constant 0 : i32
      %dma_wait3A_919 = tpu.memref_slice %arg15[%dma_wait3A_903, %dma_wait3A_917, %dma_wait3A_918] : memref<4x8x128xf32, #tpu.memory_space<vmem>> -> memref<1x8x128xf32, #tpu.memory_space<vmem>>
      %dma_wait3A_920 = tpu.memref_squeeze %dma_wait3A_919 : memref<1x8x128xf32, #tpu.memory_space<vmem>> -> memref<8x128xf32, #tpu.memory_space<vmem>>
      tpu.wait_dma2 semaphore(%arg18 : memref<!tpu.dma_semaphore, #tpu.memory_space<semaphore_mem>>) src(%dma_wait3A_920 : memref<8x128xf32, #tpu.memory_space<vmem>>) dst(%dma_wait3A_916 : memref<8x128xf32, #tpu.memory_space<hbm>>)
    } else {
    }
    %slice3A_679 = vector.extract_strided_slice %get3A_184 {offsets = [2], sizes = [1], strides = [1]} : vector<16xi32> to vector<1xi32>
    %squeeze3A_680 = vector.extract %slice3A_679[0] : i32 from vector<1xi32>
    %slice3A_681 = vector.extract_strided_slice %get3A_187 {offsets = [2], sizes = [1], strides = [1]} : vector<16xi32> to vector<1xi32>
    %squeeze3A_682 = vector.extract %slice3A_681[0] : i32 from vector<1xi32>
    %eq3A_683 = arith.constant 2 : i32
    %eq3A_684 = arith.cmpi eq, %select_n3A, %eq3A_683 : i32
    %add3A_685 = arith.constant 0 : i32
    %add3A_686 = arith.addi %rem3A_17, %add3A_685 : i32
    %lt3A_687 = arith.cmpi slt, %add3A_686, %squeeze3A_682 : i32
    %and3A_688 = arith.andi %eq3A_684, %lt3A_687 : i1
    %convert_element_type3A_689 = arith.extui %and3A_688 : i1 to i32
    %cond3A_690 = arith.constant 0 : i32
    %cond3A_691 = arith.cmpi ne, %convert_element_type3A_689, %cond3A_690 : i32
    scf.if %cond3A_691 {
      %add3A_883 = arith.addi %squeeze3A_680, %add3A_686 : i32
      %dma_wait3A_884 = arith.constant 0 : i32
      %dma_wait3A_885 = arith.constant 2 : i32
      %dma_wait3A_886 = arith.constant 0 : i32
      %dma_wait3A_887 = arith.constant 0 : i32
      %dma_wait3A_888 = tpu.memref_slice %arg14[%dma_wait3A_884, %dma_wait3A_886, %dma_wait3A_887] : memref<4x8x128xf32, #tpu.memory_space<vmem>> -> memref<1x8x128xf32, #tpu.memory_space<vmem>>
      %dma_wait3A_889 = tpu.memref_squeeze %dma_wait3A_888 : memref<1x8x128xf32, #tpu.memory_space<vmem>> -> memref<8x128xf32, #tpu.memory_space<vmem>>
      %dma_wait3A_890 = arith.constant 0 : i32
      %dma_wait3A_891 = arith.constant 0 : i32
      %dma_wait3A_892 = tpu.memref_slice %arg6[%dma_wait3A_885, %add3A_883, %dma_wait3A_890, %dma_wait3A_891] : memref<8x4096x8x128xf32, #tpu.memory_space<hbm>> -> memref<1x1x8x128xf32, #tpu.memory_space<hbm>>
      %dma_wait3A_893 = tpu.memref_squeeze %dma_wait3A_892 : memref<1x1x8x128xf32, #tpu.memory_space<hbm>> -> memref<8x128xf32, #tpu.memory_space<hbm>>
      %dma_wait3A_894 = arith.constant 0 : i32
      %dma_wait3A_895 = arith.constant 0 : i32
      %dma_wait3A_896 = tpu.memref_slice %arg6[%dma_wait3A_885, %add3A_883, %dma_wait3A_894, %dma_wait3A_895] : memref<8x4096x8x128xf32, #tpu.memory_space<hbm>> -> memref<1x1x8x128xf32, #tpu.memory_space<hbm>>
      %dma_wait3A_897 = tpu.memref_squeeze %dma_wait3A_896 : memref<1x1x8x128xf32, #tpu.memory_space<hbm>> -> memref<8x128xf32, #tpu.memory_space<hbm>>
      %dma_wait3A_898 = arith.constant 0 : i32
      %dma_wait3A_899 = arith.constant 0 : i32
      %dma_wait3A_900 = tpu.memref_slice %arg14[%dma_wait3A_884, %dma_wait3A_898, %dma_wait3A_899] : memref<4x8x128xf32, #tpu.memory_space<vmem>> -> memref<1x8x128xf32, #tpu.memory_space<vmem>>
      %dma_wait3A_901 = tpu.memref_squeeze %dma_wait3A_900 : memref<1x8x128xf32, #tpu.memory_space<vmem>> -> memref<8x128xf32, #tpu.memory_space<vmem>>
      tpu.wait_dma2 semaphore(%arg18 : memref<!tpu.dma_semaphore, #tpu.memory_space<semaphore_mem>>) src(%dma_wait3A_901 : memref<8x128xf32, #tpu.memory_space<vmem>>) dst(%dma_wait3A_897 : memref<8x128xf32, #tpu.memory_space<hbm>>)
      %add3A_902 = arith.addi %squeeze3A_680, %add3A_686 : i32
      %dma_wait3A_903 = arith.constant 0 : i32
      %dma_wait3A_904 = arith.constant 2 : i32
      %dma_wait3A_905 = arith.constant 0 : i32
      %dma_wait3A_906 = arith.constant 0 : i32
      %dma_wait3A_907 = tpu.memref_slice %arg15[%dma_wait3A_903, %dma_wait3A_905, %dma_wait3A_906] : memref<4x8x128xf32, #tpu.memory_space<vmem>> -> memref<1x8x128xf32, #tpu.memory_space<vmem>>
      %dma_wait3A_908 = tpu.memref_squeeze %dma_wait3A_907 : memref<1x8x128xf32, #tpu.memory_space<vmem>> -> memref<8x128xf32, #tpu.memory_space<vmem>>
      %dma_wait3A_909 = arith.constant 0 : i32
      %dma_wait3A_910 = arith.constant 0 : i32
      %dma_wait3A_911 = tpu.memref_slice %arg7[%dma_wait3A_904, %add3A_902, %dma_wait3A_909, %dma_wait3A_910] : memref<8x4096x8x128xf32, #tpu.memory_space<hbm>> -> memref<1x1x8x128xf32, #tpu.memory_space<hbm>>
      %dma_wait3A_912 = tpu.memref_squeeze %dma_wait3A_911 : memref<1x1x8x128xf32, #tpu.memory_space<hbm>> -> memref<8x128xf32, #tpu.memory_space<hbm>>
      %dma_wait3A_913 = arith.constant 0 : i32
      %dma_wait3A_914 = arith.constant 0 : i32
      %dma_wait3A_915 = tpu.memref_slice %arg7[%dma_wait3A_904, %add3A_902, %dma_wait3A_913, %dma_wait3A_914] : memref<8x4096x8x128xf32, #tpu.memory_space<hbm>> -> memref<1x1x8x128xf32, #tpu.memory_space<hbm>>
      %dma_wait3A_916 = tpu.memref_squeeze %dma_wait3A_915 : memref<1x1x8x128xf32, #tpu.memory_space<hbm>> -> memref<8x128xf32, #tpu.memory_space<hbm>>
      %dma_wait3A_917 = arith.constant 0 : i32
      %dma_wait3A_918 = arith.constant 0 : i32
      %dma_wait3A_919 = tpu.memref_slice %arg15[%dma_wait3A_903, %dma_wait3A_917, %dma_wait3A_918] : memref<4x8x128xf32, #tpu.memory_space<vmem>> -> memref<1x8x128xf32, #tpu.memory_space<vmem>>
      %dma_wait3A_920 = tpu.memref_squeeze %dma_wait3A_919 : memref<1x8x128xf32, #tpu.memory_space<vmem>> -> memref<8x128xf32, #tpu.memory_space<vmem>>
      tpu.wait_dma2 semaphore(%arg18 : memref<!tpu.dma_semaphore, #tpu.memory_space<semaphore_mem>>) src(%dma_wait3A_920 : memref<8x128xf32, #tpu.memory_space<vmem>>) dst(%dma_wait3A_916 : memref<8x128xf32, #tpu.memory_space<hbm>>)
    } else {
    }
    %add3A_692 = arith.constant 2 : i32
    %add3A_693 = arith.addi %rem3A_17, %add3A_692 : i32
    %lt3A_694 = arith.cmpi slt, %add3A_693, %squeeze3A_682 : i32
    %and3A_695 = arith.andi %eq3A_684, %lt3A_694 : i1
    %convert_element_type3A_696 = arith.extui %and3A_695 : i1 to i32
    %cond3A_697 = arith.constant 0 : i32
    %cond3A_698 = arith.cmpi ne, %convert_element_type3A_696, %cond3A_697 : i32
    scf.if %cond3A_698 {
      %add3A_883 = arith.addi %squeeze3A_680, %add3A_693 : i32
      %dma_wait3A_884 = arith.constant 1 : i32
      %dma_wait3A_885 = arith.constant 2 : i32
      %dma_wait3A_886 = arith.constant 0 : i32
      %dma_wait3A_887 = arith.constant 0 : i32
      %dma_wait3A_888 = tpu.memref_slice %arg14[%dma_wait3A_884, %dma_wait3A_886, %dma_wait3A_887] : memref<4x8x128xf32, #tpu.memory_space<vmem>> -> memref<1x8x128xf32, #tpu.memory_space<vmem>>
      %dma_wait3A_889 = tpu.memref_squeeze %dma_wait3A_888 : memref<1x8x128xf32, #tpu.memory_space<vmem>> -> memref<8x128xf32, #tpu.memory_space<vmem>>
      %dma_wait3A_890 = arith.constant 0 : i32
      %dma_wait3A_891 = arith.constant 0 : i32
      %dma_wait3A_892 = tpu.memref_slice %arg6[%dma_wait3A_885, %add3A_883, %dma_wait3A_890, %dma_wait3A_891] : memref<8x4096x8x128xf32, #tpu.memory_space<hbm>> -> memref<1x1x8x128xf32, #tpu.memory_space<hbm>>
      %dma_wait3A_893 = tpu.memref_squeeze %dma_wait3A_892 : memref<1x1x8x128xf32, #tpu.memory_space<hbm>> -> memref<8x128xf32, #tpu.memory_space<hbm>>
      %dma_wait3A_894 = arith.constant 0 : i32
      %dma_wait3A_895 = arith.constant 0 : i32
      %dma_wait3A_896 = tpu.memref_slice %arg6[%dma_wait3A_885, %add3A_883, %dma_wait3A_894, %dma_wait3A_895] : memref<8x4096x8x128xf32, #tpu.memory_space<hbm>> -> memref<1x1x8x128xf32, #tpu.memory_space<hbm>>
      %dma_wait3A_897 = tpu.memref_squeeze %dma_wait3A_896 : memref<1x1x8x128xf32, #tpu.memory_space<hbm>> -> memref<8x128xf32, #tpu.memory_space<hbm>>
      %dma_wait3A_898 = arith.constant 0 : i32
      %dma_wait3A_899 = arith.constant 0 : i32
      %dma_wait3A_900 = tpu.memref_slice %arg14[%dma_wait3A_884, %dma_wait3A_898, %dma_wait3A_899] : memref<4x8x128xf32, #tpu.memory_space<vmem>> -> memref<1x8x128xf32, #tpu.memory_space<vmem>>
      %dma_wait3A_901 = tpu.memref_squeeze %dma_wait3A_900 : memref<1x8x128xf32, #tpu.memory_space<vmem>> -> memref<8x128xf32, #tpu.memory_space<vmem>>
      tpu.wait_dma2 semaphore(%arg18 : memref<!tpu.dma_semaphore, #tpu.memory_space<semaphore_mem>>) src(%dma_wait3A_901 : memref<8x128xf32, #tpu.memory_space<vmem>>) dst(%dma_wait3A_897 : memref<8x128xf32, #tpu.memory_space<hbm>>)
      %add3A_902 = arith.addi %squeeze3A_680, %add3A_693 : i32
      %dma_wait3A_903 = arith.constant 1 : i32
      %dma_wait3A_904 = arith.constant 2 : i32
      %dma_wait3A_905 = arith.constant 0 : i32
      %dma_wait3A_906 = arith.constant 0 : i32
      %dma_wait3A_907 = tpu.memref_slice %arg15[%dma_wait3A_903, %dma_wait3A_905, %dma_wait3A_906] : memref<4x8x128xf32, #tpu.memory_space<vmem>> -> memref<1x8x128xf32, #tpu.memory_space<vmem>>
      %dma_wait3A_908 = tpu.memref_squeeze %dma_wait3A_907 : memref<1x8x128xf32, #tpu.memory_space<vmem>> -> memref<8x128xf32, #tpu.memory_space<vmem>>
      %dma_wait3A_909 = arith.constant 0 : i32
      %dma_wait3A_910 = arith.constant 0 : i32
      %dma_wait3A_911 = tpu.memref_slice %arg7[%dma_wait3A_904, %add3A_902, %dma_wait3A_909, %dma_wait3A_910] : memref<8x4096x8x128xf32, #tpu.memory_space<hbm>> -> memref<1x1x8x128xf32, #tpu.memory_space<hbm>>
      %dma_wait3A_912 = tpu.memref_squeeze %dma_wait3A_911 : memref<1x1x8x128xf32, #tpu.memory_space<hbm>> -> memref<8x128xf32, #tpu.memory_space<hbm>>
      %dma_wait3A_913 = arith.constant 0 : i32
      %dma_wait3A_914 = arith.constant 0 : i32
      %dma_wait3A_915 = tpu.memref_slice %arg7[%dma_wait3A_904, %add3A_902, %dma_wait3A_913, %dma_wait3A_914] : memref<8x4096x8x128xf32, #tpu.memory_space<hbm>> -> memref<1x1x8x128xf32, #tpu.memory_space<hbm>>
      %dma_wait3A_916 = tpu.memref_squeeze %dma_wait3A_915 : memref<1x1x8x128xf32, #tpu.memory_space<hbm>> -> memref<8x128xf32, #tpu.memory_space<hbm>>
      %dma_wait3A_917 = arith.constant 0 : i32
      %dma_wait3A_918 = arith.constant 0 : i32
      %dma_wait3A_919 = tpu.memref_slice %arg15[%dma_wait3A_903, %dma_wait3A_917, %dma_wait3A_918] : memref<4x8x128xf32, #tpu.memory_space<vmem>> -> memref<1x8x128xf32, #tpu.memory_space<vmem>>
      %dma_wait3A_920 = tpu.memref_squeeze %dma_wait3A_919 : memref<1x8x128xf32, #tpu.memory_space<vmem>> -> memref<8x128xf32, #tpu.memory_space<vmem>>
      tpu.wait_dma2 semaphore(%arg18 : memref<!tpu.dma_semaphore, #tpu.memory_space<semaphore_mem>>) src(%dma_wait3A_920 : memref<8x128xf32, #tpu.memory_space<vmem>>) dst(%dma_wait3A_916 : memref<8x128xf32, #tpu.memory_space<hbm>>)
    } else {
    }
    %add3A_699 = arith.constant 4 : i32
    %add3A_700 = arith.addi %rem3A_17, %add3A_699 : i32
    %lt3A_701 = arith.cmpi slt, %add3A_700, %squeeze3A_682 : i32
    %and3A_702 = arith.andi %eq3A_684, %lt3A_701 : i1
    %convert_element_type3A_703 = arith.extui %and3A_702 : i1 to i32
    %cond3A_704 = arith.constant 0 : i32
    %cond3A_705 = arith.cmpi ne, %convert_element_type3A_703, %cond3A_704 : i32
    scf.if %cond3A_705 {
      %add3A_883 = arith.addi %squeeze3A_680, %add3A_700 : i32
      %dma_wait3A_884 = arith.constant 2 : i32
      %dma_wait3A_885 = arith.constant 2 : i32
      %dma_wait3A_886 = arith.constant 0 : i32
      %dma_wait3A_887 = arith.constant 0 : i32
      %dma_wait3A_888 = tpu.memref_slice %arg14[%dma_wait3A_884, %dma_wait3A_886, %dma_wait3A_887] : memref<4x8x128xf32, #tpu.memory_space<vmem>> -> memref<1x8x128xf32, #tpu.memory_space<vmem>>
      %dma_wait3A_889 = tpu.memref_squeeze %dma_wait3A_888 : memref<1x8x128xf32, #tpu.memory_space<vmem>> -> memref<8x128xf32, #tpu.memory_space<vmem>>
      %dma_wait3A_890 = arith.constant 0 : i32
      %dma_wait3A_891 = arith.constant 0 : i32
      %dma_wait3A_892 = tpu.memref_slice %arg6[%dma_wait3A_885, %add3A_883, %dma_wait3A_890, %dma_wait3A_891] : memref<8x4096x8x128xf32, #tpu.memory_space<hbm>> -> memref<1x1x8x128xf32, #tpu.memory_space<hbm>>
      %dma_wait3A_893 = tpu.memref_squeeze %dma_wait3A_892 : memref<1x1x8x128xf32, #tpu.memory_space<hbm>> -> memref<8x128xf32, #tpu.memory_space<hbm>>
      %dma_wait3A_894 = arith.constant 0 : i32
      %dma_wait3A_895 = arith.constant 0 : i32
      %dma_wait3A_896 = tpu.memref_slice %arg6[%dma_wait3A_885, %add3A_883, %dma_wait3A_894, %dma_wait3A_895] : memref<8x4096x8x128xf32, #tpu.memory_space<hbm>> -> memref<1x1x8x128xf32, #tpu.memory_space<hbm>>
      %dma_wait3A_897 = tpu.memref_squeeze %dma_wait3A_896 : memref<1x1x8x128xf32, #tpu.memory_space<hbm>> -> memref<8x128xf32, #tpu.memory_space<hbm>>
      %dma_wait3A_898 = arith.constant 0 : i32
      %dma_wait3A_899 = arith.constant 0 : i32
      %dma_wait3A_900 = tpu.memref_slice %arg14[%dma_wait3A_884, %dma_wait3A_898, %dma_wait3A_899] : memref<4x8x128xf32, #tpu.memory_space<vmem>> -> memref<1x8x128xf32, #tpu.memory_space<vmem>>
      %dma_wait3A_901 = tpu.memref_squeeze %dma_wait3A_900 : memref<1x8x128xf32, #tpu.memory_space<vmem>> -> memref<8x128xf32, #tpu.memory_space<vmem>>
      tpu.wait_dma2 semaphore(%arg18 : memref<!tpu.dma_semaphore, #tpu.memory_space<semaphore_mem>>) src(%dma_wait3A_901 : memref<8x128xf32, #tpu.memory_space<vmem>>) dst(%dma_wait3A_897 : memref<8x128xf32, #tpu.memory_space<hbm>>)
      %add3A_902 = arith.addi %squeeze3A_680, %add3A_700 : i32
      %dma_wait3A_903 = arith.constant 2 : i32
      %dma_wait3A_904 = arith.constant 2 : i32
      %dma_wait3A_905 = arith.constant 0 : i32
      %dma_wait3A_906 = arith.constant 0 : i32
      %dma_wait3A_907 = tpu.memref_slice %arg15[%dma_wait3A_903, %dma_wait3A_905, %dma_wait3A_906] : memref<4x8x128xf32, #tpu.memory_space<vmem>> -> memref<1x8x128xf32, #tpu.memory_space<vmem>>
      %dma_wait3A_908 = tpu.memref_squeeze %dma_wait3A_907 : memref<1x8x128xf32, #tpu.memory_space<vmem>> -> memref<8x128xf32, #tpu.memory_space<vmem>>
      %dma_wait3A_909 = arith.constant 0 : i32
      %dma_wait3A_910 = arith.constant 0 : i32
      %dma_wait3A_911 = tpu.memref_slice %arg7[%dma_wait3A_904, %add3A_902, %dma_wait3A_909, %dma_wait3A_910] : memref<8x4096x8x128xf32, #tpu.memory_space<hbm>> -> memref<1x1x8x128xf32, #tpu.memory_space<hbm>>
      %dma_wait3A_912 = tpu.memref_squeeze %dma_wait3A_911 : memref<1x1x8x128xf32, #tpu.memory_space<hbm>> -> memref<8x128xf32, #tpu.memory_space<hbm>>
      %dma_wait3A_913 = arith.constant 0 : i32
      %dma_wait3A_914 = arith.constant 0 : i32
      %dma_wait3A_915 = tpu.memref_slice %arg7[%dma_wait3A_904, %add3A_902, %dma_wait3A_913, %dma_wait3A_914] : memref<8x4096x8x128xf32, #tpu.memory_space<hbm>> -> memref<1x1x8x128xf32, #tpu.memory_space<hbm>>
      %dma_wait3A_916 = tpu.memref_squeeze %dma_wait3A_915 : memref<1x1x8x128xf32, #tpu.memory_space<hbm>> -> memref<8x128xf32, #tpu.memory_space<hbm>>
      %dma_wait3A_917 = arith.constant 0 : i32
      %dma_wait3A_918 = arith.constant 0 : i32
      %dma_wait3A_919 = tpu.memref_slice %arg15[%dma_wait3A_903, %dma_wait3A_917, %dma_wait3A_918] : memref<4x8x128xf32, #tpu.memory_space<vmem>> -> memref<1x8x128xf32, #tpu.memory_space<vmem>>
      %dma_wait3A_920 = tpu.memref_squeeze %dma_wait3A_919 : memref<1x8x128xf32, #tpu.memory_space<vmem>> -> memref<8x128xf32, #tpu.memory_space<vmem>>
      tpu.wait_dma2 semaphore(%arg18 : memref<!tpu.dma_semaphore, #tpu.memory_space<semaphore_mem>>) src(%dma_wait3A_920 : memref<8x128xf32, #tpu.memory_space<vmem>>) dst(%dma_wait3A_916 : memref<8x128xf32, #tpu.memory_space<hbm>>)
    } else {
    }
    %add3A_706 = arith.constant 6 : i32
    %add3A_707 = arith.addi %rem3A_17, %add3A_706 : i32
    %lt3A_708 = arith.cmpi slt, %add3A_707, %squeeze3A_682 : i32
    %and3A_709 = arith.andi %eq3A_684, %lt3A_708 : i1
    %convert_element_type3A_710 = arith.extui %and3A_709 : i1 to i32
    %cond3A_711 = arith.constant 0 : i32
    %cond3A_712 = arith.cmpi ne, %convert_element_type3A_710, %cond3A_711 : i32
    scf.if %cond3A_712 {
      %add3A_883 = arith.addi %squeeze3A_680, %add3A_707 : i32
      %dma_wait3A_884 = arith.constant 3 : i32
      %dma_wait3A_885 = arith.constant 2 : i32
      %dma_wait3A_886 = arith.constant 0 : i32
      %dma_wait3A_887 = arith.constant 0 : i32
      %dma_wait3A_888 = tpu.memref_slice %arg14[%dma_wait3A_884, %dma_wait3A_886, %dma_wait3A_887] : memref<4x8x128xf32, #tpu.memory_space<vmem>> -> memref<1x8x128xf32, #tpu.memory_space<vmem>>
      %dma_wait3A_889 = tpu.memref_squeeze %dma_wait3A_888 : memref<1x8x128xf32, #tpu.memory_space<vmem>> -> memref<8x128xf32, #tpu.memory_space<vmem>>
      %dma_wait3A_890 = arith.constant 0 : i32
      %dma_wait3A_891 = arith.constant 0 : i32
      %dma_wait3A_892 = tpu.memref_slice %arg6[%dma_wait3A_885, %add3A_883, %dma_wait3A_890, %dma_wait3A_891] : memref<8x4096x8x128xf32, #tpu.memory_space<hbm>> -> memref<1x1x8x128xf32, #tpu.memory_space<hbm>>
      %dma_wait3A_893 = tpu.memref_squeeze %dma_wait3A_892 : memref<1x1x8x128xf32, #tpu.memory_space<hbm>> -> memref<8x128xf32, #tpu.memory_space<hbm>>
      %dma_wait3A_894 = arith.constant 0 : i32
      %dma_wait3A_895 = arith.constant 0 : i32
      %dma_wait3A_896 = tpu.memref_slice %arg6[%dma_wait3A_885, %add3A_883, %dma_wait3A_894, %dma_wait3A_895] : memref<8x4096x8x128xf32, #tpu.memory_space<hbm>> -> memref<1x1x8x128xf32, #tpu.memory_space<hbm>>
      %dma_wait3A_897 = tpu.memref_squeeze %dma_wait3A_896 : memref<1x1x8x128xf32, #tpu.memory_space<hbm>> -> memref<8x128xf32, #tpu.memory_space<hbm>>
      %dma_wait3A_898 = arith.constant 0 : i32
      %dma_wait3A_899 = arith.constant 0 : i32
      %dma_wait3A_900 = tpu.memref_slice %arg14[%dma_wait3A_884, %dma_wait3A_898, %dma_wait3A_899] : memref<4x8x128xf32, #tpu.memory_space<vmem>> -> memref<1x8x128xf32, #tpu.memory_space<vmem>>
      %dma_wait3A_901 = tpu.memref_squeeze %dma_wait3A_900 : memref<1x8x128xf32, #tpu.memory_space<vmem>> -> memref<8x128xf32, #tpu.memory_space<vmem>>
      tpu.wait_dma2 semaphore(%arg18 : memref<!tpu.dma_semaphore, #tpu.memory_space<semaphore_mem>>) src(%dma_wait3A_901 : memref<8x128xf32, #tpu.memory_space<vmem>>) dst(%dma_wait3A_897 : memref<8x128xf32, #tpu.memory_space<hbm>>)
      %add3A_902 = arith.addi %squeeze3A_680, %add3A_707 : i32
      %dma_wait3A_903 = arith.constant 3 : i32
      %dma_wait3A_904 = arith.constant 2 : i32
      %dma_wait3A_905 = arith.constant 0 : i32
      %dma_wait3A_906 = arith.constant 0 : i32
      %dma_wait3A_907 = tpu.memref_slice %arg15[%dma_wait3A_903, %dma_wait3A_905, %dma_wait3A_906] : memref<4x8x128xf32, #tpu.memory_space<vmem>> -> memref<1x8x128xf32, #tpu.memory_space<vmem>>
      %dma_wait3A_908 = tpu.memref_squeeze %dma_wait3A_907 : memref<1x8x128xf32, #tpu.memory_space<vmem>> -> memref<8x128xf32, #tpu.memory_space<vmem>>
      %dma_wait3A_909 = arith.constant 0 : i32
      %dma_wait3A_910 = arith.constant 0 : i32
      %dma_wait3A_911 = tpu.memref_slice %arg7[%dma_wait3A_904, %add3A_902, %dma_wait3A_909, %dma_wait3A_910] : memref<8x4096x8x128xf32, #tpu.memory_space<hbm>> -> memref<1x1x8x128xf32, #tpu.memory_space<hbm>>
      %dma_wait3A_912 = tpu.memref_squeeze %dma_wait3A_911 : memref<1x1x8x128xf32, #tpu.memory_space<hbm>> -> memref<8x128xf32, #tpu.memory_space<hbm>>
      %dma_wait3A_913 = arith.constant 0 : i32
      %dma_wait3A_914 = arith.constant 0 : i32
      %dma_wait3A_915 = tpu.memref_slice %arg7[%dma_wait3A_904, %add3A_902, %dma_wait3A_913, %dma_wait3A_914] : memref<8x4096x8x128xf32, #tpu.memory_space<hbm>> -> memref<1x1x8x128xf32, #tpu.memory_space<hbm>>
      %dma_wait3A_916 = tpu.memref_squeeze %dma_wait3A_915 : memref<1x1x8x128xf32, #tpu.memory_space<hbm>> -> memref<8x128xf32, #tpu.memory_space<hbm>>
      %dma_wait3A_917 = arith.constant 0 : i32
      %dma_wait3A_918 = arith.constant 0 : i32
      %dma_wait3A_919 = tpu.memref_slice %arg15[%dma_wait3A_903, %dma_wait3A_917, %dma_wait3A_918] : memref<4x8x128xf32, #tpu.memory_space<vmem>> -> memref<1x8x128xf32, #tpu.memory_space<vmem>>
      %dma_wait3A_920 = tpu.memref_squeeze %dma_wait3A_919 : memref<1x8x128xf32, #tpu.memory_space<vmem>> -> memref<8x128xf32, #tpu.memory_space<vmem>>
      tpu.wait_dma2 semaphore(%arg18 : memref<!tpu.dma_semaphore, #tpu.memory_space<semaphore_mem>>) src(%dma_wait3A_920 : memref<8x128xf32, #tpu.memory_space<vmem>>) dst(%dma_wait3A_916 : memref<8x128xf32, #tpu.memory_space<hbm>>)
    } else {
    }
    %slice3A_713 = vector.extract_strided_slice %get3A_184 {offsets = [3], sizes = [1], strides = [1]} : vector<16xi32> to vector<1xi32>
    %squeeze3A_714 = vector.extract %slice3A_713[0] : i32 from vector<1xi32>
    %slice3A_715 = vector.extract_strided_slice %get3A_187 {offsets = [3], sizes = [1], strides = [1]} : vector<16xi32> to vector<1xi32>
    %squeeze3A_716 = vector.extract %slice3A_715[0] : i32 from vector<1xi32>
    %eq3A_717 = arith.constant 3 : i32
    %eq3A_718 = arith.cmpi eq, %select_n3A, %eq3A_717 : i32
    %add3A_719 = arith.constant 0 : i32
    %add3A_720 = arith.addi %rem3A_17, %add3A_719 : i32
    %lt3A_721 = arith.cmpi slt, %add3A_720, %squeeze3A_716 : i32
    %and3A_722 = arith.andi %eq3A_718, %lt3A_721 : i1
    %convert_element_type3A_723 = arith.extui %and3A_722 : i1 to i32
    %cond3A_724 = arith.constant 0 : i32
    %cond3A_725 = arith.cmpi ne, %convert_element_type3A_723, %cond3A_724 : i32
    scf.if %cond3A_725 {
      %add3A_883 = arith.addi %squeeze3A_714, %add3A_720 : i32
      %dma_wait3A_884 = arith.constant 0 : i32
      %dma_wait3A_885 = arith.constant 3 : i32
      %dma_wait3A_886 = arith.constant 0 : i32
      %dma_wait3A_887 = arith.constant 0 : i32
      %dma_wait3A_888 = tpu.memref_slice %arg14[%dma_wait3A_884, %dma_wait3A_886, %dma_wait3A_887] : memref<4x8x128xf32, #tpu.memory_space<vmem>> -> memref<1x8x128xf32, #tpu.memory_space<vmem>>
      %dma_wait3A_889 = tpu.memref_squeeze %dma_wait3A_888 : memref<1x8x128xf32, #tpu.memory_space<vmem>> -> memref<8x128xf32, #tpu.memory_space<vmem>>
      %dma_wait3A_890 = arith.constant 0 : i32
      %dma_wait3A_891 = arith.constant 0 : i32
      %dma_wait3A_892 = tpu.memref_slice %arg6[%dma_wait3A_885, %add3A_883, %dma_wait3A_890, %dma_wait3A_891] : memref<8x4096x8x128xf32, #tpu.memory_space<hbm>> -> memref<1x1x8x128xf32, #tpu.memory_space<hbm>>
      %dma_wait3A_893 = tpu.memref_squeeze %dma_wait3A_892 : memref<1x1x8x128xf32, #tpu.memory_space<hbm>> -> memref<8x128xf32, #tpu.memory_space<hbm>>
      %dma_wait3A_894 = arith.constant 0 : i32
      %dma_wait3A_895 = arith.constant 0 : i32
      %dma_wait3A_896 = tpu.memref_slice %arg6[%dma_wait3A_885, %add3A_883, %dma_wait3A_894, %dma_wait3A_895] : memref<8x4096x8x128xf32, #tpu.memory_space<hbm>> -> memref<1x1x8x128xf32, #tpu.memory_space<hbm>>
      %dma_wait3A_897 = tpu.memref_squeeze %dma_wait3A_896 : memref<1x1x8x128xf32, #tpu.memory_space<hbm>> -> memref<8x128xf32, #tpu.memory_space<hbm>>
      %dma_wait3A_898 = arith.constant 0 : i32
      %dma_wait3A_899 = arith.constant 0 : i32
      %dma_wait3A_900 = tpu.memref_slice %arg14[%dma_wait3A_884, %dma_wait3A_898, %dma_wait3A_899] : memref<4x8x128xf32, #tpu.memory_space<vmem>> -> memref<1x8x128xf32, #tpu.memory_space<vmem>>
      %dma_wait3A_901 = tpu.memref_squeeze %dma_wait3A_900 : memref<1x8x128xf32, #tpu.memory_space<vmem>> -> memref<8x128xf32, #tpu.memory_space<vmem>>
      tpu.wait_dma2 semaphore(%arg18 : memref<!tpu.dma_semaphore, #tpu.memory_space<semaphore_mem>>) src(%dma_wait3A_901 : memref<8x128xf32, #tpu.memory_space<vmem>>) dst(%dma_wait3A_897 : memref<8x128xf32, #tpu.memory_space<hbm>>)
      %add3A_902 = arith.addi %squeeze3A_714, %add3A_720 : i32
      %dma_wait3A_903 = arith.constant 0 : i32
      %dma_wait3A_904 = arith.constant 3 : i32
      %dma_wait3A_905 = arith.constant 0 : i32
      %dma_wait3A_906 = arith.constant 0 : i32
      %dma_wait3A_907 = tpu.memref_slice %arg15[%dma_wait3A_903, %dma_wait3A_905, %dma_wait3A_906] : memref<4x8x128xf32, #tpu.memory_space<vmem>> -> memref<1x8x128xf32, #tpu.memory_space<vmem>>
      %dma_wait3A_908 = tpu.memref_squeeze %dma_wait3A_907 : memref<1x8x128xf32, #tpu.memory_space<vmem>> -> memref<8x128xf32, #tpu.memory_space<vmem>>
      %dma_wait3A_909 = arith.constant 0 : i32
      %dma_wait3A_910 = arith.constant 0 : i32
      %dma_wait3A_911 = tpu.memref_slice %arg7[%dma_wait3A_904, %add3A_902, %dma_wait3A_909, %dma_wait3A_910] : memref<8x4096x8x128xf32, #tpu.memory_space<hbm>> -> memref<1x1x8x128xf32, #tpu.memory_space<hbm>>
      %dma_wait3A_912 = tpu.memref_squeeze %dma_wait3A_911 : memref<1x1x8x128xf32, #tpu.memory_space<hbm>> -> memref<8x128xf32, #tpu.memory_space<hbm>>
      %dma_wait3A_913 = arith.constant 0 : i32
      %dma_wait3A_914 = arith.constant 0 : i32
      %dma_wait3A_915 = tpu.memref_slice %arg7[%dma_wait3A_904, %add3A_902, %dma_wait3A_913, %dma_wait3A_914] : memref<8x4096x8x128xf32, #tpu.memory_space<hbm>> -> memref<1x1x8x128xf32, #tpu.memory_space<hbm>>
      %dma_wait3A_916 = tpu.memref_squeeze %dma_wait3A_915 : memref<1x1x8x128xf32, #tpu.memory_space<hbm>> -> memref<8x128xf32, #tpu.memory_space<hbm>>
      %dma_wait3A_917 = arith.constant 0 : i32
      %dma_wait3A_918 = arith.constant 0 : i32
      %dma_wait3A_919 = tpu.memref_slice %arg15[%dma_wait3A_903, %dma_wait3A_917, %dma_wait3A_918] : memref<4x8x128xf32, #tpu.memory_space<vmem>> -> memref<1x8x128xf32, #tpu.memory_space<vmem>>
      %dma_wait3A_920 = tpu.memref_squeeze %dma_wait3A_919 : memref<1x8x128xf32, #tpu.memory_space<vmem>> -> memref<8x128xf32, #tpu.memory_space<vmem>>
      tpu.wait_dma2 semaphore(%arg18 : memref<!tpu.dma_semaphore, #tpu.memory_space<semaphore_mem>>) src(%dma_wait3A_920 : memref<8x128xf32, #tpu.memory_space<vmem>>) dst(%dma_wait3A_916 : memref<8x128xf32, #tpu.memory_space<hbm>>)
    } else {
    }
    %add3A_726 = arith.constant 2 : i32
    %add3A_727 = arith.addi %rem3A_17, %add3A_726 : i32
    %lt3A_728 = arith.cmpi slt, %add3A_727, %squeeze3A_716 : i32
    %and3A_729 = arith.andi %eq3A_718, %lt3A_728 : i1
    %convert_element_type3A_730 = arith.extui %and3A_729 : i1 to i32
    %cond3A_731 = arith.constant 0 : i32
    %cond3A_732 = arith.cmpi ne, %convert_element_type3A_730, %cond3A_731 : i32
    scf.if %cond3A_732 {
      %add3A_883 = arith.addi %squeeze3A_714, %add3A_727 : i32
      %dma_wait3A_884 = arith.constant 1 : i32
      %dma_wait3A_885 = arith.constant 3 : i32
      %dma_wait3A_886 = arith.constant 0 : i32
      %dma_wait3A_887 = arith.constant 0 : i32
      %dma_wait3A_888 = tpu.memref_slice %arg14[%dma_wait3A_884, %dma_wait3A_886, %dma_wait3A_887] : memref<4x8x128xf32, #tpu.memory_space<vmem>> -> memref<1x8x128xf32, #tpu.memory_space<vmem>>
      %dma_wait3A_889 = tpu.memref_squeeze %dma_wait3A_888 : memref<1x8x128xf32, #tpu.memory_space<vmem>> -> memref<8x128xf32, #tpu.memory_space<vmem>>
      %dma_wait3A_890 = arith.constant 0 : i32
      %dma_wait3A_891 = arith.constant 0 : i32
      %dma_wait3A_892 = tpu.memref_slice %arg6[%dma_wait3A_885, %add3A_883, %dma_wait3A_890, %dma_wait3A_891] : memref<8x4096x8x128xf32, #tpu.memory_space<hbm>> -> memref<1x1x8x128xf32, #tpu.memory_space<hbm>>
      %dma_wait3A_893 = tpu.memref_squeeze %dma_wait3A_892 : memref<1x1x8x128xf32, #tpu.memory_space<hbm>> -> memref<8x128xf32, #tpu.memory_space<hbm>>
      %dma_wait3A_894 = arith.constant 0 : i32
      %dma_wait3A_895 = arith.constant 0 : i32
      %dma_wait3A_896 = tpu.memref_slice %arg6[%dma_wait3A_885, %add3A_883, %dma_wait3A_894, %dma_wait3A_895] : memref<8x4096x8x128xf32, #tpu.memory_space<hbm>> -> memref<1x1x8x128xf32, #tpu.memory_space<hbm>>
      %dma_wait3A_897 = tpu.memref_squeeze %dma_wait3A_896 : memref<1x1x8x128xf32, #tpu.memory_space<hbm>> -> memref<8x128xf32, #tpu.memory_space<hbm>>
      %dma_wait3A_898 = arith.constant 0 : i32
      %dma_wait3A_899 = arith.constant 0 : i32
      %dma_wait3A_900 = tpu.memref_slice %arg14[%dma_wait3A_884, %dma_wait3A_898, %dma_wait3A_899] : memref<4x8x128xf32, #tpu.memory_space<vmem>> -> memref<1x8x128xf32, #tpu.memory_space<vmem>>
      %dma_wait3A_901 = tpu.memref_squeeze %dma_wait3A_900 : memref<1x8x128xf32, #tpu.memory_space<vmem>> -> memref<8x128xf32, #tpu.memory_space<vmem>>
      tpu.wait_dma2 semaphore(%arg18 : memref<!tpu.dma_semaphore, #tpu.memory_space<semaphore_mem>>) src(%dma_wait3A_901 : memref<8x128xf32, #tpu.memory_space<vmem>>) dst(%dma_wait3A_897 : memref<8x128xf32, #tpu.memory_space<hbm>>)
      %add3A_902 = arith.addi %squeeze3A_714, %add3A_727 : i32
      %dma_wait3A_903 = arith.constant 1 : i32
      %dma_wait3A_904 = arith.constant 3 : i32
      %dma_wait3A_905 = arith.constant 0 : i32
      %dma_wait3A_906 = arith.constant 0 : i32
      %dma_wait3A_907 = tpu.memref_slice %arg15[%dma_wait3A_903, %dma_wait3A_905, %dma_wait3A_906] : memref<4x8x128xf32, #tpu.memory_space<vmem>> -> memref<1x8x128xf32, #tpu.memory_space<vmem>>
      %dma_wait3A_908 = tpu.memref_squeeze %dma_wait3A_907 : memref<1x8x128xf32, #tpu.memory_space<vmem>> -> memref<8x128xf32, #tpu.memory_space<vmem>>
      %dma_wait3A_909 = arith.constant 0 : i32
      %dma_wait3A_910 = arith.constant 0 : i32
      %dma_wait3A_911 = tpu.memref_slice %arg7[%dma_wait3A_904, %add3A_902, %dma_wait3A_909, %dma_wait3A_910] : memref<8x4096x8x128xf32, #tpu.memory_space<hbm>> -> memref<1x1x8x128xf32, #tpu.memory_space<hbm>>
      %dma_wait3A_912 = tpu.memref_squeeze %dma_wait3A_911 : memref<1x1x8x128xf32, #tpu.memory_space<hbm>> -> memref<8x128xf32, #tpu.memory_space<hbm>>
      %dma_wait3A_913 = arith.constant 0 : i32
      %dma_wait3A_914 = arith.constant 0 : i32
      %dma_wait3A_915 = tpu.memref_slice %arg7[%dma_wait3A_904, %add3A_902, %dma_wait3A_913, %dma_wait3A_914] : memref<8x4096x8x128xf32, #tpu.memory_space<hbm>> -> memref<1x1x8x128xf32, #tpu.memory_space<hbm>>
      %dma_wait3A_916 = tpu.memref_squeeze %dma_wait3A_915 : memref<1x1x8x128xf32, #tpu.memory_space<hbm>> -> memref<8x128xf32, #tpu.memory_space<hbm>>
      %dma_wait3A_917 = arith.constant 0 : i32
      %dma_wait3A_918 = arith.constant 0 : i32
      %dma_wait3A_919 = tpu.memref_slice %arg15[%dma_wait3A_903, %dma_wait3A_917, %dma_wait3A_918] : memref<4x8x128xf32, #tpu.memory_space<vmem>> -> memref<1x8x128xf32, #tpu.memory_space<vmem>>
      %dma_wait3A_920 = tpu.memref_squeeze %dma_wait3A_919 : memref<1x8x128xf32, #tpu.memory_space<vmem>> -> memref<8x128xf32, #tpu.memory_space<vmem>>
      tpu.wait_dma2 semaphore(%arg18 : memref<!tpu.dma_semaphore, #tpu.memory_space<semaphore_mem>>) src(%dma_wait3A_920 : memref<8x128xf32, #tpu.memory_space<vmem>>) dst(%dma_wait3A_916 : memref<8x128xf32, #tpu.memory_space<hbm>>)
    } else {
    }
    %add3A_733 = arith.constant 4 : i32
    %add3A_734 = arith.addi %rem3A_17, %add3A_733 : i32
    %lt3A_735 = arith.cmpi slt, %add3A_734, %squeeze3A_716 : i32
    %and3A_736 = arith.andi %eq3A_718, %lt3A_735 : i1
    %convert_element_type3A_737 = arith.extui %and3A_736 : i1 to i32
    %cond3A_738 = arith.constant 0 : i32
    %cond3A_739 = arith.cmpi ne, %convert_element_type3A_737, %cond3A_738 : i32
    scf.if %cond3A_739 {
      %add3A_883 = arith.addi %squeeze3A_714, %add3A_734 : i32
      %dma_wait3A_884 = arith.constant 2 : i32
      %dma_wait3A_885 = arith.constant 3 : i32
      %dma_wait3A_886 = arith.constant 0 : i32
      %dma_wait3A_887 = arith.constant 0 : i32
      %dma_wait3A_888 = tpu.memref_slice %arg14[%dma_wait3A_884, %dma_wait3A_886, %dma_wait3A_887] : memref<4x8x128xf32, #tpu.memory_space<vmem>> -> memref<1x8x128xf32, #tpu.memory_space<vmem>>
      %dma_wait3A_889 = tpu.memref_squeeze %dma_wait3A_888 : memref<1x8x128xf32, #tpu.memory_space<vmem>> -> memref<8x128xf32, #tpu.memory_space<vmem>>
      %dma_wait3A_890 = arith.constant 0 : i32
      %dma_wait3A_891 = arith.constant 0 : i32
      %dma_wait3A_892 = tpu.memref_slice %arg6[%dma_wait3A_885, %add3A_883, %dma_wait3A_890, %dma_wait3A_891] : memref<8x4096x8x128xf32, #tpu.memory_space<hbm>> -> memref<1x1x8x128xf32, #tpu.memory_space<hbm>>
      %dma_wait3A_893 = tpu.memref_squeeze %dma_wait3A_892 : memref<1x1x8x128xf32, #tpu.memory_space<hbm>> -> memref<8x128xf32, #tpu.memory_space<hbm>>
      %dma_wait3A_894 = arith.constant 0 : i32
      %dma_wait3A_895 = arith.constant 0 : i32
      %dma_wait3A_896 = tpu.memref_slice %arg6[%dma_wait3A_885, %add3A_883, %dma_wait3A_894, %dma_wait3A_895] : memref<8x4096x8x128xf32, #tpu.memory_space<hbm>> -> memref<1x1x8x128xf32, #tpu.memory_space<hbm>>
      %dma_wait3A_897 = tpu.memref_squeeze %dma_wait3A_896 : memref<1x1x8x128xf32, #tpu.memory_space<hbm>> -> memref<8x128xf32, #tpu.memory_space<hbm>>
      %dma_wait3A_898 = arith.constant 0 : i32
      %dma_wait3A_899 = arith.constant 0 : i32
      %dma_wait3A_900 = tpu.memref_slice %arg14[%dma_wait3A_884, %dma_wait3A_898, %dma_wait3A_899] : memref<4x8x128xf32, #tpu.memory_space<vmem>> -> memref<1x8x128xf32, #tpu.memory_space<vmem>>
      %dma_wait3A_901 = tpu.memref_squeeze %dma_wait3A_900 : memref<1x8x128xf32, #tpu.memory_space<vmem>> -> memref<8x128xf32, #tpu.memory_space<vmem>>
      tpu.wait_dma2 semaphore(%arg18 : memref<!tpu.dma_semaphore, #tpu.memory_space<semaphore_mem>>) src(%dma_wait3A_901 : memref<8x128xf32, #tpu.memory_space<vmem>>) dst(%dma_wait3A_897 : memref<8x128xf32, #tpu.memory_space<hbm>>)
      %add3A_902 = arith.addi %squeeze3A_714, %add3A_734 : i32
      %dma_wait3A_903 = arith.constant 2 : i32
      %dma_wait3A_904 = arith.constant 3 : i32
      %dma_wait3A_905 = arith.constant 0 : i32
      %dma_wait3A_906 = arith.constant 0 : i32
      %dma_wait3A_907 = tpu.memref_slice %arg15[%dma_wait3A_903, %dma_wait3A_905, %dma_wait3A_906] : memref<4x8x128xf32, #tpu.memory_space<vmem>> -> memref<1x8x128xf32, #tpu.memory_space<vmem>>
      %dma_wait3A_908 = tpu.memref_squeeze %dma_wait3A_907 : memref<1x8x128xf32, #tpu.memory_space<vmem>> -> memref<8x128xf32, #tpu.memory_space<vmem>>
      %dma_wait3A_909 = arith.constant 0 : i32
      %dma_wait3A_910 = arith.constant 0 : i32
      %dma_wait3A_911 = tpu.memref_slice %arg7[%dma_wait3A_904, %add3A_902, %dma_wait3A_909, %dma_wait3A_910] : memref<8x4096x8x128xf32, #tpu.memory_space<hbm>> -> memref<1x1x8x128xf32, #tpu.memory_space<hbm>>
      %dma_wait3A_912 = tpu.memref_squeeze %dma_wait3A_911 : memref<1x1x8x128xf32, #tpu.memory_space<hbm>> -> memref<8x128xf32, #tpu.memory_space<hbm>>
      %dma_wait3A_913 = arith.constant 0 : i32
      %dma_wait3A_914 = arith.constant 0 : i32
      %dma_wait3A_915 = tpu.memref_slice %arg7[%dma_wait3A_904, %add3A_902, %dma_wait3A_913, %dma_wait3A_914] : memref<8x4096x8x128xf32, #tpu.memory_space<hbm>> -> memref<1x1x8x128xf32, #tpu.memory_space<hbm>>
      %dma_wait3A_916 = tpu.memref_squeeze %dma_wait3A_915 : memref<1x1x8x128xf32, #tpu.memory_space<hbm>> -> memref<8x128xf32, #tpu.memory_space<hbm>>
      %dma_wait3A_917 = arith.constant 0 : i32
      %dma_wait3A_918 = arith.constant 0 : i32
      %dma_wait3A_919 = tpu.memref_slice %arg15[%dma_wait3A_903, %dma_wait3A_917, %dma_wait3A_918] : memref<4x8x128xf32, #tpu.memory_space<vmem>> -> memref<1x8x128xf32, #tpu.memory_space<vmem>>
      %dma_wait3A_920 = tpu.memref_squeeze %dma_wait3A_919 : memref<1x8x128xf32, #tpu.memory_space<vmem>> -> memref<8x128xf32, #tpu.memory_space<vmem>>
      tpu.wait_dma2 semaphore(%arg18 : memref<!tpu.dma_semaphore, #tpu.memory_space<semaphore_mem>>) src(%dma_wait3A_920 : memref<8x128xf32, #tpu.memory_space<vmem>>) dst(%dma_wait3A_916 : memref<8x128xf32, #tpu.memory_space<hbm>>)
    } else {
    }
    %add3A_740 = arith.constant 6 : i32
    %add3A_741 = arith.addi %rem3A_17, %add3A_740 : i32
    %lt3A_742 = arith.cmpi slt, %add3A_741, %squeeze3A_716 : i32
    %and3A_743 = arith.andi %eq3A_718, %lt3A_742 : i1
    %convert_element_type3A_744 = arith.extui %and3A_743 : i1 to i32
    %cond3A_745 = arith.constant 0 : i32
    %cond3A_746 = arith.cmpi ne, %convert_element_type3A_744, %cond3A_745 : i32
    scf.if %cond3A_746 {
      %add3A_883 = arith.addi %squeeze3A_714, %add3A_741 : i32
      %dma_wait3A_884 = arith.constant 3 : i32
      %dma_wait3A_885 = arith.constant 3 : i32
      %dma_wait3A_886 = arith.constant 0 : i32
      %dma_wait3A_887 = arith.constant 0 : i32
      %dma_wait3A_888 = tpu.memref_slice %arg14[%dma_wait3A_884, %dma_wait3A_886, %dma_wait3A_887] : memref<4x8x128xf32, #tpu.memory_space<vmem>> -> memref<1x8x128xf32, #tpu.memory_space<vmem>>
      %dma_wait3A_889 = tpu.memref_squeeze %dma_wait3A_888 : memref<1x8x128xf32, #tpu.memory_space<vmem>> -> memref<8x128xf32, #tpu.memory_space<vmem>>
      %dma_wait3A_890 = arith.constant 0 : i32
      %dma_wait3A_891 = arith.constant 0 : i32
      %dma_wait3A_892 = tpu.memref_slice %arg6[%dma_wait3A_885, %add3A_883, %dma_wait3A_890, %dma_wait3A_891] : memref<8x4096x8x128xf32, #tpu.memory_space<hbm>> -> memref<1x1x8x128xf32, #tpu.memory_space<hbm>>
      %dma_wait3A_893 = tpu.memref_squeeze %dma_wait3A_892 : memref<1x1x8x128xf32, #tpu.memory_space<hbm>> -> memref<8x128xf32, #tpu.memory_space<hbm>>
      %dma_wait3A_894 = arith.constant 0 : i32
      %dma_wait3A_895 = arith.constant 0 : i32
      %dma_wait3A_896 = tpu.memref_slice %arg6[%dma_wait3A_885, %add3A_883, %dma_wait3A_894, %dma_wait3A_895] : memref<8x4096x8x128xf32, #tpu.memory_space<hbm>> -> memref<1x1x8x128xf32, #tpu.memory_space<hbm>>
      %dma_wait3A_897 = tpu.memref_squeeze %dma_wait3A_896 : memref<1x1x8x128xf32, #tpu.memory_space<hbm>> -> memref<8x128xf32, #tpu.memory_space<hbm>>
      %dma_wait3A_898 = arith.constant 0 : i32
      %dma_wait3A_899 = arith.constant 0 : i32
      %dma_wait3A_900 = tpu.memref_slice %arg14[%dma_wait3A_884, %dma_wait3A_898, %dma_wait3A_899] : memref<4x8x128xf32, #tpu.memory_space<vmem>> -> memref<1x8x128xf32, #tpu.memory_space<vmem>>
      %dma_wait3A_901 = tpu.memref_squeeze %dma_wait3A_900 : memref<1x8x128xf32, #tpu.memory_space<vmem>> -> memref<8x128xf32, #tpu.memory_space<vmem>>
      tpu.wait_dma2 semaphore(%arg18 : memref<!tpu.dma_semaphore, #tpu.memory_space<semaphore_mem>>) src(%dma_wait3A_901 : memref<8x128xf32, #tpu.memory_space<vmem>>) dst(%dma_wait3A_897 : memref<8x128xf32, #tpu.memory_space<hbm>>)
      %add3A_902 = arith.addi %squeeze3A_714, %add3A_741 : i32
      %dma_wait3A_903 = arith.constant 3 : i32
      %dma_wait3A_904 = arith.constant 3 : i32
      %dma_wait3A_905 = arith.constant 0 : i32
      %dma_wait3A_906 = arith.constant 0 : i32
      %dma_wait3A_907 = tpu.memref_slice %arg15[%dma_wait3A_903, %dma_wait3A_905, %dma_wait3A_906] : memref<4x8x128xf32, #tpu.memory_space<vmem>> -> memref<1x8x128xf32, #tpu.memory_space<vmem>>
      %dma_wait3A_908 = tpu.memref_squeeze %dma_wait3A_907 : memref<1x8x128xf32, #tpu.memory_space<vmem>> -> memref<8x128xf32, #tpu.memory_space<vmem>>
      %dma_wait3A_909 = arith.constant 0 : i32
      %dma_wait3A_910 = arith.constant 0 : i32
      %dma_wait3A_911 = tpu.memref_slice %arg7[%dma_wait3A_904, %add3A_902, %dma_wait3A_909, %dma_wait3A_910] : memref<8x4096x8x128xf32, #tpu.memory_space<hbm>> -> memref<1x1x8x128xf32, #tpu.memory_space<hbm>>
      %dma_wait3A_912 = tpu.memref_squeeze %dma_wait3A_911 : memref<1x1x8x128xf32, #tpu.memory_space<hbm>> -> memref<8x128xf32, #tpu.memory_space<hbm>>
      %dma_wait3A_913 = arith.constant 0 : i32
      %dma_wait3A_914 = arith.constant 0 : i32
      %dma_wait3A_915 = tpu.memref_slice %arg7[%dma_wait3A_904, %add3A_902, %dma_wait3A_913, %dma_wait3A_914] : memref<8x4096x8x128xf32, #tpu.memory_space<hbm>> -> memref<1x1x8x128xf32, #tpu.memory_space<hbm>>
      %dma_wait3A_916 = tpu.memref_squeeze %dma_wait3A_915 : memref<1x1x8x128xf32, #tpu.memory_space<hbm>> -> memref<8x128xf32, #tpu.memory_space<hbm>>
      %dma_wait3A_917 = arith.constant 0 : i32
      %dma_wait3A_918 = arith.constant 0 : i32
      %dma_wait3A_919 = tpu.memref_slice %arg15[%dma_wait3A_903, %dma_wait3A_917, %dma_wait3A_918] : memref<4x8x128xf32, #tpu.memory_space<vmem>> -> memref<1x8x128xf32, #tpu.memory_space<vmem>>
      %dma_wait3A_920 = tpu.memref_squeeze %dma_wait3A_919 : memref<1x8x128xf32, #tpu.memory_space<vmem>> -> memref<8x128xf32, #tpu.memory_space<vmem>>
      tpu.wait_dma2 semaphore(%arg18 : memref<!tpu.dma_semaphore, #tpu.memory_space<semaphore_mem>>) src(%dma_wait3A_920 : memref<8x128xf32, #tpu.memory_space<vmem>>) dst(%dma_wait3A_916 : memref<8x128xf32, #tpu.memory_space<hbm>>)
    } else {
    }
    %slice3A_747 = vector.extract_strided_slice %get3A_184 {offsets = [4], sizes = [1], strides = [1]} : vector<16xi32> to vector<1xi32>
    %squeeze3A_748 = vector.extract %slice3A_747[0] : i32 from vector<1xi32>
    %slice3A_749 = vector.extract_strided_slice %get3A_187 {offsets = [4], sizes = [1], strides = [1]} : vector<16xi32> to vector<1xi32>
    %squeeze3A_750 = vector.extract %slice3A_749[0] : i32 from vector<1xi32>
    %eq3A_751 = arith.constant 4 : i32
    %eq3A_752 = arith.cmpi eq, %select_n3A, %eq3A_751 : i32
    %add3A_753 = arith.constant 0 : i32
    %add3A_754 = arith.addi %rem3A_17, %add3A_753 : i32
    %lt3A_755 = arith.cmpi slt, %add3A_754, %squeeze3A_750 : i32
    %and3A_756 = arith.andi %eq3A_752, %lt3A_755 : i1
    %convert_element_type3A_757 = arith.extui %and3A_756 : i1 to i32
    %cond3A_758 = arith.constant 0 : i32
    %cond3A_759 = arith.cmpi ne, %convert_element_type3A_757, %cond3A_758 : i32
    scf.if %cond3A_759 {
      %add3A_883 = arith.addi %squeeze3A_748, %add3A_754 : i32
      %dma_wait3A_884 = arith.constant 0 : i32
      %dma_wait3A_885 = arith.constant 4 : i32
      %dma_wait3A_886 = arith.constant 0 : i32
      %dma_wait3A_887 = arith.constant 0 : i32
      %dma_wait3A_888 = tpu.memref_slice %arg14[%dma_wait3A_884, %dma_wait3A_886, %dma_wait3A_887] : memref<4x8x128xf32, #tpu.memory_space<vmem>> -> memref<1x8x128xf32, #tpu.memory_space<vmem>>
      %dma_wait3A_889 = tpu.memref_squeeze %dma_wait3A_888 : memref<1x8x128xf32, #tpu.memory_space<vmem>> -> memref<8x128xf32, #tpu.memory_space<vmem>>
      %dma_wait3A_890 = arith.constant 0 : i32
      %dma_wait3A_891 = arith.constant 0 : i32
      %dma_wait3A_892 = tpu.memref_slice %arg6[%dma_wait3A_885, %add3A_883, %dma_wait3A_890, %dma_wait3A_891] : memref<8x4096x8x128xf32, #tpu.memory_space<hbm>> -> memref<1x1x8x128xf32, #tpu.memory_space<hbm>>
      %dma_wait3A_893 = tpu.memref_squeeze %dma_wait3A_892 : memref<1x1x8x128xf32, #tpu.memory_space<hbm>> -> memref<8x128xf32, #tpu.memory_space<hbm>>
      %dma_wait3A_894 = arith.constant 0 : i32
      %dma_wait3A_895 = arith.constant 0 : i32
      %dma_wait3A_896 = tpu.memref_slice %arg6[%dma_wait3A_885, %add3A_883, %dma_wait3A_894, %dma_wait3A_895] : memref<8x4096x8x128xf32, #tpu.memory_space<hbm>> -> memref<1x1x8x128xf32, #tpu.memory_space<hbm>>
      %dma_wait3A_897 = tpu.memref_squeeze %dma_wait3A_896 : memref<1x1x8x128xf32, #tpu.memory_space<hbm>> -> memref<8x128xf32, #tpu.memory_space<hbm>>
      %dma_wait3A_898 = arith.constant 0 : i32
      %dma_wait3A_899 = arith.constant 0 : i32
      %dma_wait3A_900 = tpu.memref_slice %arg14[%dma_wait3A_884, %dma_wait3A_898, %dma_wait3A_899] : memref<4x8x128xf32, #tpu.memory_space<vmem>> -> memref<1x8x128xf32, #tpu.memory_space<vmem>>
      %dma_wait3A_901 = tpu.memref_squeeze %dma_wait3A_900 : memref<1x8x128xf32, #tpu.memory_space<vmem>> -> memref<8x128xf32, #tpu.memory_space<vmem>>
      tpu.wait_dma2 semaphore(%arg18 : memref<!tpu.dma_semaphore, #tpu.memory_space<semaphore_mem>>) src(%dma_wait3A_901 : memref<8x128xf32, #tpu.memory_space<vmem>>) dst(%dma_wait3A_897 : memref<8x128xf32, #tpu.memory_space<hbm>>)
      %add3A_902 = arith.addi %squeeze3A_748, %add3A_754 : i32
      %dma_wait3A_903 = arith.constant 0 : i32
      %dma_wait3A_904 = arith.constant 4 : i32
      %dma_wait3A_905 = arith.constant 0 : i32
      %dma_wait3A_906 = arith.constant 0 : i32
      %dma_wait3A_907 = tpu.memref_slice %arg15[%dma_wait3A_903, %dma_wait3A_905, %dma_wait3A_906] : memref<4x8x128xf32, #tpu.memory_space<vmem>> -> memref<1x8x128xf32, #tpu.memory_space<vmem>>
      %dma_wait3A_908 = tpu.memref_squeeze %dma_wait3A_907 : memref<1x8x128xf32, #tpu.memory_space<vmem>> -> memref<8x128xf32, #tpu.memory_space<vmem>>
      %dma_wait3A_909 = arith.constant 0 : i32
      %dma_wait3A_910 = arith.constant 0 : i32
      %dma_wait3A_911 = tpu.memref_slice %arg7[%dma_wait3A_904, %add3A_902, %dma_wait3A_909, %dma_wait3A_910] : memref<8x4096x8x128xf32, #tpu.memory_space<hbm>> -> memref<1x1x8x128xf32, #tpu.memory_space<hbm>>
      %dma_wait3A_912 = tpu.memref_squeeze %dma_wait3A_911 : memref<1x1x8x128xf32, #tpu.memory_space<hbm>> -> memref<8x128xf32, #tpu.memory_space<hbm>>
      %dma_wait3A_913 = arith.constant 0 : i32
      %dma_wait3A_914 = arith.constant 0 : i32
      %dma_wait3A_915 = tpu.memref_slice %arg7[%dma_wait3A_904, %add3A_902, %dma_wait3A_913, %dma_wait3A_914] : memref<8x4096x8x128xf32, #tpu.memory_space<hbm>> -> memref<1x1x8x128xf32, #tpu.memory_space<hbm>>
      %dma_wait3A_916 = tpu.memref_squeeze %dma_wait3A_915 : memref<1x1x8x128xf32, #tpu.memory_space<hbm>> -> memref<8x128xf32, #tpu.memory_space<hbm>>
      %dma_wait3A_917 = arith.constant 0 : i32
      %dma_wait3A_918 = arith.constant 0 : i32
      %dma_wait3A_919 = tpu.memref_slice %arg15[%dma_wait3A_903, %dma_wait3A_917, %dma_wait3A_918] : memref<4x8x128xf32, #tpu.memory_space<vmem>> -> memref<1x8x128xf32, #tpu.memory_space<vmem>>
      %dma_wait3A_920 = tpu.memref_squeeze %dma_wait3A_919 : memref<1x8x128xf32, #tpu.memory_space<vmem>> -> memref<8x128xf32, #tpu.memory_space<vmem>>
      tpu.wait_dma2 semaphore(%arg18 : memref<!tpu.dma_semaphore, #tpu.memory_space<semaphore_mem>>) src(%dma_wait3A_920 : memref<8x128xf32, #tpu.memory_space<vmem>>) dst(%dma_wait3A_916 : memref<8x128xf32, #tpu.memory_space<hbm>>)
    } else {
    }
    %add3A_760 = arith.constant 2 : i32
    %add3A_761 = arith.addi %rem3A_17, %add3A_760 : i32
    %lt3A_762 = arith.cmpi slt, %add3A_761, %squeeze3A_750 : i32
    %and3A_763 = arith.andi %eq3A_752, %lt3A_762 : i1
    %convert_element_type3A_764 = arith.extui %and3A_763 : i1 to i32
    %cond3A_765 = arith.constant 0 : i32
    %cond3A_766 = arith.cmpi ne, %convert_element_type3A_764, %cond3A_765 : i32
    scf.if %cond3A_766 {
      %add3A_883 = arith.addi %squeeze3A_748, %add3A_761 : i32
      %dma_wait3A_884 = arith.constant 1 : i32
      %dma_wait3A_885 = arith.constant 4 : i32
      %dma_wait3A_886 = arith.constant 0 : i32
      %dma_wait3A_887 = arith.constant 0 : i32
      %dma_wait3A_888 = tpu.memref_slice %arg14[%dma_wait3A_884, %dma_wait3A_886, %dma_wait3A_887] : memref<4x8x128xf32, #tpu.memory_space<vmem>> -> memref<1x8x128xf32, #tpu.memory_space<vmem>>
      %dma_wait3A_889 = tpu.memref_squeeze %dma_wait3A_888 : memref<1x8x128xf32, #tpu.memory_space<vmem>> -> memref<8x128xf32, #tpu.memory_space<vmem>>
      %dma_wait3A_890 = arith.constant 0 : i32
      %dma_wait3A_891 = arith.constant 0 : i32
      %dma_wait3A_892 = tpu.memref_slice %arg6[%dma_wait3A_885, %add3A_883, %dma_wait3A_890, %dma_wait3A_891] : memref<8x4096x8x128xf32, #tpu.memory_space<hbm>> -> memref<1x1x8x128xf32, #tpu.memory_space<hbm>>
      %dma_wait3A_893 = tpu.memref_squeeze %dma_wait3A_892 : memref<1x1x8x128xf32, #tpu.memory_space<hbm>> -> memref<8x128xf32, #tpu.memory_space<hbm>>
      %dma_wait3A_894 = arith.constant 0 : i32
      %dma_wait3A_895 = arith.constant 0 : i32
      %dma_wait3A_896 = tpu.memref_slice %arg6[%dma_wait3A_885, %add3A_883, %dma_wait3A_894, %dma_wait3A_895] : memref<8x4096x8x128xf32, #tpu.memory_space<hbm>> -> memref<1x1x8x128xf32, #tpu.memory_space<hbm>>
      %dma_wait3A_897 = tpu.memref_squeeze %dma_wait3A_896 : memref<1x1x8x128xf32, #tpu.memory_space<hbm>> -> memref<8x128xf32, #tpu.memory_space<hbm>>
      %dma_wait3A_898 = arith.constant 0 : i32
      %dma_wait3A_899 = arith.constant 0 : i32
      %dma_wait3A_900 = tpu.memref_slice %arg14[%dma_wait3A_884, %dma_wait3A_898, %dma_wait3A_899] : memref<4x8x128xf32, #tpu.memory_space<vmem>> -> memref<1x8x128xf32, #tpu.memory_space<vmem>>
      %dma_wait3A_901 = tpu.memref_squeeze %dma_wait3A_900 : memref<1x8x128xf32, #tpu.memory_space<vmem>> -> memref<8x128xf32, #tpu.memory_space<vmem>>
      tpu.wait_dma2 semaphore(%arg18 : memref<!tpu.dma_semaphore, #tpu.memory_space<semaphore_mem>>) src(%dma_wait3A_901 : memref<8x128xf32, #tpu.memory_space<vmem>>) dst(%dma_wait3A_897 : memref<8x128xf32, #tpu.memory_space<hbm>>)
      %add3A_902 = arith.addi %squeeze3A_748, %add3A_761 : i32
      %dma_wait3A_903 = arith.constant 1 : i32
      %dma_wait3A_904 = arith.constant 4 : i32
      %dma_wait3A_905 = arith.constant 0 : i32
      %dma_wait3A_906 = arith.constant 0 : i32
      %dma_wait3A_907 = tpu.memref_slice %arg15[%dma_wait3A_903, %dma_wait3A_905, %dma_wait3A_906] : memref<4x8x128xf32, #tpu.memory_space<vmem>> -> memref<1x8x128xf32, #tpu.memory_space<vmem>>
      %dma_wait3A_908 = tpu.memref_squeeze %dma_wait3A_907 : memref<1x8x128xf32, #tpu.memory_space<vmem>> -> memref<8x128xf32, #tpu.memory_space<vmem>>
      %dma_wait3A_909 = arith.constant 0 : i32
      %dma_wait3A_910 = arith.constant 0 : i32
      %dma_wait3A_911 = tpu.memref_slice %arg7[%dma_wait3A_904, %add3A_902, %dma_wait3A_909, %dma_wait3A_910] : memref<8x4096x8x128xf32, #tpu.memory_space<hbm>> -> memref<1x1x8x128xf32, #tpu.memory_space<hbm>>
      %dma_wait3A_912 = tpu.memref_squeeze %dma_wait3A_911 : memref<1x1x8x128xf32, #tpu.memory_space<hbm>> -> memref<8x128xf32, #tpu.memory_space<hbm>>
      %dma_wait3A_913 = arith.constant 0 : i32
      %dma_wait3A_914 = arith.constant 0 : i32
      %dma_wait3A_915 = tpu.memref_slice %arg7[%dma_wait3A_904, %add3A_902, %dma_wait3A_913, %dma_wait3A_914] : memref<8x4096x8x128xf32, #tpu.memory_space<hbm>> -> memref<1x1x8x128xf32, #tpu.memory_space<hbm>>
      %dma_wait3A_916 = tpu.memref_squeeze %dma_wait3A_915 : memref<1x1x8x128xf32, #tpu.memory_space<hbm>> -> memref<8x128xf32, #tpu.memory_space<hbm>>
      %dma_wait3A_917 = arith.constant 0 : i32
      %dma_wait3A_918 = arith.constant 0 : i32
      %dma_wait3A_919 = tpu.memref_slice %arg15[%dma_wait3A_903, %dma_wait3A_917, %dma_wait3A_918] : memref<4x8x128xf32, #tpu.memory_space<vmem>> -> memref<1x8x128xf32, #tpu.memory_space<vmem>>
      %dma_wait3A_920 = tpu.memref_squeeze %dma_wait3A_919 : memref<1x8x128xf32, #tpu.memory_space<vmem>> -> memref<8x128xf32, #tpu.memory_space<vmem>>
      tpu.wait_dma2 semaphore(%arg18 : memref<!tpu.dma_semaphore, #tpu.memory_space<semaphore_mem>>) src(%dma_wait3A_920 : memref<8x128xf32, #tpu.memory_space<vmem>>) dst(%dma_wait3A_916 : memref<8x128xf32, #tpu.memory_space<hbm>>)
    } else {
    }
    %add3A_767 = arith.constant 4 : i32
    %add3A_768 = arith.addi %rem3A_17, %add3A_767 : i32
    %lt3A_769 = arith.cmpi slt, %add3A_768, %squeeze3A_750 : i32
    %and3A_770 = arith.andi %eq3A_752, %lt3A_769 : i1
    %convert_element_type3A_771 = arith.extui %and3A_770 : i1 to i32
    %cond3A_772 = arith.constant 0 : i32
    %cond3A_773 = arith.cmpi ne, %convert_element_type3A_771, %cond3A_772 : i32
    scf.if %cond3A_773 {
      %add3A_883 = arith.addi %squeeze3A_748, %add3A_768 : i32
      %dma_wait3A_884 = arith.constant 2 : i32
      %dma_wait3A_885 = arith.constant 4 : i32
      %dma_wait3A_886 = arith.constant 0 : i32
      %dma_wait3A_887 = arith.constant 0 : i32
      %dma_wait3A_888 = tpu.memref_slice %arg14[%dma_wait3A_884, %dma_wait3A_886, %dma_wait3A_887] : memref<4x8x128xf32, #tpu.memory_space<vmem>> -> memref<1x8x128xf32, #tpu.memory_space<vmem>>
      %dma_wait3A_889 = tpu.memref_squeeze %dma_wait3A_888 : memref<1x8x128xf32, #tpu.memory_space<vmem>> -> memref<8x128xf32, #tpu.memory_space<vmem>>
      %dma_wait3A_890 = arith.constant 0 : i32
      %dma_wait3A_891 = arith.constant 0 : i32
      %dma_wait3A_892 = tpu.memref_slice %arg6[%dma_wait3A_885, %add3A_883, %dma_wait3A_890, %dma_wait3A_891] : memref<8x4096x8x128xf32, #tpu.memory_space<hbm>> -> memref<1x1x8x128xf32, #tpu.memory_space<hbm>>
      %dma_wait3A_893 = tpu.memref_squeeze %dma_wait3A_892 : memref<1x1x8x128xf32, #tpu.memory_space<hbm>> -> memref<8x128xf32, #tpu.memory_space<hbm>>
      %dma_wait3A_894 = arith.constant 0 : i32
      %dma_wait3A_895 = arith.constant 0 : i32
      %dma_wait3A_896 = tpu.memref_slice %arg6[%dma_wait3A_885, %add3A_883, %dma_wait3A_894, %dma_wait3A_895] : memref<8x4096x8x128xf32, #tpu.memory_space<hbm>> -> memref<1x1x8x128xf32, #tpu.memory_space<hbm>>
      %dma_wait3A_897 = tpu.memref_squeeze %dma_wait3A_896 : memref<1x1x8x128xf32, #tpu.memory_space<hbm>> -> memref<8x128xf32, #tpu.memory_space<hbm>>
      %dma_wait3A_898 = arith.constant 0 : i32
      %dma_wait3A_899 = arith.constant 0 : i32
      %dma_wait3A_900 = tpu.memref_slice %arg14[%dma_wait3A_884, %dma_wait3A_898, %dma_wait3A_899] : memref<4x8x128xf32, #tpu.memory_space<vmem>> -> memref<1x8x128xf32, #tpu.memory_space<vmem>>
      %dma_wait3A_901 = tpu.memref_squeeze %dma_wait3A_900 : memref<1x8x128xf32, #tpu.memory_space<vmem>> -> memref<8x128xf32, #tpu.memory_space<vmem>>
      tpu.wait_dma2 semaphore(%arg18 : memref<!tpu.dma_semaphore, #tpu.memory_space<semaphore_mem>>) src(%dma_wait3A_901 : memref<8x128xf32, #tpu.memory_space<vmem>>) dst(%dma_wait3A_897 : memref<8x128xf32, #tpu.memory_space<hbm>>)
      %add3A_902 = arith.addi %squeeze3A_748, %add3A_768 : i32
      %dma_wait3A_903 = arith.constant 2 : i32
      %dma_wait3A_904 = arith.constant 4 : i32
      %dma_wait3A_905 = arith.constant 0 : i32
      %dma_wait3A_906 = arith.constant 0 : i32
      %dma_wait3A_907 = tpu.memref_slice %arg15[%dma_wait3A_903, %dma_wait3A_905, %dma_wait3A_906] : memref<4x8x128xf32, #tpu.memory_space<vmem>> -> memref<1x8x128xf32, #tpu.memory_space<vmem>>
      %dma_wait3A_908 = tpu.memref_squeeze %dma_wait3A_907 : memref<1x8x128xf32, #tpu.memory_space<vmem>> -> memref<8x128xf32, #tpu.memory_space<vmem>>
      %dma_wait3A_909 = arith.constant 0 : i32
      %dma_wait3A_910 = arith.constant 0 : i32
      %dma_wait3A_911 = tpu.memref_slice %arg7[%dma_wait3A_904, %add3A_902, %dma_wait3A_909, %dma_wait3A_910] : memref<8x4096x8x128xf32, #tpu.memory_space<hbm>> -> memref<1x1x8x128xf32, #tpu.memory_space<hbm>>
      %dma_wait3A_912 = tpu.memref_squeeze %dma_wait3A_911 : memref<1x1x8x128xf32, #tpu.memory_space<hbm>> -> memref<8x128xf32, #tpu.memory_space<hbm>>
      %dma_wait3A_913 = arith.constant 0 : i32
      %dma_wait3A_914 = arith.constant 0 : i32
      %dma_wait3A_915 = tpu.memref_slice %arg7[%dma_wait3A_904, %add3A_902, %dma_wait3A_913, %dma_wait3A_914] : memref<8x4096x8x128xf32, #tpu.memory_space<hbm>> -> memref<1x1x8x128xf32, #tpu.memory_space<hbm>>
      %dma_wait3A_916 = tpu.memref_squeeze %dma_wait3A_915 : memref<1x1x8x128xf32, #tpu.memory_space<hbm>> -> memref<8x128xf32, #tpu.memory_space<hbm>>
      %dma_wait3A_917 = arith.constant 0 : i32
      %dma_wait3A_918 = arith.constant 0 : i32
      %dma_wait3A_919 = tpu.memref_slice %arg15[%dma_wait3A_903, %dma_wait3A_917, %dma_wait3A_918] : memref<4x8x128xf32, #tpu.memory_space<vmem>> -> memref<1x8x128xf32, #tpu.memory_space<vmem>>
      %dma_wait3A_920 = tpu.memref_squeeze %dma_wait3A_919 : memref<1x8x128xf32, #tpu.memory_space<vmem>> -> memref<8x128xf32, #tpu.memory_space<vmem>>
      tpu.wait_dma2 semaphore(%arg18 : memref<!tpu.dma_semaphore, #tpu.memory_space<semaphore_mem>>) src(%dma_wait3A_920 : memref<8x128xf32, #tpu.memory_space<vmem>>) dst(%dma_wait3A_916 : memref<8x128xf32, #tpu.memory_space<hbm>>)
    } else {
    }
    %add3A_774 = arith.constant 6 : i32
    %add3A_775 = arith.addi %rem3A_17, %add3A_774 : i32
    %lt3A_776 = arith.cmpi slt, %add3A_775, %squeeze3A_750 : i32
    %and3A_777 = arith.andi %eq3A_752, %lt3A_776 : i1
    %convert_element_type3A_778 = arith.extui %and3A_777 : i1 to i32
    %cond3A_779 = arith.constant 0 : i32
    %cond3A_780 = arith.cmpi ne, %convert_element_type3A_778, %cond3A_779 : i32
    scf.if %cond3A_780 {
      %add3A_883 = arith.addi %squeeze3A_748, %add3A_775 : i32
      %dma_wait3A_884 = arith.constant 3 : i32
      %dma_wait3A_885 = arith.constant 4 : i32
      %dma_wait3A_886 = arith.constant 0 : i32
      %dma_wait3A_887 = arith.constant 0 : i32
      %dma_wait3A_888 = tpu.memref_slice %arg14[%dma_wait3A_884, %dma_wait3A_886, %dma_wait3A_887] : memref<4x8x128xf32, #tpu.memory_space<vmem>> -> memref<1x8x128xf32, #tpu.memory_space<vmem>>
      %dma_wait3A_889 = tpu.memref_squeeze %dma_wait3A_888 : memref<1x8x128xf32, #tpu.memory_space<vmem>> -> memref<8x128xf32, #tpu.memory_space<vmem>>
      %dma_wait3A_890 = arith.constant 0 : i32
      %dma_wait3A_891 = arith.constant 0 : i32
      %dma_wait3A_892 = tpu.memref_slice %arg6[%dma_wait3A_885, %add3A_883, %dma_wait3A_890, %dma_wait3A_891] : memref<8x4096x8x128xf32, #tpu.memory_space<hbm>> -> memref<1x1x8x128xf32, #tpu.memory_space<hbm>>
      %dma_wait3A_893 = tpu.memref_squeeze %dma_wait3A_892 : memref<1x1x8x128xf32, #tpu.memory_space<hbm>> -> memref<8x128xf32, #tpu.memory_space<hbm>>
      %dma_wait3A_894 = arith.constant 0 : i32
      %dma_wait3A_895 = arith.constant 0 : i32
      %dma_wait3A_896 = tpu.memref_slice %arg6[%dma_wait3A_885, %add3A_883, %dma_wait3A_894, %dma_wait3A_895] : memref<8x4096x8x128xf32, #tpu.memory_space<hbm>> -> memref<1x1x8x128xf32, #tpu.memory_space<hbm>>
      %dma_wait3A_897 = tpu.memref_squeeze %dma_wait3A_896 : memref<1x1x8x128xf32, #tpu.memory_space<hbm>> -> memref<8x128xf32, #tpu.memory_space<hbm>>
      %dma_wait3A_898 = arith.constant 0 : i32
      %dma_wait3A_899 = arith.constant 0 : i32
      %dma_wait3A_900 = tpu.memref_slice %arg14[%dma_wait3A_884, %dma_wait3A_898, %dma_wait3A_899] : memref<4x8x128xf32, #tpu.memory_space<vmem>> -> memref<1x8x128xf32, #tpu.memory_space<vmem>>
      %dma_wait3A_901 = tpu.memref_squeeze %dma_wait3A_900 : memref<1x8x128xf32, #tpu.memory_space<vmem>> -> memref<8x128xf32, #tpu.memory_space<vmem>>
      tpu.wait_dma2 semaphore(%arg18 : memref<!tpu.dma_semaphore, #tpu.memory_space<semaphore_mem>>) src(%dma_wait3A_901 : memref<8x128xf32, #tpu.memory_space<vmem>>) dst(%dma_wait3A_897 : memref<8x128xf32, #tpu.memory_space<hbm>>)
      %add3A_902 = arith.addi %squeeze3A_748, %add3A_775 : i32
      %dma_wait3A_903 = arith.constant 3 : i32
      %dma_wait3A_904 = arith.constant 4 : i32
      %dma_wait3A_905 = arith.constant 0 : i32
      %dma_wait3A_906 = arith.constant 0 : i32
      %dma_wait3A_907 = tpu.memref_slice %arg15[%dma_wait3A_903, %dma_wait3A_905, %dma_wait3A_906] : memref<4x8x128xf32, #tpu.memory_space<vmem>> -> memref<1x8x128xf32, #tpu.memory_space<vmem>>
      %dma_wait3A_908 = tpu.memref_squeeze %dma_wait3A_907 : memref<1x8x128xf32, #tpu.memory_space<vmem>> -> memref<8x128xf32, #tpu.memory_space<vmem>>
      %dma_wait3A_909 = arith.constant 0 : i32
      %dma_wait3A_910 = arith.constant 0 : i32
      %dma_wait3A_911 = tpu.memref_slice %arg7[%dma_wait3A_904, %add3A_902, %dma_wait3A_909, %dma_wait3A_910] : memref<8x4096x8x128xf32, #tpu.memory_space<hbm>> -> memref<1x1x8x128xf32, #tpu.memory_space<hbm>>
      %dma_wait3A_912 = tpu.memref_squeeze %dma_wait3A_911 : memref<1x1x8x128xf32, #tpu.memory_space<hbm>> -> memref<8x128xf32, #tpu.memory_space<hbm>>
      %dma_wait3A_913 = arith.constant 0 : i32
      %dma_wait3A_914 = arith.constant 0 : i32
      %dma_wait3A_915 = tpu.memref_slice %arg7[%dma_wait3A_904, %add3A_902, %dma_wait3A_913, %dma_wait3A_914] : memref<8x4096x8x128xf32, #tpu.memory_space<hbm>> -> memref<1x1x8x128xf32, #tpu.memory_space<hbm>>
      %dma_wait3A_916 = tpu.memref_squeeze %dma_wait3A_915 : memref<1x1x8x128xf32, #tpu.memory_space<hbm>> -> memref<8x128xf32, #tpu.memory_space<hbm>>
      %dma_wait3A_917 = arith.constant 0 : i32
      %dma_wait3A_918 = arith.constant 0 : i32
      %dma_wait3A_919 = tpu.memref_slice %arg15[%dma_wait3A_903, %dma_wait3A_917, %dma_wait3A_918] : memref<4x8x128xf32, #tpu.memory_space<vmem>> -> memref<1x8x128xf32, #tpu.memory_space<vmem>>
      %dma_wait3A_920 = tpu.memref_squeeze %dma_wait3A_919 : memref<1x8x128xf32, #tpu.memory_space<vmem>> -> memref<8x128xf32, #tpu.memory_space<vmem>>
      tpu.wait_dma2 semaphore(%arg18 : memref<!tpu.dma_semaphore, #tpu.memory_space<semaphore_mem>>) src(%dma_wait3A_920 : memref<8x128xf32, #tpu.memory_space<vmem>>) dst(%dma_wait3A_916 : memref<8x128xf32, #tpu.memory_space<hbm>>)
    } else {
    }
    %slice3A_781 = vector.extract_strided_slice %get3A_184 {offsets = [5], sizes = [1], strides = [1]} : vector<16xi32> to vector<1xi32>
    %squeeze3A_782 = vector.extract %slice3A_781[0] : i32 from vector<1xi32>
    %slice3A_783 = vector.extract_strided_slice %get3A_187 {offsets = [5], sizes = [1], strides = [1]} : vector<16xi32> to vector<1xi32>
    %squeeze3A_784 = vector.extract %slice3A_783[0] : i32 from vector<1xi32>
    %eq3A_785 = arith.constant 5 : i32
    %eq3A_786 = arith.cmpi eq, %select_n3A, %eq3A_785 : i32
    %add3A_787 = arith.constant 0 : i32
    %add3A_788 = arith.addi %rem3A_17, %add3A_787 : i32
    %lt3A_789 = arith.cmpi slt, %add3A_788, %squeeze3A_784 : i32
    %and3A_790 = arith.andi %eq3A_786, %lt3A_789 : i1
    %convert_element_type3A_791 = arith.extui %and3A_790 : i1 to i32
    %cond3A_792 = arith.constant 0 : i32
    %cond3A_793 = arith.cmpi ne, %convert_element_type3A_791, %cond3A_792 : i32
    scf.if %cond3A_793 {
      %add3A_883 = arith.addi %squeeze3A_782, %add3A_788 : i32
      %dma_wait3A_884 = arith.constant 0 : i32
      %dma_wait3A_885 = arith.constant 5 : i32
      %dma_wait3A_886 = arith.constant 0 : i32
      %dma_wait3A_887 = arith.constant 0 : i32
      %dma_wait3A_888 = tpu.memref_slice %arg14[%dma_wait3A_884, %dma_wait3A_886, %dma_wait3A_887] : memref<4x8x128xf32, #tpu.memory_space<vmem>> -> memref<1x8x128xf32, #tpu.memory_space<vmem>>
      %dma_wait3A_889 = tpu.memref_squeeze %dma_wait3A_888 : memref<1x8x128xf32, #tpu.memory_space<vmem>> -> memref<8x128xf32, #tpu.memory_space<vmem>>
      %dma_wait3A_890 = arith.constant 0 : i32
      %dma_wait3A_891 = arith.constant 0 : i32
      %dma_wait3A_892 = tpu.memref_slice %arg6[%dma_wait3A_885, %add3A_883, %dma_wait3A_890, %dma_wait3A_891] : memref<8x4096x8x128xf32, #tpu.memory_space<hbm>> -> memref<1x1x8x128xf32, #tpu.memory_space<hbm>>
      %dma_wait3A_893 = tpu.memref_squeeze %dma_wait3A_892 : memref<1x1x8x128xf32, #tpu.memory_space<hbm>> -> memref<8x128xf32, #tpu.memory_space<hbm>>
      %dma_wait3A_894 = arith.constant 0 : i32
      %dma_wait3A_895 = arith.constant 0 : i32
      %dma_wait3A_896 = tpu.memref_slice %arg6[%dma_wait3A_885, %add3A_883, %dma_wait3A_894, %dma_wait3A_895] : memref<8x4096x8x128xf32, #tpu.memory_space<hbm>> -> memref<1x1x8x128xf32, #tpu.memory_space<hbm>>
      %dma_wait3A_897 = tpu.memref_squeeze %dma_wait3A_896 : memref<1x1x8x128xf32, #tpu.memory_space<hbm>> -> memref<8x128xf32, #tpu.memory_space<hbm>>
      %dma_wait3A_898 = arith.constant 0 : i32
      %dma_wait3A_899 = arith.constant 0 : i32
      %dma_wait3A_900 = tpu.memref_slice %arg14[%dma_wait3A_884, %dma_wait3A_898, %dma_wait3A_899] : memref<4x8x128xf32, #tpu.memory_space<vmem>> -> memref<1x8x128xf32, #tpu.memory_space<vmem>>
      %dma_wait3A_901 = tpu.memref_squeeze %dma_wait3A_900 : memref<1x8x128xf32, #tpu.memory_space<vmem>> -> memref<8x128xf32, #tpu.memory_space<vmem>>
      tpu.wait_dma2 semaphore(%arg18 : memref<!tpu.dma_semaphore, #tpu.memory_space<semaphore_mem>>) src(%dma_wait3A_901 : memref<8x128xf32, #tpu.memory_space<vmem>>) dst(%dma_wait3A_897 : memref<8x128xf32, #tpu.memory_space<hbm>>)
      %add3A_902 = arith.addi %squeeze3A_782, %add3A_788 : i32
      %dma_wait3A_903 = arith.constant 0 : i32
      %dma_wait3A_904 = arith.constant 5 : i32
      %dma_wait3A_905 = arith.constant 0 : i32
      %dma_wait3A_906 = arith.constant 0 : i32
      %dma_wait3A_907 = tpu.memref_slice %arg15[%dma_wait3A_903, %dma_wait3A_905, %dma_wait3A_906] : memref<4x8x128xf32, #tpu.memory_space<vmem>> -> memref<1x8x128xf32, #tpu.memory_space<vmem>>
      %dma_wait3A_908 = tpu.memref_squeeze %dma_wait3A_907 : memref<1x8x128xf32, #tpu.memory_space<vmem>> -> memref<8x128xf32, #tpu.memory_space<vmem>>
      %dma_wait3A_909 = arith.constant 0 : i32
      %dma_wait3A_910 = arith.constant 0 : i32
      %dma_wait3A_911 = tpu.memref_slice %arg7[%dma_wait3A_904, %add3A_902, %dma_wait3A_909, %dma_wait3A_910] : memref<8x4096x8x128xf32, #tpu.memory_space<hbm>> -> memref<1x1x8x128xf32, #tpu.memory_space<hbm>>
      %dma_wait3A_912 = tpu.memref_squeeze %dma_wait3A_911 : memref<1x1x8x128xf32, #tpu.memory_space<hbm>> -> memref<8x128xf32, #tpu.memory_space<hbm>>
      %dma_wait3A_913 = arith.constant 0 : i32
      %dma_wait3A_914 = arith.constant 0 : i32
      %dma_wait3A_915 = tpu.memref_slice %arg7[%dma_wait3A_904, %add3A_902, %dma_wait3A_913, %dma_wait3A_914] : memref<8x4096x8x128xf32, #tpu.memory_space<hbm>> -> memref<1x1x8x128xf32, #tpu.memory_space<hbm>>
      %dma_wait3A_916 = tpu.memref_squeeze %dma_wait3A_915 : memref<1x1x8x128xf32, #tpu.memory_space<hbm>> -> memref<8x128xf32, #tpu.memory_space<hbm>>
      %dma_wait3A_917 = arith.constant 0 : i32
      %dma_wait3A_918 = arith.constant 0 : i32
      %dma_wait3A_919 = tpu.memref_slice %arg15[%dma_wait3A_903, %dma_wait3A_917, %dma_wait3A_918] : memref<4x8x128xf32, #tpu.memory_space<vmem>> -> memref<1x8x128xf32, #tpu.memory_space<vmem>>
      %dma_wait3A_920 = tpu.memref_squeeze %dma_wait3A_919 : memref<1x8x128xf32, #tpu.memory_space<vmem>> -> memref<8x128xf32, #tpu.memory_space<vmem>>
      tpu.wait_dma2 semaphore(%arg18 : memref<!tpu.dma_semaphore, #tpu.memory_space<semaphore_mem>>) src(%dma_wait3A_920 : memref<8x128xf32, #tpu.memory_space<vmem>>) dst(%dma_wait3A_916 : memref<8x128xf32, #tpu.memory_space<hbm>>)
    } else {
    }
    %add3A_794 = arith.constant 2 : i32
    %add3A_795 = arith.addi %rem3A_17, %add3A_794 : i32
    %lt3A_796 = arith.cmpi slt, %add3A_795, %squeeze3A_784 : i32
    %and3A_797 = arith.andi %eq3A_786, %lt3A_796 : i1
    %convert_element_type3A_798 = arith.extui %and3A_797 : i1 to i32
    %cond3A_799 = arith.constant 0 : i32
    %cond3A_800 = arith.cmpi ne, %convert_element_type3A_798, %cond3A_799 : i32
    scf.if %cond3A_800 {
      %add3A_883 = arith.addi %squeeze3A_782, %add3A_795 : i32
      %dma_wait3A_884 = arith.constant 1 : i32
      %dma_wait3A_885 = arith.constant 5 : i32
      %dma_wait3A_886 = arith.constant 0 : i32
      %dma_wait3A_887 = arith.constant 0 : i32
      %dma_wait3A_888 = tpu.memref_slice %arg14[%dma_wait3A_884, %dma_wait3A_886, %dma_wait3A_887] : memref<4x8x128xf32, #tpu.memory_space<vmem>> -> memref<1x8x128xf32, #tpu.memory_space<vmem>>
      %dma_wait3A_889 = tpu.memref_squeeze %dma_wait3A_888 : memref<1x8x128xf32, #tpu.memory_space<vmem>> -> memref<8x128xf32, #tpu.memory_space<vmem>>
      %dma_wait3A_890 = arith.constant 0 : i32
      %dma_wait3A_891 = arith.constant 0 : i32
      %dma_wait3A_892 = tpu.memref_slice %arg6[%dma_wait3A_885, %add3A_883, %dma_wait3A_890, %dma_wait3A_891] : memref<8x4096x8x128xf32, #tpu.memory_space<hbm>> -> memref<1x1x8x128xf32, #tpu.memory_space<hbm>>
      %dma_wait3A_893 = tpu.memref_squeeze %dma_wait3A_892 : memref<1x1x8x128xf32, #tpu.memory_space<hbm>> -> memref<8x128xf32, #tpu.memory_space<hbm>>
      %dma_wait3A_894 = arith.constant 0 : i32
      %dma_wait3A_895 = arith.constant 0 : i32
      %dma_wait3A_896 = tpu.memref_slice %arg6[%dma_wait3A_885, %add3A_883, %dma_wait3A_894, %dma_wait3A_895] : memref<8x4096x8x128xf32, #tpu.memory_space<hbm>> -> memref<1x1x8x128xf32, #tpu.memory_space<hbm>>
      %dma_wait3A_897 = tpu.memref_squeeze %dma_wait3A_896 : memref<1x1x8x128xf32, #tpu.memory_space<hbm>> -> memref<8x128xf32, #tpu.memory_space<hbm>>
      %dma_wait3A_898 = arith.constant 0 : i32
      %dma_wait3A_899 = arith.constant 0 : i32
      %dma_wait3A_900 = tpu.memref_slice %arg14[%dma_wait3A_884, %dma_wait3A_898, %dma_wait3A_899] : memref<4x8x128xf32, #tpu.memory_space<vmem>> -> memref<1x8x128xf32, #tpu.memory_space<vmem>>
      %dma_wait3A_901 = tpu.memref_squeeze %dma_wait3A_900 : memref<1x8x128xf32, #tpu.memory_space<vmem>> -> memref<8x128xf32, #tpu.memory_space<vmem>>
      tpu.wait_dma2 semaphore(%arg18 : memref<!tpu.dma_semaphore, #tpu.memory_space<semaphore_mem>>) src(%dma_wait3A_901 : memref<8x128xf32, #tpu.memory_space<vmem>>) dst(%dma_wait3A_897 : memref<8x128xf32, #tpu.memory_space<hbm>>)
      %add3A_902 = arith.addi %squeeze3A_782, %add3A_795 : i32
      %dma_wait3A_903 = arith.constant 1 : i32
      %dma_wait3A_904 = arith.constant 5 : i32
      %dma_wait3A_905 = arith.constant 0 : i32
      %dma_wait3A_906 = arith.constant 0 : i32
      %dma_wait3A_907 = tpu.memref_slice %arg15[%dma_wait3A_903, %dma_wait3A_905, %dma_wait3A_906] : memref<4x8x128xf32, #tpu.memory_space<vmem>> -> memref<1x8x128xf32, #tpu.memory_space<vmem>>
      %dma_wait3A_908 = tpu.memref_squeeze %dma_wait3A_907 : memref<1x8x128xf32, #tpu.memory_space<vmem>> -> memref<8x128xf32, #tpu.memory_space<vmem>>
      %dma_wait3A_909 = arith.constant 0 : i32
      %dma_wait3A_910 = arith.constant 0 : i32
      %dma_wait3A_911 = tpu.memref_slice %arg7[%dma_wait3A_904, %add3A_902, %dma_wait3A_909, %dma_wait3A_910] : memref<8x4096x8x128xf32, #tpu.memory_space<hbm>> -> memref<1x1x8x128xf32, #tpu.memory_space<hbm>>
      %dma_wait3A_912 = tpu.memref_squeeze %dma_wait3A_911 : memref<1x1x8x128xf32, #tpu.memory_space<hbm>> -> memref<8x128xf32, #tpu.memory_space<hbm>>
      %dma_wait3A_913 = arith.constant 0 : i32
      %dma_wait3A_914 = arith.constant 0 : i32
      %dma_wait3A_915 = tpu.memref_slice %arg7[%dma_wait3A_904, %add3A_902, %dma_wait3A_913, %dma_wait3A_914] : memref<8x4096x8x128xf32, #tpu.memory_space<hbm>> -> memref<1x1x8x128xf32, #tpu.memory_space<hbm>>
      %dma_wait3A_916 = tpu.memref_squeeze %dma_wait3A_915 : memref<1x1x8x128xf32, #tpu.memory_space<hbm>> -> memref<8x128xf32, #tpu.memory_space<hbm>>
      %dma_wait3A_917 = arith.constant 0 : i32
      %dma_wait3A_918 = arith.constant 0 : i32
      %dma_wait3A_919 = tpu.memref_slice %arg15[%dma_wait3A_903, %dma_wait3A_917, %dma_wait3A_918] : memref<4x8x128xf32, #tpu.memory_space<vmem>> -> memref<1x8x128xf32, #tpu.memory_space<vmem>>
      %dma_wait3A_920 = tpu.memref_squeeze %dma_wait3A_919 : memref<1x8x128xf32, #tpu.memory_space<vmem>> -> memref<8x128xf32, #tpu.memory_space<vmem>>
      tpu.wait_dma2 semaphore(%arg18 : memref<!tpu.dma_semaphore, #tpu.memory_space<semaphore_mem>>) src(%dma_wait3A_920 : memref<8x128xf32, #tpu.memory_space<vmem>>) dst(%dma_wait3A_916 : memref<8x128xf32, #tpu.memory_space<hbm>>)
    } else {
    }
    %add3A_801 = arith.constant 4 : i32
    %add3A_802 = arith.addi %rem3A_17, %add3A_801 : i32
    %lt3A_803 = arith.cmpi slt, %add3A_802, %squeeze3A_784 : i32
    %and3A_804 = arith.andi %eq3A_786, %lt3A_803 : i1
    %convert_element_type3A_805 = arith.extui %and3A_804 : i1 to i32
    %cond3A_806 = arith.constant 0 : i32
    %cond3A_807 = arith.cmpi ne, %convert_element_type3A_805, %cond3A_806 : i32
    scf.if %cond3A_807 {
      %add3A_883 = arith.addi %squeeze3A_782, %add3A_802 : i32
      %dma_wait3A_884 = arith.constant 2 : i32
      %dma_wait3A_885 = arith.constant 5 : i32
      %dma_wait3A_886 = arith.constant 0 : i32
      %dma_wait3A_887 = arith.constant 0 : i32
      %dma_wait3A_888 = tpu.memref_slice %arg14[%dma_wait3A_884, %dma_wait3A_886, %dma_wait3A_887] : memref<4x8x128xf32, #tpu.memory_space<vmem>> -> memref<1x8x128xf32, #tpu.memory_space<vmem>>
      %dma_wait3A_889 = tpu.memref_squeeze %dma_wait3A_888 : memref<1x8x128xf32, #tpu.memory_space<vmem>> -> memref<8x128xf32, #tpu.memory_space<vmem>>
      %dma_wait3A_890 = arith.constant 0 : i32
      %dma_wait3A_891 = arith.constant 0 : i32
      %dma_wait3A_892 = tpu.memref_slice %arg6[%dma_wait3A_885, %add3A_883, %dma_wait3A_890, %dma_wait3A_891] : memref<8x4096x8x128xf32, #tpu.memory_space<hbm>> -> memref<1x1x8x128xf32, #tpu.memory_space<hbm>>
      %dma_wait3A_893 = tpu.memref_squeeze %dma_wait3A_892 : memref<1x1x8x128xf32, #tpu.memory_space<hbm>> -> memref<8x128xf32, #tpu.memory_space<hbm>>
      %dma_wait3A_894 = arith.constant 0 : i32
      %dma_wait3A_895 = arith.constant 0 : i32
      %dma_wait3A_896 = tpu.memref_slice %arg6[%dma_wait3A_885, %add3A_883, %dma_wait3A_894, %dma_wait3A_895] : memref<8x4096x8x128xf32, #tpu.memory_space<hbm>> -> memref<1x1x8x128xf32, #tpu.memory_space<hbm>>
      %dma_wait3A_897 = tpu.memref_squeeze %dma_wait3A_896 : memref<1x1x8x128xf32, #tpu.memory_space<hbm>> -> memref<8x128xf32, #tpu.memory_space<hbm>>
      %dma_wait3A_898 = arith.constant 0 : i32
      %dma_wait3A_899 = arith.constant 0 : i32
      %dma_wait3A_900 = tpu.memref_slice %arg14[%dma_wait3A_884, %dma_wait3A_898, %dma_wait3A_899] : memref<4x8x128xf32, #tpu.memory_space<vmem>> -> memref<1x8x128xf32, #tpu.memory_space<vmem>>
      %dma_wait3A_901 = tpu.memref_squeeze %dma_wait3A_900 : memref<1x8x128xf32, #tpu.memory_space<vmem>> -> memref<8x128xf32, #tpu.memory_space<vmem>>
      tpu.wait_dma2 semaphore(%arg18 : memref<!tpu.dma_semaphore, #tpu.memory_space<semaphore_mem>>) src(%dma_wait3A_901 : memref<8x128xf32, #tpu.memory_space<vmem>>) dst(%dma_wait3A_897 : memref<8x128xf32, #tpu.memory_space<hbm>>)
      %add3A_902 = arith.addi %squeeze3A_782, %add3A_802 : i32
      %dma_wait3A_903 = arith.constant 2 : i32
      %dma_wait3A_904 = arith.constant 5 : i32
      %dma_wait3A_905 = arith.constant 0 : i32
      %dma_wait3A_906 = arith.constant 0 : i32
      %dma_wait3A_907 = tpu.memref_slice %arg15[%dma_wait3A_903, %dma_wait3A_905, %dma_wait3A_906] : memref<4x8x128xf32, #tpu.memory_space<vmem>> -> memref<1x8x128xf32, #tpu.memory_space<vmem>>
      %dma_wait3A_908 = tpu.memref_squeeze %dma_wait3A_907 : memref<1x8x128xf32, #tpu.memory_space<vmem>> -> memref<8x128xf32, #tpu.memory_space<vmem>>
      %dma_wait3A_909 = arith.constant 0 : i32
      %dma_wait3A_910 = arith.constant 0 : i32
      %dma_wait3A_911 = tpu.memref_slice %arg7[%dma_wait3A_904, %add3A_902, %dma_wait3A_909, %dma_wait3A_910] : memref<8x4096x8x128xf32, #tpu.memory_space<hbm>> -> memref<1x1x8x128xf32, #tpu.memory_space<hbm>>
      %dma_wait3A_912 = tpu.memref_squeeze %dma_wait3A_911 : memref<1x1x8x128xf32, #tpu.memory_space<hbm>> -> memref<8x128xf32, #tpu.memory_space<hbm>>
      %dma_wait3A_913 = arith.constant 0 : i32
      %dma_wait3A_914 = arith.constant 0 : i32
      %dma_wait3A_915 = tpu.memref_slice %arg7[%dma_wait3A_904, %add3A_902, %dma_wait3A_913, %dma_wait3A_914] : memref<8x4096x8x128xf32, #tpu.memory_space<hbm>> -> memref<1x1x8x128xf32, #tpu.memory_space<hbm>>
      %dma_wait3A_916 = tpu.memref_squeeze %dma_wait3A_915 : memref<1x1x8x128xf32, #tpu.memory_space<hbm>> -> memref<8x128xf32, #tpu.memory_space<hbm>>
      %dma_wait3A_917 = arith.constant 0 : i32
      %dma_wait3A_918 = arith.constant 0 : i32
      %dma_wait3A_919 = tpu.memref_slice %arg15[%dma_wait3A_903, %dma_wait3A_917, %dma_wait3A_918] : memref<4x8x128xf32, #tpu.memory_space<vmem>> -> memref<1x8x128xf32, #tpu.memory_space<vmem>>
      %dma_wait3A_920 = tpu.memref_squeeze %dma_wait3A_919 : memref<1x8x128xf32, #tpu.memory_space<vmem>> -> memref<8x128xf32, #tpu.memory_space<vmem>>
      tpu.wait_dma2 semaphore(%arg18 : memref<!tpu.dma_semaphore, #tpu.memory_space<semaphore_mem>>) src(%dma_wait3A_920 : memref<8x128xf32, #tpu.memory_space<vmem>>) dst(%dma_wait3A_916 : memref<8x128xf32, #tpu.memory_space<hbm>>)
    } else {
    }
    %add3A_808 = arith.constant 6 : i32
    %add3A_809 = arith.addi %rem3A_17, %add3A_808 : i32
    %lt3A_810 = arith.cmpi slt, %add3A_809, %squeeze3A_784 : i32
    %and3A_811 = arith.andi %eq3A_786, %lt3A_810 : i1
    %convert_element_type3A_812 = arith.extui %and3A_811 : i1 to i32
    %cond3A_813 = arith.constant 0 : i32
    %cond3A_814 = arith.cmpi ne, %convert_element_type3A_812, %cond3A_813 : i32
    scf.if %cond3A_814 {
      %add3A_883 = arith.addi %squeeze3A_782, %add3A_809 : i32
      %dma_wait3A_884 = arith.constant 3 : i32
      %dma_wait3A_885 = arith.constant 5 : i32
      %dma_wait3A_886 = arith.constant 0 : i32
      %dma_wait3A_887 = arith.constant 0 : i32
      %dma_wait3A_888 = tpu.memref_slice %arg14[%dma_wait3A_884, %dma_wait3A_886, %dma_wait3A_887] : memref<4x8x128xf32, #tpu.memory_space<vmem>> -> memref<1x8x128xf32, #tpu.memory_space<vmem>>
      %dma_wait3A_889 = tpu.memref_squeeze %dma_wait3A_888 : memref<1x8x128xf32, #tpu.memory_space<vmem>> -> memref<8x128xf32, #tpu.memory_space<vmem>>
      %dma_wait3A_890 = arith.constant 0 : i32
      %dma_wait3A_891 = arith.constant 0 : i32
      %dma_wait3A_892 = tpu.memref_slice %arg6[%dma_wait3A_885, %add3A_883, %dma_wait3A_890, %dma_wait3A_891] : memref<8x4096x8x128xf32, #tpu.memory_space<hbm>> -> memref<1x1x8x128xf32, #tpu.memory_space<hbm>>
      %dma_wait3A_893 = tpu.memref_squeeze %dma_wait3A_892 : memref<1x1x8x128xf32, #tpu.memory_space<hbm>> -> memref<8x128xf32, #tpu.memory_space<hbm>>
      %dma_wait3A_894 = arith.constant 0 : i32
      %dma_wait3A_895 = arith.constant 0 : i32
      %dma_wait3A_896 = tpu.memref_slice %arg6[%dma_wait3A_885, %add3A_883, %dma_wait3A_894, %dma_wait3A_895] : memref<8x4096x8x128xf32, #tpu.memory_space<hbm>> -> memref<1x1x8x128xf32, #tpu.memory_space<hbm>>
      %dma_wait3A_897 = tpu.memref_squeeze %dma_wait3A_896 : memref<1x1x8x128xf32, #tpu.memory_space<hbm>> -> memref<8x128xf32, #tpu.memory_space<hbm>>
      %dma_wait3A_898 = arith.constant 0 : i32
      %dma_wait3A_899 = arith.constant 0 : i32
      %dma_wait3A_900 = tpu.memref_slice %arg14[%dma_wait3A_884, %dma_wait3A_898, %dma_wait3A_899] : memref<4x8x128xf32, #tpu.memory_space<vmem>> -> memref<1x8x128xf32, #tpu.memory_space<vmem>>
      %dma_wait3A_901 = tpu.memref_squeeze %dma_wait3A_900 : memref<1x8x128xf32, #tpu.memory_space<vmem>> -> memref<8x128xf32, #tpu.memory_space<vmem>>
      tpu.wait_dma2 semaphore(%arg18 : memref<!tpu.dma_semaphore, #tpu.memory_space<semaphore_mem>>) src(%dma_wait3A_901 : memref<8x128xf32, #tpu.memory_space<vmem>>) dst(%dma_wait3A_897 : memref<8x128xf32, #tpu.memory_space<hbm>>)
      %add3A_902 = arith.addi %squeeze3A_782, %add3A_809 : i32
      %dma_wait3A_903 = arith.constant 3 : i32
      %dma_wait3A_904 = arith.constant 5 : i32
      %dma_wait3A_905 = arith.constant 0 : i32
      %dma_wait3A_906 = arith.constant 0 : i32
      %dma_wait3A_907 = tpu.memref_slice %arg15[%dma_wait3A_903, %dma_wait3A_905, %dma_wait3A_906] : memref<4x8x128xf32, #tpu.memory_space<vmem>> -> memref<1x8x128xf32, #tpu.memory_space<vmem>>
      %dma_wait3A_908 = tpu.memref_squeeze %dma_wait3A_907 : memref<1x8x128xf32, #tpu.memory_space<vmem>> -> memref<8x128xf32, #tpu.memory_space<vmem>>
      %dma_wait3A_909 = arith.constant 0 : i32
      %dma_wait3A_910 = arith.constant 0 : i32
      %dma_wait3A_911 = tpu.memref_slice %arg7[%dma_wait3A_904, %add3A_902, %dma_wait3A_909, %dma_wait3A_910] : memref<8x4096x8x128xf32, #tpu.memory_space<hbm>> -> memref<1x1x8x128xf32, #tpu.memory_space<hbm>>
      %dma_wait3A_912 = tpu.memref_squeeze %dma_wait3A_911 : memref<1x1x8x128xf32, #tpu.memory_space<hbm>> -> memref<8x128xf32, #tpu.memory_space<hbm>>
      %dma_wait3A_913 = arith.constant 0 : i32
      %dma_wait3A_914 = arith.constant 0 : i32
      %dma_wait3A_915 = tpu.memref_slice %arg7[%dma_wait3A_904, %add3A_902, %dma_wait3A_913, %dma_wait3A_914] : memref<8x4096x8x128xf32, #tpu.memory_space<hbm>> -> memref<1x1x8x128xf32, #tpu.memory_space<hbm>>
      %dma_wait3A_916 = tpu.memref_squeeze %dma_wait3A_915 : memref<1x1x8x128xf32, #tpu.memory_space<hbm>> -> memref<8x128xf32, #tpu.memory_space<hbm>>
      %dma_wait3A_917 = arith.constant 0 : i32
      %dma_wait3A_918 = arith.constant 0 : i32
      %dma_wait3A_919 = tpu.memref_slice %arg15[%dma_wait3A_903, %dma_wait3A_917, %dma_wait3A_918] : memref<4x8x128xf32, #tpu.memory_space<vmem>> -> memref<1x8x128xf32, #tpu.memory_space<vmem>>
      %dma_wait3A_920 = tpu.memref_squeeze %dma_wait3A_919 : memref<1x8x128xf32, #tpu.memory_space<vmem>> -> memref<8x128xf32, #tpu.memory_space<vmem>>
      tpu.wait_dma2 semaphore(%arg18 : memref<!tpu.dma_semaphore, #tpu.memory_space<semaphore_mem>>) src(%dma_wait3A_920 : memref<8x128xf32, #tpu.memory_space<vmem>>) dst(%dma_wait3A_916 : memref<8x128xf32, #tpu.memory_space<hbm>>)
    } else {
    }
    %slice3A_815 = vector.extract_strided_slice %get3A_184 {offsets = [6], sizes = [1], strides = [1]} : vector<16xi32> to vector<1xi32>
    %squeeze3A_816 = vector.extract %slice3A_815[0] : i32 from vector<1xi32>
    %slice3A_817 = vector.extract_strided_slice %get3A_187 {offsets = [6], sizes = [1], strides = [1]} : vector<16xi32> to vector<1xi32>
    %squeeze3A_818 = vector.extract %slice3A_817[0] : i32 from vector<1xi32>
    %eq3A_819 = arith.constant 6 : i32
    %eq3A_820 = arith.cmpi eq, %select_n3A, %eq3A_819 : i32
    %add3A_821 = arith.constant 0 : i32
    %add3A_822 = arith.addi %rem3A_17, %add3A_821 : i32
    %lt3A_823 = arith.cmpi slt, %add3A_822, %squeeze3A_818 : i32
    %and3A_824 = arith.andi %eq3A_820, %lt3A_823 : i1
    %convert_element_type3A_825 = arith.extui %and3A_824 : i1 to i32
    %cond3A_826 = arith.constant 0 : i32
    %cond3A_827 = arith.cmpi ne, %convert_element_type3A_825, %cond3A_826 : i32
    scf.if %cond3A_827 {
      %add3A_883 = arith.addi %squeeze3A_816, %add3A_822 : i32
      %dma_wait3A_884 = arith.constant 0 : i32
      %dma_wait3A_885 = arith.constant 6 : i32
      %dma_wait3A_886 = arith.constant 0 : i32
      %dma_wait3A_887 = arith.constant 0 : i32
      %dma_wait3A_888 = tpu.memref_slice %arg14[%dma_wait3A_884, %dma_wait3A_886, %dma_wait3A_887] : memref<4x8x128xf32, #tpu.memory_space<vmem>> -> memref<1x8x128xf32, #tpu.memory_space<vmem>>
      %dma_wait3A_889 = tpu.memref_squeeze %dma_wait3A_888 : memref<1x8x128xf32, #tpu.memory_space<vmem>> -> memref<8x128xf32, #tpu.memory_space<vmem>>
      %dma_wait3A_890 = arith.constant 0 : i32
      %dma_wait3A_891 = arith.constant 0 : i32
      %dma_wait3A_892 = tpu.memref_slice %arg6[%dma_wait3A_885, %add3A_883, %dma_wait3A_890, %dma_wait3A_891] : memref<8x4096x8x128xf32, #tpu.memory_space<hbm>> -> memref<1x1x8x128xf32, #tpu.memory_space<hbm>>
      %dma_wait3A_893 = tpu.memref_squeeze %dma_wait3A_892 : memref<1x1x8x128xf32, #tpu.memory_space<hbm>> -> memref<8x128xf32, #tpu.memory_space<hbm>>
      %dma_wait3A_894 = arith.constant 0 : i32
      %dma_wait3A_895 = arith.constant 0 : i32
      %dma_wait3A_896 = tpu.memref_slice %arg6[%dma_wait3A_885, %add3A_883, %dma_wait3A_894, %dma_wait3A_895] : memref<8x4096x8x128xf32, #tpu.memory_space<hbm>> -> memref<1x1x8x128xf32, #tpu.memory_space<hbm>>
      %dma_wait3A_897 = tpu.memref_squeeze %dma_wait3A_896 : memref<1x1x8x128xf32, #tpu.memory_space<hbm>> -> memref<8x128xf32, #tpu.memory_space<hbm>>
      %dma_wait3A_898 = arith.constant 0 : i32
      %dma_wait3A_899 = arith.constant 0 : i32
      %dma_wait3A_900 = tpu.memref_slice %arg14[%dma_wait3A_884, %dma_wait3A_898, %dma_wait3A_899] : memref<4x8x128xf32, #tpu.memory_space<vmem>> -> memref<1x8x128xf32, #tpu.memory_space<vmem>>
      %dma_wait3A_901 = tpu.memref_squeeze %dma_wait3A_900 : memref<1x8x128xf32, #tpu.memory_space<vmem>> -> memref<8x128xf32, #tpu.memory_space<vmem>>
      tpu.wait_dma2 semaphore(%arg18 : memref<!tpu.dma_semaphore, #tpu.memory_space<semaphore_mem>>) src(%dma_wait3A_901 : memref<8x128xf32, #tpu.memory_space<vmem>>) dst(%dma_wait3A_897 : memref<8x128xf32, #tpu.memory_space<hbm>>)
      %add3A_902 = arith.addi %squeeze3A_816, %add3A_822 : i32
      %dma_wait3A_903 = arith.constant 0 : i32
      %dma_wait3A_904 = arith.constant 6 : i32
      %dma_wait3A_905 = arith.constant 0 : i32
      %dma_wait3A_906 = arith.constant 0 : i32
      %dma_wait3A_907 = tpu.memref_slice %arg15[%dma_wait3A_903, %dma_wait3A_905, %dma_wait3A_906] : memref<4x8x128xf32, #tpu.memory_space<vmem>> -> memref<1x8x128xf32, #tpu.memory_space<vmem>>
      %dma_wait3A_908 = tpu.memref_squeeze %dma_wait3A_907 : memref<1x8x128xf32, #tpu.memory_space<vmem>> -> memref<8x128xf32, #tpu.memory_space<vmem>>
      %dma_wait3A_909 = arith.constant 0 : i32
      %dma_wait3A_910 = arith.constant 0 : i32
      %dma_wait3A_911 = tpu.memref_slice %arg7[%dma_wait3A_904, %add3A_902, %dma_wait3A_909, %dma_wait3A_910] : memref<8x4096x8x128xf32, #tpu.memory_space<hbm>> -> memref<1x1x8x128xf32, #tpu.memory_space<hbm>>
      %dma_wait3A_912 = tpu.memref_squeeze %dma_wait3A_911 : memref<1x1x8x128xf32, #tpu.memory_space<hbm>> -> memref<8x128xf32, #tpu.memory_space<hbm>>
      %dma_wait3A_913 = arith.constant 0 : i32
      %dma_wait3A_914 = arith.constant 0 : i32
      %dma_wait3A_915 = tpu.memref_slice %arg7[%dma_wait3A_904, %add3A_902, %dma_wait3A_913, %dma_wait3A_914] : memref<8x4096x8x128xf32, #tpu.memory_space<hbm>> -> memref<1x1x8x128xf32, #tpu.memory_space<hbm>>
      %dma_wait3A_916 = tpu.memref_squeeze %dma_wait3A_915 : memref<1x1x8x128xf32, #tpu.memory_space<hbm>> -> memref<8x128xf32, #tpu.memory_space<hbm>>
      %dma_wait3A_917 = arith.constant 0 : i32
      %dma_wait3A_918 = arith.constant 0 : i32
      %dma_wait3A_919 = tpu.memref_slice %arg15[%dma_wait3A_903, %dma_wait3A_917, %dma_wait3A_918] : memref<4x8x128xf32, #tpu.memory_space<vmem>> -> memref<1x8x128xf32, #tpu.memory_space<vmem>>
      %dma_wait3A_920 = tpu.memref_squeeze %dma_wait3A_919 : memref<1x8x128xf32, #tpu.memory_space<vmem>> -> memref<8x128xf32, #tpu.memory_space<vmem>>
      tpu.wait_dma2 semaphore(%arg18 : memref<!tpu.dma_semaphore, #tpu.memory_space<semaphore_mem>>) src(%dma_wait3A_920 : memref<8x128xf32, #tpu.memory_space<vmem>>) dst(%dma_wait3A_916 : memref<8x128xf32, #tpu.memory_space<hbm>>)
    } else {
    }
    %add3A_828 = arith.constant 2 : i32
    %add3A_829 = arith.addi %rem3A_17, %add3A_828 : i32
    %lt3A_830 = arith.cmpi slt, %add3A_829, %squeeze3A_818 : i32
    %and3A_831 = arith.andi %eq3A_820, %lt3A_830 : i1
    %convert_element_type3A_832 = arith.extui %and3A_831 : i1 to i32
    %cond3A_833 = arith.constant 0 : i32
    %cond3A_834 = arith.cmpi ne, %convert_element_type3A_832, %cond3A_833 : i32
    scf.if %cond3A_834 {
      %add3A_883 = arith.addi %squeeze3A_816, %add3A_829 : i32
      %dma_wait3A_884 = arith.constant 1 : i32
      %dma_wait3A_885 = arith.constant 6 : i32
      %dma_wait3A_886 = arith.constant 0 : i32
      %dma_wait3A_887 = arith.constant 0 : i32
      %dma_wait3A_888 = tpu.memref_slice %arg14[%dma_wait3A_884, %dma_wait3A_886, %dma_wait3A_887] : memref<4x8x128xf32, #tpu.memory_space<vmem>> -> memref<1x8x128xf32, #tpu.memory_space<vmem>>
      %dma_wait3A_889 = tpu.memref_squeeze %dma_wait3A_888 : memref<1x8x128xf32, #tpu.memory_space<vmem>> -> memref<8x128xf32, #tpu.memory_space<vmem>>
      %dma_wait3A_890 = arith.constant 0 : i32
      %dma_wait3A_891 = arith.constant 0 : i32
      %dma_wait3A_892 = tpu.memref_slice %arg6[%dma_wait3A_885, %add3A_883, %dma_wait3A_890, %dma_wait3A_891] : memref<8x4096x8x128xf32, #tpu.memory_space<hbm>> -> memref<1x1x8x128xf32, #tpu.memory_space<hbm>>
      %dma_wait3A_893 = tpu.memref_squeeze %dma_wait3A_892 : memref<1x1x8x128xf32, #tpu.memory_space<hbm>> -> memref<8x128xf32, #tpu.memory_space<hbm>>
      %dma_wait3A_894 = arith.constant 0 : i32
      %dma_wait3A_895 = arith.constant 0 : i32
      %dma_wait3A_896 = tpu.memref_slice %arg6[%dma_wait3A_885, %add3A_883, %dma_wait3A_894, %dma_wait3A_895] : memref<8x4096x8x128xf32, #tpu.memory_space<hbm>> -> memref<1x1x8x128xf32, #tpu.memory_space<hbm>>
      %dma_wait3A_897 = tpu.memref_squeeze %dma_wait3A_896 : memref<1x1x8x128xf32, #tpu.memory_space<hbm>> -> memref<8x128xf32, #tpu.memory_space<hbm>>
      %dma_wait3A_898 = arith.constant 0 : i32
      %dma_wait3A_899 = arith.constant 0 : i32
      %dma_wait3A_900 = tpu.memref_slice %arg14[%dma_wait3A_884, %dma_wait3A_898, %dma_wait3A_899] : memref<4x8x128xf32, #tpu.memory_space<vmem>> -> memref<1x8x128xf32, #tpu.memory_space<vmem>>
      %dma_wait3A_901 = tpu.memref_squeeze %dma_wait3A_900 : memref<1x8x128xf32, #tpu.memory_space<vmem>> -> memref<8x128xf32, #tpu.memory_space<vmem>>
      tpu.wait_dma2 semaphore(%arg18 : memref<!tpu.dma_semaphore, #tpu.memory_space<semaphore_mem>>) src(%dma_wait3A_901 : memref<8x128xf32, #tpu.memory_space<vmem>>) dst(%dma_wait3A_897 : memref<8x128xf32, #tpu.memory_space<hbm>>)
      %add3A_902 = arith.addi %squeeze3A_816, %add3A_829 : i32
      %dma_wait3A_903 = arith.constant 1 : i32
      %dma_wait3A_904 = arith.constant 6 : i32
      %dma_wait3A_905 = arith.constant 0 : i32
      %dma_wait3A_906 = arith.constant 0 : i32
      %dma_wait3A_907 = tpu.memref_slice %arg15[%dma_wait3A_903, %dma_wait3A_905, %dma_wait3A_906] : memref<4x8x128xf32, #tpu.memory_space<vmem>> -> memref<1x8x128xf32, #tpu.memory_space<vmem>>
      %dma_wait3A_908 = tpu.memref_squeeze %dma_wait3A_907 : memref<1x8x128xf32, #tpu.memory_space<vmem>> -> memref<8x128xf32, #tpu.memory_space<vmem>>
      %dma_wait3A_909 = arith.constant 0 : i32
      %dma_wait3A_910 = arith.constant 0 : i32
      %dma_wait3A_911 = tpu.memref_slice %arg7[%dma_wait3A_904, %add3A_902, %dma_wait3A_909, %dma_wait3A_910] : memref<8x4096x8x128xf32, #tpu.memory_space<hbm>> -> memref<1x1x8x128xf32, #tpu.memory_space<hbm>>
      %dma_wait3A_912 = tpu.memref_squeeze %dma_wait3A_911 : memref<1x1x8x128xf32, #tpu.memory_space<hbm>> -> memref<8x128xf32, #tpu.memory_space<hbm>>
      %dma_wait3A_913 = arith.constant 0 : i32
      %dma_wait3A_914 = arith.constant 0 : i32
      %dma_wait3A_915 = tpu.memref_slice %arg7[%dma_wait3A_904, %add3A_902, %dma_wait3A_913, %dma_wait3A_914] : memref<8x4096x8x128xf32, #tpu.memory_space<hbm>> -> memref<1x1x8x128xf32, #tpu.memory_space<hbm>>
      %dma_wait3A_916 = tpu.memref_squeeze %dma_wait3A_915 : memref<1x1x8x128xf32, #tpu.memory_space<hbm>> -> memref<8x128xf32, #tpu.memory_space<hbm>>
      %dma_wait3A_917 = arith.constant 0 : i32
      %dma_wait3A_918 = arith.constant 0 : i32
      %dma_wait3A_919 = tpu.memref_slice %arg15[%dma_wait3A_903, %dma_wait3A_917, %dma_wait3A_918] : memref<4x8x128xf32, #tpu.memory_space<vmem>> -> memref<1x8x128xf32, #tpu.memory_space<vmem>>
      %dma_wait3A_920 = tpu.memref_squeeze %dma_wait3A_919 : memref<1x8x128xf32, #tpu.memory_space<vmem>> -> memref<8x128xf32, #tpu.memory_space<vmem>>
      tpu.wait_dma2 semaphore(%arg18 : memref<!tpu.dma_semaphore, #tpu.memory_space<semaphore_mem>>) src(%dma_wait3A_920 : memref<8x128xf32, #tpu.memory_space<vmem>>) dst(%dma_wait3A_916 : memref<8x128xf32, #tpu.memory_space<hbm>>)
    } else {
    }
    %add3A_835 = arith.constant 4 : i32
    %add3A_836 = arith.addi %rem3A_17, %add3A_835 : i32
    %lt3A_837 = arith.cmpi slt, %add3A_836, %squeeze3A_818 : i32
    %and3A_838 = arith.andi %eq3A_820, %lt3A_837 : i1
    %convert_element_type3A_839 = arith.extui %and3A_838 : i1 to i32
    %cond3A_840 = arith.constant 0 : i32
    %cond3A_841 = arith.cmpi ne, %convert_element_type3A_839, %cond3A_840 : i32
    scf.if %cond3A_841 {
      %add3A_883 = arith.addi %squeeze3A_816, %add3A_836 : i32
      %dma_wait3A_884 = arith.constant 2 : i32
      %dma_wait3A_885 = arith.constant 6 : i32
      %dma_wait3A_886 = arith.constant 0 : i32
      %dma_wait3A_887 = arith.constant 0 : i32
      %dma_wait3A_888 = tpu.memref_slice %arg14[%dma_wait3A_884, %dma_wait3A_886, %dma_wait3A_887] : memref<4x8x128xf32, #tpu.memory_space<vmem>> -> memref<1x8x128xf32, #tpu.memory_space<vmem>>
      %dma_wait3A_889 = tpu.memref_squeeze %dma_wait3A_888 : memref<1x8x128xf32, #tpu.memory_space<vmem>> -> memref<8x128xf32, #tpu.memory_space<vmem>>
      %dma_wait3A_890 = arith.constant 0 : i32
      %dma_wait3A_891 = arith.constant 0 : i32
      %dma_wait3A_892 = tpu.memref_slice %arg6[%dma_wait3A_885, %add3A_883, %dma_wait3A_890, %dma_wait3A_891] : memref<8x4096x8x128xf32, #tpu.memory_space<hbm>> -> memref<1x1x8x128xf32, #tpu.memory_space<hbm>>
      %dma_wait3A_893 = tpu.memref_squeeze %dma_wait3A_892 : memref<1x1x8x128xf32, #tpu.memory_space<hbm>> -> memref<8x128xf32, #tpu.memory_space<hbm>>
      %dma_wait3A_894 = arith.constant 0 : i32
      %dma_wait3A_895 = arith.constant 0 : i32
      %dma_wait3A_896 = tpu.memref_slice %arg6[%dma_wait3A_885, %add3A_883, %dma_wait3A_894, %dma_wait3A_895] : memref<8x4096x8x128xf32, #tpu.memory_space<hbm>> -> memref<1x1x8x128xf32, #tpu.memory_space<hbm>>
      %dma_wait3A_897 = tpu.memref_squeeze %dma_wait3A_896 : memref<1x1x8x128xf32, #tpu.memory_space<hbm>> -> memref<8x128xf32, #tpu.memory_space<hbm>>
      %dma_wait3A_898 = arith.constant 0 : i32
      %dma_wait3A_899 = arith.constant 0 : i32
      %dma_wait3A_900 = tpu.memref_slice %arg14[%dma_wait3A_884, %dma_wait3A_898, %dma_wait3A_899] : memref<4x8x128xf32, #tpu.memory_space<vmem>> -> memref<1x8x128xf32, #tpu.memory_space<vmem>>
      %dma_wait3A_901 = tpu.memref_squeeze %dma_wait3A_900 : memref<1x8x128xf32, #tpu.memory_space<vmem>> -> memref<8x128xf32, #tpu.memory_space<vmem>>
      tpu.wait_dma2 semaphore(%arg18 : memref<!tpu.dma_semaphore, #tpu.memory_space<semaphore_mem>>) src(%dma_wait3A_901 : memref<8x128xf32, #tpu.memory_space<vmem>>) dst(%dma_wait3A_897 : memref<8x128xf32, #tpu.memory_space<hbm>>)
      %add3A_902 = arith.addi %squeeze3A_816, %add3A_836 : i32
      %dma_wait3A_903 = arith.constant 2 : i32
      %dma_wait3A_904 = arith.constant 6 : i32
      %dma_wait3A_905 = arith.constant 0 : i32
      %dma_wait3A_906 = arith.constant 0 : i32
      %dma_wait3A_907 = tpu.memref_slice %arg15[%dma_wait3A_903, %dma_wait3A_905, %dma_wait3A_906] : memref<4x8x128xf32, #tpu.memory_space<vmem>> -> memref<1x8x128xf32, #tpu.memory_space<vmem>>
      %dma_wait3A_908 = tpu.memref_squeeze %dma_wait3A_907 : memref<1x8x128xf32, #tpu.memory_space<vmem>> -> memref<8x128xf32, #tpu.memory_space<vmem>>
      %dma_wait3A_909 = arith.constant 0 : i32
      %dma_wait3A_910 = arith.constant 0 : i32
      %dma_wait3A_911 = tpu.memref_slice %arg7[%dma_wait3A_904, %add3A_902, %dma_wait3A_909, %dma_wait3A_910] : memref<8x4096x8x128xf32, #tpu.memory_space<hbm>> -> memref<1x1x8x128xf32, #tpu.memory_space<hbm>>
      %dma_wait3A_912 = tpu.memref_squeeze %dma_wait3A_911 : memref<1x1x8x128xf32, #tpu.memory_space<hbm>> -> memref<8x128xf32, #tpu.memory_space<hbm>>
      %dma_wait3A_913 = arith.constant 0 : i32
      %dma_wait3A_914 = arith.constant 0 : i32
      %dma_wait3A_915 = tpu.memref_slice %arg7[%dma_wait3A_904, %add3A_902, %dma_wait3A_913, %dma_wait3A_914] : memref<8x4096x8x128xf32, #tpu.memory_space<hbm>> -> memref<1x1x8x128xf32, #tpu.memory_space<hbm>>
      %dma_wait3A_916 = tpu.memref_squeeze %dma_wait3A_915 : memref<1x1x8x128xf32, #tpu.memory_space<hbm>> -> memref<8x128xf32, #tpu.memory_space<hbm>>
      %dma_wait3A_917 = arith.constant 0 : i32
      %dma_wait3A_918 = arith.constant 0 : i32
      %dma_wait3A_919 = tpu.memref_slice %arg15[%dma_wait3A_903, %dma_wait3A_917, %dma_wait3A_918] : memref<4x8x128xf32, #tpu.memory_space<vmem>> -> memref<1x8x128xf32, #tpu.memory_space<vmem>>
      %dma_wait3A_920 = tpu.memref_squeeze %dma_wait3A_919 : memref<1x8x128xf32, #tpu.memory_space<vmem>> -> memref<8x128xf32, #tpu.memory_space<vmem>>
      tpu.wait_dma2 semaphore(%arg18 : memref<!tpu.dma_semaphore, #tpu.memory_space<semaphore_mem>>) src(%dma_wait3A_920 : memref<8x128xf32, #tpu.memory_space<vmem>>) dst(%dma_wait3A_916 : memref<8x128xf32, #tpu.memory_space<hbm>>)
    } else {
    }
    %add3A_842 = arith.constant 6 : i32
    %add3A_843 = arith.addi %rem3A_17, %add3A_842 : i32
    %lt3A_844 = arith.cmpi slt, %add3A_843, %squeeze3A_818 : i32
    %and3A_845 = arith.andi %eq3A_820, %lt3A_844 : i1
    %convert_element_type3A_846 = arith.extui %and3A_845 : i1 to i32
    %cond3A_847 = arith.constant 0 : i32
    %cond3A_848 = arith.cmpi ne, %convert_element_type3A_846, %cond3A_847 : i32
    scf.if %cond3A_848 {
      %add3A_883 = arith.addi %squeeze3A_816, %add3A_843 : i32
      %dma_wait3A_884 = arith.constant 3 : i32
      %dma_wait3A_885 = arith.constant 6 : i32
      %dma_wait3A_886 = arith.constant 0 : i32
      %dma_wait3A_887 = arith.constant 0 : i32
      %dma_wait3A_888 = tpu.memref_slice %arg14[%dma_wait3A_884, %dma_wait3A_886, %dma_wait3A_887] : memref<4x8x128xf32, #tpu.memory_space<vmem>> -> memref<1x8x128xf32, #tpu.memory_space<vmem>>
      %dma_wait3A_889 = tpu.memref_squeeze %dma_wait3A_888 : memref<1x8x128xf32, #tpu.memory_space<vmem>> -> memref<8x128xf32, #tpu.memory_space<vmem>>
      %dma_wait3A_890 = arith.constant 0 : i32
      %dma_wait3A_891 = arith.constant 0 : i32
      %dma_wait3A_892 = tpu.memref_slice %arg6[%dma_wait3A_885, %add3A_883, %dma_wait3A_890, %dma_wait3A_891] : memref<8x4096x8x128xf32, #tpu.memory_space<hbm>> -> memref<1x1x8x128xf32, #tpu.memory_space<hbm>>
      %dma_wait3A_893 = tpu.memref_squeeze %dma_wait3A_892 : memref<1x1x8x128xf32, #tpu.memory_space<hbm>> -> memref<8x128xf32, #tpu.memory_space<hbm>>
      %dma_wait3A_894 = arith.constant 0 : i32
      %dma_wait3A_895 = arith.constant 0 : i32
      %dma_wait3A_896 = tpu.memref_slice %arg6[%dma_wait3A_885, %add3A_883, %dma_wait3A_894, %dma_wait3A_895] : memref<8x4096x8x128xf32, #tpu.memory_space<hbm>> -> memref<1x1x8x128xf32, #tpu.memory_space<hbm>>
      %dma_wait3A_897 = tpu.memref_squeeze %dma_wait3A_896 : memref<1x1x8x128xf32, #tpu.memory_space<hbm>> -> memref<8x128xf32, #tpu.memory_space<hbm>>
      %dma_wait3A_898 = arith.constant 0 : i32
      %dma_wait3A_899 = arith.constant 0 : i32
      %dma_wait3A_900 = tpu.memref_slice %arg14[%dma_wait3A_884, %dma_wait3A_898, %dma_wait3A_899] : memref<4x8x128xf32, #tpu.memory_space<vmem>> -> memref<1x8x128xf32, #tpu.memory_space<vmem>>
      %dma_wait3A_901 = tpu.memref_squeeze %dma_wait3A_900 : memref<1x8x128xf32, #tpu.memory_space<vmem>> -> memref<8x128xf32, #tpu.memory_space<vmem>>
      tpu.wait_dma2 semaphore(%arg18 : memref<!tpu.dma_semaphore, #tpu.memory_space<semaphore_mem>>) src(%dma_wait3A_901 : memref<8x128xf32, #tpu.memory_space<vmem>>) dst(%dma_wait3A_897 : memref<8x128xf32, #tpu.memory_space<hbm>>)
      %add3A_902 = arith.addi %squeeze3A_816, %add3A_843 : i32
      %dma_wait3A_903 = arith.constant 3 : i32
      %dma_wait3A_904 = arith.constant 6 : i32
      %dma_wait3A_905 = arith.constant 0 : i32
      %dma_wait3A_906 = arith.constant 0 : i32
      %dma_wait3A_907 = tpu.memref_slice %arg15[%dma_wait3A_903, %dma_wait3A_905, %dma_wait3A_906] : memref<4x8x128xf32, #tpu.memory_space<vmem>> -> memref<1x8x128xf32, #tpu.memory_space<vmem>>
      %dma_wait3A_908 = tpu.memref_squeeze %dma_wait3A_907 : memref<1x8x128xf32, #tpu.memory_space<vmem>> -> memref<8x128xf32, #tpu.memory_space<vmem>>
      %dma_wait3A_909 = arith.constant 0 : i32
      %dma_wait3A_910 = arith.constant 0 : i32
      %dma_wait3A_911 = tpu.memref_slice %arg7[%dma_wait3A_904, %add3A_902, %dma_wait3A_909, %dma_wait3A_910] : memref<8x4096x8x128xf32, #tpu.memory_space<hbm>> -> memref<1x1x8x128xf32, #tpu.memory_space<hbm>>
      %dma_wait3A_912 = tpu.memref_squeeze %dma_wait3A_911 : memref<1x1x8x128xf32, #tpu.memory_space<hbm>> -> memref<8x128xf32, #tpu.memory_space<hbm>>
      %dma_wait3A_913 = arith.constant 0 : i32
      %dma_wait3A_914 = arith.constant 0 : i32
      %dma_wait3A_915 = tpu.memref_slice %arg7[%dma_wait3A_904, %add3A_902, %dma_wait3A_913, %dma_wait3A_914] : memref<8x4096x8x128xf32, #tpu.memory_space<hbm>> -> memref<1x1x8x128xf32, #tpu.memory_space<hbm>>
      %dma_wait3A_916 = tpu.memref_squeeze %dma_wait3A_915 : memref<1x1x8x128xf32, #tpu.memory_space<hbm>> -> memref<8x128xf32, #tpu.memory_space<hbm>>
      %dma_wait3A_917 = arith.constant 0 : i32
      %dma_wait3A_918 = arith.constant 0 : i32
      %dma_wait3A_919 = tpu.memref_slice %arg15[%dma_wait3A_903, %dma_wait3A_917, %dma_wait3A_918] : memref<4x8x128xf32, #tpu.memory_space<vmem>> -> memref<1x8x128xf32, #tpu.memory_space<vmem>>
      %dma_wait3A_920 = tpu.memref_squeeze %dma_wait3A_919 : memref<1x8x128xf32, #tpu.memory_space<vmem>> -> memref<8x128xf32, #tpu.memory_space<vmem>>
      tpu.wait_dma2 semaphore(%arg18 : memref<!tpu.dma_semaphore, #tpu.memory_space<semaphore_mem>>) src(%dma_wait3A_920 : memref<8x128xf32, #tpu.memory_space<vmem>>) dst(%dma_wait3A_916 : memref<8x128xf32, #tpu.memory_space<hbm>>)
    } else {
    }
    %slice3A_849 = vector.extract_strided_slice %get3A_184 {offsets = [7], sizes = [1], strides = [1]} : vector<16xi32> to vector<1xi32>
    %squeeze3A_850 = vector.extract %slice3A_849[0] : i32 from vector<1xi32>
    %slice3A_851 = vector.extract_strided_slice %get3A_187 {offsets = [7], sizes = [1], strides = [1]} : vector<16xi32> to vector<1xi32>
    %squeeze3A_852 = vector.extract %slice3A_851[0] : i32 from vector<1xi32>
    %eq3A_853 = arith.constant 7 : i32
    %eq3A_854 = arith.cmpi eq, %select_n3A, %eq3A_853 : i32
    %add3A_855 = arith.constant 0 : i32
    %add3A_856 = arith.addi %rem3A_17, %add3A_855 : i32
    %lt3A_857 = arith.cmpi slt, %add3A_856, %squeeze3A_852 : i32
    %and3A_858 = arith.andi %eq3A_854, %lt3A_857 : i1
    %convert_element_type3A_859 = arith.extui %and3A_858 : i1 to i32
    %cond3A_860 = arith.constant 0 : i32
    %cond3A_861 = arith.cmpi ne, %convert_element_type3A_859, %cond3A_860 : i32
    scf.if %cond3A_861 {
      %add3A_883 = arith.addi %squeeze3A_850, %add3A_856 : i32
      %dma_wait3A_884 = arith.constant 0 : i32
      %dma_wait3A_885 = arith.constant 7 : i32
      %dma_wait3A_886 = arith.constant 0 : i32
      %dma_wait3A_887 = arith.constant 0 : i32
      %dma_wait3A_888 = tpu.memref_slice %arg14[%dma_wait3A_884, %dma_wait3A_886, %dma_wait3A_887] : memref<4x8x128xf32, #tpu.memory_space<vmem>> -> memref<1x8x128xf32, #tpu.memory_space<vmem>>
      %dma_wait3A_889 = tpu.memref_squeeze %dma_wait3A_888 : memref<1x8x128xf32, #tpu.memory_space<vmem>> -> memref<8x128xf32, #tpu.memory_space<vmem>>
      %dma_wait3A_890 = arith.constant 0 : i32
      %dma_wait3A_891 = arith.constant 0 : i32
      %dma_wait3A_892 = tpu.memref_slice %arg6[%dma_wait3A_885, %add3A_883, %dma_wait3A_890, %dma_wait3A_891] : memref<8x4096x8x128xf32, #tpu.memory_space<hbm>> -> memref<1x1x8x128xf32, #tpu.memory_space<hbm>>
      %dma_wait3A_893 = tpu.memref_squeeze %dma_wait3A_892 : memref<1x1x8x128xf32, #tpu.memory_space<hbm>> -> memref<8x128xf32, #tpu.memory_space<hbm>>
      %dma_wait3A_894 = arith.constant 0 : i32
      %dma_wait3A_895 = arith.constant 0 : i32
      %dma_wait3A_896 = tpu.memref_slice %arg6[%dma_wait3A_885, %add3A_883, %dma_wait3A_894, %dma_wait3A_895] : memref<8x4096x8x128xf32, #tpu.memory_space<hbm>> -> memref<1x1x8x128xf32, #tpu.memory_space<hbm>>
      %dma_wait3A_897 = tpu.memref_squeeze %dma_wait3A_896 : memref<1x1x8x128xf32, #tpu.memory_space<hbm>> -> memref<8x128xf32, #tpu.memory_space<hbm>>
      %dma_wait3A_898 = arith.constant 0 : i32
      %dma_wait3A_899 = arith.constant 0 : i32
      %dma_wait3A_900 = tpu.memref_slice %arg14[%dma_wait3A_884, %dma_wait3A_898, %dma_wait3A_899] : memref<4x8x128xf32, #tpu.memory_space<vmem>> -> memref<1x8x128xf32, #tpu.memory_space<vmem>>
      %dma_wait3A_901 = tpu.memref_squeeze %dma_wait3A_900 : memref<1x8x128xf32, #tpu.memory_space<vmem>> -> memref<8x128xf32, #tpu.memory_space<vmem>>
      tpu.wait_dma2 semaphore(%arg18 : memref<!tpu.dma_semaphore, #tpu.memory_space<semaphore_mem>>) src(%dma_wait3A_901 : memref<8x128xf32, #tpu.memory_space<vmem>>) dst(%dma_wait3A_897 : memref<8x128xf32, #tpu.memory_space<hbm>>)
      %add3A_902 = arith.addi %squeeze3A_850, %add3A_856 : i32
      %dma_wait3A_903 = arith.constant 0 : i32
      %dma_wait3A_904 = arith.constant 7 : i32
      %dma_wait3A_905 = arith.constant 0 : i32
      %dma_wait3A_906 = arith.constant 0 : i32
      %dma_wait3A_907 = tpu.memref_slice %arg15[%dma_wait3A_903, %dma_wait3A_905, %dma_wait3A_906] : memref<4x8x128xf32, #tpu.memory_space<vmem>> -> memref<1x8x128xf32, #tpu.memory_space<vmem>>
      %dma_wait3A_908 = tpu.memref_squeeze %dma_wait3A_907 : memref<1x8x128xf32, #tpu.memory_space<vmem>> -> memref<8x128xf32, #tpu.memory_space<vmem>>
      %dma_wait3A_909 = arith.constant 0 : i32
      %dma_wait3A_910 = arith.constant 0 : i32
      %dma_wait3A_911 = tpu.memref_slice %arg7[%dma_wait3A_904, %add3A_902, %dma_wait3A_909, %dma_wait3A_910] : memref<8x4096x8x128xf32, #tpu.memory_space<hbm>> -> memref<1x1x8x128xf32, #tpu.memory_space<hbm>>
      %dma_wait3A_912 = tpu.memref_squeeze %dma_wait3A_911 : memref<1x1x8x128xf32, #tpu.memory_space<hbm>> -> memref<8x128xf32, #tpu.memory_space<hbm>>
      %dma_wait3A_913 = arith.constant 0 : i32
      %dma_wait3A_914 = arith.constant 0 : i32
      %dma_wait3A_915 = tpu.memref_slice %arg7[%dma_wait3A_904, %add3A_902, %dma_wait3A_913, %dma_wait3A_914] : memref<8x4096x8x128xf32, #tpu.memory_space<hbm>> -> memref<1x1x8x128xf32, #tpu.memory_space<hbm>>
      %dma_wait3A_916 = tpu.memref_squeeze %dma_wait3A_915 : memref<1x1x8x128xf32, #tpu.memory_space<hbm>> -> memref<8x128xf32, #tpu.memory_space<hbm>>
      %dma_wait3A_917 = arith.constant 0 : i32
      %dma_wait3A_918 = arith.constant 0 : i32
      %dma_wait3A_919 = tpu.memref_slice %arg15[%dma_wait3A_903, %dma_wait3A_917, %dma_wait3A_918] : memref<4x8x128xf32, #tpu.memory_space<vmem>> -> memref<1x8x128xf32, #tpu.memory_space<vmem>>
      %dma_wait3A_920 = tpu.memref_squeeze %dma_wait3A_919 : memref<1x8x128xf32, #tpu.memory_space<vmem>> -> memref<8x128xf32, #tpu.memory_space<vmem>>
      tpu.wait_dma2 semaphore(%arg18 : memref<!tpu.dma_semaphore, #tpu.memory_space<semaphore_mem>>) src(%dma_wait3A_920 : memref<8x128xf32, #tpu.memory_space<vmem>>) dst(%dma_wait3A_916 : memref<8x128xf32, #tpu.memory_space<hbm>>)
    } else {
    }
    %add3A_862 = arith.constant 2 : i32
    %add3A_863 = arith.addi %rem3A_17, %add3A_862 : i32
    %lt3A_864 = arith.cmpi slt, %add3A_863, %squeeze3A_852 : i32
    %and3A_865 = arith.andi %eq3A_854, %lt3A_864 : i1
    %convert_element_type3A_866 = arith.extui %and3A_865 : i1 to i32
    %cond3A_867 = arith.constant 0 : i32
    %cond3A_868 = arith.cmpi ne, %convert_element_type3A_866, %cond3A_867 : i32
    scf.if %cond3A_868 {
      %add3A_883 = arith.addi %squeeze3A_850, %add3A_863 : i32
      %dma_wait3A_884 = arith.constant 1 : i32
      %dma_wait3A_885 = arith.constant 7 : i32
      %dma_wait3A_886 = arith.constant 0 : i32
      %dma_wait3A_887 = arith.constant 0 : i32
      %dma_wait3A_888 = tpu.memref_slice %arg14[%dma_wait3A_884, %dma_wait3A_886, %dma_wait3A_887] : memref<4x8x128xf32, #tpu.memory_space<vmem>> -> memref<1x8x128xf32, #tpu.memory_space<vmem>>
      %dma_wait3A_889 = tpu.memref_squeeze %dma_wait3A_888 : memref<1x8x128xf32, #tpu.memory_space<vmem>> -> memref<8x128xf32, #tpu.memory_space<vmem>>
      %dma_wait3A_890 = arith.constant 0 : i32
      %dma_wait3A_891 = arith.constant 0 : i32
      %dma_wait3A_892 = tpu.memref_slice %arg6[%dma_wait3A_885, %add3A_883, %dma_wait3A_890, %dma_wait3A_891] : memref<8x4096x8x128xf32, #tpu.memory_space<hbm>> -> memref<1x1x8x128xf32, #tpu.memory_space<hbm>>
      %dma_wait3A_893 = tpu.memref_squeeze %dma_wait3A_892 : memref<1x1x8x128xf32, #tpu.memory_space<hbm>> -> memref<8x128xf32, #tpu.memory_space<hbm>>
      %dma_wait3A_894 = arith.constant 0 : i32
      %dma_wait3A_895 = arith.constant 0 : i32
      %dma_wait3A_896 = tpu.memref_slice %arg6[%dma_wait3A_885, %add3A_883, %dma_wait3A_894, %dma_wait3A_895] : memref<8x4096x8x128xf32, #tpu.memory_space<hbm>> -> memref<1x1x8x128xf32, #tpu.memory_space<hbm>>
      %dma_wait3A_897 = tpu.memref_squeeze %dma_wait3A_896 : memref<1x1x8x128xf32, #tpu.memory_space<hbm>> -> memref<8x128xf32, #tpu.memory_space<hbm>>
      %dma_wait3A_898 = arith.constant 0 : i32
      %dma_wait3A_899 = arith.constant 0 : i32
      %dma_wait3A_900 = tpu.memref_slice %arg14[%dma_wait3A_884, %dma_wait3A_898, %dma_wait3A_899] : memref<4x8x128xf32, #tpu.memory_space<vmem>> -> memref<1x8x128xf32, #tpu.memory_space<vmem>>
      %dma_wait3A_901 = tpu.memref_squeeze %dma_wait3A_900 : memref<1x8x128xf32, #tpu.memory_space<vmem>> -> memref<8x128xf32, #tpu.memory_space<vmem>>
      tpu.wait_dma2 semaphore(%arg18 : memref<!tpu.dma_semaphore, #tpu.memory_space<semaphore_mem>>) src(%dma_wait3A_901 : memref<8x128xf32, #tpu.memory_space<vmem>>) dst(%dma_wait3A_897 : memref<8x128xf32, #tpu.memory_space<hbm>>)
      %add3A_902 = arith.addi %squeeze3A_850, %add3A_863 : i32
      %dma_wait3A_903 = arith.constant 1 : i32
      %dma_wait3A_904 = arith.constant 7 : i32
      %dma_wait3A_905 = arith.constant 0 : i32
      %dma_wait3A_906 = arith.constant 0 : i32
      %dma_wait3A_907 = tpu.memref_slice %arg15[%dma_wait3A_903, %dma_wait3A_905, %dma_wait3A_906] : memref<4x8x128xf32, #tpu.memory_space<vmem>> -> memref<1x8x128xf32, #tpu.memory_space<vmem>>
      %dma_wait3A_908 = tpu.memref_squeeze %dma_wait3A_907 : memref<1x8x128xf32, #tpu.memory_space<vmem>> -> memref<8x128xf32, #tpu.memory_space<vmem>>
      %dma_wait3A_909 = arith.constant 0 : i32
      %dma_wait3A_910 = arith.constant 0 : i32
      %dma_wait3A_911 = tpu.memref_slice %arg7[%dma_wait3A_904, %add3A_902, %dma_wait3A_909, %dma_wait3A_910] : memref<8x4096x8x128xf32, #tpu.memory_space<hbm>> -> memref<1x1x8x128xf32, #tpu.memory_space<hbm>>
      %dma_wait3A_912 = tpu.memref_squeeze %dma_wait3A_911 : memref<1x1x8x128xf32, #tpu.memory_space<hbm>> -> memref<8x128xf32, #tpu.memory_space<hbm>>
      %dma_wait3A_913 = arith.constant 0 : i32
      %dma_wait3A_914 = arith.constant 0 : i32
      %dma_wait3A_915 = tpu.memref_slice %arg7[%dma_wait3A_904, %add3A_902, %dma_wait3A_913, %dma_wait3A_914] : memref<8x4096x8x128xf32, #tpu.memory_space<hbm>> -> memref<1x1x8x128xf32, #tpu.memory_space<hbm>>
      %dma_wait3A_916 = tpu.memref_squeeze %dma_wait3A_915 : memref<1x1x8x128xf32, #tpu.memory_space<hbm>> -> memref<8x128xf32, #tpu.memory_space<hbm>>
      %dma_wait3A_917 = arith.constant 0 : i32
      %dma_wait3A_918 = arith.constant 0 : i32
      %dma_wait3A_919 = tpu.memref_slice %arg15[%dma_wait3A_903, %dma_wait3A_917, %dma_wait3A_918] : memref<4x8x128xf32, #tpu.memory_space<vmem>> -> memref<1x8x128xf32, #tpu.memory_space<vmem>>
      %dma_wait3A_920 = tpu.memref_squeeze %dma_wait3A_919 : memref<1x8x128xf32, #tpu.memory_space<vmem>> -> memref<8x128xf32, #tpu.memory_space<vmem>>
      tpu.wait_dma2 semaphore(%arg18 : memref<!tpu.dma_semaphore, #tpu.memory_space<semaphore_mem>>) src(%dma_wait3A_920 : memref<8x128xf32, #tpu.memory_space<vmem>>) dst(%dma_wait3A_916 : memref<8x128xf32, #tpu.memory_space<hbm>>)
    } else {
    }
    %add3A_869 = arith.constant 4 : i32
    %add3A_870 = arith.addi %rem3A_17, %add3A_869 : i32
    %lt3A_871 = arith.cmpi slt, %add3A_870, %squeeze3A_852 : i32
    %and3A_872 = arith.andi %eq3A_854, %lt3A_871 : i1
    %convert_element_type3A_873 = arith.extui %and3A_872 : i1 to i32
    %cond3A_874 = arith.constant 0 : i32
    %cond3A_875 = arith.cmpi ne, %convert_element_type3A_873, %cond3A_874 : i32
    scf.if %cond3A_875 {
      %add3A_883 = arith.addi %squeeze3A_850, %add3A_870 : i32
      %dma_wait3A_884 = arith.constant 2 : i32
      %dma_wait3A_885 = arith.constant 7 : i32
      %dma_wait3A_886 = arith.constant 0 : i32
      %dma_wait3A_887 = arith.constant 0 : i32
      %dma_wait3A_888 = tpu.memref_slice %arg14[%dma_wait3A_884, %dma_wait3A_886, %dma_wait3A_887] : memref<4x8x128xf32, #tpu.memory_space<vmem>> -> memref<1x8x128xf32, #tpu.memory_space<vmem>>
      %dma_wait3A_889 = tpu.memref_squeeze %dma_wait3A_888 : memref<1x8x128xf32, #tpu.memory_space<vmem>> -> memref<8x128xf32, #tpu.memory_space<vmem>>
      %dma_wait3A_890 = arith.constant 0 : i32
      %dma_wait3A_891 = arith.constant 0 : i32
      %dma_wait3A_892 = tpu.memref_slice %arg6[%dma_wait3A_885, %add3A_883, %dma_wait3A_890, %dma_wait3A_891] : memref<8x4096x8x128xf32, #tpu.memory_space<hbm>> -> memref<1x1x8x128xf32, #tpu.memory_space<hbm>>
      %dma_wait3A_893 = tpu.memref_squeeze %dma_wait3A_892 : memref<1x1x8x128xf32, #tpu.memory_space<hbm>> -> memref<8x128xf32, #tpu.memory_space<hbm>>
      %dma_wait3A_894 = arith.constant 0 : i32
      %dma_wait3A_895 = arith.constant 0 : i32
      %dma_wait3A_896 = tpu.memref_slice %arg6[%dma_wait3A_885, %add3A_883, %dma_wait3A_894, %dma_wait3A_895] : memref<8x4096x8x128xf32, #tpu.memory_space<hbm>> -> memref<1x1x8x128xf32, #tpu.memory_space<hbm>>
      %dma_wait3A_897 = tpu.memref_squeeze %dma_wait3A_896 : memref<1x1x8x128xf32, #tpu.memory_space<hbm>> -> memref<8x128xf32, #tpu.memory_space<hbm>>
      %dma_wait3A_898 = arith.constant 0 : i32
      %dma_wait3A_899 = arith.constant 0 : i32
      %dma_wait3A_900 = tpu.memref_slice %arg14[%dma_wait3A_884, %dma_wait3A_898, %dma_wait3A_899] : memref<4x8x128xf32, #tpu.memory_space<vmem>> -> memref<1x8x128xf32, #tpu.memory_space<vmem>>
      %dma_wait3A_901 = tpu.memref_squeeze %dma_wait3A_900 : memref<1x8x128xf32, #tpu.memory_space<vmem>> -> memref<8x128xf32, #tpu.memory_space<vmem>>
      tpu.wait_dma2 semaphore(%arg18 : memref<!tpu.dma_semaphore, #tpu.memory_space<semaphore_mem>>) src(%dma_wait3A_901 : memref<8x128xf32, #tpu.memory_space<vmem>>) dst(%dma_wait3A_897 : memref<8x128xf32, #tpu.memory_space<hbm>>)
      %add3A_902 = arith.addi %squeeze3A_850, %add3A_870 : i32
      %dma_wait3A_903 = arith.constant 2 : i32
      %dma_wait3A_904 = arith.constant 7 : i32
      %dma_wait3A_905 = arith.constant 0 : i32
      %dma_wait3A_906 = arith.constant 0 : i32
      %dma_wait3A_907 = tpu.memref_slice %arg15[%dma_wait3A_903, %dma_wait3A_905, %dma_wait3A_906] : memref<4x8x128xf32, #tpu.memory_space<vmem>> -> memref<1x8x128xf32, #tpu.memory_space<vmem>>
      %dma_wait3A_908 = tpu.memref_squeeze %dma_wait3A_907 : memref<1x8x128xf32, #tpu.memory_space<vmem>> -> memref<8x128xf32, #tpu.memory_space<vmem>>
      %dma_wait3A_909 = arith.constant 0 : i32
      %dma_wait3A_910 = arith.constant 0 : i32
      %dma_wait3A_911 = tpu.memref_slice %arg7[%dma_wait3A_904, %add3A_902, %dma_wait3A_909, %dma_wait3A_910] : memref<8x4096x8x128xf32, #tpu.memory_space<hbm>> -> memref<1x1x8x128xf32, #tpu.memory_space<hbm>>
      %dma_wait3A_912 = tpu.memref_squeeze %dma_wait3A_911 : memref<1x1x8x128xf32, #tpu.memory_space<hbm>> -> memref<8x128xf32, #tpu.memory_space<hbm>>
      %dma_wait3A_913 = arith.constant 0 : i32
      %dma_wait3A_914 = arith.constant 0 : i32
      %dma_wait3A_915 = tpu.memref_slice %arg7[%dma_wait3A_904, %add3A_902, %dma_wait3A_913, %dma_wait3A_914] : memref<8x4096x8x128xf32, #tpu.memory_space<hbm>> -> memref<1x1x8x128xf32, #tpu.memory_space<hbm>>
      %dma_wait3A_916 = tpu.memref_squeeze %dma_wait3A_915 : memref<1x1x8x128xf32, #tpu.memory_space<hbm>> -> memref<8x128xf32, #tpu.memory_space<hbm>>
      %dma_wait3A_917 = arith.constant 0 : i32
      %dma_wait3A_918 = arith.constant 0 : i32
      %dma_wait3A_919 = tpu.memref_slice %arg15[%dma_wait3A_903, %dma_wait3A_917, %dma_wait3A_918] : memref<4x8x128xf32, #tpu.memory_space<vmem>> -> memref<1x8x128xf32, #tpu.memory_space<vmem>>
      %dma_wait3A_920 = tpu.memref_squeeze %dma_wait3A_919 : memref<1x8x128xf32, #tpu.memory_space<vmem>> -> memref<8x128xf32, #tpu.memory_space<vmem>>
      tpu.wait_dma2 semaphore(%arg18 : memref<!tpu.dma_semaphore, #tpu.memory_space<semaphore_mem>>) src(%dma_wait3A_920 : memref<8x128xf32, #tpu.memory_space<vmem>>) dst(%dma_wait3A_916 : memref<8x128xf32, #tpu.memory_space<hbm>>)
    } else {
    }
    %add3A_876 = arith.constant 6 : i32
    %add3A_877 = arith.addi %rem3A_17, %add3A_876 : i32
    %lt3A_878 = arith.cmpi slt, %add3A_877, %squeeze3A_852 : i32
    %and3A_879 = arith.andi %eq3A_854, %lt3A_878 : i1
    %convert_element_type3A_880 = arith.extui %and3A_879 : i1 to i32
    %cond3A_881 = arith.constant 0 : i32
    %cond3A_882 = arith.cmpi ne, %convert_element_type3A_880, %cond3A_881 : i32
    scf.if %cond3A_882 {
      %add3A_883 = arith.addi %squeeze3A_850, %add3A_877 : i32
      %dma_wait3A_884 = arith.constant 3 : i32
      %dma_wait3A_885 = arith.constant 7 : i32
      %dma_wait3A_886 = arith.constant 0 : i32
      %dma_wait3A_887 = arith.constant 0 : i32
      %dma_wait3A_888 = tpu.memref_slice %arg14[%dma_wait3A_884, %dma_wait3A_886, %dma_wait3A_887] : memref<4x8x128xf32, #tpu.memory_space<vmem>> -> memref<1x8x128xf32, #tpu.memory_space<vmem>>
      %dma_wait3A_889 = tpu.memref_squeeze %dma_wait3A_888 : memref<1x8x128xf32, #tpu.memory_space<vmem>> -> memref<8x128xf32, #tpu.memory_space<vmem>>
      %dma_wait3A_890 = arith.constant 0 : i32
      %dma_wait3A_891 = arith.constant 0 : i32
      %dma_wait3A_892 = tpu.memref_slice %arg6[%dma_wait3A_885, %add3A_883, %dma_wait3A_890, %dma_wait3A_891] : memref<8x4096x8x128xf32, #tpu.memory_space<hbm>> -> memref<1x1x8x128xf32, #tpu.memory_space<hbm>>
      %dma_wait3A_893 = tpu.memref_squeeze %dma_wait3A_892 : memref<1x1x8x128xf32, #tpu.memory_space<hbm>> -> memref<8x128xf32, #tpu.memory_space<hbm>>
      %dma_wait3A_894 = arith.constant 0 : i32
      %dma_wait3A_895 = arith.constant 0 : i32
      %dma_wait3A_896 = tpu.memref_slice %arg6[%dma_wait3A_885, %add3A_883, %dma_wait3A_894, %dma_wait3A_895] : memref<8x4096x8x128xf32, #tpu.memory_space<hbm>> -> memref<1x1x8x128xf32, #tpu.memory_space<hbm>>
      %dma_wait3A_897 = tpu.memref_squeeze %dma_wait3A_896 : memref<1x1x8x128xf32, #tpu.memory_space<hbm>> -> memref<8x128xf32, #tpu.memory_space<hbm>>
      %dma_wait3A_898 = arith.constant 0 : i32
      %dma_wait3A_899 = arith.constant 0 : i32
      %dma_wait3A_900 = tpu.memref_slice %arg14[%dma_wait3A_884, %dma_wait3A_898, %dma_wait3A_899] : memref<4x8x128xf32, #tpu.memory_space<vmem>> -> memref<1x8x128xf32, #tpu.memory_space<vmem>>
      %dma_wait3A_901 = tpu.memref_squeeze %dma_wait3A_900 : memref<1x8x128xf32, #tpu.memory_space<vmem>> -> memref<8x128xf32, #tpu.memory_space<vmem>>
      tpu.wait_dma2 semaphore(%arg18 : memref<!tpu.dma_semaphore, #tpu.memory_space<semaphore_mem>>) src(%dma_wait3A_901 : memref<8x128xf32, #tpu.memory_space<vmem>>) dst(%dma_wait3A_897 : memref<8x128xf32, #tpu.memory_space<hbm>>)
      %add3A_902 = arith.addi %squeeze3A_850, %add3A_877 : i32
      %dma_wait3A_903 = arith.constant 3 : i32
      %dma_wait3A_904 = arith.constant 7 : i32
      %dma_wait3A_905 = arith.constant 0 : i32
      %dma_wait3A_906 = arith.constant 0 : i32
      %dma_wait3A_907 = tpu.memref_slice %arg15[%dma_wait3A_903, %dma_wait3A_905, %dma_wait3A_906] : memref<4x8x128xf32, #tpu.memory_space<vmem>> -> memref<1x8x128xf32, #tpu.memory_space<vmem>>
      %dma_wait3A_908 = tpu.memref_squeeze %dma_wait3A_907 : memref<1x8x128xf32, #tpu.memory_space<vmem>> -> memref<8x128xf32, #tpu.memory_space<vmem>>
      %dma_wait3A_909 = arith.constant 0 : i32
      %dma_wait3A_910 = arith.constant 0 : i32
      %dma_wait3A_911 = tpu.memref_slice %arg7[%dma_wait3A_904, %add3A_902, %dma_wait3A_909, %dma_wait3A_910] : memref<8x4096x8x128xf32, #tpu.memory_space<hbm>> -> memref<1x1x8x128xf32, #tpu.memory_space<hbm>>
      %dma_wait3A_912 = tpu.memref_squeeze %dma_wait3A_911 : memref<1x1x8x128xf32, #tpu.memory_space<hbm>> -> memref<8x128xf32, #tpu.memory_space<hbm>>
      %dma_wait3A_913 = arith.constant 0 : i32
      %dma_wait3A_914 = arith.constant 0 : i32
      %dma_wait3A_915 = tpu.memref_slice %arg7[%dma_wait3A_904, %add3A_902, %dma_wait3A_913, %dma_wait3A_914] : memref<8x4096x8x128xf32, #tpu.memory_space<hbm>> -> memref<1x1x8x128xf32, #tpu.memory_space<hbm>>
      %dma_wait3A_916 = tpu.memref_squeeze %dma_wait3A_915 : memref<1x1x8x128xf32, #tpu.memory_space<hbm>> -> memref<8x128xf32, #tpu.memory_space<hbm>>
      %dma_wait3A_917 = arith.constant 0 : i32
      %dma_wait3A_918 = arith.constant 0 : i32
      %dma_wait3A_919 = tpu.memref_slice %arg15[%dma_wait3A_903, %dma_wait3A_917, %dma_wait3A_918] : memref<4x8x128xf32, #tpu.memory_space<vmem>> -> memref<1x8x128xf32, #tpu.memory_space<vmem>>
      %dma_wait3A_920 = tpu.memref_squeeze %dma_wait3A_919 : memref<1x8x128xf32, #tpu.memory_space<vmem>> -> memref<8x128xf32, #tpu.memory_space<vmem>>
      tpu.wait_dma2 semaphore(%arg18 : memref<!tpu.dma_semaphore, #tpu.memory_space<semaphore_mem>>) src(%dma_wait3A_920 : memref<8x128xf32, #tpu.memory_space<vmem>>) dst(%dma_wait3A_916 : memref<8x128xf32, #tpu.memory_space<hbm>>)
    } else {
    }
    return
  }
}

</mosaic_0001>

<sc_bundles>
// kernel: kernel.3.cloned.1.call-start
scs
__scs_entry_jumppad:
0x0: {  	(pc) =	sbr.rel $0x88, $3  }
0x1: {  	(tag) =	ssettag $0x0;
	lr =	simm.s32 $0x1  }
0x2: {  	[smem:$0x3F9B] =	sst lr;
	_ =	strace $0xD0000000  }
0x3: {  	_ = 	snop  }
0x4: {  	_ = 	snop  }
0x5: {  	_ = 	snop  }
0x6: {  	_ = 	snop  }
0x7: {  	_ = 	snop  }
__scs_overlays_trampoline_lowered:
0x8: {  	[smem:$0x3FAA] =	sst s0  }
0x9: {  	[smem:$0x3FAB] =	sst s1  }
0xa: {  	[smem:$0x3FAC] =	sst s2  }
0xb: {  	[smem:$0x3FAD] =	sst s3  }
0xc: {  	[smem:$0x3FAE] =	sst s4  }
0xd: {  	[smem:$0x3FAF] =	sst s5  }
0xe: {  	[smem:$0x3FB0] =	sst s6  }
0xf: {  	[smem:$0x3FB1] =	sst s7  }
0x10: {  	[smem:$0x3FB2] =	sst s8  }
0x11: {  	[smem:$0x3FB3] =	sst s9;
	s0 =	simm.s32 @!p0 $0x0  }
0x12: {  	s1 =	sld [smem:$0x3F99];
	s0 =	simm.s32 @p0 $0x1  }
0x13: {  	[smem:$0x3FB4] =	sst s0;
	s0 =	simm.s32 @!p1 $0x0  }
0x14: {  	s2 =	sld [smem:$0x3F98];
	s0 =	simm.s32 @p1 $0x1  }
0x15: {  	[smem:$0x3FB5] =	sst s0;
	s0 =	simm.s32 @!p2 $0x0  }
0x16: {  	s3 =	sld [smem:$0x3FDB];
	s0 =	simm.s32 @p2 $0x1  }
0x17: {  	s4 =	simm.s32 $0x1BF5;
	[smem:$0x3FB7] =	sst s0  }
0x18: {  	s0 =	sld [smem:$0x3F9A];
	_ =	swait.ge [sflag:s4], $0x0  }
0x19: {  	s7 =	sld [smem:$0x3F9B]  }
0x1a: {  	s8 =	sadd.s32 $0xFFFFE003, lr  }
0x1b: {  	s9 =	sadd.s32 $0xFFFFFEF7, lr;
	s5 =	simm.s32 $0xFFFFFFFF;
	p2 =	slt.u32 s8, $0xFFFFF086  }
0x1c: {  	p1 =	slt.u32 s9, $0xF7A;
	s5 =	simm.s32 @!p2 $0x0  }
0x1d: {  	s5 =	simm.s32 @p1 $0x1;
	p0 =	seq.s32 s7, s2  }
0x1e: {  	s7 =	smul.u32 @!p0 $0xF7A, s2;
	p2 =	seq.s32 @!p0 s5, $0x0  }
0x1f: {  	s9 =	smul.u32 $0xF7A, s1;
	s8 =	simm.s32 @!p0 $0x1BF5;
	p2 =	por !p2, p0  }
0x20: {  	[sflag:s8] =	ssyncset.s32 @!p0 $0xFFFFF086;
	s6 =	sadd.s32 @!p0 s3, s7;
	s7 =	simm.s32 @!p0 $0x108  }
0x21: {  	s3 =	sadd.s32 s3, s9;
	s6 =	sadd.s32 @!p0 $0x88, s6;
	s7 =	simm.s32 @p2 $0x1082  }
0x22: {  	[simem:s7], [sflag:s8] =	dma.local @!p0 [hbm:s6], $0xF7A  }
0x23: {  	s9 =	sor.u32 $0xD0000000, s2;
	s6 =	simm.s32 $0x108;
	_ =	swait.ge @!p0 [sflag:s8], $0x0  }
0x24: {  	s3 =	sadd.s32 $0x88, s3;
	s6 =	simm.s32 @!p1 $0x1082;
	[sflag:s4] =	ssyncset.s32 $0xFFFFF086  }
0x25: {  	[simem:s6], [sflag:s4] =	dma.local [hbm:s3], $0xF7A  }
0x26: {  	[smem:$0x3F9B] =	sst s1;
	(tag) =	ssettag s2;
	_ =	strace s9  }
0x27: {  	s1 =	sld [smem:$0x3FAB]  }
0x28: {  	s2 =	sld [smem:$0x3FAC]  }
0x29: {  	s4 =	sld [smem:$0x3FAE]  }
0x2a: {  	p0 =	seq.s32 s5, $0x0;
	s5 =	sld [smem:$0x3FAF]  }
0x2b: {  	s6 =	sld [smem:$0x3FB0]  }
0x2c: {  	s7 =	sld [smem:$0x3FB1]  }
0x2d: {  	s3 =	simm.s32 $0x108;
	s8 =	sld [smem:$0x3FB2]  }
0x2e: {  	s3 =	simm.s32 @!p0 $0x1082;
	s9 =	sld [smem:$0x3FB3]  }
0x2f: {  	lr =	sadd.s32 s0, s3;
	s0 =	sld [smem:$0x3FAA]  }
0x30: {  	s3 =	sld [smem:$0x3FAD]  }
0x31: {  	[smem:$0x3FB6] =	sst s10  }
0x32: {  	s10 =	sld [smem:$0x3FB4];
	_ =	sdelay $0x3  }
0x33: {  	p0 =	seq.s32 s10, $0x1;
	s10 =	sld [smem:$0x3FB6];
	_ =	sdelay $0x3  }
0x34: {  	[smem:$0x3FB6] =	sst s10  }
0x35: {  	s10 =	sld [smem:$0x3FB5];
	_ =	sdelay $0x3  }
0x36: {  	p1 =	seq.s32 s10, $0x1;
	s10 =	sld [smem:$0x3FB6];
	_ =	sdelay $0x3  }
0x37: {  	[smem:$0x3FB6] =	sst s10  }
0x38: {  	s10 =	sld [smem:$0x3FB7]  }
0x39: {  	_ = 	snop;
	(pc) =	sbr.ind lr, $3  }
0x3a: {  	_ = 	snop  }
0x3b: {  	_ = 	snop  }
0x3c: {  	p2 =	seq.s32 s10, $0x1;
	s10 =	sld [smem:$0x3FB6]  }
0x3d: {  	_ =	shalt  }
0x3e: {  	_ =	shalt  }
0x3f: {  	_ =	shalt  }
0x40: {  	_ =	shalt  }
0x41: {  	_ =	shalt  }
0x42: {  	_ =	shalt  }
0x43: {  	_ =	shalt  }
0x44: {  	_ =	shalt  }
0x45: {  	_ =	shalt  }
0x46: {  	_ =	shalt  }
0x47: {  	_ =	shalt  }
0x48: {  	_ =	shalt  }
0x49: {  	_ =	shalt  }
0x4a: {  	_ =	shalt  }
0x4b: {  	_ =	shalt  }
0x4c: {  	_ =	shalt  }
0x4d: {  	_ =	shalt  }
0x4e: {  	_ =	shalt  }
0x4f: {  	_ =	shalt  }
0x50: {  	_ =	shalt  }
0x51: {  	_ =	shalt  }
0x52: {  	_ =	shalt  }
0x53: {  	_ =	shalt  }
0x54: {  	_ =	shalt  }
0x55: {  	_ =	shalt  }
0x56: {  	_ =	shalt  }
0x57: {  	_ =	shalt  }
0x58: {  	_ =	shalt  }
0x59: {  	_ =	shalt  }
0x5a: {  	_ =	shalt  }
0x5b: {  	_ =	shalt  }
0x5c: {  	_ =	shalt  }
0x5d: {  	_ =	shalt  }
0x5e: {  	_ =	shalt  }
0x5f: {  	_ =	shalt  }
0x60: {  	_ =	shalt  }
0x61: {  	_ =	shalt  }
0x62: {  	_ =	shalt  }
0x63: {  	_ =	shalt  }
0x64: {  	_ =	shalt  }
0x65: {  	_ =	shalt  }
0x66: {  	_ =	shalt  }
0x67: {  	_ =	shalt  }
0x68: {  	_ =	shalt  }
0x69: {  	_ =	shalt  }
0x6a: {  	_ =	shalt  }
0x6b: {  	_ =	shalt  }
0x6c: {  	_ =	shalt  }
0x6d: {  	_ =	shalt  }
0x6e: {  	_ =	shalt  }
0x6f: {  	_ =	shalt  }
0x70: {  	_ =	shalt  }
0x71: {  	_ =	shalt  }
0x72: {  	_ =	shalt  }
0x73: {  	_ =	shalt  }
0x74: {  	_ =	shalt  }
0x75: {  	_ =	shalt  }
0x76: {  	_ =	shalt  }
0x77: {  	_ =	shalt  }
0x78: {  	_ =	shalt  }
0x79: {  	_ =	shalt  }
0x7a: {  	_ =	shalt  }
0x7b: {  	_ =	shalt  }
0x7c: {  	_ =	shalt  }
0x7d: {  	_ =	shalt  }
0x7e: {  	_ =	shalt  }
0x7f: {  	_ =	shalt  }
0x80: {  	_ =	shalt  }
0x81: {  	_ =	shalt  }
0x82: {  	_ =	shalt  }
0x83: {  	_ =	shalt  }
0x84: {  	_ =	shalt  }
0x85: {  	_ =	shalt  }
0x86: {  	_ =	shalt  }
0x87: {  	_ =	shalt  }
.Lfunc_end0:
.L_simem_size_0:
called_computation_lowered:
.L_overlay_start_0:
0x88: {  	s0 =	sld [smem:$0x3FD9]  }
0x89: {  	s1 =	sld [smem:$0x3FFE];
	_ =	sdelay $0x3  }
0x8a: {  	s0 =	sadd.s32 s1, s0  }
0x8b: {  	[smem:$0x3FC2] =	sst s0  }
0x8c: {  	_ = 	snop  }
0x8d: {  	s0 =	sld [smem:$0x3FC7]  }
0x8e: {  	s14 =	sld [smem:$0x3FD0]  }
0x8f: {  	s2 =	sld [smem:$0x3FC6]  }
0x90: {  	s3 =	sld [smem:$0x3FC5]  }
0x91: {  	s5 =	simm.s32 $0xA;
	s6 =	simm.s32 $0x10;
	s4 =	sld [smem:$0x3FC4]  }
0x92: {  	[smem:s6], [sflag:s5] =	dma.local [hbm:s14], $0x1  }
0x93: {  	_ =	swait.eq [sflag:s5], $0x1  }
0x94: {  	s15 =	sld [smem:$0x10];
	[sflag:s5] =	ssyncset.done $0x0  }
0x95: {  	s16 =	sld [smem:$0x11];
	[sflag:s5] =	ssyncadd.s32 $0xFFFFFFFF  }
0x96: {  	s17 =	sld [smem:$0x12];
	(tm) =	ssettm $0x1  }
0x97: {  	s7 =	sld [smem:$0x3FFB];
	_ =	sdelay $0x3  }
0x98: {  	_ =	strace s7  }
0x99: {  	s7 =	sld [smem:$0x3FFC];
	_ =	sdelay $0x3  }
0x9a: {  	_ =	strace s7  }
0x9b: {  	s7 =	sld [smem:$0x3FFD];
	_ =	sdelay $0x3  }
0x9c: {  	_ =	strace s7  }
0x9d: {  	_ =	strace $0x8FFFFFFF  }
0x9e: {  	s18 =	sld [smem:$0x3FDB];
	_ =	sdelay $0x1  }
0x9f: {  	s8 =	simm.s32 $_scs_section_size  }
0xa0: {  	s9 =	simm.s32 $_size__tile_overlayer_lowered;
	s10 =	simm.s32 $_tile_overlayer_lowered  }
0xa1: {  	s21 =	simm.s32 $0x1BFF;
	s20 =	sshll.u32 s10, $0x1;
	s7 =	sadd.s32 s8, s18  }
0xa2: {  	s11 =	simm.s32 $0x0;
	s19 =	sshll.u32 s9, $0x1;
	s9 =	sadd.s32 s20, s7  }
0xa3: {  	[timem:s11], [sflag:s21] =	dma.local [hbm:s9], s19  }
0xa4: {  	_ =	swait.ge [sflag:s21], s19  }
0xa5: {  	s8 =	ssub.s32 $0x0, s19;
	[sflag:s21] =	ssyncset.done $0x0  }
0xa6: {  	[sflag:s21] =	ssyncadd.s32 s8;
	_ =	sdelay $0x1  }
0xa7: {  	s22 =	simm.s32 $0x1B8B  }
0xa8: {  	_ =	swait.ge [sflag:s22], $0x1  }
0xa9: {  	[sflag:s22] =	ssyncset.done $0x0  }
0xaa: {  	s23 =	simm.s32 $0x1B8E;
	[sflag:s22] =	ssyncadd.s32 $0xFFFFFFFF  }
0xab: {  	s24 =	simm.s32 $execute0_lowered;
	[smem:$0x3FD2] =	sst s23  }
0xac: {  	s8 =	sshll.u32 s24, $0x1;
	_ =	strace $0x80000046;
	[dreg:$0x1] =	wrdreg $0xFFFFFFFF  }
0xad: {  	s25 =	simm.s32 $_size_execute0_lowered;
	s7 =	sadd.s32 s7, s8;
	[dreg:$0x0] =	wrdreg $0x0  }
0xae: {  	s8 =	sshll.u32 s25, $0x1;
	[dreg:$0x2] =	wrdreg s7  }
0xaf: {  	[dreg:$0x3] =	wrdreg s8  }
0xb0: {  	[dreg:$0x4] =	wrdreg $0xC0  }
0xb1: {  	_ =	task [dreg:s11], $0x5FFFF  }
0xb2: {  	[dreg:$0x1] =	wrdreg $0xFFFFFFFF  }
0xb3: {  	[dreg:$0x0] =	wrdreg $0x60  }
0xb4: {  	[dreg:$0x2] =	wrdreg s0  }
0xb5: {  	[dreg:$0x3] =	wrdreg s4  }
0xb6: {  	[dreg:$0x4] =	wrdreg s2  }
0xb7: {  	[dreg:$0x5] =	wrdreg s3  }
0xb8: {  	[dreg:$0x6] =	wrdreg s15  }
0xb9: {  	[dreg:$0x7] =	wrdreg s16  }
0xba: {  	[dreg:$0x8] =	wrdreg s17  }
0xbb: {  	[dreg:$0x9] =	wrdreg $0x9  }
0xbc: {  	_ =	task.clear_ibuf [dreg:s11], $0xAFFFF;
	_ =	strace $0x90000046  }
0xbd: {  	s26 =	simm.s32 $0x9;
	_ =	strace $0x80000048  }
0xbe: {  	_ =	swait.ge [sflag:s26], $0x1  }
0xbf: {  	[sflag:s26] =	ssyncadd.s32 $0xFFFFFFFF  }
0xc0: {  	_ =	strace $0x90000048  }
0xc1: {  	_ =	sfence  }
0xc2: {  	s28 =	sld [smem:$0x0];
	_ =	sdelay $0x1  }
0xc3: {  	s29 =	srdreg.scid  }
0xc4: {  	s30 =	sshll.u32 s29, $0xD;
	s31 =	sshrl.u32 s29, $0x2  }
0xc5: {  	s1 =	sand.u32 $0x1, s29;
	s2 =	sand.u32 $0x4000, s30;
	s0 =	sadd.s32 s31, s28  }
0xc6: {  	s1 =	sor.u32 s2, s1;
	s0 =	sshll.u32 s0, $0x11  }
0xc7: {  	s0 =	sor.u32 s0, s1  }
0xc8: {  	s0 =	sadd.s32 $0x8F2B, s0  }
0xc9: {  	[sflag:s0] =	ssyncadd.remote.s32 $0x1  }
0xca: {  	_ =	sfence.sel $0xFFFF  }
0xcb: {  	[dreg:$0x0] =	wrdreg $0xFFFFFFFF;
	(pc) =	sbr.abs _section_cstart, $3  }
0xcc: {  	[dreg:$0x1] =	wrdreg $0xFFFFFFFF  }
0xcd: {  	_ =	task.clear_ibuf [dreg:s11], $0x2FFFF;
	_ =	strace $0x9FFFFFFF  }
0xce: {  	(tm) =	ssettm $0x7FFFFFFF  }
0xcf: {  	_ =	shalt  }
tec
execute0_lowered:
.L_overlay_start_1:
0x0: {  	(tag) =	ssettag $0x1  }
0x1: {  	s5 =	rddreg [dreg:$0x0]  }
0x2: {  	s6 =	rddreg [dreg:$0x1]  }
0x3: {  	s11 =	rddreg [dreg:$0x2]  }
0x4: {  	s12 =	rddreg [dreg:$0x3]  }
0x5: {  	s4 =	rddreg [dreg:$0x4]  }
0x6: {  	s3 =	rddreg [dreg:$0x5]  }
0x7: {  	s1 =	rddreg [dreg:$0x6]  }
0x8: {  	s2 =	stileid.u32;
	s0 =	rddreg [dreg:$0x7];
	s10 =	simm.s32 $0x0  }
0x9: {  	s29 =	simm.s32 $0x80;
	s17 =	simm.s32 $0x180;
	s18 =	simm.s32 $0x1180  }
0xa: {  	s19 =	simm.s32 $0x580;
	s9 =	sshrl.u32 s2, $0x1;
	s8 =	sand.u32 $0x1, s2  }
0xb: {  	[smem:$0x7FF] =	sst s10;
	s13 =	sshll.u32 s9, $0xD;
	s7 =	sshll.u32 s8, $0xA  }
0xc: {  	_ =	strace $0x80000047;
	s14 =	sor.u32 s7, s13;
	s7 =	sor.u32 $0x2, s8  }
0xd: {  	[tilespmem:s10], [sflag:$0x1] =	stream.linear.gather [hbm4b:s5+s10], $0x8, $0x38;
	[tilespmem:$0x2180] =	vst v63  }
0xe: {  	s22 =	simm.s32 $0x1580;
	s14 =	sshrl.u32 s14, $0x3;
	s15 =	sshll.u32 s7, $0xA  }
0xf: {  	[tilespmem:s29], [sflag:$0x1] =	stream.linear.gather [hbm4b:s6+s10], $0x8, $0x38;
	[tilespmem:$0x2180] =	vst v63  }
0x10: {  	s16 =	sadd.s32 s11, s14;
	s15 =	sor.u32 s13, s15;
	s6 =	sor.u32 $0x4, s8  }
0x11: {  	[tilespmem:s17], [sflag:$0x2] =	stream.linear.gather [hbm4b:s16+s10], $0x400, $0x38;
	[tilespmem:$0x2180] =	vst v63  }
0x12: {  	s26 =	sadd.s32 s12, s14;
	s28 =	sshrl.u32 s15, $0x3;
	s31 =	sshll.u32 s6, $0xA  }
0x13: {  	[tilespmem:s18], [sflag:$0x2] =	stream.linear.gather [hbm4b:s26+s10], $0x400, $0x38;
	[tilespmem:$0x2180] =	vst v63  }
0x14: {  	s5 =	sor.u32 $0x6, s8;
	s30 =	sadd.s32 s11, s28;
	s16 =	sor.u32 s13, s31  }
0x15: {  	[tilespmem:s19], [sflag:$0x2] =	stream.linear.gather [hbm4b:s30+s10], $0x400, $0x38;
	[tilespmem:$0x2180] =	vst v63  }
0x16: {  	s21 =	sshll.u32 s5, $0xA;
	s14 =	sadd.s32 s12, s28;
	s20 =	sshrl.u32 s16, $0x3  }
0x17: {  	[tilespmem:s22], [sflag:$0x2] =	stream.linear.gather [hbm4b:s14+s10], $0x400, $0x38;
	[tilespmem:$0x2180] =	vst v63  }
0x18: {  	s24 =	simm.s32 $0x980;
	s13 =	sor.u32 s13, s21;
	s23 =	sadd.s32 s11, s20  }
0x19: {  	[tilespmem:s24], [sflag:$0x2] =	stream.linear.gather [hbm4b:s23+s10], $0x400, $0x38;
	[tilespmem:$0x2180] =	vst v63  }
0x1a: {  	s13 =	sshrl.u32 s13, $0x3;
	s25 =	sadd.s32 s12, s20;
	s26 =	simm.s32 $0x1980  }
0x1b: {  	[tilespmem:s26], [sflag:$0x2] =	stream.linear.gather [hbm4b:s25+s10], $0x400, $0x38;
	[tilespmem:$0x2180] =	vst v63  }
0x1c: {  	s28 =	sadd.s32 s11, s13;
	s11 =	simm.s32 $0xD80  }
0x1d: {  	[tilespmem:s11], [sflag:$0x2] =	stream.linear.gather [hbm4b:s28+s10], $0x400, $0x38;
	[tilespmem:$0x2180] =	vst v63  }
0x1e: {  	s29 =	simm.s32 $0x1;
	s13 =	sadd.s32 s12, s13;
	s12 =	simm.s32 $0x1D80  }
0x1f: {  	[tilespmem:s12], [sflag:$0x2] =	stream.linear.gather [hbm4b:s13+s10], $0x400, $0x38;
	[tilespmem:$0x2180] =	vst v63  }
0x20: {  	_ =	swait.ge [sflag:s29], $0x8  }
0x21: {  	[sflag:s29] =	ssyncset.done $0x0  }
0x22: {  	[sflag:s29] =	ssyncadd.s32 $0xFFFFFFF8  }
0x23: {  	_ =	swait.ge [sflag:s29], $0x8  }
0x24: {  	[sflag:s29] =	ssyncset.done $0x0  }
0x25: {  	[sflag:s29] =	ssyncadd.s32 $0xFFFFFFF8  }
0x26: {  	s30 =	simm.s32 $0x2;
	v0 =	vld [tilespmem:$0x0]  }
0x27: {  	v1 =	vld [tilespmem:$0x80];
	_ =	swait.ge [sflag:s30], $0x400  }
0x28: {  	[sflag:s30] =	ssyncset.done $0x0  }
0x29: {  	[sflag:s30] =	ssyncadd.s32 $0xFFFFFC00  }
0x2a: {  	_ =	swait.ge [sflag:s30], $0x400  }
0x2b: {  	[sflag:s30] =	ssyncset.done $0x0  }
0x2c: {  	[sflag:s30] =	ssyncadd.s32 $0xFFFFFC00  }
0x2d: {  	_ =	swait.ge [sflag:s30], $0x400  }
0x2e: {  	[sflag:s30] =	ssyncset.done $0x0  }
0x2f: {  	[sflag:s30] =	ssyncadd.s32 $0xFFFFFC00  }
0x30: {  	_ =	swait.ge [sflag:s30], $0x400  }
0x31: {  	[sflag:s30] =	ssyncset.done $0x0  }
0x32: {  	[sflag:s30] =	ssyncadd.s32 $0xFFFFFC00  }
0x33: {  	_ =	swait.ge [sflag:s30], $0x400  }
0x34: {  	[sflag:s30] =	ssyncset.done $0x0  }
0x35: {  	[sflag:s30] =	ssyncadd.s32 $0xFFFFFC00  }
0x36: {  	_ =	swait.ge [sflag:s30], $0x400  }
0x37: {  	[sflag:s30] =	ssyncset.done $0x0  }
0x38: {  	[sflag:s30] =	ssyncadd.s32 $0xFFFFFC00  }
0x39: {  	_ =	swait.ge [sflag:s30], $0x400  }
0x3a: {  	[sflag:s30] =	ssyncset.done $0x0  }
0x3b: {  	[sflag:s30] =	ssyncadd.s32 $0xFFFFFC00  }
0x3c: {  	_ =	swait.ge [sflag:s30], $0x400  }
0x3d: {  	(v2sf) =	vpush v0, $0x0  }
0x3e: {  	(v2sf) =	vpush v1, $0x0;
	_ =	sdelay $0xd  }
0x3f: {  	s13 =	spop (v2sf)  }
0x40: {  	s31 =	spop (v2sf)  }
0x41: {  	p0 =	seq.s32 s9, $0x0;
	p1 =	slt.s32 s8, s31  }
0x42: {  	p1 =	por !p0, !p1  }
0x43: {  	p6 =	por !p1, !p1  }
0x44: {  	s16 =	sadd.s32 @p6 s2, s13  }
0x45: {  	[sflag:s30] =	ssyncset.done $0x0;
	p2 =	slt.s32 s7, s31;
	s16 =	sshll.u32 @p6 s16, $0x7  }
0x46: {  	[sflag:s30] =	ssyncadd.s32 $0xFFFFFC00;
	p1 =	por !p0, !p2;
	s14 =	sand.u32 @p6 $0x1FFFFF80, s16  }
0x47: {  	s17 =	simm.s32 @p6 $0x0;
	s18 =	simm.s32 @p6 $0x180;
	s16 =	sadd.s32 @p6 s4, s14  }
0x48: {  	[hbm4b:s16+s17] =	stream.linear.scatter @p6 [tilespmem:s18], [sflag:$0x3], $0x400, $0x38;
	[tilespmem:$0x2180] =	vst v63  }
0x49: {  	p5 =	por !p1, !p1;
	s14 =	sadd.s32 @p6 s3, s14;
	s16 =	simm.s32 @p6 $0x1180  }
0x4a: {  	[hbm4b:s14+s17] =	stream.linear.scatter @p6 [tilespmem:s16], [sflag:$0x3], $0x400, $0x38;
	[tilespmem:$0x2180] =	vst v63  }
0x4b: {  	s14 =	sadd.s32 @p5 s7, s13  }
0x4c: {  	p3 =	slt.s32 s6, s31;
	s14 =	sshll.u32 @p5 s14, $0x7  }
0x4d: {  	p1 =	por !p0, !p3;
	s14 =	sand.u32 @p5 $0x1FFFFF80, s14  }
0x4e: {  	s18 =	simm.s32 @p5 $0x580;
	s17 =	simm.s32 @p5 $0x0;
	s16 =	sadd.s32 @p5 s4, s14  }
0x4f: {  	[hbm4b:s16+s17] =	stream.linear.scatter @p5 [tilespmem:s18], [sflag:$0x3], $0x400, $0x38;
	[tilespmem:$0x2180] =	vst v63  }
0x50: {  	p1 =	por !p1, !p1;
	s14 =	sadd.s32 @p5 s3, s14;
	s16 =	simm.s32 @p5 $0x1580  }
0x51: {  	[hbm4b:s14+s17] =	stream.linear.scatter @p5 [tilespmem:s16], [sflag:$0x3], $0x400, $0x38;
	[tilespmem:$0x2180] =	vst v63  }
0x52: {  	s14 =	sadd.s32 @p1 s6, s13  }
0x53: {  	p4 =	slt.s32 s5, s31;
	s14 =	sshll.u32 @p1 s14, $0x7  }
0x54: {  	p0 =	por !p0, !p4;
	s14 =	sand.u32 @p1 $0x1FFFFF80, s14  }
0x55: {  	s18 =	simm.s32 @p1 $0x980;
	s17 =	simm.s32 @p1 $0x0;
	s16 =	sadd.s32 @p1 s4, s14  }
0x56: {  	[hbm4b:s16+s17] =	stream.linear.scatter @p1 [tilespmem:s18], [sflag:$0x3], $0x400, $0x38;
	[tilespmem:$0x2180] =	vst v63  }
0x57: {  	s14 =	sadd.s32 @p1 s3, s14;
	s16 =	simm.s32 @p1 $0x1980;
	s18 =	simm.s32 @!p1 $0x0  }
0x58: {  	[hbm4b:s14+s17] =	stream.linear.scatter @p1 [tilespmem:s16], [sflag:$0x3], $0x400, $0x38;
	[tilespmem:$0x2180] =	vst v63  }
0x59: {  	s18 =	simm.s32 @p1 $0x1;
	p1 =	por !p0, !p0;
	p0 =	seq.s32 s9, $0x5  }
0x5a: {  	s14 =	simm.s32 @!p0 $0x0  }
0x5b: {  	p2 =	seq.s32 s9, $0x7;
	s14 =	simm.s32 @p0 $0x1  }
0x5c: {  	[smem:$0x7FA] =	sst s14;
	s14 =	simm.s32 @!p2 $0x0  }
0x5d: {  	s14 =	simm.s32 @p2 $0x1  }
.Ltmp0:
0x5e: {  	[smem:$0x7FB] =	sst s14;
	s14 =	simm.s32 @!p1 $0x0;
	(pc) =	sbr.rel @!p1 .LBB2_2-.Ltmp0, $4  }
0x5f: {  	s14 =	simm.s32 @p1 $0x1  }
0x60: {  	[smem:$0x7FC] =	sst s14;
	s14 =	simm.s32 @!p5 $0x0  }
0x61: {  	[smem:$0x7F9] =	sst s18;
	s14 =	simm.s32 @p5 $0x1  }
0x62: {  	p3 =	seq.s32 s9, $0x3;
	[smem:$0x7FD] =	sst s14  }
0x63: {  	s13 =	sadd.s32 s5, s13  }
0x64: {  	s13 =	sshll.u32 s13, $0x7  }
0x65: {  	s13 =	sand.u32 $0x1FFFFF80, s13  }
0x66: {  	s14 =	sadd.s32 s4, s13  }
0x67: {  	[hbm4b:s14+s10] =	stream.linear.scatter [tilespmem:s11], [sflag:$0x3], $0x400, $0x38;
	[tilespmem:$0x2180] =	vst v63  }
0x68: {  	p1 =	por $0x0, $0x0;
	s13 =	sadd.s32 s3, s13  }
0x69: {  	[hbm4b:s13+s10] =	stream.linear.scatter [tilespmem:s12], [sflag:$0x3], $0x400, $0x38;
	[tilespmem:$0x2180] =	vst v63  }
0x6a: {  	(v2sf) =	vpush v0, $0x3;
	s12 =	simm.s32 @!p1 $0x0  }
0x6b: {  	(v2sf) =	vpush v1, $0x3;
	s12 =	simm.s32 @p1 $0x1;
	p1 =	por $0x0, $0x0  }
0x6c: {  	[smem:$0x7F1] =	sst s12;
	s12 =	simm.s32 @!p1 $0x0  }
0x6d: {  	s12 =	simm.s32 @p1 $0x1;
	p1 =	por $0x0, $0x0  }
0x6e: {  	[smem:$0x7F2] =	sst s12;
	s12 =	simm.s32 @!p1 $0x0  }
0x6f: {  	s12 =	simm.s32 @p1 $0x1;
	p1 =	por $0x0, $0x0  }
0x70: {  	[smem:$0x7F3] =	sst s12;
	s12 =	simm.s32 @!p1 $0x0  }
0x71: {  	s12 =	simm.s32 @p1 $0x1;
	p1 =	por $0x0, $0x0  }
0x72: {  	[smem:$0x7F4] =	sst s12;
	s12 =	simm.s32 @!p1 $0x0  }
0x73: {  	s12 =	simm.s32 @p1 $0x1;
	p1 =	por $0x0, $0x0  }
0x74: {  	[smem:$0x7F5] =	sst s12;
	s12 =	simm.s32 @!p1 $0x0  }
0x75: {  	s12 =	simm.s32 @p1 $0x1;
	p1 =	por $0x0, $0x0  }
.Ltmp1:
0x76: {  	[smem:$0x7F6] =	sst s12;
	s12 =	simm.s32 @!p1 $0x0;
	(pc) =	sbr.rel .LBB2_5-.Ltmp1, $4  }
0x77: {  	s12 =	simm.s32 @p1 $0x1;
	p1 =	por $0x0, $0x0  }
0x78: {  	[smem:$0x7F7] =	sst s12;
	s12 =	simm.s32 @!p1 $0x0  }
0x79: {  	s11 =	spop (v2sf);
	s12 =	simm.s32 @p1 $0x1  }
0x7a: {  	s10 =	spop (v2sf);
	[smem:$0x7F8] =	sst s12  }
.LBB2_2:
0x7b: {  	(v2sf) =	vpush v0, $0x1  }
0x7c: {  	(v2sf) =	vpush v1, $0x1;
	_ =	sdelay $0xb  }
0x7d: {  	s10 =	simm.s32 @!p3 $0x0  }
0x7e: {  	s10 =	simm.s32 @p3 $0x1  }
0x7f: {  	[smem:$0x7F0] =	sst s10;
	s10 =	spop (v2sf)  }
0x80: {  	s11 =	spop (v2sf)  }
0x81: {  	p2 =	seq.s32 s9, $0x1;
	p1 =	slt.s32 s8, s11  }
0x82: {  	p1 =	por !p2, !p1  }
0x83: {  	p3 =	por !p1, !p1  }
0x84: {  	s12 =	sadd.s32 @p3 s8, s10  }
0x85: {  	s12 =	sshll.u32 @p3 s12, $0xA  }
0x86: {  	s12 =	sadd.s32 @p3 $0x400000, s12  }
0x87: {  	s12 =	sshrl.u32 @p3 s12, $0x3  }
0x88: {  	s14 =	simm.s32 @p3 $0x0;
	s15 =	simm.s32 @p3 $0x180;
	s13 =	sadd.s32 @p3 s4, s12  }
0x89: {  	[hbm4b:s13+s14] =	stream.linear.scatter @p3 [tilespmem:s15], [sflag:$0x3], $0x400, $0x38;
	[tilespmem:$0x2180] =	vst v63  }
0x8a: {  	s12 =	sadd.s32 @p3 s3, s12;
	s13 =	simm.s32 @p3 $0x1180  }
0x8b: {  	[hbm4b:s12+s14] =	stream.linear.scatter @p3 [tilespmem:s13], [sflag:$0x3], $0x400, $0x38;
	[tilespmem:$0x2180] =	vst v63  }
0x8c: {  	p1 =	por @p3 $0x1, $0x1;
	s12 =	simm.s32 @!p3 $0x0  }
0x8d: {  	p1 =	por @!p3 p2, p2;
	s12 =	simm.s32 @p3 $0x1;
	p3 =	slt.s32 s7, s11  }
0x8e: {  	p2 =	por !p1, !p3  }
0x8f: {  	p2 =	por !p2, !p2  }
0x90: {  	[smem:$0x7F4] =	sst s12;
	s12 =	sadd.s32 @p2 s7, s10  }
0x91: {  	s12 =	sshll.u32 @p2 s12, $0xA  }
0x92: {  	s12 =	sadd.s32 @p2 $0x400000, s12  }
0x93: {  	p4 =	slt.s32 s6, s11;
	s12 =	sshrl.u32 @p2 s12, $0x3  }
0x94: {  	s14 =	simm.s32 @p2 $0x0;
	s15 =	simm.s32 @p2 $0x580;
	s13 =	sadd.s32 @p2 s4, s12  }
0x95: {  	(v2sf) =	vpush v0, $0x2;
	[hbm4b:s13+s14] =	stream.linear.scatter @p2 [tilespmem:s15], [sflag:$0x3], $0x400, $0x38;
	[tilespmem:$0x2180] =	vst v63  }
0x96: {  	s12 =	sadd.s32 @p2 s3, s12;
	s13 =	simm.s32 @p2 $0x1580;
	s15 =	simm.s32 @!p2 $0x0  }
0x97: {  	(v2sf) =	vpush v1, $0x2;
	[hbm4b:s12+s14] =	stream.linear.scatter @p2 [tilespmem:s13], [sflag:$0x3], $0x400, $0x38;
	[tilespmem:$0x2180] =	vst v63  }
0x98: {  	s15 =	simm.s32 @p2 $0x1;
	p2 =	por !p1, !p4  }
0x99: {  	p5 =	slt.s32 s5, s11;
	p2 =	por !p2, !p2  }
0x9a: {  	p1 =	por !p1, !p5;
	s12 =	sadd.s32 @p2 s6, s10  }
0x9b: {  	p1 =	por !p1, !p1;
	s12 =	sshll.u32 @p2 s12, $0xA  }
0x9c: {  	[smem:$0x7F3] =	sst s15;
	s10 =	sadd.s32 @p1 s5, s10;
	s12 =	sadd.s32 @p2 $0x400000, s12  }
0x9d: {  	s14 =	simm.s32 @p2 $0x0;
	s10 =	sshll.u32 @p1 s10, $0xA;
	s12 =	sshrl.u32 @p2 s12, $0x3  }
0x9e: {  	s15 =	simm.s32 @p2 $0x980;
	s10 =	sadd.s32 @p1 $0x400000, s10;
	s13 =	sadd.s32 @p2 s4, s12  }
0x9f: {  	[hbm4b:s13+s14] =	stream.linear.scatter @p2 [tilespmem:s15], [sflag:$0x3], $0x400, $0x38;
	[tilespmem:$0x2180] =	vst v63  }
0xa0: {  	s11 =	sshrl.u32 @p1 s10, $0x3;
	s12 =	sadd.s32 @p2 s3, s12;
	s13 =	simm.s32 @p2 $0x1980  }
0xa1: {  	[hbm4b:s12+s14] =	stream.linear.scatter @p2 [tilespmem:s13], [sflag:$0x3], $0x400, $0x38;
	[tilespmem:$0x2180] =	vst v63  }
0xa2: {  	s10 =	sadd.s32 @p1 s4, s11;
	s12 =	simm.s32 @p1 $0x0;
	s13 =	simm.s32 @p1 $0xD80  }
0xa3: {  	[hbm4b:s10+s12] =	stream.linear.scatter @p1 [tilespmem:s13], [sflag:$0x3], $0x400, $0x38;
	[tilespmem:$0x2180] =	vst v63  }
0xa4: {  	s11 =	sadd.s32 @p1 s3, s11;
	s10 =	spop (v2sf);
	s13 =	simm.s32 @p1 $0x1D80  }
0xa5: {  	[hbm4b:s11+s12] =	stream.linear.scatter @p1 [tilespmem:s13], [sflag:$0x3], $0x400, $0x38;
	[tilespmem:$0x2180] =	vst v63  }
0xa6: {  	s11 =	spop (v2sf)  }
0xa7: {  	p0 =	seq.s32 s9, $0x2;
	s15 =	simm.s32 @!p2 $0x0;
	p3 =	slt.s32 s8, s11  }
0xa8: {  	s15 =	simm.s32 @p2 $0x1;
	p2 =	por !p0, !p3  }
0xa9: {  	p2 =	por !p2, !p2  }
0xaa: {  	s12 =	sadd.s32 @p2 s8, s10  }
0xab: {  	s14 =	simm.s32 @!p1 $0x0;
	s12 =	sshll.u32 @p2 s12, $0xA  }
0xac: {  	[smem:$0x7F5] =	sst s15;
	s14 =	simm.s32 @p1 $0x1;
	s12 =	sadd.s32 @p2 $0x800000, s12  }
0xad: {  	[smem:$0x7F2] =	sst s14;
	p4 =	slt.s32 s7, s11;
	s12 =	sshrl.u32 @p2 s12, $0x3  }
0xae: {  	s14 =	simm.s32 @p2 $0x0;
	s15 =	simm.s32 @p2 $0x180;
	s13 =	sadd.s32 @p2 s4, s12  }
0xaf: {  	[hbm4b:s13+s14] =	stream.linear.scatter @p2 [tilespmem:s15], [sflag:$0x3], $0x400, $0x38;
	[tilespmem:$0x2180] =	vst v63  }
0xb0: {  	s12 =	sadd.s32 @p2 s3, s12;
	s13 =	simm.s32 @p2 $0x1180;
	s15 =	simm.s32 @!p2 $0x0  }
0xb1: {  	[hbm4b:s12+s14] =	stream.linear.scatter @p2 [tilespmem:s13], [sflag:$0x3], $0x400, $0x38;
	[tilespmem:$0x2180] =	vst v63  }
0xb2: {  	s15 =	simm.s32 @p2 $0x1;
	p2 =	por !p0, !p4  }
0xb3: {  	p3 =	por !p2, !p2  }
0xb4: {  	s12 =	sadd.s32 @p3 s7, s10  }
0xb5: {  	s12 =	sshll.u32 @p3 s12, $0xA  }
0xb6: {  	p5 =	slt.s32 s6, s11;
	s12 =	sadd.s32 @p3 $0x800000, s12  }
0xb7: {  	p1 =	por !p0, !p5;
	[smem:$0x7F6] =	sst s15;
	s12 =	sshrl.u32 @p3 s12, $0x3  }
0xb8: {  	s14 =	simm.s32 @p3 $0x0;
	s15 =	simm.s32 @p3 $0x580;
	s13 =	sadd.s32 @p3 s4, s12  }
0xb9: {  	[hbm4b:s13+s14] =	stream.linear.scatter @p3 [tilespmem:s15], [sflag:$0x3], $0x400, $0x38;
	[tilespmem:$0x2180] =	vst v63  }
0xba: {  	p1 =	por !p1, !p1;
	s12 =	sadd.s32 @p3 s3, s12;
	s13 =	simm.s32 @p3 $0x1580  }
0xbb: {  	[hbm4b:s12+s14] =	stream.linear.scatter @p3 [tilespmem:s13], [sflag:$0x3], $0x400, $0x38;
	[tilespmem:$0x2180] =	vst v63  }
0xbc: {  	s12 =	sadd.s32 @p1 s6, s10  }
0xbd: {  	s15 =	simm.s32 @!p3 $0x0;
	s12 =	sshll.u32 @p1 s12, $0xA  }
0xbe: {  	s15 =	simm.s32 @p3 $0x1;
	s12 =	sadd.s32 @p1 $0x800000, s12  }
0xbf: {  	[smem:$0x7F1] =	sst s15;
	s12 =	sshrl.u32 @p1 s12, $0x3  }
0xc0: {  	s14 =	simm.s32 @p1 $0x0;
	s15 =	simm.s32 @p1 $0x980;
	s13 =	sadd.s32 @p1 s4, s12  }
0xc1: {  	[hbm4b:s13+s14] =	stream.linear.scatter @p1 [tilespmem:s15], [sflag:$0x3], $0x400, $0x38;
	[tilespmem:$0x2180] =	vst v63  }
0xc2: {  	s12 =	sadd.s32 @p1 s3, s12;
	s13 =	simm.s32 @p1 $0x1980;
	s15 =	simm.s32 @!p1 $0x0  }
0xc3: {  	[hbm4b:s12+s14] =	stream.linear.scatter @p1 [tilespmem:s13], [sflag:$0x3], $0x400, $0x38;
	[tilespmem:$0x2180] =	vst v63  }
0xc4: {  	s15 =	simm.s32 @p1 $0x1;
	p1 =	sne.s32 s9, $0x2  }
0xc5: {  	p2 =	sge.s32 @!p1 s5, s11  }
0xc6: {  	p1 =	por p1, p2  }
.Ltmp2:
0xc7: {  	_ = 	snop;
	(pc) =	sbr.rel @p1 .LBB2_4-.Ltmp2, $2  }
0xc8: {  	_ =	sdelay $0x2  }
0xc9: {  	[smem:$0x7F7] =	sst s15  }
0xca: {  	s10 =	sadd.s32 s5, s10  }
0xcb: {  	s10 =	sshll.u32 s10, $0xA  }
0xcc: {  	s10 =	sadd.s32 $0x800000, s10  }
0xcd: {  	s11 =	sshrl.u32 s10, $0x3  }
0xce: {  	s12 =	simm.s32 $0x0;
	s13 =	simm.s32 $0xD80;
	s10 =	sadd.s32 s4, s11  }
0xcf: {  	[hbm4b:s10+s12] =	stream.linear.scatter [tilespmem:s13], [sflag:$0x3], $0x400, $0x38;
	[tilespmem:$0x2180] =	vst v63  }
0xd0: {  	s31 =	simm.s32 $0x1D80;
	p0 =	por $0x1, $0x1;
	s11 =	sadd.s32 s3, s11  }
0xd1: {  	[hbm4b:s11+s12] =	stream.linear.scatter [tilespmem:s31], [sflag:$0x3], $0x400, $0x38;
	[tilespmem:$0x2180] =	vst v63  }
0xd2: {  	s12 =	simm.s32 @!p0 $0x0  }
0xd3: {  	s12 =	simm.s32 @p0 $0x1;
	p0 =	por $0x0, $0x0  }
0xd4: {  	(v2sf) =	vpush v0, $0x5;
	[smem:$0x7E8] =	sst s12;
	s12 =	simm.s32 @!p0 $0x0  }
0xd5: {  	(v2sf) =	vpush v1, $0x5;
	s12 =	simm.s32 @p0 $0x1;
	p0 =	por $0x0, $0x0  }
0xd6: {  	[smem:$0x7E9] =	sst s12;
	s12 =	simm.s32 @!p0 $0x0  }
0xd7: {  	s12 =	simm.s32 @p0 $0x1;
	p0 =	por $0x0, $0x0  }
0xd8: {  	[smem:$0x7EA] =	sst s12;
	s12 =	simm.s32 @!p0 $0x0  }
0xd9: {  	s12 =	simm.s32 @p0 $0x1;
	p0 =	por $0x0, $0x0  }
0xda: {  	[smem:$0x7EB] =	sst s12;
	s12 =	simm.s32 @!p0 $0x0  }
0xdb: {  	s12 =	simm.s32 @p0 $0x1;
	p0 =	por $0x0, $0x0  }
0xdc: {  	[smem:$0x7F8] =	sst s12;
	s12 =	simm.s32 @!p0 $0x0  }
0xdd: {  	s12 =	simm.s32 @p0 $0x1;
	p0 =	por $0x0, $0x0  }
0xde: {  	[smem:$0x7EC] =	sst s12;
	s12 =	simm.s32 @!p0 $0x0  }
0xdf: {  	s12 =	simm.s32 @p0 $0x1;
	p0 =	por $0x0, $0x0  }
.Ltmp3:
0xe0: {  	[smem:$0x7ED] =	sst s12;
	s12 =	simm.s32 @!p0 $0x0;
	(pc) =	sbr.rel .LBB2_8-.Ltmp3, $4  }
0xe1: {  	s12 =	simm.s32 @p0 $0x1;
	p0 =	por $0x0, $0x0  }
0xe2: {  	[smem:$0x7EE] =	sst s12;
	s12 =	simm.s32 @!p0 $0x0  }
0xe3: {  	s10 =	spop (v2sf);
	s12 =	simm.s32 @p0 $0x1  }
0xe4: {  	s11 =	spop (v2sf);
	[smem:$0x7EF] =	sst s12  }
.LBB2_4:
0xe5: {  	(v2sf) =	vpush v0, $0x3  }
0xe6: {  	(v2sf) =	vpush v1, $0x3;
	_ =	sdelay $0xd  }
0xe7: {  	s11 =	spop (v2sf)  }
0xe8: {  	p2 =	sne.s32 s9, $0x3;
	s10 =	spop (v2sf)  }
0xe9: {  	s12 =	simm.s32 @!p2 $0x0;
	p1 =	sge.s32 @!p2 s8, s10  }
0xea: {  	s12 =	simm.s32 @p2 $0x1;
	p3 =	por p1, p2  }
0xeb: {  	[smem:$0x7E7] =	sst s12;
	s12 =	sadd.s32 @!p3 s8, s11  }
0xec: {  	s12 =	sshll.u32 @!p3 s12, $0xA  }
0xed: {  	s12 =	sadd.s32 @!p3 $0xC00000, s12  }
0xee: {  	s12 =	sshrl.u32 @!p3 s12, $0x3  }
0xef: {  	s14 =	simm.s32 @!p3 $0x0;
	s15 =	simm.s32 @!p3 $0x180;
	s13 =	sadd.s32 @!p3 s4, s12  }
0xf0: {  	[hbm4b:s13+s14] =	stream.linear.scatter @!p3 [tilespmem:s15], [sflag:$0x3], $0x400, $0x38;
	[tilespmem:$0x2180] =	vst v63  }
0xf1: {  	s12 =	sadd.s32 @!p3 s3, s12;
	s13 =	simm.s32 @!p3 $0x1180  }
0xf2: {  	[hbm4b:s12+s14] =	stream.linear.scatter @!p3 [tilespmem:s13], [sflag:$0x3], $0x400, $0x38;
	[tilespmem:$0x2180] =	vst v63  }
0xf3: {  	p4 =	por @!p3 $0x1, $0x1;
	p3 =	por !p1, p2  }
0xf4: {  	s12 =	simm.s32 @!p3 $0x0  }
0xf5: {  	s29 =	sld [smem:$0x7F0];
	s12 =	simm.s32 @p3 $0x1  }
0xf6: {  	[smem:$0x7E6] =	sst s12  }
0xf7: {  	s30 =	sld [smem:$0x7E6]  }
0xf8: {  	s31 =	sld [smem:$0x7E7]  }
0xf9: {  	p0 =	por $0x0, $0x0;
	p1 =	por p4, p4  }
0xfa: {  	p1 =	por @!p3 p0, p0;
	p3 =	seq.s32 s29, $0x1;
	p2 =	seq.s32 s30, $0x1  }
0xfb: {  	p4 =	por @!p2 p3, p3;
	p2 =	seq.s32 s31, $0x1  }
0xfc: {  	p0 =	por @!p2 p1, p1  }
0xfd: {  	s12 =	simm.s32 @!p0 $0x0  }
0xfe: {  	s12 =	simm.s32 @p0 $0x1  }
0xff: {  	p3 =	por @!p2 p4, p4;
	[smem:$0x7F8] =	sst s12  }
.LBB2_5:
0x100: {  	p1 =	slt.s32 s7, s10  }
0x101: {  	p1 =	por !p3, !p1  }
0x102: {  	p0 =	por !p1, !p1  }
0x103: {  	s12 =	sadd.s32 @p0 s7, s11  }
0x104: {  	s12 =	sshll.u32 @p0 s12, $0xA  }
0x105: {  	p5 =	slt.s32 s6, s10;
	s12 =	sadd.s32 @p0 $0xC00000, s12  }
0x106: {  	p1 =	por !p3, !p5;
	s12 =	sshrl.u32 @p0 s12, $0x3  }
0x107: {  	s14 =	simm.s32 @p0 $0x0;
	s15 =	simm.s32 @p0 $0x580;
	s13 =	sadd.s32 @p0 s4, s12  }
0x108: {  	[hbm4b:s13+s14] =	stream.linear.scatter @p0 [tilespmem:s15], [sflag:$0x3], $0x400, $0x38;
	[tilespmem:$0x2180] =	vst v63  }
0x109: {  	s12 =	sadd.s32 @p0 s3, s12;
	s13 =	simm.s32 @p0 $0x1580;
	s15 =	simm.s32 @!p0 $0x0  }
0x10a: {  	[hbm4b:s12+s14] =	stream.linear.scatter @p0 [tilespmem:s13], [sflag:$0x3], $0x400, $0x38;
	[tilespmem:$0x2180] =	vst v63  }
0x10b: {  	s15 =	simm.s32 @p0 $0x1;
	p0 =	por !p1, !p1  }
0x10c: {  	s12 =	sadd.s32 @p0 s6, s11  }
0x10d: {  	s12 =	sshll.u32 @p0 s12, $0xA  }
0x10e: {  	(v2sf) =	vpush v0, $0x4;
	s12 =	sadd.s32 @p0 $0xC00000, s12  }
0x10f: {  	[smem:$0x7EB] =	sst s15;
	s12 =	sshrl.u32 @p0 s12, $0x3  }
0x110: {  	(v2sf) =	vpush v1, $0x4;
	s14 =	simm.s32 @p0 $0x0;
	s15 =	simm.s32 @p0 $0x980;
	s13 =	sadd.s32 @p0 s4, s12  }
0x111: {  	[hbm4b:s13+s14] =	stream.linear.scatter @p0 [tilespmem:s15], [sflag:$0x3], $0x400, $0x38;
	[tilespmem:$0x2180] =	vst v63  }
0x112: {  	s12 =	sadd.s32 @p0 s3, s12;
	s13 =	simm.s32 @p0 $0x1980;
	s15 =	simm.s32 @!p0 $0x0  }
0x113: {  	[hbm4b:s12+s14] =	stream.linear.scatter @p0 [tilespmem:s13], [sflag:$0x3], $0x400, $0x38;
	[tilespmem:$0x2180] =	vst v63  }
0x114: {  	s15 =	simm.s32 @p0 $0x1;
	p0 =	slt.s32 s5, s10  }
0x115: {  	p1 =	por !p3, !p0  }
0x116: {  	p0 =	por !p1, !p1  }
0x117: {  	s10 =	sadd.s32 @p0 s5, s11  }
0x118: {  	s10 =	sshll.u32 @p0 s10, $0xA  }
0x119: {  	s10 =	sadd.s32 @p0 $0xC00000, s10  }
0x11a: {  	s11 =	sshrl.u32 @p0 s10, $0x3  }
0x11b: {  	s12 =	simm.s32 @p0 $0x0;
	s13 =	simm.s32 @p0 $0xD80;
	s10 =	sadd.s32 @p0 s4, s11  }
0x11c: {  	[hbm4b:s10+s12] =	stream.linear.scatter @p0 [tilespmem:s13], [sflag:$0x3], $0x400, $0x38;
	[tilespmem:$0x2180] =	vst v63  }
0x11d: {  	s11 =	sadd.s32 @p0 s3, s11;
	s10 =	spop (v2sf);
	s13 =	simm.s32 @p0 $0x1D80  }
0x11e: {  	[hbm4b:s11+s12] =	stream.linear.scatter @p0 [tilespmem:s13], [sflag:$0x3], $0x400, $0x38;
	[tilespmem:$0x2180] =	vst v63  }
0x11f: {  	s11 =	spop (v2sf)  }
0x120: {  	p2 =	seq.s32 s9, $0x4;
	p3 =	slt.s32 s8, s11  }
0x121: {  	p1 =	por !p2, !p3  }
0x122: {  	p1 =	por !p1, !p1  }
0x123: {  	s12 =	sadd.s32 @p1 s8, s10  }
0x124: {  	s14 =	simm.s32 @!p0 $0x0;
	s12 =	sshll.u32 @p1 s12, $0xA  }
0x125: {  	[smem:$0x7EC] =	sst s15;
	s14 =	simm.s32 @p0 $0x1;
	s12 =	sadd.s32 @p1 $0x1000000, s12  }
0x126: {  	[smem:$0x7EA] =	sst s14;
	p4 =	slt.s32 s7, s11;
	s12 =	sshrl.u32 @p1 s12, $0x3  }
0x127: {  	s14 =	simm.s32 @p1 $0x0;
	s15 =	simm.s32 @p1 $0x180;
	s13 =	sadd.s32 @p1 s4, s12  }
0x128: {  	[hbm4b:s13+s14] =	stream.linear.scatter @p1 [tilespmem:s15], [sflag:$0x3], $0x400, $0x38;
	[tilespmem:$0x2180] =	vst v63  }
0x129: {  	s12 =	sadd.s32 @p1 s3, s12;
	s13 =	simm.s32 @p1 $0x1180;
	s15 =	simm.s32 @!p1 $0x0  }
0x12a: {  	[hbm4b:s12+s14] =	stream.linear.scatter @p1 [tilespmem:s13], [sflag:$0x3], $0x400, $0x38;
	[tilespmem:$0x2180] =	vst v63  }
0x12b: {  	s15 =	simm.s32 @p1 $0x1;
	p1 =	por !p2, !p4  }
0x12c: {  	p1 =	por !p1, !p1  }
0x12d: {  	s12 =	sadd.s32 @p1 s7, s10  }
0x12e: {  	s12 =	sshll.u32 @p1 s12, $0xA  }
0x12f: {  	p5 =	slt.s32 s6, s11;
	s12 =	sadd.s32 @p1 $0x1000000, s12  }
0x130: {  	p0 =	por !p2, !p5;
	[smem:$0x7ED] =	sst s15;
	s12 =	sshrl.u32 @p1 s12, $0x3  }
0x131: {  	s14 =	simm.s32 @p1 $0x0;
	s15 =	simm.s32 @p1 $0x580;
	s13 =	sadd.s32 @p1 s4, s12  }
0x132: {  	[hbm4b:s13+s14] =	stream.linear.scatter @p1 [tilespmem:s15], [sflag:$0x3], $0x400, $0x38;
	[tilespmem:$0x2180] =	vst v63  }
0x133: {  	p0 =	por !p0, !p0;
	s12 =	sadd.s32 @p1 s3, s12;
	s13 =	simm.s32 @p1 $0x1580  }
0x134: {  	[hbm4b:s12+s14] =	stream.linear.scatter @p1 [tilespmem:s13], [sflag:$0x3], $0x400, $0x38;
	[tilespmem:$0x2180] =	vst v63  }
0x135: {  	s12 =	sadd.s32 @p0 s6, s10  }
0x136: {  	s15 =	simm.s32 @!p1 $0x0;
	s12 =	sshll.u32 @p0 s12, $0xA  }
0x137: {  	s15 =	simm.s32 @p1 $0x1;
	s12 =	sadd.s32 @p0 $0x1000000, s12  }
0x138: {  	[smem:$0x7E9] =	sst s15;
	s12 =	sshrl.u32 @p0 s12, $0x3  }
0x139: {  	s14 =	simm.s32 @p0 $0x0;
	s15 =	simm.s32 @p0 $0x980;
	s13 =	sadd.s32 @p0 s4, s12  }
0x13a: {  	[hbm4b:s13+s14] =	stream.linear.scatter @p0 [tilespmem:s15], [sflag:$0x3], $0x400, $0x38;
	[tilespmem:$0x2180] =	vst v63  }
0x13b: {  	s12 =	sadd.s32 @p0 s3, s12;
	s13 =	simm.s32 @p0 $0x1980;
	s15 =	simm.s32 @!p0 $0x0  }
0x13c: {  	[hbm4b:s12+s14] =	stream.linear.scatter @p0 [tilespmem:s13], [sflag:$0x3], $0x400, $0x38;
	[tilespmem:$0x2180] =	vst v63  }
0x13d: {  	s15 =	simm.s32 @p0 $0x1;
	p0 =	sne.s32 s9, $0x4  }
0x13e: {  	p1 =	sge.s32 @!p0 s5, s11  }
0x13f: {  	p0 =	por p0, p1  }
.Ltmp4:
0x140: {  	_ = 	snop;
	(pc) =	sbr.rel @p0 .LBB2_7-.Ltmp4, $2  }
0x141: {  	_ =	sdelay $0x2  }
0x142: {  	[smem:$0x7EE] =	sst s15  }
0x143: {  	s8 =	simm.s32 @!p6 $0x0  }
0x144: {  	s28 =	sadd.s32 s5, s10;
	s8 =	simm.s32 @p6 $0x1  }
0x145: {  	[smem:$0x7E0] =	sst s8;
	s8 =	sshll.u32 s28, $0xA  }
0x146: {  	s8 =	sadd.s32 $0x1000000, s8  }
0x147: {  	s8 =	sshrl.u32 s8, $0x3  }
0x148: {  	s11 =	simm.s32 $0x0;
	s29 =	simm.s32 $0xD80;
	s9 =	sadd.s32 s4, s8  }
0x149: {  	[hbm4b:s9+s11] =	stream.linear.scatter [tilespmem:s29], [sflag:$0x3], $0x400, $0x38;
	[tilespmem:$0x2180] =	vst v63  }
0x14a: {  	(v2sf) =	vpush v0, $0x7;
	s30 =	simm.s32 $0x1D80;
	p0 =	por $0x1, $0x1;
	s8 =	sadd.s32 s3, s8  }
0x14b: {  	(v2sf) =	vpush v1, $0x7;
	[hbm4b:s8+s11] =	stream.linear.scatter [tilespmem:s30], [sflag:$0x3], $0x400, $0x38;
	[tilespmem:$0x2180] =	vst v63  }
0x14c: {  	s8 =	simm.s32 @!p0 $0x0  }
0x14d: {  	s8 =	simm.s32 @p0 $0x1;
	p0 =	por $0x0, $0x0  }
0x14e: {  	[smem:$0x7E1] =	sst s8;
	s8 =	simm.s32 @!p0 $0x0  }
0x14f: {  	s8 =	simm.s32 @p0 $0x1;
	p0 =	por $0x0, $0x0  }
0x150: {  	[smem:$0x7E2] =	sst s8;
	s8 =	simm.s32 @!p0 $0x0  }
0x151: {  	s8 =	simm.s32 @p0 $0x1;
	p0 =	por $0x0, $0x0  }
0x152: {  	[smem:$0x7E3] =	sst s8;
	s8 =	simm.s32 @!p0 $0x0  }
0x153: {  	s8 =	simm.s32 @p0 $0x1;
	p0 =	por $0x0, $0x0  }
0x154: {  	[smem:$0x7EF] =	sst s8;
	s8 =	simm.s32 @!p0 $0x0  }
0x155: {  	s31 =	sld [smem:$0x7FB];
	s8 =	simm.s32 @p0 $0x1;
	p0 =	por $0x0, $0x0  }
.Ltmp5:
0x156: {  	[smem:$0x7E8] =	sst s8;
	s8 =	simm.s32 @!p0 $0x0;
	(pc) =	sbr.rel .LBB2_11-.Ltmp5, $4  }
0x157: {  	p3 =	por $0x0, $0x0;
	p1 =	por $0x0, $0x0;
	s8 =	simm.s32 @p0 $0x1  }
0x158: {  	p4 =	por $0x0, $0x0;
	[smem:$0x7E4] =	sst s8;
	s8 =	simm.s32 @!p1 $0x0  }
0x159: {  	p6 =	seq.s32 s31, $0x1;
	s10 =	spop (v2sf);
	s8 =	simm.s32 @p1 $0x1  }
0x15a: {  	s9 =	spop (v2sf);
	p0 =	por $0x0, $0x0;
	[smem:$0x7E5] =	sst s8  }
.LBB2_7:
0x15b: {  	(v2sf) =	vpush v0, $0x5  }
0x15c: {  	(v2sf) =	vpush v1, $0x5;
	_ =	sdelay $0xd  }
0x15d: {  	s10 =	spop (v2sf)  }
0x15e: {  	p4 =	sne.s32 s9, $0x5;
	s11 =	spop (v2sf)  }
0x15f: {  	p0 =	sge.s32 @!p4 s8, s11  }
0x160: {  	s12 =	simm.s32 @!p0 $0x0  }
0x161: {  	s12 =	simm.s32 @p0 $0x1  }
0x162: {  	[smem:$0x7DC] =	sst s12;
	s12 =	simm.s32 @!p4 $0x0  }
0x163: {  	p2 =	por p0, p4;
	s12 =	simm.s32 @p4 $0x1  }
0x164: {  	[smem:$0x7DD] =	sst s12;
	s12 =	sadd.s32 @!p2 s8, s10  }
0x165: {  	s12 =	sshll.u32 @!p2 s12, $0xA  }
0x166: {  	s12 =	sadd.s32 @!p2 $0x1400000, s12  }
0x167: {  	s14 =	simm.s32 @!p2 $0x0;
	s25 =	sld [smem:$0x7DC];
	s12 =	sshrl.u32 @!p2 s12, $0x3  }
0x168: {  	s15 =	simm.s32 @!p2 $0x180;
	p3 =	por @!p2 $0x1, $0x1;
	s13 =	sadd.s32 @!p2 s4, s12  }
0x169: {  	[hbm4b:s13+s14] =	stream.linear.scatter @!p2 [tilespmem:s15], [sflag:$0x3], $0x400, $0x38;
	[tilespmem:$0x2180] =	vst v63  }
0x16a: {  	p5 =	seq.s32 s25, $0x1;
	s12 =	sadd.s32 @!p2 s3, s12;
	s13 =	simm.s32 @!p2 $0x1180  }
0x16b: {  	[hbm4b:s12+s14] =	stream.linear.scatter @!p2 [tilespmem:s13], [sflag:$0x3], $0x400, $0x38;
	[tilespmem:$0x2180] =	vst v63  }
0x16c: {  	p0 =	por $0x0, $0x0;
	p1 =	por @!p2 $0x0, $0x0;
	p2 =	por !p5, p4  }
0x16d: {  	p1 =	por @!p2 p0, p0  }
0x16e: {  	s26 =	sld [smem:$0x7FA];
	s12 =	simm.s32 @!p1 $0x0  }
0x16f: {  	s28 =	sld [smem:$0x7DD];
	p4 =	por p3, p3;
	s12 =	simm.s32 @p1 $0x1  }
0x170: {  	p4 =	por @!p2 p0, p0;
	[smem:$0x7DE] =	sst s12  }
0x171: {  	s12 =	simm.s32 @!p4 $0x0;
	s29 =	sld [smem:$0x7DE]  }
0x172: {  	s12 =	simm.s32 @p4 $0x1;
	p4 =	seq.s32 s26, $0x1  }
0x173: {  	p1 =	por $0x0, $0x0;
	[smem:$0x7DF] =	sst s12;
	p3 =	por @!p2 p4, p4  }
0x174: {  	p2 =	seq.s32 s28, $0x1;
	s30 =	sld [smem:$0x7DF];
	p4 =	seq.s32 s29, $0x1  }
0x175: {  	p1 =	por @!p2 p4, p4  }
0x176: {  	s31 =	sld [smem:$0x7FA];
	s12 =	simm.s32 @!p1 $0x0  }
0x177: {  	s12 =	simm.s32 @p1 $0x1;
	p1 =	seq.s32 s30, $0x1  }
0x178: {  	p0 =	por @!p2 p1, p1  }
0x179: {  	[smem:$0x7E8] =	sst s12;
	p1 =	seq.s32 s31, $0x1;
	s12 =	simm.s32 @!p0 $0x0  }
0x17a: {  	p1 =	por @!p2 p3, p3;
	s12 =	simm.s32 @p0 $0x1  }
0x17b: {  	[smem:$0x7EF] =	sst s12;
	s12 =	simm.s32 @!p1 $0x0  }
0x17c: {  	s12 =	simm.s32 @p1 $0x1  }
0x17d: {  	[smem:$0x7FA] =	sst s12  }
.LBB2_8:
0x17e: {  	s12 =	sld [smem:$0x7FA];
	_ =	sdelay $0x2  }
0x17f: {  	p0 =	slt.s32 s7, s11;
	p1 =	seq.s32 s12, $0x1  }
0x180: {  	p0 =	por !p1, !p0  }
0x181: {  	p0 =	por !p0, !p0  }
0x182: {  	s12 =	sadd.s32 @p0 s7, s10  }
0x183: {  	s12 =	sshll.u32 @p0 s12, $0xA  }
0x184: {  	s12 =	sadd.s32 @p0 $0x1400000, s12  }
0x185: {  	p4 =	slt.s32 s6, s11;
	s12 =	sshrl.u32 @p0 s12, $0x3  }
0x186: {  	s14 =	simm.s32 @p0 $0x0;
	s15 =	simm.s32 @p0 $0x580;
	s13 =	sadd.s32 @p0 s4, s12  }
0x187: {  	[hbm4b:s13+s14] =	stream.linear.scatter @p0 [tilespmem:s15], [sflag:$0x3], $0x400, $0x38;
	[tilespmem:$0x2180] =	vst v63  }
0x188: {  	s12 =	sadd.s32 @p0 s3, s12;
	s13 =	simm.s32 @p0 $0x1580;
	s15 =	simm.s32 @!p0 $0x0  }
0x189: {  	[hbm4b:s12+s14] =	stream.linear.scatter @p0 [tilespmem:s13], [sflag:$0x3], $0x400, $0x38;
	[tilespmem:$0x2180] =	vst v63  }
0x18a: {  	s15 =	simm.s32 @p0 $0x1;
	p0 =	por !p1, !p4  }
0x18b: {  	p0 =	por !p0, !p0  }
0x18c: {  	s12 =	sadd.s32 @p0 s6, s10  }
0x18d: {  	(v2sf) =	vpush v0, $0x6;
	s12 =	sshll.u32 @p0 s12, $0xA  }
0x18e: {  	s12 =	sadd.s32 @p0 $0x1400000, s12  }
0x18f: {  	p5 =	slt.s32 s5, s11;
	(v2sf) =	vpush v1, $0x6;
	[smem:$0x7E3] =	sst s15;
	s12 =	sshrl.u32 @p0 s12, $0x3  }
0x190: {  	s14 =	simm.s32 @p0 $0x0;
	s15 =	simm.s32 @p0 $0x980;
	s13 =	sadd.s32 @p0 s4, s12  }
0x191: {  	[hbm4b:s13+s14] =	stream.linear.scatter @p0 [tilespmem:s15], [sflag:$0x3], $0x400, $0x38;
	[tilespmem:$0x2180] =	vst v63  }
0x192: {  	s12 =	sadd.s32 @p0 s3, s12;
	s13 =	simm.s32 @p0 $0x1980;
	s15 =	simm.s32 @!p0 $0x0  }
0x193: {  	[hbm4b:s12+s14] =	stream.linear.scatter @p0 [tilespmem:s13], [sflag:$0x3], $0x400, $0x38;
	[tilespmem:$0x2180] =	vst v63  }
0x194: {  	s15 =	simm.s32 @p0 $0x1;
	p0 =	por !p1, !p5  }
0x195: {  	p0 =	por !p0, !p0  }
0x196: {  	s10 =	sadd.s32 @p0 s5, s10  }
0x197: {  	s10 =	sshll.u32 @p0 s10, $0xA  }
0x198: {  	s10 =	sadd.s32 @p0 $0x1400000, s10  }
0x199: {  	s11 =	sshrl.u32 @p0 s10, $0x3  }
0x19a: {  	s12 =	simm.s32 @p0 $0x0;
	s13 =	simm.s32 @p0 $0xD80;
	s10 =	sadd.s32 @p0 s4, s11  }
0x19b: {  	[hbm4b:s10+s12] =	stream.linear.scatter @p0 [tilespmem:s13], [sflag:$0x3], $0x400, $0x38;
	[tilespmem:$0x2180] =	vst v63  }
0x19c: {  	s11 =	sadd.s32 @p0 s3, s11;
	s10 =	spop (v2sf);
	s13 =	simm.s32 @p0 $0x1D80  }
0x19d: {  	[hbm4b:s11+s12] =	stream.linear.scatter @p0 [tilespmem:s13], [sflag:$0x3], $0x400, $0x38;
	[tilespmem:$0x2180] =	vst v63  }
0x19e: {  	s14 =	simm.s32 @!p0 $0x0;
	s11 =	spop (v2sf)  }
0x19f: {  	s14 =	simm.s32 @p0 $0x1;
	p0 =	seq.s32 s9, $0x6;
	p2 =	slt.s32 s8, s11  }
0x1a0: {  	p1 =	por !p0, !p2  }
0x1a1: {  	p4 =	por !p1, !p1  }
0x1a2: {  	s12 =	sadd.s32 @p4 s8, s10  }
0x1a3: {  	s12 =	sshll.u32 @p4 s12, $0xA  }
0x1a4: {  	[smem:$0x7E4] =	sst s15;
	p3 =	slt.s32 s7, s11;
	s12 =	sadd.s32 @p4 $0x1800000, s12  }
0x1a5: {  	[smem:$0x7E2] =	sst s14;
	p1 =	por !p0, !p3;
	s12 =	sshrl.u32 @p4 s12, $0x3  }
0x1a6: {  	s14 =	simm.s32 @p4 $0x0;
	s15 =	simm.s32 @p4 $0x180;
	s13 =	sadd.s32 @p4 s4, s12  }
0x1a7: {  	[hbm4b:s13+s14] =	stream.linear.scatter @p4 [tilespmem:s15], [sflag:$0x3], $0x400, $0x38;
	[tilespmem:$0x2180] =	vst v63  }
0x1a8: {  	p3 =	por !p1, !p1;
	s12 =	sadd.s32 @p4 s3, s12;
	s13 =	simm.s32 @p4 $0x1180  }
0x1a9: {  	[hbm4b:s12+s14] =	stream.linear.scatter @p4 [tilespmem:s13], [sflag:$0x3], $0x400, $0x38;
	[tilespmem:$0x2180] =	vst v63  }
0x1aa: {  	s12 =	sadd.s32 @p3 s7, s10  }
0x1ab: {  	s12 =	sshll.u32 @p3 s12, $0xA  }
0x1ac: {  	p5 =	slt.s32 s6, s11;
	s12 =	sadd.s32 @p3 $0x1800000, s12  }
0x1ad: {  	p0 =	por !p0, !p5;
	s12 =	sshrl.u32 @p3 s12, $0x3  }
0x1ae: {  	s15 =	simm.s32 @p3 $0x580;
	s14 =	simm.s32 @p3 $0x0;
	s13 =	sadd.s32 @p3 s4, s12  }
0x1af: {  	[hbm4b:s13+s14] =	stream.linear.scatter @p3 [tilespmem:s15], [sflag:$0x3], $0x400, $0x38;
	[tilespmem:$0x2180] =	vst v63  }
0x1b0: {  	p0 =	por !p0, !p0;
	s12 =	sadd.s32 @p3 s3, s12;
	s13 =	simm.s32 @p3 $0x1580  }
0x1b1: {  	[hbm4b:s12+s14] =	stream.linear.scatter @p3 [tilespmem:s13], [sflag:$0x3], $0x400, $0x38;
	[tilespmem:$0x2180] =	vst v63  }
0x1b2: {  	p1 =	sne.s32 s9, $0x6;
	s12 =	sadd.s32 @p0 s6, s10  }
0x1b3: {  	p2 =	slt.s32 @!p1 s5, s11;
	s12 =	sshll.u32 @p0 s12, $0xA  }
0x1b4: {  	p1 =	por p1, !p2;
	s12 =	sadd.s32 @p0 $0x1800000, s12  }
.Ltmp6:
0x1b5: {  	s12 =	sshrl.u32 @p0 s12, $0x3;
	(pc) =	sbr.rel @p1 .LBB2_10-.Ltmp6, $4  }
0x1b6: {  	s15 =	simm.s32 @p0 $0x980;
	s14 =	simm.s32 @p0 $0x0;
	s13 =	sadd.s32 @p0 s4, s12  }
0x1b7: {  	[hbm4b:s13+s14] =	stream.linear.scatter @p0 [tilespmem:s15], [sflag:$0x3], $0x400, $0x38;
	[tilespmem:$0x2180] =	vst v63  }
0x1b8: {  	s12 =	sadd.s32 @p0 s3, s12;
	s13 =	simm.s32 @p0 $0x1980  }
0x1b9: {  	[hbm4b:s12+s14] =	stream.linear.scatter @p0 [tilespmem:s13], [sflag:$0x3], $0x400, $0x38;
	[tilespmem:$0x2180] =	vst v63  }
0x1ba: {  	p5 =	por $0x1, $0x1;
	p2 =	por $0x0, $0x0  }
.Ltmp7:
0x1bb: {  	p1 =	por $0x0, $0x0;
	s7 =	simm.s32 @!p2 $0x0;
	(pc) =	sbr.rel .LBB2_14-.Ltmp7, $4  }
0x1bc: {  	s6 =	simm.s32 @!p1 $0x0;
	s7 =	simm.s32 @p2 $0x1;
	p2 =	por $0x0, $0x0  }
0x1bd: {  	s6 =	simm.s32 @p1 $0x1;
	[smem:$0x7E5] =	sst s7;
	s7 =	simm.s32 @!p2 $0x0  }
0x1be: {  	p1 =	por $0x0, $0x0;
	[smem:$0x7DB] =	sst s6;
	s7 =	simm.s32 @p2 $0x1  }
0x1bf: {  	s6 =	simm.s32 $0x1800000;
	p2 =	por $0x0, $0x0;
	[smem:$0x7E1] =	sst s7  }
.LBB2_10:
0x1c0: {  	(v2sf) =	vpush v0, $0x7  }
0x1c1: {  	(v2sf) =	vpush v1, $0x7;
	_ =	sdelay $0xb  }
0x1c2: {  	s10 =	simm.s32 @!p6 $0x0;
	p1 =	sne.s32 s9, $0x7  }
0x1c3: {  	s10 =	simm.s32 @p6 $0x1;
	s9 =	simm.s32 @!p1 $0x0  }
0x1c4: {  	[smem:$0x7E0] =	sst s10;
	s9 =	simm.s32 @p1 $0x1;
	s10 =	spop (v2sf)  }
0x1c5: {  	[smem:$0x7D9] =	sst s9;
	s9 =	spop (v2sf)  }
0x1c6: {  	p2 =	sge.s32 @!p1 s8, s9  }
0x1c7: {  	p5 =	por p2, p1  }
0x1c8: {  	s8 =	sadd.s32 @!p5 s8, s10  }
0x1c9: {  	s8 =	sshll.u32 @!p5 s8, $0xA  }
0x1ca: {  	s21 =	sld [smem:$0x7D9];
	s11 =	simm.s32 @!p2 $0x0;
	s8 =	sadd.s32 @!p5 $0x1C00000, s8  }
0x1cb: {  	s11 =	simm.s32 @p2 $0x1;
	s12 =	simm.s32 @!p5 $0x0;
	s8 =	sshrl.u32 @!p5 s8, $0x3  }
0x1cc: {  	s13 =	simm.s32 @!p5 $0x180;
	[smem:$0x7D6] =	sst s11;
	s11 =	sadd.s32 @!p5 s4, s8  }
0x1cd: {  	[hbm4b:s11+s12] =	stream.linear.scatter @!p5 [tilespmem:s13], [sflag:$0x3], $0x400, $0x38;
	[tilespmem:$0x2180] =	vst v63  }
0x1ce: {  	p1 =	por @!p5 $0x1, $0x1;
	s8 =	sadd.s32 @!p5 s3, s8;
	s11 =	simm.s32 @!p5 $0x1180  }
0x1cf: {  	[hbm4b:s8+s12] =	stream.linear.scatter @!p5 [tilespmem:s11], [sflag:$0x3], $0x400, $0x38;
	[tilespmem:$0x2180] =	vst v63  }
0x1d0: {  	s20 =	sld [smem:$0x7D6];
	s8 =	simm.s32 @!p1 $0x0  }
0x1d1: {  	s8 =	simm.s32 @p1 $0x1  }
0x1d2: {  	p6 =	seq.s32 s21, $0x1;
	[smem:$0x7DA] =	sst s8  }
0x1d3: {  	p2 =	por @!p5 $0x0, $0x0;
	p5 =	seq.s32 s20, $0x1;
	s22 =	sld [smem:$0x7DA]  }
0x1d4: {  	p1 =	por $0x0, $0x0;
	p6 =	por !p5, p6  }
0x1d5: {  	p2 =	por @!p6 p1, p1  }
0x1d6: {  	s23 =	sld [smem:$0x7FB];
	s8 =	simm.s32 @!p2 $0x0;
	p5 =	seq.s32 s22, $0x1  }
0x1d7: {  	s28 =	sld [smem:$0x7D9];
	s8 =	simm.s32 @p2 $0x1;
	p5 =	por @!p6 p1, p1  }
0x1d8: {  	[smem:$0x7D7] =	sst s8;
	s8 =	simm.s32 @!p5 $0x0  }
0x1d9: {  	s24 =	sld [smem:$0x7DA];
	p2 =	por $0x0, $0x0;
	s8 =	simm.s32 @p5 $0x1  }
0x1da: {  	[smem:$0x7D8] =	sst s8;
	s8 =	simm.s32 @!p2 $0x0  }
0x1db: {  	s25 =	sld [smem:$0x7D7];
	s8 =	simm.s32 @p2 $0x1  }
0x1dc: {  	p1 =	por p6, p6;
	[smem:$0x7E1] =	sst s8  }
0x1dd: {  	p6 =	seq.s32 s23, $0x1;
	p5 =	seq.s32 s24, $0x1;
	s26 =	sld [smem:$0x7E1]  }
0x1de: {  	s30 =	sld [smem:$0x7D9];
	p5 =	por @!p1 p6, p6  }
0x1df: {  	p1 =	seq.s32 s28, $0x1;
	s29 =	sld [smem:$0x7D8];
	s8 =	simm.s32 @!p5 $0x0  }
0x1e0: {  	p2 =	seq.s32 s25, $0x1;
	s8 =	simm.s32 @p5 $0x1;
	p5 =	seq.s32 s26, $0x1  }
0x1e1: {  	[smem:$0x7DA] =	sst s8;
	p5 =	por @!p1 p2, p2  }
0x1e2: {  	s31 =	sld [smem:$0x7DA];
	p2 =	seq.s32 s29, $0x1;
	s8 =	simm.s32 @!p5 $0x0  }
0x1e3: {  	p1 =	por $0x0, $0x0;
	s8 =	simm.s32 @p5 $0x1;
	p5 =	seq.s32 s30, $0x1  }
0x1e4: {  	p1 =	por @!p5 p2, p2  }
0x1e5: {  	[smem:$0x7E1] =	sst s8;
	s8 =	simm.s32 @!p1 $0x0  }
0x1e6: {  	s8 =	simm.s32 @p1 $0x1;
	p1 =	seq.s32 s31, $0x1  }
0x1e7: {  	[smem:$0x7E5] =	sst s8;
	p6 =	por @!p5 p1, p1  }
.LBB2_11:
0x1e8: {  	p1 =	slt.s32 s7, s9  }
0x1e9: {  	p1 =	por !p6, !p1  }
0x1ea: {  	p1 =	por !p1, !p1  }
0x1eb: {  	p2 =	slt.s32 s6, s9;
	p5 =	sge.s32 s5, s9;
	s7 =	sadd.s32 @p1 s7, s10  }
0x1ec: {  	p2 =	por !p6, !p2;
	p6 =	por !p6, !p6;
	s7 =	sshll.u32 @p1 s7, $0xA  }
0x1ed: {  	p2 =	por !p2, !p2;
	p5 =	por p6, p5;
	s7 =	sadd.s32 @p1 $0x1C00000, s7  }
0x1ee: {  	s11 =	simm.s32 @p1 $0x0;
	s6 =	sadd.s32 @p2 s6, s10;
	s7 =	sshrl.u32 @p1 s7, $0x3  }
0x1ef: {  	s12 =	simm.s32 @p1 $0x580;
	s6 =	sshll.u32 @p2 s6, $0xA;
	s8 =	sadd.s32 @p1 s4, s7  }
0x1f0: {  	[hbm4b:s8+s11] =	stream.linear.scatter @p1 [tilespmem:s12], [sflag:$0x3], $0x400, $0x38;
	[tilespmem:$0x2180] =	vst v63  }
0x1f1: {  	s6 =	sadd.s32 @p2 $0x1C00000, s6;
	s7 =	sadd.s32 @p1 s3, s7;
	s8 =	simm.s32 @p1 $0x1580  }
0x1f2: {  	[hbm4b:s7+s11] =	stream.linear.scatter @p1 [tilespmem:s8], [sflag:$0x3], $0x400, $0x38;
	[tilespmem:$0x2180] =	vst v63  }
.Ltmp8:
0x1f3: {  	s6 =	sshrl.u32 @p2 s6, $0x3;
	(pc) =	sbr.rel @p5 .LBB2_12-.Ltmp8, $4  }
0x1f4: {  	s7 =	sadd.s32 @p2 s4, s6;
	s8 =	simm.s32 @p2 $0x0;
	s11 =	simm.s32 @p2 $0x980  }
0x1f5: {  	[hbm4b:s7+s8] =	stream.linear.scatter @p2 [tilespmem:s11], [sflag:$0x3], $0x400, $0x38;
	[tilespmem:$0x2180] =	vst v63  }
0x1f6: {  	s6 =	sadd.s32 @p2 s3, s6;
	s7 =	simm.s32 @p2 $0x1980  }
0x1f7: {  	[hbm4b:s6+s8] =	stream.linear.scatter @p2 [tilespmem:s7], [sflag:$0x3], $0x400, $0x38;
	[tilespmem:$0x2180] =	vst v63  }
0x1f8: {  	p5 =	por $0x1, $0x1;
	s7 =	sld [smem:$0x7E0]  }
0x1f9: {  	s6 =	simm.s32 @!p5 $0x0  }
0x1fa: {  	s6 =	simm.s32 @p5 $0x1;
	p5 =	por $0x0, $0x0  }
0x1fb: {  	[smem:$0x7DB] =	sst s6;
	s6 =	simm.s32 $0x1C00000;
	p6 =	seq.s32 s7, $0x1  }
.LBB2_14:
0x1fc: {  	s5 =	sadd.s32 s5, s10  }
0x1fd: {  	s5 =	sshll.u32 s5, $0xA  }
0x1fe: {  	s5 =	sadd.s32 s6, s5  }
0x1ff: {  	s5 =	sshrl.u32 s5, $0x3  }
0x200: {  	s29 =	simm.s32 $0x0;
	s7 =	simm.s32 $0xD80;
	s4 =	sadd.s32 s4, s5  }
0x201: {  	[hbm4b:s4+s29] =	stream.linear.scatter [tilespmem:s7], [sflag:$0x3], $0x400, $0x38;
	[tilespmem:$0x2180] =	vst v63  }
0x202: {  	s30 =	simm.s32 $0x1D80;
	s31 =	sld [smem:$0x7DB];
	s3 =	sadd.s32 s3, s5  }
0x203: {  	[hbm4b:s3+s29] =	stream.linear.scatter [tilespmem:s30], [sflag:$0x3], $0x400, $0x38;
	[tilespmem:$0x2180] =	vst v63  }
.Ltmp9:
0x204: {  	s3 =	simm.s32 @!p5 $0x0;
	(pc) =	sbr.rel .LBB2_15-.Ltmp9, $4  }
0x205: {  	s3 =	simm.s32 @p5 $0x1;
	p5 =	seq.s32 s31, $0x1  }
0x206: {  	[smem:$0x7D4] =	sst s3;
	s3 =	simm.s32 @!p5 $0x0  }
0x207: {  	s3 =	simm.s32 @p5 $0x1  }
0x208: {  	[smem:$0x7D5] =	sst s3  }
.LBB2_12:
0x209: {  	p5 =	por $0x0, $0x0  }
0x20a: {  	s3 =	simm.s32 @!p5 $0x0  }
0x20b: {  	s31 =	sld [smem:$0x7E0];
	s3 =	simm.s32 @p5 $0x1;
	p5 =	por $0x0, $0x0  }
0x20c: {  	[smem:$0x7D4] =	sst s3;
	s3 =	simm.s32 @!p5 $0x0  }
0x20d: {  	s3 =	simm.s32 @p5 $0x1  }
0x20e: {  	p6 =	seq.s32 s31, $0x1;
	[smem:$0x7D5] =	sst s3  }
.LBB2_15:
0x20f: {  	p5 =	sne.s32 s2, $0x0  }
0x210: {  	v0 =	vadd.s32 @!p5 v0, v1  }
0x211: {  	s2 =	simm.s32 @!p5 $0x0;
	s3 =	simm.s32 @!p5 $0x100;
	[tilespmem:$0x100] =	vst @!p5 v0  }
0x212: {  	[hbm4b:s1+s2] =	stream.linear.scatter @!p5 [tilespmem:s3], [sflag:$0x4], $0x8, $0x38;
	[tilespmem:$0x2180] =	vst v63  }
0x213: {  	s1 =	simm.s32 @!p5 $0x4  }
0x214: {  	_ =	swait.ge @!p5 [sflag:s1], $0x8  }
0x215: {  	[sflag:s1] =	ssyncset.done @!p5 $0x0  }
0x216: {  	[sflag:s1] =	ssyncadd.s32 @!p5 $0xFFFFFFF8;
	s1 =	simm.s32 @p6 $0x3  }
0x217: {  	_ =	swait.ge @p6 [sflag:s1], $0x400  }
0x218: {  	[sflag:s1] =	ssyncset.done @p6 $0x0  }
0x219: {  	[sflag:s1] =	ssyncadd.s32 @p6 $0xFFFFFC00  }
0x21a: {  	_ =	swait.ge @p6 [sflag:s1], $0x400  }
0x21b: {  	s5 =	sld [smem:$0x7FD];
	_ =	sdelay $0x1  }
0x21c: {  	[sflag:s1] =	ssyncset.done @p6 $0x0  }
0x21d: {  	[sflag:s1] =	ssyncadd.s32 @p6 $0xFFFFFC00;
	p6 =	seq.s32 s5, $0x1  }
0x21e: {  	s1 =	simm.s32 @p6 $0x3  }
0x21f: {  	_ =	swait.ge @p6 [sflag:s1], $0x400  }
0x220: {  	[sflag:s1] =	ssyncset.done @p6 $0x0  }
0x221: {  	[sflag:s1] =	ssyncadd.s32 @p6 $0xFFFFFC00  }
0x222: {  	_ =	swait.ge @p6 [sflag:s1], $0x400  }
0x223: {  	s6 =	sld [smem:$0x7F9];
	_ =	sdelay $0x1  }
0x224: {  	[sflag:s1] =	ssyncset.done @p6 $0x0  }
0x225: {  	[sflag:s1] =	ssyncadd.s32 @p6 $0xFFFFFC00;
	p6 =	seq.s32 s6, $0x1  }
0x226: {  	s1 =	simm.s32 @p6 $0x3  }
0x227: {  	_ =	swait.ge @p6 [sflag:s1], $0x400  }
0x228: {  	[sflag:s1] =	ssyncset.done @p6 $0x0  }
0x229: {  	[sflag:s1] =	ssyncadd.s32 @p6 $0xFFFFFC00  }
0x22a: {  	_ =	swait.ge @p6 [sflag:s1], $0x400  }
0x22b: {  	s7 =	sld [smem:$0x7FC];
	_ =	sdelay $0x1  }
0x22c: {  	[sflag:s1] =	ssyncset.done @p6 $0x0  }
0x22d: {  	[sflag:s1] =	ssyncadd.s32 @p6 $0xFFFFFC00;
	p6 =	seq.s32 s7, $0x1  }
0x22e: {  	s1 =	simm.s32 @p6 $0x3  }
0x22f: {  	_ =	swait.ge @p6 [sflag:s1], $0x400  }
0x230: {  	[sflag:s1] =	ssyncset.done @p6 $0x0  }
0x231: {  	[sflag:s1] =	ssyncadd.s32 @p6 $0xFFFFFC00  }
0x232: {  	_ =	swait.ge @p6 [sflag:s1], $0x400  }
0x233: {  	s8 =	sld [smem:$0x7F4];
	_ =	sdelay $0x1  }
0x234: {  	[sflag:s1] =	ssyncset.done @p6 $0x0  }
0x235: {  	[sflag:s1] =	ssyncadd.s32 @p6 $0xFFFFFC00;
	p6 =	seq.s32 s8, $0x1  }
0x236: {  	s1 =	simm.s32 @p6 $0x3  }
0x237: {  	_ =	swait.ge @p6 [sflag:s1], $0x400  }
0x238: {  	[sflag:s1] =	ssyncset.done @p6 $0x0  }
0x239: {  	[sflag:s1] =	ssyncadd.s32 @p6 $0xFFFFFC00  }
0x23a: {  	_ =	swait.ge @p6 [sflag:s1], $0x400  }
0x23b: {  	s9 =	sld [smem:$0x7F3];
	_ =	sdelay $0x1  }
0x23c: {  	[sflag:s1] =	ssyncset.done @p6 $0x0  }
0x23d: {  	[sflag:s1] =	ssyncadd.s32 @p6 $0xFFFFFC00;
	p6 =	seq.s32 s9, $0x1  }
0x23e: {  	s1 =	simm.s32 @p6 $0x3  }
0x23f: {  	_ =	swait.ge @p6 [sflag:s1], $0x400  }
0x240: {  	[sflag:s1] =	ssyncset.done @p6 $0x0  }
0x241: {  	[sflag:s1] =	ssyncadd.s32 @p6 $0xFFFFFC00  }
0x242: {  	_ =	swait.ge @p6 [sflag:s1], $0x400  }
0x243: {  	s10 =	sld [smem:$0x7F5];
	_ =	sdelay $0x1  }
0x244: {  	[sflag:s1] =	ssyncset.done @p6 $0x0  }
0x245: {  	[sflag:s1] =	ssyncadd.s32 @p6 $0xFFFFFC00;
	p6 =	seq.s32 s10, $0x1  }
0x246: {  	s1 =	simm.s32 @p6 $0x3  }
0x247: {  	_ =	swait.ge @p6 [sflag:s1], $0x400  }
0x248: {  	[sflag:s1] =	ssyncset.done @p6 $0x0  }
0x249: {  	[sflag:s1] =	ssyncadd.s32 @p6 $0xFFFFFC00  }
0x24a: {  	_ =	swait.ge @p6 [sflag:s1], $0x400  }
0x24b: {  	s11 =	sld [smem:$0x7F2];
	_ =	sdelay $0x1  }
0x24c: {  	[sflag:s1] =	ssyncset.done @p6 $0x0  }
0x24d: {  	[sflag:s1] =	ssyncadd.s32 @p6 $0xFFFFFC00;
	p6 =	seq.s32 s11, $0x1  }
0x24e: {  	s1 =	simm.s32 @p6 $0x3  }
0x24f: {  	_ =	swait.ge @p6 [sflag:s1], $0x400  }
0x250: {  	[sflag:s1] =	ssyncset.done @p6 $0x0  }
0x251: {  	[sflag:s1] =	ssyncadd.s32 @p6 $0xFFFFFC00  }
0x252: {  	_ =	swait.ge @p6 [sflag:s1], $0x400  }
0x253: {  	s12 =	sld [smem:$0x7F6];
	_ =	sdelay $0x1  }
0x254: {  	[sflag:s1] =	ssyncset.done @p6 $0x0  }
0x255: {  	[sflag:s1] =	ssyncadd.s32 @p6 $0xFFFFFC00;
	p6 =	seq.s32 s12, $0x1  }
0x256: {  	s1 =	simm.s32 @p6 $0x3  }
0x257: {  	_ =	swait.ge @p6 [sflag:s1], $0x400  }
0x258: {  	[sflag:s1] =	ssyncset.done @p6 $0x0  }
0x259: {  	[sflag:s1] =	ssyncadd.s32 @p6 $0xFFFFFC00  }
0x25a: {  	_ =	swait.ge @p6 [sflag:s1], $0x400  }
0x25b: {  	s13 =	sld [smem:$0x7F1];
	_ =	sdelay $0x1  }
0x25c: {  	[sflag:s1] =	ssyncset.done @p6 $0x0  }
0x25d: {  	[sflag:s1] =	ssyncadd.s32 @p6 $0xFFFFFC00;
	p6 =	seq.s32 s13, $0x1  }
0x25e: {  	s1 =	simm.s32 @p6 $0x3  }
0x25f: {  	_ =	swait.ge @p6 [sflag:s1], $0x400  }
0x260: {  	[sflag:s1] =	ssyncset.done @p6 $0x0  }
0x261: {  	[sflag:s1] =	ssyncadd.s32 @p6 $0xFFFFFC00  }
0x262: {  	_ =	swait.ge @p6 [sflag:s1], $0x400  }
0x263: {  	s14 =	sld [smem:$0x7F7];
	_ =	sdelay $0x1  }
0x264: {  	[sflag:s1] =	ssyncset.done @p6 $0x0  }
0x265: {  	[sflag:s1] =	ssyncadd.s32 @p6 $0xFFFFFC00;
	p6 =	seq.s32 s14, $0x1  }
0x266: {  	s1 =	simm.s32 @p6 $0x3  }
0x267: {  	_ =	swait.ge @p6 [sflag:s1], $0x400  }
0x268: {  	[sflag:s1] =	ssyncset.done @p6 $0x0  }
0x269: {  	[sflag:s1] =	ssyncadd.s32 @p6 $0xFFFFFC00  }
0x26a: {  	_ =	swait.ge @p6 [sflag:s1], $0x400  }
0x26b: {  	s15 =	sld [smem:$0x7E8];
	_ =	sdelay $0x1  }
0x26c: {  	[sflag:s1] =	ssyncset.done @p6 $0x0  }
0x26d: {  	[sflag:s1] =	ssyncadd.s32 @p6 $0xFFFFFC00;
	p6 =	seq.s32 s15, $0x1  }
0x26e: {  	s1 =	simm.s32 @p6 $0x3  }
0x26f: {  	_ =	swait.ge @p6 [sflag:s1], $0x400  }
0x270: {  	[sflag:s1] =	ssyncset.done @p6 $0x0  }
0x271: {  	[sflag:s1] =	ssyncadd.s32 @p6 $0xFFFFFC00  }
0x272: {  	_ =	swait.ge @p6 [sflag:s1], $0x400  }
0x273: {  	s16 =	sld [smem:$0x7F8];
	_ =	sdelay $0x1  }
0x274: {  	[sflag:s1] =	ssyncset.done @p6 $0x0  }
0x275: {  	[sflag:s1] =	ssyncadd.s32 @p6 $0xFFFFFC00;
	p6 =	seq.s32 s16, $0x1  }
0x276: {  	s1 =	simm.s32 @p6 $0x3  }
0x277: {  	_ =	swait.ge @p6 [sflag:s1], $0x400  }
0x278: {  	[sflag:s1] =	ssyncset.done @p6 $0x0  }
0x279: {  	[sflag:s1] =	ssyncadd.s32 @p6 $0xFFFFFC00  }
0x27a: {  	_ =	swait.ge @p6 [sflag:s1], $0x400  }
0x27b: {  	s17 =	sld [smem:$0x7EB];
	_ =	sdelay $0x1  }
0x27c: {  	[sflag:s1] =	ssyncset.done @p6 $0x0  }
0x27d: {  	[sflag:s1] =	ssyncadd.s32 @p6 $0xFFFFFC00;
	p6 =	seq.s32 s17, $0x1  }
0x27e: {  	s1 =	simm.s32 @p6 $0x3  }
0x27f: {  	_ =	swait.ge @p6 [sflag:s1], $0x400  }
0x280: {  	[sflag:s1] =	ssyncset.done @p6 $0x0  }
0x281: {  	[sflag:s1] =	ssyncadd.s32 @p6 $0xFFFFFC00  }
0x282: {  	_ =	swait.ge @p6 [sflag:s1], $0x400  }
0x283: {  	s18 =	sld [smem:$0x7EC];
	_ =	sdelay $0x1  }
0x284: {  	[sflag:s1] =	ssyncset.done @p6 $0x0  }
0x285: {  	[sflag:s1] =	ssyncadd.s32 @p6 $0xFFFFFC00;
	p6 =	seq.s32 s18, $0x1  }
0x286: {  	s1 =	simm.s32 @p6 $0x3  }
0x287: {  	_ =	swait.ge @p6 [sflag:s1], $0x400  }
0x288: {  	[sflag:s1] =	ssyncset.done @p6 $0x0  }
0x289: {  	[sflag:s1] =	ssyncadd.s32 @p6 $0xFFFFFC00  }
0x28a: {  	_ =	swait.ge @p6 [sflag:s1], $0x400  }
0x28b: {  	s19 =	sld [smem:$0x7EA];
	_ =	sdelay $0x1  }
0x28c: {  	[sflag:s1] =	ssyncset.done @p6 $0x0  }
0x28d: {  	[sflag:s1] =	ssyncadd.s32 @p6 $0xFFFFFC00;
	p6 =	seq.s32 s19, $0x1  }
0x28e: {  	s1 =	simm.s32 @p6 $0x3  }
0x28f: {  	_ =	swait.ge @p6 [sflag:s1], $0x400  }
0x290: {  	[sflag:s1] =	ssyncset.done @p6 $0x0  }
0x291: {  	[sflag:s1] =	ssyncadd.s32 @p6 $0xFFFFFC00  }
0x292: {  	_ =	swait.ge @p6 [sflag:s1], $0x400  }
0x293: {  	s20 =	sld [smem:$0x7ED];
	_ =	sdelay $0x1  }
0x294: {  	[sflag:s1] =	ssyncset.done @p6 $0x0  }
0x295: {  	[sflag:s1] =	ssyncadd.s32 @p6 $0xFFFFFC00;
	p6 =	seq.s32 s20, $0x1  }
0x296: {  	s1 =	simm.s32 @p6 $0x3  }
0x297: {  	_ =	swait.ge @p6 [sflag:s1], $0x400  }
0x298: {  	[sflag:s1] =	ssyncset.done @p6 $0x0  }
0x299: {  	[sflag:s1] =	ssyncadd.s32 @p6 $0xFFFFFC00  }
0x29a: {  	_ =	swait.ge @p6 [sflag:s1], $0x400  }
0x29b: {  	s21 =	sld [smem:$0x7E9];
	_ =	sdelay $0x1  }
0x29c: {  	[sflag:s1] =	ssyncset.done @p6 $0x0  }
0x29d: {  	[sflag:s1] =	ssyncadd.s32 @p6 $0xFFFFFC00;
	p6 =	seq.s32 s21, $0x1  }
0x29e: {  	s1 =	simm.s32 @p6 $0x3  }
0x29f: {  	_ =	swait.ge @p6 [sflag:s1], $0x400  }
0x2a0: {  	[sflag:s1] =	ssyncset.done @p6 $0x0  }
0x2a1: {  	[sflag:s1] =	ssyncadd.s32 @p6 $0xFFFFFC00  }
0x2a2: {  	_ =	swait.ge @p6 [sflag:s1], $0x400  }
0x2a3: {  	s22 =	sld [smem:$0x7EE];
	_ =	sdelay $0x1  }
0x2a4: {  	[sflag:s1] =	ssyncset.done @p6 $0x0  }
0x2a5: {  	[sflag:s1] =	ssyncadd.s32 @p6 $0xFFFFFC00;
	p6 =	seq.s32 s22, $0x1  }
0x2a6: {  	s1 =	simm.s32 @p6 $0x3  }
0x2a7: {  	_ =	swait.ge @p6 [sflag:s1], $0x400  }
0x2a8: {  	[sflag:s1] =	ssyncset.done @p6 $0x0  }
0x2a9: {  	[sflag:s1] =	ssyncadd.s32 @p6 $0xFFFFFC00  }
0x2aa: {  	_ =	swait.ge @p6 [sflag:s1], $0x400  }
0x2ab: {  	s23 =	sld [smem:$0x7E1];
	_ =	sdelay $0x1  }
0x2ac: {  	[sflag:s1] =	ssyncset.done @p6 $0x0  }
0x2ad: {  	[sflag:s1] =	ssyncadd.s32 @p6 $0xFFFFFC00;
	p6 =	seq.s32 s23, $0x1  }
0x2ae: {  	s1 =	simm.s32 @p6 $0x3  }
0x2af: {  	_ =	swait.ge @p6 [sflag:s1], $0x400  }
0x2b0: {  	[sflag:s1] =	ssyncset.done @p6 $0x0  }
0x2b1: {  	[sflag:s1] =	ssyncadd.s32 @p6 $0xFFFFFC00  }
0x2b2: {  	_ =	swait.ge @p6 [sflag:s1], $0x400  }
0x2b3: {  	s24 =	sld [smem:$0x7EF];
	_ =	sdelay $0x1  }
0x2b4: {  	[sflag:s1] =	ssyncset.done @p6 $0x0  }
0x2b5: {  	[sflag:s1] =	ssyncadd.s32 @p6 $0xFFFFFC00;
	p6 =	seq.s32 s24, $0x1  }
0x2b6: {  	s1 =	simm.s32 @p6 $0x3  }
0x2b7: {  	_ =	swait.ge @p6 [sflag:s1], $0x400  }
0x2b8: {  	[sflag:s1] =	ssyncset.done @p6 $0x0  }
0x2b9: {  	[sflag:s1] =	ssyncadd.s32 @p6 $0xFFFFFC00  }
0x2ba: {  	_ =	swait.ge @p6 [sflag:s1], $0x400  }
0x2bb: {  	s25 =	sld [smem:$0x7E3];
	_ =	sdelay $0x1  }
0x2bc: {  	[sflag:s1] =	ssyncset.done @p6 $0x0  }
0x2bd: {  	[sflag:s1] =	ssyncadd.s32 @p6 $0xFFFFFC00;
	p6 =	seq.s32 s25, $0x1  }
0x2be: {  	s1 =	simm.s32 @p6 $0x3  }
0x2bf: {  	_ =	swait.ge @p6 [sflag:s1], $0x400  }
0x2c0: {  	[sflag:s1] =	ssyncset.done @p6 $0x0  }
0x2c1: {  	[sflag:s1] =	ssyncadd.s32 @p6 $0xFFFFFC00  }
0x2c2: {  	_ =	swait.ge @p6 [sflag:s1], $0x400  }
0x2c3: {  	s26 =	sld [smem:$0x7E4];
	_ =	sdelay $0x1  }
0x2c4: {  	[sflag:s1] =	ssyncset.done @p6 $0x0  }
0x2c5: {  	[sflag:s1] =	ssyncadd.s32 @p6 $0xFFFFFC00;
	p6 =	seq.s32 s26, $0x1  }
0x2c6: {  	s1 =	simm.s32 @p6 $0x3  }
0x2c7: {  	_ =	swait.ge @p6 [sflag:s1], $0x400  }
0x2c8: {  	[sflag:s1] =	ssyncset.done @p6 $0x0  }
0x2c9: {  	[sflag:s1] =	ssyncadd.s32 @p6 $0xFFFFFC00  }
0x2ca: {  	_ =	swait.ge @p6 [sflag:s1], $0x400  }
0x2cb: {  	s28 =	sld [smem:$0x7E2];
	_ =	sdelay $0x1  }
0x2cc: {  	[sflag:s1] =	ssyncset.done @p6 $0x0  }
0x2cd: {  	[sflag:s1] =	ssyncadd.s32 @p6 $0xFFFFFC00;
	p6 =	seq.s32 s28, $0x1  }
0x2ce: {  	s1 =	simm.s32 @p6 $0x3  }
0x2cf: {  	_ =	swait.ge @p6 [sflag:s1], $0x400  }
0x2d0: {  	[sflag:s1] =	ssyncset.done @p6 $0x0  }
0x2d1: {  	[sflag:s1] =	ssyncadd.s32 @p6 $0xFFFFFC00  }
0x2d2: {  	_ =	swait.ge @p6 [sflag:s1], $0x400  }
0x2d3: {  	[sflag:s1] =	ssyncset.done @p6 $0x0  }
0x2d4: {  	[sflag:s1] =	ssyncadd.s32 @p6 $0xFFFFFC00;
	s1 =	simm.s32 @p4 $0x3  }
0x2d5: {  	_ =	swait.ge @p4 [sflag:s1], $0x400  }
0x2d6: {  	[sflag:s1] =	ssyncset.done @p4 $0x0  }
0x2d7: {  	[sflag:s1] =	ssyncadd.s32 @p4 $0xFFFFFC00  }
0x2d8: {  	_ =	swait.ge @p4 [sflag:s1], $0x400  }
0x2d9: {  	[sflag:s1] =	ssyncset.done @p4 $0x0  }
0x2da: {  	[sflag:s1] =	ssyncadd.s32 @p4 $0xFFFFFC00;
	s1 =	simm.s32 @p3 $0x3  }
0x2db: {  	_ =	swait.ge @p3 [sflag:s1], $0x400  }
0x2dc: {  	[sflag:s1] =	ssyncset.done @p3 $0x0  }
0x2dd: {  	[sflag:s1] =	ssyncadd.s32 @p3 $0xFFFFFC00  }
0x2de: {  	_ =	swait.ge @p3 [sflag:s1], $0x400  }
0x2df: {  	[sflag:s1] =	ssyncset.done @p3 $0x0  }
0x2e0: {  	[sflag:s1] =	ssyncadd.s32 @p3 $0xFFFFFC00;
	s1 =	simm.s32 @p0 $0x3  }
0x2e1: {  	_ =	swait.ge @p0 [sflag:s1], $0x400  }
0x2e2: {  	[sflag:s1] =	ssyncset.done @p0 $0x0  }
0x2e3: {  	[sflag:s1] =	ssyncadd.s32 @p0 $0xFFFFFC00  }
0x2e4: {  	_ =	swait.ge @p0 [sflag:s1], $0x400  }
0x2e5: {  	s29 =	sld [smem:$0x7D4];
	_ =	sdelay $0x1  }
0x2e6: {  	[sflag:s1] =	ssyncset.done @p0 $0x0  }
0x2e7: {  	[sflag:s1] =	ssyncadd.s32 @p0 $0xFFFFFC00;
	p0 =	seq.s32 s29, $0x1  }
0x2e8: {  	s1 =	simm.s32 @p0 $0x3  }
0x2e9: {  	_ =	swait.ge @p0 [sflag:s1], $0x400  }
0x2ea: {  	[sflag:s1] =	ssyncset.done @p0 $0x0  }
0x2eb: {  	[sflag:s1] =	ssyncadd.s32 @p0 $0xFFFFFC00  }
0x2ec: {  	_ =	swait.ge @p0 [sflag:s1], $0x400  }
0x2ed: {  	s30 =	sld [smem:$0x7E5];
	_ =	sdelay $0x1  }
0x2ee: {  	[sflag:s1] =	ssyncset.done @p0 $0x0  }
0x2ef: {  	[sflag:s1] =	ssyncadd.s32 @p0 $0xFFFFFC00;
	p0 =	seq.s32 s30, $0x1  }
0x2f0: {  	s1 =	simm.s32 @p0 $0x3  }
0x2f1: {  	_ =	swait.ge @p0 [sflag:s1], $0x400  }
0x2f2: {  	[sflag:s1] =	ssyncset.done @p0 $0x0  }
0x2f3: {  	[sflag:s1] =	ssyncadd.s32 @p0 $0xFFFFFC00  }
0x2f4: {  	_ =	swait.ge @p0 [sflag:s1], $0x400  }
0x2f5: {  	[sflag:s1] =	ssyncset.done @p0 $0x0  }
0x2f6: {  	[sflag:s1] =	ssyncadd.s32 @p0 $0xFFFFFC00;
	s1 =	simm.s32 @p1 $0x3  }
0x2f7: {  	_ =	swait.ge @p1 [sflag:s1], $0x400  }
0x2f8: {  	[sflag:s1] =	ssyncset.done @p1 $0x0  }
0x2f9: {  	[sflag:s1] =	ssyncadd.s32 @p1 $0xFFFFFC00  }
0x2fa: {  	_ =	swait.ge @p1 [sflag:s1], $0x400  }
0x2fb: {  	[sflag:s1] =	ssyncset.done @p1 $0x0  }
0x2fc: {  	[sflag:s1] =	ssyncadd.s32 @p1 $0xFFFFFC00;
	s1 =	simm.s32 @p2 $0x3  }
0x2fd: {  	_ =	swait.ge @p2 [sflag:s1], $0x400  }
0x2fe: {  	[sflag:s1] =	ssyncset.done @p2 $0x0  }
0x2ff: {  	[sflag:s1] =	ssyncadd.s32 @p2 $0xFFFFFC00  }
0x300: {  	_ =	swait.ge @p2 [sflag:s1], $0x400  }
0x301: {  	s31 =	sld [smem:$0x7D5];
	_ =	sdelay $0x2  }
0x302: {  	[sflag:s1] =	ssyncset.done @p2 $0x0;
	p0 =	seq.s32 s31, $0x1  }
0x303: {  	[sflag:s1] =	ssyncadd.s32 @p2 $0xFFFFFC00;
	s1 =	simm.s32 @p0 $0x3  }
0x304: {  	_ =	swait.ge @p0 [sflag:s1], $0x400  }
0x305: {  	[sflag:s1] =	ssyncset.done @p0 $0x0  }
0x306: {  	[sflag:s1] =	ssyncadd.s32 @p0 $0xFFFFFC00  }
0x307: {  	_ =	swait.ge @p0 [sflag:s1], $0x400  }
0x308: {  	[sflag:s1] =	ssyncset.done @p0 $0x0  }
0x309: {  	[sflag:s1] =	ssyncadd.s32 @p0 $0xFFFFFC00  }
0x30a: {  	_ =	sfence.sel $0x180000  }
0x30b: {  	[bflag:$0x0] =	sbarrier.arrive $0xFFFF  }
0x30c: {  	_ =	strace $0x90000047  }
0x30d: {  	s0 =	sadd.s32 @!p5 $0x100000, s0;
	[bflag:$0x2] =	sbarrier.arrive $0xFFFF  }
0x30e: {  	[sflag:s0] =	ssyncadd.tile.s32 @!p5 $0x1;
	_ =	shalt  }
.Lfunc_end2:
_tile_overlayer_lowered:
.L_overlay_start_2:
0x30f: {  	(tag) =	ssettag $0x2  }
0x310: {  	s0 =	rddreg [dreg:$0x0];
	s2 =	stileid.u32  }
0x311: {  	s1 =	rddreg [dreg:$0x1];
	p0 =	sne.s32 s2, $0x0  }
0x312: {  	s3 =	rddreg [dreg:$0x2];
	[bflag:$0x3] =	sbarrier.arrive $0xFFFF;
	s2 =	simm.s32 @!p0 $0x1C04  }
0x313: {  	[timem:s3], [sflag:s2] =	dma.local @!p0 [hbm:s0], s1  }
0x314: {  	s0 =	simm.s32 @!p0 $0x4  }
0x315: {  	_ =	swait.ge @!p0 [sflag:s0], s1  }
0x316: {  	s1 =	ssub.s32 @!p0 $0x0, s1;
	[sflag:s0] =	ssyncset.done @!p0 $0x0  }
0x317: {  	[sflag:s0] =	ssyncadd.s32 @!p0 s1  }
0x318: {  	[bflag:$0x3] =	sbarrier.arrive $0xFFFF  }
0x319: {  	_ =	shalt  }

</sc_bundles>
